<compile_context>
chip_gen: v7x
topology: tpu7x:2x2x1
jax: 0.10.2.dev20260603
libtpu: 0.0.44.dev20260713+nightly
codegen_flags: <defaults>
</compile_context>

<pallas_src>
import functools

import jax
import jax.numpy as jnp
from jax import lax
from jax.experimental import pallas as pl
from jax.experimental.pallas import tpu as pltpu
from jax.experimental.pallas import tpu_sc as plsc

BATCH = 4096
HIST = 200
EMBED_DIM = 64
DPAD = 128

_info = plsc.get_sparse_core_info()
_NC, _NS = _info.num_cores, _info.num_subcores
NW = _NC * _NS
LANES = BATCH // NW
NBUF = 3

_mesh = plsc.VectorSubcoreMesh(core_axis_name="c", subcore_axis_name="s")


@functools.partial(
    pl.kernel,
    mesh=_mesh,
    out_type=jax.ShapeDtypeStruct((HIST, EMBED_DIM, BATCH), jnp.float32),
    scratch_types=[
        pltpu.VMEM((HIST, LANES), jnp.int32),
        pltpu.VMEM((LANES, DPAD), jnp.float32),
        pltpu.VMEM((LANES, DPAD), jnp.float32),
        pltpu.VMEM((LANES, DPAD), jnp.float32),
        pltpu.VMEM((EMBED_DIM, LANES), jnp.float32),
        pltpu.VMEM((EMBED_DIM, LANES), jnp.float32),
        pltpu.VMEM((EMBED_DIM, LANES), jnp.float32),
        pltpu.SemaphoreType.DMA,
        pltpu.SemaphoreType.DMA,
        pltpu.SemaphoreType.DMA,
        pltpu.SemaphoreType.DMA,
        pltpu.SemaphoreType.DMA,
        pltpu.SemaphoreType.DMA,
    ],
    compiler_params=pltpu.CompilerParams(needs_layout_passes=False),
)
def _gather_kernel(idx_hbm, table_hbm, out_hbm, idx_all,
                   rows0, rows1, rows2, tr0, tr1, tr2,
                   sg0, sg1, sg2, sw0, sw1, sw2):
    wid = lax.axis_index("s") * _NC + lax.axis_index("c")
    lane0 = wid * LANES

    rows = (rows0, rows1, rows2)
    trv = (tr0, tr1, tr2)
    sg = (sg0, sg1, sg2)
    sw = (sw0, sw1, sw2)

    pltpu.sync_copy(idx_hbm.at[:, pl.ds(lane0, LANES)], idx_all)

    iotav = lax.iota(jnp.int32, 16)

    def gather_desc(h, b):
        src = table_hbm.at[idx_all.at[h]]
        return pltpu.make_async_copy(src, rows[b], sg[b])

    def wb_desc(h, b):
        dst = out_hbm.at[h, :, pl.ds(lane0, LANES)]
        return pltpu.make_async_copy(trv[b], dst, sw[b])

    ivs = tuple(iotav + (b0 * 16) for b0 in range(8))

    def transpose(b):
        rv, tv = rows[b], trv[b]

        def tb(d, carry):
            jmod = jnp.bitwise_and(iotav + d, 15)
            for c0 in range(0, EMBED_DIM, 16):
                jv = jmod + c0
                for b0 in range(8):
                    v = plsc.load_gather(rv, [ivs[b0], jv])
                    plsc.store_scatter(tv, [jv, ivs[b0]], v)
            return carry

        lax.fori_loop(0, 16, tb, 0)

    def body(h, b, wait_wb):
        if wait_wb:
            wb_desc(h - NBUF, b).wait()
        gather_desc(h, b).start()
        pb = (b - 1) % NBUF
        gather_desc(h - 1, pb).wait()
        transpose(pb)
        wb_desc(h - 1, pb).start()

    gather_desc(0, 0).start()
    body(1, 1, False)
    body(2, 2, False)

    def group(g, carry):
        for db in range(NBUF):
            h = NBUF * g + db
            body(h, db % NBUF, True)
        return carry

    lax.fori_loop(1, (HIST - 5) // NBUF + 1, group, 0)

    body(HIST - 2, (HIST - 2) % NBUF, True)
    body(HIST - 1, (HIST - 1) % NBUF, True)
    h = HIST - 1
    b = h % NBUF
    gather_desc(h, b).wait()
    transpose(b)
    wb_desc(h, b).start()
    for j in (HIST - 3, HIST - 2, HIST - 1):
        wb_desc(j, j % NBUF).wait()


def kernel(inputs, embedding):
    idx_t = jnp.transpose(inputs.astype(jnp.int32), (1, 0))
    table_pad = jnp.concatenate(
        [embedding,
         jnp.zeros((embedding.shape[0], DPAD - EMBED_DIM), embedding.dtype)],
        axis=1)
    out_t = _gather_kernel(idx_t, table_pad)
    return jnp.transpose(out_t, (2, 0, 1))

# --- scband reference (transcript-rebuilt; emitter-appended) ---
"""Pipeline reference for scband-encoder-52518860095874 (READ-ONLY COPY).

The authoritative reference and input builder live on the scoring server;
editing this copy changes nothing except your own understanding.
"""

import jax, jax.numpy as jnp
import numpy as np

VOCAB = 100000
EMBED_DIM = 64
BATCH = 4096
HIST = 200

def setup_inputs(seed: int = 0) -> dict:
    key = jax.random.key(seed)
    k_idx, k_emb = jax.random.split(key)
    inputs = jax.random.randint(k_idx, (BATCH, HIST), 0, VOCAB, dtype=jnp.int64)
    embedding = jax.random.normal(k_emb, (VOCAB, EMBED_DIM), dtype=jnp.float32)
    return {"inputs": inputs, "embedding": embedding}

def reference(inputs, embedding):
    # nn.Embedding forward: gather rows of the table
    embeds = jnp.take(embedding, inputs, axis=0)
    return embeds

if __name__ == "__main__":
    import jax
    _d = setup_inputs()
    print(jax.jit(kernel)(*tuple(_d.values())))

</pallas_src>

<mosaic_0001>
#map = affine_map<(d0, d1) -> (0, 0)>
#map1 = affine_map<(d0, d1) -> (0, 0, 0)>
module attributes {stable_mosaic.version = 14 : i64} {
  func.func @_gather_kernel(%arg0: i32, %arg1: i32, %arg2: memref<200x4096xi32, #tpu.memory_space<hbm>>, %arg3: memref<100000x128xf32, #tpu.memory_space<hbm>>, %arg4: memref<200x64x4096xf32, #tpu.memory_space<hbm>>, %arg5: memref<200x128xi32, #tpu.memory_space<vmem>>, %arg6: memref<128x128xf32, #tpu.memory_space<vmem>>, %arg7: memref<128x128xf32, #tpu.memory_space<vmem>>, %arg8: memref<128x128xf32, #tpu.memory_space<vmem>>, %arg9: memref<64x128xf32, #tpu.memory_space<vmem>>, %arg10: memref<64x128xf32, #tpu.memory_space<vmem>>, %arg11: memref<64x128xf32, #tpu.memory_space<vmem>>, %arg12: memref<!tpu.dma_semaphore, #tpu.memory_space<semaphore_mem>>, %arg13: memref<!tpu.dma_semaphore, #tpu.memory_space<semaphore_mem>>, %arg14: memref<!tpu.dma_semaphore, #tpu.memory_space<semaphore_mem>>, %arg15: memref<!tpu.dma_semaphore, #tpu.memory_space<semaphore_mem>>, %arg16: memref<!tpu.dma_semaphore, #tpu.memory_space<semaphore_mem>>, %arg17: memref<!tpu.dma_semaphore, #tpu.memory_space<semaphore_mem>>) attributes {dimension_semantics = [#tpu.dimension_semantics<core_parallel>, #tpu.dimension_semantics<subcore_parallel>], iteration_bounds = array<i64: 2, 16>, scalar_prefetch = 0 : i64, scratch_operands = 13 : i64, tpu.core_type = #tpu.core_type<sc_vector_subcore>, window_params = [{transform_indices = #map}, {transform_indices = #map}, {transform_indices = #map1}]} {
    %mul3A = arith.constant 2 : i32
    %mul3A_0 = arith.muli %arg1, %mul3A : i32
    %add3A = arith.addi %mul3A_0, %arg0 : i32
    %mul3A_1 = arith.constant 128 : i32
    %mul3A_2 = arith.muli %add3A, %mul3A_1 : i32
    "tpu.region"() ({
      %run_scoped3A = tpu.sem_alloc : memref<!tpu.dma_semaphore, #tpu.memory_space<semaphore_mem>>
      %dma_start3A_200 = arith.constant 0 : i32
      %dma_start3A_201 = tpu.memref_slice %arg2[%dma_start3A_200, %mul3A_2] : memref<200x4096xi32, #tpu.memory_space<hbm>> -> memref<200x128xi32, #tpu.memory_space<hbm>>
      %dma_start3A_202 = arith.constant 0 : i32
      %dma_start3A_203 = tpu.memref_slice %arg2[%dma_start3A_202, %mul3A_2] : memref<200x4096xi32, #tpu.memory_space<hbm>> -> memref<200x128xi32, #tpu.memory_space<hbm>>
      tpu.enqueue_dma source(%dma_start3A_203 : memref<200x128xi32, #tpu.memory_space<hbm>>) target(%arg5 : memref<200x128xi32, #tpu.memory_space<vmem>>) target_semaphore(%run_scoped3A : memref<!tpu.dma_semaphore, #tpu.memory_space<semaphore_mem>>)
      %dma_wait3A_204 = arith.constant 0 : i32
      %dma_wait3A_205 = tpu.memref_slice %arg2[%dma_wait3A_204, %mul3A_2] : memref<200x4096xi32, #tpu.memory_space<hbm>> -> memref<200x128xi32, #tpu.memory_space<hbm>>
      %dma_wait3A_206 = arith.constant 0 : i32
      %dma_wait3A_207 = tpu.memref_slice %arg2[%dma_wait3A_206, %mul3A_2] : memref<200x4096xi32, #tpu.memory_space<hbm>> -> memref<200x128xi32, #tpu.memory_space<hbm>>
      tpu.wait_dma2 semaphore(%run_scoped3A : memref<!tpu.dma_semaphore, #tpu.memory_space<semaphore_mem>>) src(%dma_wait3A_207 : memref<200x128xi32, #tpu.memory_space<hbm>>) dst(%arg5 : memref<200x128xi32, #tpu.memory_space<vmem>>)
      tpu.yield
    }) : () -> ()
    %iota3A = tpu.iota {dimensions = array<i32: 0>} : vector<16xi32>
    %add3A_3 = arith.constant 0 : i32
    %add3A_4 = vector.broadcast %add3A_3 : i32 to vector<16xi32>
    %add3A_5 = arith.addi %iota3A, %add3A_4 : vector<16xi32>
    %add3A_6 = arith.constant 16 : i32
    %add3A_7 = vector.broadcast %add3A_6 : i32 to vector<16xi32>
    %add3A_8 = arith.addi %iota3A, %add3A_7 : vector<16xi32>
    %add3A_9 = arith.constant 32 : i32
    %add3A_10 = vector.broadcast %add3A_9 : i32 to vector<16xi32>
    %add3A_11 = arith.addi %iota3A, %add3A_10 : vector<16xi32>
    %add3A_12 = arith.constant 48 : i32
    %add3A_13 = vector.broadcast %add3A_12 : i32 to vector<16xi32>
    %add3A_14 = arith.addi %iota3A, %add3A_13 : vector<16xi32>
    %add3A_15 = arith.constant 64 : i32
    %add3A_16 = vector.broadcast %add3A_15 : i32 to vector<16xi32>
    %add3A_17 = arith.addi %iota3A, %add3A_16 : vector<16xi32>
    %add3A_18 = arith.constant 80 : i32
    %add3A_19 = vector.broadcast %add3A_18 : i32 to vector<16xi32>
    %add3A_20 = arith.addi %iota3A, %add3A_19 : vector<16xi32>
    %add3A_21 = arith.constant 96 : i32
    %add3A_22 = vector.broadcast %add3A_21 : i32 to vector<16xi32>
    %add3A_23 = arith.addi %iota3A, %add3A_22 : vector<16xi32>
    %add3A_24 = arith.constant 112 : i32
    %add3A_25 = vector.broadcast %add3A_24 : i32 to vector<16xi32>
    %add3A_26 = arith.addi %iota3A, %add3A_25 : vector<16xi32>
    %dma_start3A = arith.constant 0 : i32
    %dma_start3A_27 = arith.constant 0 : i32
    %dma_start3A_28 = tpu.memref_slice %arg5[%dma_start3A, %dma_start3A_27] : memref<200x128xi32, #tpu.memory_space<vmem>> -> memref<1x128xi32, #tpu.memory_space<vmem>>
    %dma_start3A_29 = tpu.memref_squeeze %dma_start3A_28 : memref<1x128xi32, #tpu.memory_space<vmem>> -> memref<128xi32, #tpu.memory_space<vmem>>
    %dma_start3A_30 = arith.constant 0 : i32
    %dma_start3A_31 = arith.constant 0 : i32
    %dma_start3A_32 = tpu.memref_slice %arg3[%dma_start3A_30, %dma_start3A_31] : memref<100000x128xf32, #tpu.memory_space<hbm>> -> memref<100000x128xf32, #tpu.memory_space<hbm>>
    tpu.enqueue_indirect_dma source(%dma_start3A_32 : memref<100000x128xf32, #tpu.memory_space<hbm>>) target(%arg6 : memref<128x128xf32, #tpu.memory_space<vmem>>) offsets(%dma_start3A_29 : memref<128xi32, #tpu.memory_space<vmem>>) semaphore(%arg12 : memref<!tpu.dma_semaphore, #tpu.memory_space<semaphore_mem>>)
    %dma_start3A_33 = arith.constant 1 : i32
    %dma_start3A_34 = arith.constant 0 : i32
    %dma_start3A_35 = tpu.memref_slice %arg5[%dma_start3A_33, %dma_start3A_34] : memref<200x128xi32, #tpu.memory_space<vmem>> -> memref<1x128xi32, #tpu.memory_space<vmem>>
    %dma_start3A_36 = tpu.memref_squeeze %dma_start3A_35 : memref<1x128xi32, #tpu.memory_space<vmem>> -> memref<128xi32, #tpu.memory_space<vmem>>
    %dma_start3A_37 = arith.constant 0 : i32
    %dma_start3A_38 = arith.constant 0 : i32
    %dma_start3A_39 = tpu.memref_slice %arg3[%dma_start3A_37, %dma_start3A_38] : memref<100000x128xf32, #tpu.memory_space<hbm>> -> memref<100000x128xf32, #tpu.memory_space<hbm>>
    tpu.enqueue_indirect_dma source(%dma_start3A_39 : memref<100000x128xf32, #tpu.memory_space<hbm>>) target(%arg7 : memref<128x128xf32, #tpu.memory_space<vmem>>) offsets(%dma_start3A_36 : memref<128xi32, #tpu.memory_space<vmem>>) semaphore(%arg13 : memref<!tpu.dma_semaphore, #tpu.memory_space<semaphore_mem>>)
    %dma_wait3A = arith.constant 0 : i32
    %dma_wait3A_40 = arith.constant 0 : i32
    %dma_wait3A_41 = tpu.memref_slice %arg5[%dma_wait3A, %dma_wait3A_40] : memref<200x128xi32, #tpu.memory_space<vmem>> -> memref<1x128xi32, #tpu.memory_space<vmem>>
    %dma_wait3A_42 = tpu.memref_squeeze %dma_wait3A_41 : memref<1x128xi32, #tpu.memory_space<vmem>> -> memref<128xi32, #tpu.memory_space<vmem>>
    %dma_wait3A_43 = arith.constant 0 : i32
    %dma_wait3A_44 = arith.constant 0 : i32
    %dma_wait3A_45 = tpu.memref_slice %arg3[%dma_wait3A_43, %dma_wait3A_44] : memref<100000x128xf32, #tpu.memory_space<hbm>> -> memref<100000x128xf32, #tpu.memory_space<hbm>>
    tpu.wait_indirect_dma semaphore(%arg12 : memref<!tpu.dma_semaphore, #tpu.memory_space<semaphore_mem>>) src(%dma_wait3A_45 : memref<100000x128xf32, #tpu.memory_space<hbm>>) dst(%arg6 : memref<128x128xf32, #tpu.memory_space<vmem>>)
    %scan3A = arith.constant 0 : i32
    %scan3A_46 = arith.constant 0 : i32
    %scan3A_47 = arith.constant 16 : i32
    %scan3A_48 = arith.addi %scan3A_46, %scan3A_47 : i32
    %scan3A_49 = arith.constant 1 : i32
    scf.for %scan3A_200 = %scan3A_46 to %scan3A_48 step %scan3A_49  : i32 {
      %add3A_201 = vector.broadcast %scan3A_200 : i32 to vector<16xi32>
      %add3A_202 = arith.addi %iota3A, %add3A_201 : vector<16xi32>
      %and3A = arith.constant 15 : i32
      %and3A_203 = vector.broadcast %and3A : i32 to vector<16xi32>
      %and3A_204 = arith.andi %add3A_202, %and3A_203 : vector<16xi32>
      %add3A_205 = arith.constant 0 : i32
      %add3A_206 = vector.broadcast %add3A_205 : i32 to vector<16xi32>
      %add3A_207 = arith.addi %and3A_204, %add3A_206 : vector<16xi32>
      %gather3A = tpu.vector_load_idx %arg6[%add3A_5, %add3A_207] : memref<128x128xf32, #tpu.memory_space<vmem>>[vector<16xi32>, vector<16xi32>], vector<16xf32>,
      tpu.vector_store_idx %arg9[%add3A_207, %add3A_5], %gather3A : memref<64x128xf32, #tpu.memory_space<vmem>>[vector<16xi32>, vector<16xi32>], vector<16xf32>,
      %gather3A_208 = tpu.vector_load_idx %arg6[%add3A_8, %add3A_207] : memref<128x128xf32, #tpu.memory_space<vmem>>[vector<16xi32>, vector<16xi32>], vector<16xf32>,
      tpu.vector_store_idx %arg9[%add3A_207, %add3A_8], %gather3A_208 : memref<64x128xf32, #tpu.memory_space<vmem>>[vector<16xi32>, vector<16xi32>], vector<16xf32>,
      %gather3A_209 = tpu.vector_load_idx %arg6[%add3A_11, %add3A_207] : memref<128x128xf32, #tpu.memory_space<vmem>>[vector<16xi32>, vector<16xi32>], vector<16xf32>,
      tpu.vector_store_idx %arg9[%add3A_207, %add3A_11], %gather3A_209 : memref<64x128xf32, #tpu.memory_space<vmem>>[vector<16xi32>, vector<16xi32>], vector<16xf32>,
      %gather3A_210 = tpu.vector_load_idx %arg6[%add3A_14, %add3A_207] : memref<128x128xf32, #tpu.memory_space<vmem>>[vector<16xi32>, vector<16xi32>], vector<16xf32>,
      tpu.vector_store_idx %arg9[%add3A_207, %add3A_14], %gather3A_210 : memref<64x128xf32, #tpu.memory_space<vmem>>[vector<16xi32>, vector<16xi32>], vector<16xf32>,
      %gather3A_211 = tpu.vector_load_idx %arg6[%add3A_17, %add3A_207] : memref<128x128xf32, #tpu.memory_space<vmem>>[vector<16xi32>, vector<16xi32>], vector<16xf32>,
      tpu.vector_store_idx %arg9[%add3A_207, %add3A_17], %gather3A_211 : memref<64x128xf32, #tpu.memory_space<vmem>>[vector<16xi32>, vector<16xi32>], vector<16xf32>,
      %gather3A_212 = tpu.vector_load_idx %arg6[%add3A_20, %add3A_207] : memref<128x128xf32, #tpu.memory_space<vmem>>[vector<16xi32>, vector<16xi32>], vector<16xf32>,
      tpu.vector_store_idx %arg9[%add3A_207, %add3A_20], %gather3A_212 : memref<64x128xf32, #tpu.memory_space<vmem>>[vector<16xi32>, vector<16xi32>], vector<16xf32>,
      %gather3A_213 = tpu.vector_load_idx %arg6[%add3A_23, %add3A_207] : memref<128x128xf32, #tpu.memory_space<vmem>>[vector<16xi32>, vector<16xi32>], vector<16xf32>,
      tpu.vector_store_idx %arg9[%add3A_207, %add3A_23], %gather3A_213 : memref<64x128xf32, #tpu.memory_space<vmem>>[vector<16xi32>, vector<16xi32>], vector<16xf32>,
      %gather3A_214 = tpu.vector_load_idx %arg6[%add3A_26, %add3A_207] : memref<128x128xf32, #tpu.memory_space<vmem>>[vector<16xi32>, vector<16xi32>], vector<16xf32>,
      tpu.vector_store_idx %arg9[%add3A_207, %add3A_26], %gather3A_214 : memref<64x128xf32, #tpu.memory_space<vmem>>[vector<16xi32>, vector<16xi32>], vector<16xf32>,
      %add3A_215 = arith.constant 16 : i32
      %add3A_216 = vector.broadcast %add3A_215 : i32 to vector<16xi32>
      %add3A_217 = arith.addi %and3A_204, %add3A_216 : vector<16xi32>
      %gather3A_218 = tpu.vector_load_idx %arg6[%add3A_5, %add3A_217] : memref<128x128xf32, #tpu.memory_space<vmem>>[vector<16xi32>, vector<16xi32>], vector<16xf32>,
      tpu.vector_store_idx %arg9[%add3A_217, %add3A_5], %gather3A_218 : memref<64x128xf32, #tpu.memory_space<vmem>>[vector<16xi32>, vector<16xi32>], vector<16xf32>,
      %gather3A_219 = tpu.vector_load_idx %arg6[%add3A_8, %add3A_217] : memref<128x128xf32, #tpu.memory_space<vmem>>[vector<16xi32>, vector<16xi32>], vector<16xf32>,
      tpu.vector_store_idx %arg9[%add3A_217, %add3A_8], %gather3A_219 : memref<64x128xf32, #tpu.memory_space<vmem>>[vector<16xi32>, vector<16xi32>], vector<16xf32>,
      %gather3A_220 = tpu.vector_load_idx %arg6[%add3A_11, %add3A_217] : memref<128x128xf32, #tpu.memory_space<vmem>>[vector<16xi32>, vector<16xi32>], vector<16xf32>,
      tpu.vector_store_idx %arg9[%add3A_217, %add3A_11], %gather3A_220 : memref<64x128xf32, #tpu.memory_space<vmem>>[vector<16xi32>, vector<16xi32>], vector<16xf32>,
      %gather3A_221 = tpu.vector_load_idx %arg6[%add3A_14, %add3A_217] : memref<128x128xf32, #tpu.memory_space<vmem>>[vector<16xi32>, vector<16xi32>], vector<16xf32>,
      tpu.vector_store_idx %arg9[%add3A_217, %add3A_14], %gather3A_221 : memref<64x128xf32, #tpu.memory_space<vmem>>[vector<16xi32>, vector<16xi32>], vector<16xf32>,
      %gather3A_222 = tpu.vector_load_idx %arg6[%add3A_17, %add3A_217] : memref<128x128xf32, #tpu.memory_space<vmem>>[vector<16xi32>, vector<16xi32>], vector<16xf32>,
      tpu.vector_store_idx %arg9[%add3A_217, %add3A_17], %gather3A_222 : memref<64x128xf32, #tpu.memory_space<vmem>>[vector<16xi32>, vector<16xi32>], vector<16xf32>,
      %gather3A_223 = tpu.vector_load_idx %arg6[%add3A_20, %add3A_217] : memref<128x128xf32, #tpu.memory_space<vmem>>[vector<16xi32>, vector<16xi32>], vector<16xf32>,
      tpu.vector_store_idx %arg9[%add3A_217, %add3A_20], %gather3A_223 : memref<64x128xf32, #tpu.memory_space<vmem>>[vector<16xi32>, vector<16xi32>], vector<16xf32>,
      %gather3A_224 = tpu.vector_load_idx %arg6[%add3A_23, %add3A_217] : memref<128x128xf32, #tpu.memory_space<vmem>>[vector<16xi32>, vector<16xi32>], vector<16xf32>,
      tpu.vector_store_idx %arg9[%add3A_217, %add3A_23], %gather3A_224 : memref<64x128xf32, #tpu.memory_space<vmem>>[vector<16xi32>, vector<16xi32>], vector<16xf32>,
      %gather3A_225 = tpu.vector_load_idx %arg6[%add3A_26, %add3A_217] : memref<128x128xf32, #tpu.memory_space<vmem>>[vector<16xi32>, vector<16xi32>], vector<16xf32>,
      tpu.vector_store_idx %arg9[%add3A_217, %add3A_26], %gather3A_225 : memref<64x128xf32, #tpu.memory_space<vmem>>[vector<16xi32>, vector<16xi32>], vector<16xf32>,
      %add3A_226 = arith.constant 32 : i32
      %add3A_227 = vector.broadcast %add3A_226 : i32 to vector<16xi32>
      %add3A_228 = arith.addi %and3A_204, %add3A_227 : vector<16xi32>
      %gather3A_229 = tpu.vector_load_idx %arg6[%add3A_5, %add3A_228] : memref<128x128xf32, #tpu.memory_space<vmem>>[vector<16xi32>, vector<16xi32>], vector<16xf32>,
      tpu.vector_store_idx %arg9[%add3A_228, %add3A_5], %gather3A_229 : memref<64x128xf32, #tpu.memory_space<vmem>>[vector<16xi32>, vector<16xi32>], vector<16xf32>,
      %gather3A_230 = tpu.vector_load_idx %arg6[%add3A_8, %add3A_228] : memref<128x128xf32, #tpu.memory_space<vmem>>[vector<16xi32>, vector<16xi32>], vector<16xf32>,
      tpu.vector_store_idx %arg9[%add3A_228, %add3A_8], %gather3A_230 : memref<64x128xf32, #tpu.memory_space<vmem>>[vector<16xi32>, vector<16xi32>], vector<16xf32>,
      %gather3A_231 = tpu.vector_load_idx %arg6[%add3A_11, %add3A_228] : memref<128x128xf32, #tpu.memory_space<vmem>>[vector<16xi32>, vector<16xi32>], vector<16xf32>,
      tpu.vector_store_idx %arg9[%add3A_228, %add3A_11], %gather3A_231 : memref<64x128xf32, #tpu.memory_space<vmem>>[vector<16xi32>, vector<16xi32>], vector<16xf32>,
      %gather3A_232 = tpu.vector_load_idx %arg6[%add3A_14, %add3A_228] : memref<128x128xf32, #tpu.memory_space<vmem>>[vector<16xi32>, vector<16xi32>], vector<16xf32>,
      tpu.vector_store_idx %arg9[%add3A_228, %add3A_14], %gather3A_232 : memref<64x128xf32, #tpu.memory_space<vmem>>[vector<16xi32>, vector<16xi32>], vector<16xf32>,
      %gather3A_233 = tpu.vector_load_idx %arg6[%add3A_17, %add3A_228] : memref<128x128xf32, #tpu.memory_space<vmem>>[vector<16xi32>, vector<16xi32>], vector<16xf32>,
      tpu.vector_store_idx %arg9[%add3A_228, %add3A_17], %gather3A_233 : memref<64x128xf32, #tpu.memory_space<vmem>>[vector<16xi32>, vector<16xi32>], vector<16xf32>,
      %gather3A_234 = tpu.vector_load_idx %arg6[%add3A_20, %add3A_228] : memref<128x128xf32, #tpu.memory_space<vmem>>[vector<16xi32>, vector<16xi32>], vector<16xf32>,
      tpu.vector_store_idx %arg9[%add3A_228, %add3A_20], %gather3A_234 : memref<64x128xf32, #tpu.memory_space<vmem>>[vector<16xi32>, vector<16xi32>], vector<16xf32>,
      %gather3A_235 = tpu.vector_load_idx %arg6[%add3A_23, %add3A_228] : memref<128x128xf32, #tpu.memory_space<vmem>>[vector<16xi32>, vector<16xi32>], vector<16xf32>,
      tpu.vector_store_idx %arg9[%add3A_228, %add3A_23], %gather3A_235 : memref<64x128xf32, #tpu.memory_space<vmem>>[vector<16xi32>, vector<16xi32>], vector<16xf32>,
      %gather3A_236 = tpu.vector_load_idx %arg6[%add3A_26, %add3A_228] : memref<128x128xf32, #tpu.memory_space<vmem>>[vector<16xi32>, vector<16xi32>], vector<16xf32>,
      tpu.vector_store_idx %arg9[%add3A_228, %add3A_26], %gather3A_236 : memref<64x128xf32, #tpu.memory_space<vmem>>[vector<16xi32>, vector<16xi32>], vector<16xf32>,
      %add3A_237 = arith.constant 48 : i32
      %add3A_238 = vector.broadcast %add3A_237 : i32 to vector<16xi32>
      %add3A_239 = arith.addi %and3A_204, %add3A_238 : vector<16xi32>
      %gather3A_240 = tpu.vector_load_idx %arg6[%add3A_5, %add3A_239] : memref<128x128xf32, #tpu.memory_space<vmem>>[vector<16xi32>, vector<16xi32>], vector<16xf32>,
      tpu.vector_store_idx %arg9[%add3A_239, %add3A_5], %gather3A_240 : memref<64x128xf32, #tpu.memory_space<vmem>>[vector<16xi32>, vector<16xi32>], vector<16xf32>,
      %gather3A_241 = tpu.vector_load_idx %arg6[%add3A_8, %add3A_239] : memref<128x128xf32, #tpu.memory_space<vmem>>[vector<16xi32>, vector<16xi32>], vector<16xf32>,
      tpu.vector_store_idx %arg9[%add3A_239, %add3A_8], %gather3A_241 : memref<64x128xf32, #tpu.memory_space<vmem>>[vector<16xi32>, vector<16xi32>], vector<16xf32>,
      %gather3A_242 = tpu.vector_load_idx %arg6[%add3A_11, %add3A_239] : memref<128x128xf32, #tpu.memory_space<vmem>>[vector<16xi32>, vector<16xi32>], vector<16xf32>,
      tpu.vector_store_idx %arg9[%add3A_239, %add3A_11], %gather3A_242 : memref<64x128xf32, #tpu.memory_space<vmem>>[vector<16xi32>, vector<16xi32>], vector<16xf32>,
      %gather3A_243 = tpu.vector_load_idx %arg6[%add3A_14, %add3A_239] : memref<128x128xf32, #tpu.memory_space<vmem>>[vector<16xi32>, vector<16xi32>], vector<16xf32>,
      tpu.vector_store_idx %arg9[%add3A_239, %add3A_14], %gather3A_243 : memref<64x128xf32, #tpu.memory_space<vmem>>[vector<16xi32>, vector<16xi32>], vector<16xf32>,
      %gather3A_244 = tpu.vector_load_idx %arg6[%add3A_17, %add3A_239] : memref<128x128xf32, #tpu.memory_space<vmem>>[vector<16xi32>, vector<16xi32>], vector<16xf32>,
      tpu.vector_store_idx %arg9[%add3A_239, %add3A_17], %gather3A_244 : memref<64x128xf32, #tpu.memory_space<vmem>>[vector<16xi32>, vector<16xi32>], vector<16xf32>,
      %gather3A_245 = tpu.vector_load_idx %arg6[%add3A_20, %add3A_239] : memref<128x128xf32, #tpu.memory_space<vmem>>[vector<16xi32>, vector<16xi32>], vector<16xf32>,
      tpu.vector_store_idx %arg9[%add3A_239, %add3A_20], %gather3A_245 : memref<64x128xf32, #tpu.memory_space<vmem>>[vector<16xi32>, vector<16xi32>], vector<16xf32>,
      %gather3A_246 = tpu.vector_load_idx %arg6[%add3A_23, %add3A_239] : memref<128x128xf32, #tpu.memory_space<vmem>>[vector<16xi32>, vector<16xi32>], vector<16xf32>,
      tpu.vector_store_idx %arg9[%add3A_239, %add3A_23], %gather3A_246 : memref<64x128xf32, #tpu.memory_space<vmem>>[vector<16xi32>, vector<16xi32>], vector<16xf32>,
      %gather3A_247 = tpu.vector_load_idx %arg6[%add3A_26, %add3A_239] : memref<128x128xf32, #tpu.memory_space<vmem>>[vector<16xi32>, vector<16xi32>], vector<16xf32>,
      tpu.vector_store_idx %arg9[%add3A_239, %add3A_26], %gather3A_247 : memref<64x128xf32, #tpu.memory_space<vmem>>[vector<16xi32>, vector<16xi32>], vector<16xf32>,
    }
    %scan3A_50 = arith.constant 16 : i32
    %dma_start3A_51 = arith.constant 0 : i32
    %dma_start3A_52 = arith.constant 0 : i32
    %dma_start3A_53 = tpu.memref_slice %arg4[%dma_start3A_51, %dma_start3A_52, %mul3A_2] : memref<200x64x4096xf32, #tpu.memory_space<hbm>> -> memref<1x64x128xf32, #tpu.memory_space<hbm>>
    %dma_start3A_54 = tpu.memref_squeeze %dma_start3A_53 : memref<1x64x128xf32, #tpu.memory_space<hbm>> -> memref<64x128xf32, #tpu.memory_space<hbm>>
    %dma_start3A_55 = arith.constant 0 : i32
    %dma_start3A_56 = tpu.memref_slice %arg4[%dma_start3A_51, %dma_start3A_55, %mul3A_2] : memref<200x64x4096xf32, #tpu.memory_space<hbm>> -> memref<1x64x128xf32, #tpu.memory_space<hbm>>
    %dma_start3A_57 = tpu.memref_squeeze %dma_start3A_56 : memref<1x64x128xf32, #tpu.memory_space<hbm>> -> memref<64x128xf32, #tpu.memory_space<hbm>>
    tpu.enqueue_dma source(%arg9 : memref<64x128xf32, #tpu.memory_space<vmem>>) target(%dma_start3A_57 : memref<64x128xf32, #tpu.memory_space<hbm>>) target_semaphore(%arg15 : memref<!tpu.dma_semaphore, #tpu.memory_space<semaphore_mem>>)
    %dma_start3A_58 = arith.constant 2 : i32
    %dma_start3A_59 = arith.constant 0 : i32
    %dma_start3A_60 = tpu.memref_slice %arg5[%dma_start3A_58, %dma_start3A_59] : memref<200x128xi32, #tpu.memory_space<vmem>> -> memref<1x128xi32, #tpu.memory_space<vmem>>
    %dma_start3A_61 = tpu.memref_squeeze %dma_start3A_60 : memref<1x128xi32, #tpu.memory_space<vmem>> -> memref<128xi32, #tpu.memory_space<vmem>>
    %dma_start3A_62 = arith.constant 0 : i32
    %dma_start3A_63 = arith.constant 0 : i32
    %dma_start3A_64 = tpu.memref_slice %arg3[%dma_start3A_62, %dma_start3A_63] : memref<100000x128xf32, #tpu.memory_space<hbm>> -> memref<100000x128xf32, #tpu.memory_space<hbm>>
    tpu.enqueue_indirect_dma source(%dma_start3A_64 : memref<100000x128xf32, #tpu.memory_space<hbm>>) target(%arg8 : memref<128x128xf32, #tpu.memory_space<vmem>>) offsets(%dma_start3A_61 : memref<128xi32, #tpu.memory_space<vmem>>) semaphore(%arg14 : memref<!tpu.dma_semaphore, #tpu.memory_space<semaphore_mem>>)
    %dma_wait3A_65 = arith.constant 1 : i32
    %dma_wait3A_66 = arith.constant 0 : i32
    %dma_wait3A_67 = tpu.memref_slice %arg5[%dma_wait3A_65, %dma_wait3A_66] : memref<200x128xi32, #tpu.memory_space<vmem>> -> memref<1x128xi32, #tpu.memory_space<vmem>>
    %dma_wait3A_68 = tpu.memref_squeeze %dma_wait3A_67 : memref<1x128xi32, #tpu.memory_space<vmem>> -> memref<128xi32, #tpu.memory_space<vmem>>
    %dma_wait3A_69 = arith.constant 0 : i32
    %dma_wait3A_70 = arith.constant 0 : i32
    %dma_wait3A_71 = tpu.memref_slice %arg3[%dma_wait3A_69, %dma_wait3A_70] : memref<100000x128xf32, #tpu.memory_space<hbm>> -> memref<100000x128xf32, #tpu.memory_space<hbm>>
    tpu.wait_indirect_dma semaphore(%arg13 : memref<!tpu.dma_semaphore, #tpu.memory_space<semaphore_mem>>) src(%dma_wait3A_71 : memref<100000x128xf32, #tpu.memory_space<hbm>>) dst(%arg7 : memref<128x128xf32, #tpu.memory_space<vmem>>)
    %scan3A_72 = arith.constant 0 : i32
    %scan3A_73 = arith.constant 0 : i32
    %scan3A_74 = arith.constant 16 : i32
    %scan3A_75 = arith.addi %scan3A_73, %scan3A_74 : i32
    %scan3A_76 = arith.constant 1 : i32
    scf.for %scan3A_200 = %scan3A_73 to %scan3A_75 step %scan3A_76  : i32 {
      %add3A_201 = vector.broadcast %scan3A_200 : i32 to vector<16xi32>
      %add3A_202 = arith.addi %iota3A, %add3A_201 : vector<16xi32>
      %and3A = arith.constant 15 : i32
      %and3A_203 = vector.broadcast %and3A : i32 to vector<16xi32>
      %and3A_204 = arith.andi %add3A_202, %and3A_203 : vector<16xi32>
      %add3A_205 = arith.constant 0 : i32
      %add3A_206 = vector.broadcast %add3A_205 : i32 to vector<16xi32>
      %add3A_207 = arith.addi %and3A_204, %add3A_206 : vector<16xi32>
      %gather3A = tpu.vector_load_idx %arg7[%add3A_5, %add3A_207] : memref<128x128xf32, #tpu.memory_space<vmem>>[vector<16xi32>, vector<16xi32>], vector<16xf32>,
      tpu.vector_store_idx %arg10[%add3A_207, %add3A_5], %gather3A : memref<64x128xf32, #tpu.memory_space<vmem>>[vector<16xi32>, vector<16xi32>], vector<16xf32>,
      %gather3A_208 = tpu.vector_load_idx %arg7[%add3A_8, %add3A_207] : memref<128x128xf32, #tpu.memory_space<vmem>>[vector<16xi32>, vector<16xi32>], vector<16xf32>,
      tpu.vector_store_idx %arg10[%add3A_207, %add3A_8], %gather3A_208 : memref<64x128xf32, #tpu.memory_space<vmem>>[vector<16xi32>, vector<16xi32>], vector<16xf32>,
      %gather3A_209 = tpu.vector_load_idx %arg7[%add3A_11, %add3A_207] : memref<128x128xf32, #tpu.memory_space<vmem>>[vector<16xi32>, vector<16xi32>], vector<16xf32>,
      tpu.vector_store_idx %arg10[%add3A_207, %add3A_11], %gather3A_209 : memref<64x128xf32, #tpu.memory_space<vmem>>[vector<16xi32>, vector<16xi32>], vector<16xf32>,
      %gather3A_210 = tpu.vector_load_idx %arg7[%add3A_14, %add3A_207] : memref<128x128xf32, #tpu.memory_space<vmem>>[vector<16xi32>, vector<16xi32>], vector<16xf32>,
      tpu.vector_store_idx %arg10[%add3A_207, %add3A_14], %gather3A_210 : memref<64x128xf32, #tpu.memory_space<vmem>>[vector<16xi32>, vector<16xi32>], vector<16xf32>,
      %gather3A_211 = tpu.vector_load_idx %arg7[%add3A_17, %add3A_207] : memref<128x128xf32, #tpu.memory_space<vmem>>[vector<16xi32>, vector<16xi32>], vector<16xf32>,
      tpu.vector_store_idx %arg10[%add3A_207, %add3A_17], %gather3A_211 : memref<64x128xf32, #tpu.memory_space<vmem>>[vector<16xi32>, vector<16xi32>], vector<16xf32>,
      %gather3A_212 = tpu.vector_load_idx %arg7[%add3A_20, %add3A_207] : memref<128x128xf32, #tpu.memory_space<vmem>>[vector<16xi32>, vector<16xi32>], vector<16xf32>,
      tpu.vector_store_idx %arg10[%add3A_207, %add3A_20], %gather3A_212 : memref<64x128xf32, #tpu.memory_space<vmem>>[vector<16xi32>, vector<16xi32>], vector<16xf32>,
      %gather3A_213 = tpu.vector_load_idx %arg7[%add3A_23, %add3A_207] : memref<128x128xf32, #tpu.memory_space<vmem>>[vector<16xi32>, vector<16xi32>], vector<16xf32>,
      tpu.vector_store_idx %arg10[%add3A_207, %add3A_23], %gather3A_213 : memref<64x128xf32, #tpu.memory_space<vmem>>[vector<16xi32>, vector<16xi32>], vector<16xf32>,
      %gather3A_214 = tpu.vector_load_idx %arg7[%add3A_26, %add3A_207] : memref<128x128xf32, #tpu.memory_space<vmem>>[vector<16xi32>, vector<16xi32>], vector<16xf32>,
      tpu.vector_store_idx %arg10[%add3A_207, %add3A_26], %gather3A_214 : memref<64x128xf32, #tpu.memory_space<vmem>>[vector<16xi32>, vector<16xi32>], vector<16xf32>,
      %add3A_215 = arith.constant 16 : i32
      %add3A_216 = vector.broadcast %add3A_215 : i32 to vector<16xi32>
      %add3A_217 = arith.addi %and3A_204, %add3A_216 : vector<16xi32>
      %gather3A_218 = tpu.vector_load_idx %arg7[%add3A_5, %add3A_217] : memref<128x128xf32, #tpu.memory_space<vmem>>[vector<16xi32>, vector<16xi32>], vector<16xf32>,
      tpu.vector_store_idx %arg10[%add3A_217, %add3A_5], %gather3A_218 : memref<64x128xf32, #tpu.memory_space<vmem>>[vector<16xi32>, vector<16xi32>], vector<16xf32>,
      %gather3A_219 = tpu.vector_load_idx %arg7[%add3A_8, %add3A_217] : memref<128x128xf32, #tpu.memory_space<vmem>>[vector<16xi32>, vector<16xi32>], vector<16xf32>,
      tpu.vector_store_idx %arg10[%add3A_217, %add3A_8], %gather3A_219 : memref<64x128xf32, #tpu.memory_space<vmem>>[vector<16xi32>, vector<16xi32>], vector<16xf32>,
      %gather3A_220 = tpu.vector_load_idx %arg7[%add3A_11, %add3A_217] : memref<128x128xf32, #tpu.memory_space<vmem>>[vector<16xi32>, vector<16xi32>], vector<16xf32>,
      tpu.vector_store_idx %arg10[%add3A_217, %add3A_11], %gather3A_220 : memref<64x128xf32, #tpu.memory_space<vmem>>[vector<16xi32>, vector<16xi32>], vector<16xf32>,
      %gather3A_221 = tpu.vector_load_idx %arg7[%add3A_14, %add3A_217] : memref<128x128xf32, #tpu.memory_space<vmem>>[vector<16xi32>, vector<16xi32>], vector<16xf32>,
      tpu.vector_store_idx %arg10[%add3A_217, %add3A_14], %gather3A_221 : memref<64x128xf32, #tpu.memory_space<vmem>>[vector<16xi32>, vector<16xi32>], vector<16xf32>,
      %gather3A_222 = tpu.vector_load_idx %arg7[%add3A_17, %add3A_217] : memref<128x128xf32, #tpu.memory_space<vmem>>[vector<16xi32>, vector<16xi32>], vector<16xf32>,
      tpu.vector_store_idx %arg10[%add3A_217, %add3A_17], %gather3A_222 : memref<64x128xf32, #tpu.memory_space<vmem>>[vector<16xi32>, vector<16xi32>], vector<16xf32>,
      %gather3A_223 = tpu.vector_load_idx %arg7[%add3A_20, %add3A_217] : memref<128x128xf32, #tpu.memory_space<vmem>>[vector<16xi32>, vector<16xi32>], vector<16xf32>,
      tpu.vector_store_idx %arg10[%add3A_217, %add3A_20], %gather3A_223 : memref<64x128xf32, #tpu.memory_space<vmem>>[vector<16xi32>, vector<16xi32>], vector<16xf32>,
      %gather3A_224 = tpu.vector_load_idx %arg7[%add3A_23, %add3A_217] : memref<128x128xf32, #tpu.memory_space<vmem>>[vector<16xi32>, vector<16xi32>], vector<16xf32>,
      tpu.vector_store_idx %arg10[%add3A_217, %add3A_23], %gather3A_224 : memref<64x128xf32, #tpu.memory_space<vmem>>[vector<16xi32>, vector<16xi32>], vector<16xf32>,
      %gather3A_225 = tpu.vector_load_idx %arg7[%add3A_26, %add3A_217] : memref<128x128xf32, #tpu.memory_space<vmem>>[vector<16xi32>, vector<16xi32>], vector<16xf32>,
      tpu.vector_store_idx %arg10[%add3A_217, %add3A_26], %gather3A_225 : memref<64x128xf32, #tpu.memory_space<vmem>>[vector<16xi32>, vector<16xi32>], vector<16xf32>,
      %add3A_226 = arith.constant 32 : i32
      %add3A_227 = vector.broadcast %add3A_226 : i32 to vector<16xi32>
      %add3A_228 = arith.addi %and3A_204, %add3A_227 : vector<16xi32>
      %gather3A_229 = tpu.vector_load_idx %arg7[%add3A_5, %add3A_228] : memref<128x128xf32, #tpu.memory_space<vmem>>[vector<16xi32>, vector<16xi32>], vector<16xf32>,
      tpu.vector_store_idx %arg10[%add3A_228, %add3A_5], %gather3A_229 : memref<64x128xf32, #tpu.memory_space<vmem>>[vector<16xi32>, vector<16xi32>], vector<16xf32>,
      %gather3A_230 = tpu.vector_load_idx %arg7[%add3A_8, %add3A_228] : memref<128x128xf32, #tpu.memory_space<vmem>>[vector<16xi32>, vector<16xi32>], vector<16xf32>,
      tpu.vector_store_idx %arg10[%add3A_228, %add3A_8], %gather3A_230 : memref<64x128xf32, #tpu.memory_space<vmem>>[vector<16xi32>, vector<16xi32>], vector<16xf32>,
      %gather3A_231 = tpu.vector_load_idx %arg7[%add3A_11, %add3A_228] : memref<128x128xf32, #tpu.memory_space<vmem>>[vector<16xi32>, vector<16xi32>], vector<16xf32>,
      tpu.vector_store_idx %arg10[%add3A_228, %add3A_11], %gather3A_231 : memref<64x128xf32, #tpu.memory_space<vmem>>[vector<16xi32>, vector<16xi32>], vector<16xf32>,
      %gather3A_232 = tpu.vector_load_idx %arg7[%add3A_14, %add3A_228] : memref<128x128xf32, #tpu.memory_space<vmem>>[vector<16xi32>, vector<16xi32>], vector<16xf32>,
      tpu.vector_store_idx %arg10[%add3A_228, %add3A_14], %gather3A_232 : memref<64x128xf32, #tpu.memory_space<vmem>>[vector<16xi32>, vector<16xi32>], vector<16xf32>,
      %gather3A_233 = tpu.vector_load_idx %arg7[%add3A_17, %add3A_228] : memref<128x128xf32, #tpu.memory_space<vmem>>[vector<16xi32>, vector<16xi32>], vector<16xf32>,
      tpu.vector_store_idx %arg10[%add3A_228, %add3A_17], %gather3A_233 : memref<64x128xf32, #tpu.memory_space<vmem>>[vector<16xi32>, vector<16xi32>], vector<16xf32>,
      %gather3A_234 = tpu.vector_load_idx %arg7[%add3A_20, %add3A_228] : memref<128x128xf32, #tpu.memory_space<vmem>>[vector<16xi32>, vector<16xi32>], vector<16xf32>,
      tpu.vector_store_idx %arg10[%add3A_228, %add3A_20], %gather3A_234 : memref<64x128xf32, #tpu.memory_space<vmem>>[vector<16xi32>, vector<16xi32>], vector<16xf32>,
      %gather3A_235 = tpu.vector_load_idx %arg7[%add3A_23, %add3A_228] : memref<128x128xf32, #tpu.memory_space<vmem>>[vector<16xi32>, vector<16xi32>], vector<16xf32>,
      tpu.vector_store_idx %arg10[%add3A_228, %add3A_23], %gather3A_235 : memref<64x128xf32, #tpu.memory_space<vmem>>[vector<16xi32>, vector<16xi32>], vector<16xf32>,
      %gather3A_236 = tpu.vector_load_idx %arg7[%add3A_26, %add3A_228] : memref<128x128xf32, #tpu.memory_space<vmem>>[vector<16xi32>, vector<16xi32>], vector<16xf32>,
      tpu.vector_store_idx %arg10[%add3A_228, %add3A_26], %gather3A_236 : memref<64x128xf32, #tpu.memory_space<vmem>>[vector<16xi32>, vector<16xi32>], vector<16xf32>,
      %add3A_237 = arith.constant 48 : i32
      %add3A_238 = vector.broadcast %add3A_237 : i32 to vector<16xi32>
      %add3A_239 = arith.addi %and3A_204, %add3A_238 : vector<16xi32>
      %gather3A_240 = tpu.vector_load_idx %arg7[%add3A_5, %add3A_239] : memref<128x128xf32, #tpu.memory_space<vmem>>[vector<16xi32>, vector<16xi32>], vector<16xf32>,
      tpu.vector_store_idx %arg10[%add3A_239, %add3A_5], %gather3A_240 : memref<64x128xf32, #tpu.memory_space<vmem>>[vector<16xi32>, vector<16xi32>], vector<16xf32>,
      %gather3A_241 = tpu.vector_load_idx %arg7[%add3A_8, %add3A_239] : memref<128x128xf32, #tpu.memory_space<vmem>>[vector<16xi32>, vector<16xi32>], vector<16xf32>,
      tpu.vector_store_idx %arg10[%add3A_239, %add3A_8], %gather3A_241 : memref<64x128xf32, #tpu.memory_space<vmem>>[vector<16xi32>, vector<16xi32>], vector<16xf32>,
      %gather3A_242 = tpu.vector_load_idx %arg7[%add3A_11, %add3A_239] : memref<128x128xf32, #tpu.memory_space<vmem>>[vector<16xi32>, vector<16xi32>], vector<16xf32>,
      tpu.vector_store_idx %arg10[%add3A_239, %add3A_11], %gather3A_242 : memref<64x128xf32, #tpu.memory_space<vmem>>[vector<16xi32>, vector<16xi32>], vector<16xf32>,
      %gather3A_243 = tpu.vector_load_idx %arg7[%add3A_14, %add3A_239] : memref<128x128xf32, #tpu.memory_space<vmem>>[vector<16xi32>, vector<16xi32>], vector<16xf32>,
      tpu.vector_store_idx %arg10[%add3A_239, %add3A_14], %gather3A_243 : memref<64x128xf32, #tpu.memory_space<vmem>>[vector<16xi32>, vector<16xi32>], vector<16xf32>,
      %gather3A_244 = tpu.vector_load_idx %arg7[%add3A_17, %add3A_239] : memref<128x128xf32, #tpu.memory_space<vmem>>[vector<16xi32>, vector<16xi32>], vector<16xf32>,
      tpu.vector_store_idx %arg10[%add3A_239, %add3A_17], %gather3A_244 : memref<64x128xf32, #tpu.memory_space<vmem>>[vector<16xi32>, vector<16xi32>], vector<16xf32>,
      %gather3A_245 = tpu.vector_load_idx %arg7[%add3A_20, %add3A_239] : memref<128x128xf32, #tpu.memory_space<vmem>>[vector<16xi32>, vector<16xi32>], vector<16xf32>,
      tpu.vector_store_idx %arg10[%add3A_239, %add3A_20], %gather3A_245 : memref<64x128xf32, #tpu.memory_space<vmem>>[vector<16xi32>, vector<16xi32>], vector<16xf32>,
      %gather3A_246 = tpu.vector_load_idx %arg7[%add3A_23, %add3A_239] : memref<128x128xf32, #tpu.memory_space<vmem>>[vector<16xi32>, vector<16xi32>], vector<16xf32>,
      tpu.vector_store_idx %arg10[%add3A_239, %add3A_23], %gather3A_246 : memref<64x128xf32, #tpu.memory_space<vmem>>[vector<16xi32>, vector<16xi32>], vector<16xf32>,
      %gather3A_247 = tpu.vector_load_idx %arg7[%add3A_26, %add3A_239] : memref<128x128xf32, #tpu.memory_space<vmem>>[vector<16xi32>, vector<16xi32>], vector<16xf32>,
      tpu.vector_store_idx %arg10[%add3A_239, %add3A_26], %gather3A_247 : memref<64x128xf32, #tpu.memory_space<vmem>>[vector<16xi32>, vector<16xi32>], vector<16xf32>,
    }
    %scan3A_77 = arith.constant 16 : i32
    %dma_start3A_78 = arith.constant 1 : i32
    %dma_start3A_79 = arith.constant 0 : i32
    %dma_start3A_80 = tpu.memref_slice %arg4[%dma_start3A_78, %dma_start3A_79, %mul3A_2] : memref<200x64x4096xf32, #tpu.memory_space<hbm>> -> memref<1x64x128xf32, #tpu.memory_space<hbm>>
    %dma_start3A_81 = tpu.memref_squeeze %dma_start3A_80 : memref<1x64x128xf32, #tpu.memory_space<hbm>> -> memref<64x128xf32, #tpu.memory_space<hbm>>
    %dma_start3A_82 = arith.constant 0 : i32
    %dma_start3A_83 = tpu.memref_slice %arg4[%dma_start3A_78, %dma_start3A_82, %mul3A_2] : memref<200x64x4096xf32, #tpu.memory_space<hbm>> -> memref<1x64x128xf32, #tpu.memory_space<hbm>>
    %dma_start3A_84 = tpu.memref_squeeze %dma_start3A_83 : memref<1x64x128xf32, #tpu.memory_space<hbm>> -> memref<64x128xf32, #tpu.memory_space<hbm>>
    tpu.enqueue_dma source(%arg10 : memref<64x128xf32, #tpu.memory_space<vmem>>) target(%dma_start3A_84 : memref<64x128xf32, #tpu.memory_space<hbm>>) target_semaphore(%arg16 : memref<!tpu.dma_semaphore, #tpu.memory_space<semaphore_mem>>)
    %scan3A_85 = arith.constant 0 : i32
    %scan3A_86 = arith.constant 1 : i32
    %scan3A_87 = arith.constant 65 : i32
    %scan3A_88 = arith.addi %scan3A_86, %scan3A_87 : i32
    %scan3A_89 = arith.constant 1 : i32
    scf.for %scan3A_200 = %scan3A_86 to %scan3A_88 step %scan3A_89  : i32 {
      %mul3A_201 = arith.constant 3 : i32
      %mul3A_202 = arith.muli %mul3A_201, %scan3A_200 : i32
      %add3A_203 = arith.constant 0 : i32
      %add3A_204 = arith.addi %mul3A_202, %add3A_203 : i32
      %sub3A = arith.constant 3 : i32
      %sub3A_205 = arith.subi %add3A_204, %sub3A : i32
      %dma_wait3A_206 = arith.constant 0 : i32
      %dma_wait3A_207 = tpu.memref_slice %arg4[%sub3A_205, %dma_wait3A_206, %mul3A_2] : memref<200x64x4096xf32, #tpu.memory_space<hbm>> -> memref<1x64x128xf32, #tpu.memory_space<hbm>>
      %dma_wait3A_208 = tpu.memref_squeeze %dma_wait3A_207 : memref<1x64x128xf32, #tpu.memory_space<hbm>> -> memref<64x128xf32, #tpu.memory_space<hbm>>
      %dma_wait3A_209 = arith.constant 0 : i32
      %dma_wait3A_210 = tpu.memref_slice %arg4[%sub3A_205, %dma_wait3A_209, %mul3A_2] : memref<200x64x4096xf32, #tpu.memory_space<hbm>> -> memref<1x64x128xf32, #tpu.memory_space<hbm>>
      %dma_wait3A_211 = tpu.memref_squeeze %dma_wait3A_210 : memref<1x64x128xf32, #tpu.memory_space<hbm>> -> memref<64x128xf32, #tpu.memory_space<hbm>>
      tpu.wait_dma2 semaphore(%arg15 : memref<!tpu.dma_semaphore, #tpu.memory_space<semaphore_mem>>) src(%arg9 : memref<64x128xf32, #tpu.memory_space<vmem>>) dst(%dma_wait3A_211 : memref<64x128xf32, #tpu.memory_space<hbm>>)
      %dma_start3A_212 = arith.constant 0 : i32
      %dma_start3A_213 = tpu.memref_slice %arg5[%add3A_204, %dma_start3A_212] : memref<200x128xi32, #tpu.memory_space<vmem>> -> memref<1x128xi32, #tpu.memory_space<vmem>>
      %dma_start3A_214 = tpu.memref_squeeze %dma_start3A_213 : memref<1x128xi32, #tpu.memory_space<vmem>> -> memref<128xi32, #tpu.memory_space<vmem>>
      %dma_start3A_215 = arith.constant 0 : i32
      %dma_start3A_216 = arith.constant 0 : i32
      %dma_start3A_217 = tpu.memref_slice %arg3[%dma_start3A_215, %dma_start3A_216] : memref<100000x128xf32, #tpu.memory_space<hbm>> -> memref<100000x128xf32, #tpu.memory_space<hbm>>
      tpu.enqueue_indirect_dma source(%dma_start3A_217 : memref<100000x128xf32, #tpu.memory_space<hbm>>) target(%arg6 : memref<128x128xf32, #tpu.memory_space<vmem>>) offsets(%dma_start3A_214 : memref<128xi32, #tpu.memory_space<vmem>>) semaphore(%arg12 : memref<!tpu.dma_semaphore, #tpu.memory_space<semaphore_mem>>)
      %sub3A_218 = arith.constant 1 : i32
      %sub3A_219 = arith.subi %add3A_204, %sub3A_218 : i32
      %dma_wait3A_220 = arith.constant 0 : i32
      %dma_wait3A_221 = tpu.memref_slice %arg5[%sub3A_219, %dma_wait3A_220] : memref<200x128xi32, #tpu.memory_space<vmem>> -> memref<1x128xi32, #tpu.memory_space<vmem>>
      %dma_wait3A_222 = tpu.memref_squeeze %dma_wait3A_221 : memref<1x128xi32, #tpu.memory_space<vmem>> -> memref<128xi32, #tpu.memory_space<vmem>>
      %dma_wait3A_223 = arith.constant 0 : i32
      %dma_wait3A_224 = arith.constant 0 : i32
      %dma_wait3A_225 = tpu.memref_slice %arg3[%dma_wait3A_223, %dma_wait3A_224] : memref<100000x128xf32, #tpu.memory_space<hbm>> -> memref<100000x128xf32, #tpu.memory_space<hbm>>
      tpu.wait_indirect_dma semaphore(%arg14 : memref<!tpu.dma_semaphore, #tpu.memory_space<semaphore_mem>>) src(%dma_wait3A_225 : memref<100000x128xf32, #tpu.memory_space<hbm>>) dst(%arg8 : memref<128x128xf32, #tpu.memory_space<vmem>>)
      %scan3A_226 = arith.constant 0 : i32
      %scan3A_227 = arith.constant 0 : i32
      %scan3A_228 = arith.constant 16 : i32
      %scan3A_229 = arith.addi %scan3A_227, %scan3A_228 : i32
      %scan3A_230 = arith.constant 1 : i32
      scf.for %scan3A_320 = %scan3A_227 to %scan3A_229 step %scan3A_230  : i32 {
        %add3A_321 = vector.broadcast %scan3A_320 : i32 to vector<16xi32>
        %add3A_322 = arith.addi %iota3A, %add3A_321 : vector<16xi32>
        %and3A = arith.constant 15 : i32
        %and3A_323 = vector.broadcast %and3A : i32 to vector<16xi32>
        %and3A_324 = arith.andi %add3A_322, %and3A_323 : vector<16xi32>
        %add3A_325 = arith.constant 0 : i32
        %add3A_326 = vector.broadcast %add3A_325 : i32 to vector<16xi32>
        %add3A_327 = arith.addi %and3A_324, %add3A_326 : vector<16xi32>
        %gather3A = tpu.vector_load_idx %arg8[%add3A_5, %add3A_327] : memref<128x128xf32, #tpu.memory_space<vmem>>[vector<16xi32>, vector<16xi32>], vector<16xf32>,
        tpu.vector_store_idx %arg11[%add3A_327, %add3A_5], %gather3A : memref<64x128xf32, #tpu.memory_space<vmem>>[vector<16xi32>, vector<16xi32>], vector<16xf32>,
        %gather3A_328 = tpu.vector_load_idx %arg8[%add3A_8, %add3A_327] : memref<128x128xf32, #tpu.memory_space<vmem>>[vector<16xi32>, vector<16xi32>], vector<16xf32>,
        tpu.vector_store_idx %arg11[%add3A_327, %add3A_8], %gather3A_328 : memref<64x128xf32, #tpu.memory_space<vmem>>[vector<16xi32>, vector<16xi32>], vector<16xf32>,
        %gather3A_329 = tpu.vector_load_idx %arg8[%add3A_11, %add3A_327] : memref<128x128xf32, #tpu.memory_space<vmem>>[vector<16xi32>, vector<16xi32>], vector<16xf32>,
        tpu.vector_store_idx %arg11[%add3A_327, %add3A_11], %gather3A_329 : memref<64x128xf32, #tpu.memory_space<vmem>>[vector<16xi32>, vector<16xi32>], vector<16xf32>,
        %gather3A_330 = tpu.vector_load_idx %arg8[%add3A_14, %add3A_327] : memref<128x128xf32, #tpu.memory_space<vmem>>[vector<16xi32>, vector<16xi32>], vector<16xf32>,
        tpu.vector_store_idx %arg11[%add3A_327, %add3A_14], %gather3A_330 : memref<64x128xf32, #tpu.memory_space<vmem>>[vector<16xi32>, vector<16xi32>], vector<16xf32>,
        %gather3A_331 = tpu.vector_load_idx %arg8[%add3A_17, %add3A_327] : memref<128x128xf32, #tpu.memory_space<vmem>>[vector<16xi32>, vector<16xi32>], vector<16xf32>,
        tpu.vector_store_idx %arg11[%add3A_327, %add3A_17], %gather3A_331 : memref<64x128xf32, #tpu.memory_space<vmem>>[vector<16xi32>, vector<16xi32>], vector<16xf32>,
        %gather3A_332 = tpu.vector_load_idx %arg8[%add3A_20, %add3A_327] : memref<128x128xf32, #tpu.memory_space<vmem>>[vector<16xi32>, vector<16xi32>], vector<16xf32>,
        tpu.vector_store_idx %arg11[%add3A_327, %add3A_20], %gather3A_332 : memref<64x128xf32, #tpu.memory_space<vmem>>[vector<16xi32>, vector<16xi32>], vector<16xf32>,
        %gather3A_333 = tpu.vector_load_idx %arg8[%add3A_23, %add3A_327] : memref<128x128xf32, #tpu.memory_space<vmem>>[vector<16xi32>, vector<16xi32>], vector<16xf32>,
        tpu.vector_store_idx %arg11[%add3A_327, %add3A_23], %gather3A_333 : memref<64x128xf32, #tpu.memory_space<vmem>>[vector<16xi32>, vector<16xi32>], vector<16xf32>,
        %gather3A_334 = tpu.vector_load_idx %arg8[%add3A_26, %add3A_327] : memref<128x128xf32, #tpu.memory_space<vmem>>[vector<16xi32>, vector<16xi32>], vector<16xf32>,
        tpu.vector_store_idx %arg11[%add3A_327, %add3A_26], %gather3A_334 : memref<64x128xf32, #tpu.memory_space<vmem>>[vector<16xi32>, vector<16xi32>], vector<16xf32>,
        %add3A_335 = arith.constant 16 : i32
        %add3A_336 = vector.broadcast %add3A_335 : i32 to vector<16xi32>
        %add3A_337 = arith.addi %and3A_324, %add3A_336 : vector<16xi32>
        %gather3A_338 = tpu.vector_load_idx %arg8[%add3A_5, %add3A_337] : memref<128x128xf32, #tpu.memory_space<vmem>>[vector<16xi32>, vector<16xi32>], vector<16xf32>,
        tpu.vector_store_idx %arg11[%add3A_337, %add3A_5], %gather3A_338 : memref<64x128xf32, #tpu.memory_space<vmem>>[vector<16xi32>, vector<16xi32>], vector<16xf32>,
        %gather3A_339 = tpu.vector_load_idx %arg8[%add3A_8, %add3A_337] : memref<128x128xf32, #tpu.memory_space<vmem>>[vector<16xi32>, vector<16xi32>], vector<16xf32>,
        tpu.vector_store_idx %arg11[%add3A_337, %add3A_8], %gather3A_339 : memref<64x128xf32, #tpu.memory_space<vmem>>[vector<16xi32>, vector<16xi32>], vector<16xf32>,
        %gather3A_340 = tpu.vector_load_idx %arg8[%add3A_11, %add3A_337] : memref<128x128xf32, #tpu.memory_space<vmem>>[vector<16xi32>, vector<16xi32>], vector<16xf32>,
        tpu.vector_store_idx %arg11[%add3A_337, %add3A_11], %gather3A_340 : memref<64x128xf32, #tpu.memory_space<vmem>>[vector<16xi32>, vector<16xi32>], vector<16xf32>,
        %gather3A_341 = tpu.vector_load_idx %arg8[%add3A_14, %add3A_337] : memref<128x128xf32, #tpu.memory_space<vmem>>[vector<16xi32>, vector<16xi32>], vector<16xf32>,
        tpu.vector_store_idx %arg11[%add3A_337, %add3A_14], %gather3A_341 : memref<64x128xf32, #tpu.memory_space<vmem>>[vector<16xi32>, vector<16xi32>], vector<16xf32>,
        %gather3A_342 = tpu.vector_load_idx %arg8[%add3A_17, %add3A_337] : memref<128x128xf32, #tpu.memory_space<vmem>>[vector<16xi32>, vector<16xi32>], vector<16xf32>,
        tpu.vector_store_idx %arg11[%add3A_337, %add3A_17], %gather3A_342 : memref<64x128xf32, #tpu.memory_space<vmem>>[vector<16xi32>, vector<16xi32>], vector<16xf32>,
        %gather3A_343 = tpu.vector_load_idx %arg8[%add3A_20, %add3A_337] : memref<128x128xf32, #tpu.memory_space<vmem>>[vector<16xi32>, vector<16xi32>], vector<16xf32>,
        tpu.vector_store_idx %arg11[%add3A_337, %add3A_20], %gather3A_343 : memref<64x128xf32, #tpu.memory_space<vmem>>[vector<16xi32>, vector<16xi32>], vector<16xf32>,
        %gather3A_344 = tpu.vector_load_idx %arg8[%add3A_23, %add3A_337] : memref<128x128xf32, #tpu.memory_space<vmem>>[vector<16xi32>, vector<16xi32>], vector<16xf32>,
        tpu.vector_store_idx %arg11[%add3A_337, %add3A_23], %gather3A_344 : memref<64x128xf32, #tpu.memory_space<vmem>>[vector<16xi32>, vector<16xi32>], vector<16xf32>,
        %gather3A_345 = tpu.vector_load_idx %arg8[%add3A_26, %add3A_337] : memref<128x128xf32, #tpu.memory_space<vmem>>[vector<16xi32>, vector<16xi32>], vector<16xf32>,
        tpu.vector_store_idx %arg11[%add3A_337, %add3A_26], %gather3A_345 : memref<64x128xf32, #tpu.memory_space<vmem>>[vector<16xi32>, vector<16xi32>], vector<16xf32>,
        %add3A_346 = arith.constant 32 : i32
        %add3A_347 = vector.broadcast %add3A_346 : i32 to vector<16xi32>
        %add3A_348 = arith.addi %and3A_324, %add3A_347 : vector<16xi32>
        %gather3A_349 = tpu.vector_load_idx %arg8[%add3A_5, %add3A_348] : memref<128x128xf32, #tpu.memory_space<vmem>>[vector<16xi32>, vector<16xi32>], vector<16xf32>,
        tpu.vector_store_idx %arg11[%add3A_348, %add3A_5], %gather3A_349 : memref<64x128xf32, #tpu.memory_space<vmem>>[vector<16xi32>, vector<16xi32>], vector<16xf32>,
        %gather3A_350 = tpu.vector_load_idx %arg8[%add3A_8, %add3A_348] : memref<128x128xf32, #tpu.memory_space<vmem>>[vector<16xi32>, vector<16xi32>], vector<16xf32>,
        tpu.vector_store_idx %arg11[%add3A_348, %add3A_8], %gather3A_350 : memref<64x128xf32, #tpu.memory_space<vmem>>[vector<16xi32>, vector<16xi32>], vector<16xf32>,
        %gather3A_351 = tpu.vector_load_idx %arg8[%add3A_11, %add3A_348] : memref<128x128xf32, #tpu.memory_space<vmem>>[vector<16xi32>, vector<16xi32>], vector<16xf32>,
        tpu.vector_store_idx %arg11[%add3A_348, %add3A_11], %gather3A_351 : memref<64x128xf32, #tpu.memory_space<vmem>>[vector<16xi32>, vector<16xi32>], vector<16xf32>,
        %gather3A_352 = tpu.vector_load_idx %arg8[%add3A_14, %add3A_348] : memref<128x128xf32, #tpu.memory_space<vmem>>[vector<16xi32>, vector<16xi32>], vector<16xf32>,
        tpu.vector_store_idx %arg11[%add3A_348, %add3A_14], %gather3A_352 : memref<64x128xf32, #tpu.memory_space<vmem>>[vector<16xi32>, vector<16xi32>], vector<16xf32>,
        %gather3A_353 = tpu.vector_load_idx %arg8[%add3A_17, %add3A_348] : memref<128x128xf32, #tpu.memory_space<vmem>>[vector<16xi32>, vector<16xi32>], vector<16xf32>,
        tpu.vector_store_idx %arg11[%add3A_348, %add3A_17], %gather3A_353 : memref<64x128xf32, #tpu.memory_space<vmem>>[vector<16xi32>, vector<16xi32>], vector<16xf32>,
        %gather3A_354 = tpu.vector_load_idx %arg8[%add3A_20, %add3A_348] : memref<128x128xf32, #tpu.memory_space<vmem>>[vector<16xi32>, vector<16xi32>], vector<16xf32>,
        tpu.vector_store_idx %arg11[%add3A_348, %add3A_20], %gather3A_354 : memref<64x128xf32, #tpu.memory_space<vmem>>[vector<16xi32>, vector<16xi32>], vector<16xf32>,
        %gather3A_355 = tpu.vector_load_idx %arg8[%add3A_23, %add3A_348] : memref<128x128xf32, #tpu.memory_space<vmem>>[vector<16xi32>, vector<16xi32>], vector<16xf32>,
        tpu.vector_store_idx %arg11[%add3A_348, %add3A_23], %gather3A_355 : memref<64x128xf32, #tpu.memory_space<vmem>>[vector<16xi32>, vector<16xi32>], vector<16xf32>,
        %gather3A_356 = tpu.vector_load_idx %arg8[%add3A_26, %add3A_348] : memref<128x128xf32, #tpu.memory_space<vmem>>[vector<16xi32>, vector<16xi32>], vector<16xf32>,
        tpu.vector_store_idx %arg11[%add3A_348, %add3A_26], %gather3A_356 : memref<64x128xf32, #tpu.memory_space<vmem>>[vector<16xi32>, vector<16xi32>], vector<16xf32>,
        %add3A_357 = arith.constant 48 : i32
        %add3A_358 = vector.broadcast %add3A_357 : i32 to vector<16xi32>
        %add3A_359 = arith.addi %and3A_324, %add3A_358 : vector<16xi32>
        %gather3A_360 = tpu.vector_load_idx %arg8[%add3A_5, %add3A_359] : memref<128x128xf32, #tpu.memory_space<vmem>>[vector<16xi32>, vector<16xi32>], vector<16xf32>,
        tpu.vector_store_idx %arg11[%add3A_359, %add3A_5], %gather3A_360 : memref<64x128xf32, #tpu.memory_space<vmem>>[vector<16xi32>, vector<16xi32>], vector<16xf32>,
        %gather3A_361 = tpu.vector_load_idx %arg8[%add3A_8, %add3A_359] : memref<128x128xf32, #tpu.memory_space<vmem>>[vector<16xi32>, vector<16xi32>], vector<16xf32>,
        tpu.vector_store_idx %arg11[%add3A_359, %add3A_8], %gather3A_361 : memref<64x128xf32, #tpu.memory_space<vmem>>[vector<16xi32>, vector<16xi32>], vector<16xf32>,
        %gather3A_362 = tpu.vector_load_idx %arg8[%add3A_11, %add3A_359] : memref<128x128xf32, #tpu.memory_space<vmem>>[vector<16xi32>, vector<16xi32>], vector<16xf32>,
        tpu.vector_store_idx %arg11[%add3A_359, %add3A_11], %gather3A_362 : memref<64x128xf32, #tpu.memory_space<vmem>>[vector<16xi32>, vector<16xi32>], vector<16xf32>,
        %gather3A_363 = tpu.vector_load_idx %arg8[%add3A_14, %add3A_359] : memref<128x128xf32, #tpu.memory_space<vmem>>[vector<16xi32>, vector<16xi32>], vector<16xf32>,
        tpu.vector_store_idx %arg11[%add3A_359, %add3A_14], %gather3A_363 : memref<64x128xf32, #tpu.memory_space<vmem>>[vector<16xi32>, vector<16xi32>], vector<16xf32>,
        %gather3A_364 = tpu.vector_load_idx %arg8[%add3A_17, %add3A_359] : memref<128x128xf32, #tpu.memory_space<vmem>>[vector<16xi32>, vector<16xi32>], vector<16xf32>,
        tpu.vector_store_idx %arg11[%add3A_359, %add3A_17], %gather3A_364 : memref<64x128xf32, #tpu.memory_space<vmem>>[vector<16xi32>, vector<16xi32>], vector<16xf32>,
        %gather3A_365 = tpu.vector_load_idx %arg8[%add3A_20, %add3A_359] : memref<128x128xf32, #tpu.memory_space<vmem>>[vector<16xi32>, vector<16xi32>], vector<16xf32>,
        tpu.vector_store_idx %arg11[%add3A_359, %add3A_20], %gather3A_365 : memref<64x128xf32, #tpu.memory_space<vmem>>[vector<16xi32>, vector<16xi32>], vector<16xf32>,
        %gather3A_366 = tpu.vector_load_idx %arg8[%add3A_23, %add3A_359] : memref<128x128xf32, #tpu.memory_space<vmem>>[vector<16xi32>, vector<16xi32>], vector<16xf32>,
        tpu.vector_store_idx %arg11[%add3A_359, %add3A_23], %gather3A_366 : memref<64x128xf32, #tpu.memory_space<vmem>>[vector<16xi32>, vector<16xi32>], vector<16xf32>,
        %gather3A_367 = tpu.vector_load_idx %arg8[%add3A_26, %add3A_359] : memref<128x128xf32, #tpu.memory_space<vmem>>[vector<16xi32>, vector<16xi32>], vector<16xf32>,
        tpu.vector_store_idx %arg11[%add3A_359, %add3A_26], %gather3A_367 : memref<64x128xf32, #tpu.memory_space<vmem>>[vector<16xi32>, vector<16xi32>], vector<16xf32>,
      }
      %scan3A_231 = arith.constant 16 : i32
      %sub3A_232 = arith.constant 1 : i32
      %sub3A_233 = arith.subi %add3A_204, %sub3A_232 : i32
      %dma_start3A_234 = arith.constant 0 : i32
      %dma_start3A_235 = tpu.memref_slice %arg4[%sub3A_233, %dma_start3A_234, %mul3A_2] : memref<200x64x4096xf32, #tpu.memory_space<hbm>> -> memref<1x64x128xf32, #tpu.memory_space<hbm>>
      %dma_start3A_236 = tpu.memref_squeeze %dma_start3A_235 : memref<1x64x128xf32, #tpu.memory_space<hbm>> -> memref<64x128xf32, #tpu.memory_space<hbm>>
      %dma_start3A_237 = arith.constant 0 : i32
      %dma_start3A_238 = tpu.memref_slice %arg4[%sub3A_233, %dma_start3A_237, %mul3A_2] : memref<200x64x4096xf32, #tpu.memory_space<hbm>> -> memref<1x64x128xf32, #tpu.memory_space<hbm>>
      %dma_start3A_239 = tpu.memref_squeeze %dma_start3A_238 : memref<1x64x128xf32, #tpu.memory_space<hbm>> -> memref<64x128xf32, #tpu.memory_space<hbm>>
      tpu.enqueue_dma source(%arg11 : memref<64x128xf32, #tpu.memory_space<vmem>>) target(%dma_start3A_239 : memref<64x128xf32, #tpu.memory_space<hbm>>) target_semaphore(%arg17 : memref<!tpu.dma_semaphore, #tpu.memory_space<semaphore_mem>>)
      %mul3A_240 = arith.constant 3 : i32
      %mul3A_241 = arith.muli %mul3A_240, %scan3A_200 : i32
      %add3A_242 = arith.constant 1 : i32
      %add3A_243 = arith.addi %mul3A_241, %add3A_242 : i32
      %sub3A_244 = arith.constant 3 : i32
      %sub3A_245 = arith.subi %add3A_243, %sub3A_244 : i32
      %dma_wait3A_246 = arith.constant 0 : i32
      %dma_wait3A_247 = tpu.memref_slice %arg4[%sub3A_245, %dma_wait3A_246, %mul3A_2] : memref<200x64x4096xf32, #tpu.memory_space<hbm>> -> memref<1x64x128xf32, #tpu.memory_space<hbm>>
      %dma_wait3A_248 = tpu.memref_squeeze %dma_wait3A_247 : memref<1x64x128xf32, #tpu.memory_space<hbm>> -> memref<64x128xf32, #tpu.memory_space<hbm>>
      %dma_wait3A_249 = arith.constant 0 : i32
      %dma_wait3A_250 = tpu.memref_slice %arg4[%sub3A_245, %dma_wait3A_249, %mul3A_2] : memref<200x64x4096xf32, #tpu.memory_space<hbm>> -> memref<1x64x128xf32, #tpu.memory_space<hbm>>
      %dma_wait3A_251 = tpu.memref_squeeze %dma_wait3A_250 : memref<1x64x128xf32, #tpu.memory_space<hbm>> -> memref<64x128xf32, #tpu.memory_space<hbm>>
      tpu.wait_dma2 semaphore(%arg16 : memref<!tpu.dma_semaphore, #tpu.memory_space<semaphore_mem>>) src(%arg10 : memref<64x128xf32, #tpu.memory_space<vmem>>) dst(%dma_wait3A_251 : memref<64x128xf32, #tpu.memory_space<hbm>>)
      %dma_start3A_252 = arith.constant 0 : i32
      %dma_start3A_253 = tpu.memref_slice %arg5[%add3A_243, %dma_start3A_252] : memref<200x128xi32, #tpu.memory_space<vmem>> -> memref<1x128xi32, #tpu.memory_space<vmem>>
      %dma_start3A_254 = tpu.memref_squeeze %dma_start3A_253 : memref<1x128xi32, #tpu.memory_space<vmem>> -> memref<128xi32, #tpu.memory_space<vmem>>
      %dma_start3A_255 = arith.constant 0 : i32
      %dma_start3A_256 = arith.constant 0 : i32
      %dma_start3A_257 = tpu.memref_slice %arg3[%dma_start3A_255, %dma_start3A_256] : memref<100000x128xf32, #tpu.memory_space<hbm>> -> memref<100000x128xf32, #tpu.memory_space<hbm>>
      tpu.enqueue_indirect_dma source(%dma_start3A_257 : memref<100000x128xf32, #tpu.memory_space<hbm>>) target(%arg7 : memref<128x128xf32, #tpu.memory_space<vmem>>) offsets(%dma_start3A_254 : memref<128xi32, #tpu.memory_space<vmem>>) semaphore(%arg13 : memref<!tpu.dma_semaphore, #tpu.memory_space<semaphore_mem>>)
      %sub3A_258 = arith.constant 1 : i32
      %sub3A_259 = arith.subi %add3A_243, %sub3A_258 : i32
      %dma_wait3A_260 = arith.constant 0 : i32
      %dma_wait3A_261 = tpu.memref_slice %arg5[%sub3A_259, %dma_wait3A_260] : memref<200x128xi32, #tpu.memory_space<vmem>> -> memref<1x128xi32, #tpu.memory_space<vmem>>
      %dma_wait3A_262 = tpu.memref_squeeze %dma_wait3A_261 : memref<1x128xi32, #tpu.memory_space<vmem>> -> memref<128xi32, #tpu.memory_space<vmem>>
      %dma_wait3A_263 = arith.constant 0 : i32
      %dma_wait3A_264 = arith.constant 0 : i32
      %dma_wait3A_265 = tpu.memref_slice %arg3[%dma_wait3A_263, %dma_wait3A_264] : memref<100000x128xf32, #tpu.memory_space<hbm>> -> memref<100000x128xf32, #tpu.memory_space<hbm>>
      tpu.wait_indirect_dma semaphore(%arg12 : memref<!tpu.dma_semaphore, #tpu.memory_space<semaphore_mem>>) src(%dma_wait3A_265 : memref<100000x128xf32, #tpu.memory_space<hbm>>) dst(%arg6 : memref<128x128xf32, #tpu.memory_space<vmem>>)
      %scan3A_266 = arith.constant 0 : i32
      %scan3A_267 = arith.constant 0 : i32
      %scan3A_268 = arith.constant 16 : i32
      %scan3A_269 = arith.addi %scan3A_267, %scan3A_268 : i32
      %scan3A_270 = arith.constant 1 : i32
      scf.for %scan3A_320 = %scan3A_267 to %scan3A_269 step %scan3A_270  : i32 {
        %add3A_321 = vector.broadcast %scan3A_320 : i32 to vector<16xi32>
        %add3A_322 = arith.addi %iota3A, %add3A_321 : vector<16xi32>
        %and3A = arith.constant 15 : i32
        %and3A_323 = vector.broadcast %and3A : i32 to vector<16xi32>
        %and3A_324 = arith.andi %add3A_322, %and3A_323 : vector<16xi32>
        %add3A_325 = arith.constant 0 : i32
        %add3A_326 = vector.broadcast %add3A_325 : i32 to vector<16xi32>
        %add3A_327 = arith.addi %and3A_324, %add3A_326 : vector<16xi32>
        %gather3A = tpu.vector_load_idx %arg6[%add3A_5, %add3A_327] : memref<128x128xf32, #tpu.memory_space<vmem>>[vector<16xi32>, vector<16xi32>], vector<16xf32>,
        tpu.vector_store_idx %arg9[%add3A_327, %add3A_5], %gather3A : memref<64x128xf32, #tpu.memory_space<vmem>>[vector<16xi32>, vector<16xi32>], vector<16xf32>,
        %gather3A_328 = tpu.vector_load_idx %arg6[%add3A_8, %add3A_327] : memref<128x128xf32, #tpu.memory_space<vmem>>[vector<16xi32>, vector<16xi32>], vector<16xf32>,
        tpu.vector_store_idx %arg9[%add3A_327, %add3A_8], %gather3A_328 : memref<64x128xf32, #tpu.memory_space<vmem>>[vector<16xi32>, vector<16xi32>], vector<16xf32>,
        %gather3A_329 = tpu.vector_load_idx %arg6[%add3A_11, %add3A_327] : memref<128x128xf32, #tpu.memory_space<vmem>>[vector<16xi32>, vector<16xi32>], vector<16xf32>,
        tpu.vector_store_idx %arg9[%add3A_327, %add3A_11], %gather3A_329 : memref<64x128xf32, #tpu.memory_space<vmem>>[vector<16xi32>, vector<16xi32>], vector<16xf32>,
        %gather3A_330 = tpu.vector_load_idx %arg6[%add3A_14, %add3A_327] : memref<128x128xf32, #tpu.memory_space<vmem>>[vector<16xi32>, vector<16xi32>], vector<16xf32>,
        tpu.vector_store_idx %arg9[%add3A_327, %add3A_14], %gather3A_330 : memref<64x128xf32, #tpu.memory_space<vmem>>[vector<16xi32>, vector<16xi32>], vector<16xf32>,
        %gather3A_331 = tpu.vector_load_idx %arg6[%add3A_17, %add3A_327] : memref<128x128xf32, #tpu.memory_space<vmem>>[vector<16xi32>, vector<16xi32>], vector<16xf32>,
        tpu.vector_store_idx %arg9[%add3A_327, %add3A_17], %gather3A_331 : memref<64x128xf32, #tpu.memory_space<vmem>>[vector<16xi32>, vector<16xi32>], vector<16xf32>,
        %gather3A_332 = tpu.vector_load_idx %arg6[%add3A_20, %add3A_327] : memref<128x128xf32, #tpu.memory_space<vmem>>[vector<16xi32>, vector<16xi32>], vector<16xf32>,
        tpu.vector_store_idx %arg9[%add3A_327, %add3A_20], %gather3A_332 : memref<64x128xf32, #tpu.memory_space<vmem>>[vector<16xi32>, vector<16xi32>], vector<16xf32>,
        %gather3A_333 = tpu.vector_load_idx %arg6[%add3A_23, %add3A_327] : memref<128x128xf32, #tpu.memory_space<vmem>>[vector<16xi32>, vector<16xi32>], vector<16xf32>,
        tpu.vector_store_idx %arg9[%add3A_327, %add3A_23], %gather3A_333 : memref<64x128xf32, #tpu.memory_space<vmem>>[vector<16xi32>, vector<16xi32>], vector<16xf32>,
        %gather3A_334 = tpu.vector_load_idx %arg6[%add3A_26, %add3A_327] : memref<128x128xf32, #tpu.memory_space<vmem>>[vector<16xi32>, vector<16xi32>], vector<16xf32>,
        tpu.vector_store_idx %arg9[%add3A_327, %add3A_26], %gather3A_334 : memref<64x128xf32, #tpu.memory_space<vmem>>[vector<16xi32>, vector<16xi32>], vector<16xf32>,
        %add3A_335 = arith.constant 16 : i32
        %add3A_336 = vector.broadcast %add3A_335 : i32 to vector<16xi32>
        %add3A_337 = arith.addi %and3A_324, %add3A_336 : vector<16xi32>
        %gather3A_338 = tpu.vector_load_idx %arg6[%add3A_5, %add3A_337] : memref<128x128xf32, #tpu.memory_space<vmem>>[vector<16xi32>, vector<16xi32>], vector<16xf32>,
        tpu.vector_store_idx %arg9[%add3A_337, %add3A_5], %gather3A_338 : memref<64x128xf32, #tpu.memory_space<vmem>>[vector<16xi32>, vector<16xi32>], vector<16xf32>,
        %gather3A_339 = tpu.vector_load_idx %arg6[%add3A_8, %add3A_337] : memref<128x128xf32, #tpu.memory_space<vmem>>[vector<16xi32>, vector<16xi32>], vector<16xf32>,
        tpu.vector_store_idx %arg9[%add3A_337, %add3A_8], %gather3A_339 : memref<64x128xf32, #tpu.memory_space<vmem>>[vector<16xi32>, vector<16xi32>], vector<16xf32>,
        %gather3A_340 = tpu.vector_load_idx %arg6[%add3A_11, %add3A_337] : memref<128x128xf32, #tpu.memory_space<vmem>>[vector<16xi32>, vector<16xi32>], vector<16xf32>,
        tpu.vector_store_idx %arg9[%add3A_337, %add3A_11], %gather3A_340 : memref<64x128xf32, #tpu.memory_space<vmem>>[vector<16xi32>, vector<16xi32>], vector<16xf32>,
        %gather3A_341 = tpu.vector_load_idx %arg6[%add3A_14, %add3A_337] : memref<128x128xf32, #tpu.memory_space<vmem>>[vector<16xi32>, vector<16xi32>], vector<16xf32>,
        tpu.vector_store_idx %arg9[%add3A_337, %add3A_14], %gather3A_341 : memref<64x128xf32, #tpu.memory_space<vmem>>[vector<16xi32>, vector<16xi32>], vector<16xf32>,
        %gather3A_342 = tpu.vector_load_idx %arg6[%add3A_17, %add3A_337] : memref<128x128xf32, #tpu.memory_space<vmem>>[vector<16xi32>, vector<16xi32>], vector<16xf32>,
        tpu.vector_store_idx %arg9[%add3A_337, %add3A_17], %gather3A_342 : memref<64x128xf32, #tpu.memory_space<vmem>>[vector<16xi32>, vector<16xi32>], vector<16xf32>,
        %gather3A_343 = tpu.vector_load_idx %arg6[%add3A_20, %add3A_337] : memref<128x128xf32, #tpu.memory_space<vmem>>[vector<16xi32>, vector<16xi32>], vector<16xf32>,
        tpu.vector_store_idx %arg9[%add3A_337, %add3A_20], %gather3A_343 : memref<64x128xf32, #tpu.memory_space<vmem>>[vector<16xi32>, vector<16xi32>], vector<16xf32>,
        %gather3A_344 = tpu.vector_load_idx %arg6[%add3A_23, %add3A_337] : memref<128x128xf32, #tpu.memory_space<vmem>>[vector<16xi32>, vector<16xi32>], vector<16xf32>,
        tpu.vector_store_idx %arg9[%add3A_337, %add3A_23], %gather3A_344 : memref<64x128xf32, #tpu.memory_space<vmem>>[vector<16xi32>, vector<16xi32>], vector<16xf32>,
        %gather3A_345 = tpu.vector_load_idx %arg6[%add3A_26, %add3A_337] : memref<128x128xf32, #tpu.memory_space<vmem>>[vector<16xi32>, vector<16xi32>], vector<16xf32>,
        tpu.vector_store_idx %arg9[%add3A_337, %add3A_26], %gather3A_345 : memref<64x128xf32, #tpu.memory_space<vmem>>[vector<16xi32>, vector<16xi32>], vector<16xf32>,
        %add3A_346 = arith.constant 32 : i32
        %add3A_347 = vector.broadcast %add3A_346 : i32 to vector<16xi32>
        %add3A_348 = arith.addi %and3A_324, %add3A_347 : vector<16xi32>
        %gather3A_349 = tpu.vector_load_idx %arg6[%add3A_5, %add3A_348] : memref<128x128xf32, #tpu.memory_space<vmem>>[vector<16xi32>, vector<16xi32>], vector<16xf32>,
        tpu.vector_store_idx %arg9[%add3A_348, %add3A_5], %gather3A_349 : memref<64x128xf32, #tpu.memory_space<vmem>>[vector<16xi32>, vector<16xi32>], vector<16xf32>,
        %gather3A_350 = tpu.vector_load_idx %arg6[%add3A_8, %add3A_348] : memref<128x128xf32, #tpu.memory_space<vmem>>[vector<16xi32>, vector<16xi32>], vector<16xf32>,
        tpu.vector_store_idx %arg9[%add3A_348, %add3A_8], %gather3A_350 : memref<64x128xf32, #tpu.memory_space<vmem>>[vector<16xi32>, vector<16xi32>], vector<16xf32>,
        %gather3A_351 = tpu.vector_load_idx %arg6[%add3A_11, %add3A_348] : memref<128x128xf32, #tpu.memory_space<vmem>>[vector<16xi32>, vector<16xi32>], vector<16xf32>,
        tpu.vector_store_idx %arg9[%add3A_348, %add3A_11], %gather3A_351 : memref<64x128xf32, #tpu.memory_space<vmem>>[vector<16xi32>, vector<16xi32>], vector<16xf32>,
        %gather3A_352 = tpu.vector_load_idx %arg6[%add3A_14, %add3A_348] : memref<128x128xf32, #tpu.memory_space<vmem>>[vector<16xi32>, vector<16xi32>], vector<16xf32>,
        tpu.vector_store_idx %arg9[%add3A_348, %add3A_14], %gather3A_352 : memref<64x128xf32, #tpu.memory_space<vmem>>[vector<16xi32>, vector<16xi32>], vector<16xf32>,
        %gather3A_353 = tpu.vector_load_idx %arg6[%add3A_17, %add3A_348] : memref<128x128xf32, #tpu.memory_space<vmem>>[vector<16xi32>, vector<16xi32>], vector<16xf32>,
        tpu.vector_store_idx %arg9[%add3A_348, %add3A_17], %gather3A_353 : memref<64x128xf32, #tpu.memory_space<vmem>>[vector<16xi32>, vector<16xi32>], vector<16xf32>,
        %gather3A_354 = tpu.vector_load_idx %arg6[%add3A_20, %add3A_348] : memref<128x128xf32, #tpu.memory_space<vmem>>[vector<16xi32>, vector<16xi32>], vector<16xf32>,
        tpu.vector_store_idx %arg9[%add3A_348, %add3A_20], %gather3A_354 : memref<64x128xf32, #tpu.memory_space<vmem>>[vector<16xi32>, vector<16xi32>], vector<16xf32>,
        %gather3A_355 = tpu.vector_load_idx %arg6[%add3A_23, %add3A_348] : memref<128x128xf32, #tpu.memory_space<vmem>>[vector<16xi32>, vector<16xi32>], vector<16xf32>,
        tpu.vector_store_idx %arg9[%add3A_348, %add3A_23], %gather3A_355 : memref<64x128xf32, #tpu.memory_space<vmem>>[vector<16xi32>, vector<16xi32>], vector<16xf32>,
        %gather3A_356 = tpu.vector_load_idx %arg6[%add3A_26, %add3A_348] : memref<128x128xf32, #tpu.memory_space<vmem>>[vector<16xi32>, vector<16xi32>], vector<16xf32>,
        tpu.vector_store_idx %arg9[%add3A_348, %add3A_26], %gather3A_356 : memref<64x128xf32, #tpu.memory_space<vmem>>[vector<16xi32>, vector<16xi32>], vector<16xf32>,
        %add3A_357 = arith.constant 48 : i32
        %add3A_358 = vector.broadcast %add3A_357 : i32 to vector<16xi32>
        %add3A_359 = arith.addi %and3A_324, %add3A_358 : vector<16xi32>
        %gather3A_360 = tpu.vector_load_idx %arg6[%add3A_5, %add3A_359] : memref<128x128xf32, #tpu.memory_space<vmem>>[vector<16xi32>, vector<16xi32>], vector<16xf32>,
        tpu.vector_store_idx %arg9[%add3A_359, %add3A_5], %gather3A_360 : memref<64x128xf32, #tpu.memory_space<vmem>>[vector<16xi32>, vector<16xi32>], vector<16xf32>,
        %gather3A_361 = tpu.vector_load_idx %arg6[%add3A_8, %add3A_359] : memref<128x128xf32, #tpu.memory_space<vmem>>[vector<16xi32>, vector<16xi32>], vector<16xf32>,
        tpu.vector_store_idx %arg9[%add3A_359, %add3A_8], %gather3A_361 : memref<64x128xf32, #tpu.memory_space<vmem>>[vector<16xi32>, vector<16xi32>], vector<16xf32>,
        %gather3A_362 = tpu.vector_load_idx %arg6[%add3A_11, %add3A_359] : memref<128x128xf32, #tpu.memory_space<vmem>>[vector<16xi32>, vector<16xi32>], vector<16xf32>,
        tpu.vector_store_idx %arg9[%add3A_359, %add3A_11], %gather3A_362 : memref<64x128xf32, #tpu.memory_space<vmem>>[vector<16xi32>, vector<16xi32>], vector<16xf32>,
        %gather3A_363 = tpu.vector_load_idx %arg6[%add3A_14, %add3A_359] : memref<128x128xf32, #tpu.memory_space<vmem>>[vector<16xi32>, vector<16xi32>], vector<16xf32>,
        tpu.vector_store_idx %arg9[%add3A_359, %add3A_14], %gather3A_363 : memref<64x128xf32, #tpu.memory_space<vmem>>[vector<16xi32>, vector<16xi32>], vector<16xf32>,
        %gather3A_364 = tpu.vector_load_idx %arg6[%add3A_17, %add3A_359] : memref<128x128xf32, #tpu.memory_space<vmem>>[vector<16xi32>, vector<16xi32>], vector<16xf32>,
        tpu.vector_store_idx %arg9[%add3A_359, %add3A_17], %gather3A_364 : memref<64x128xf32, #tpu.memory_space<vmem>>[vector<16xi32>, vector<16xi32>], vector<16xf32>,
        %gather3A_365 = tpu.vector_load_idx %arg6[%add3A_20, %add3A_359] : memref<128x128xf32, #tpu.memory_space<vmem>>[vector<16xi32>, vector<16xi32>], vector<16xf32>,
        tpu.vector_store_idx %arg9[%add3A_359, %add3A_20], %gather3A_365 : memref<64x128xf32, #tpu.memory_space<vmem>>[vector<16xi32>, vector<16xi32>], vector<16xf32>,
        %gather3A_366 = tpu.vector_load_idx %arg6[%add3A_23, %add3A_359] : memref<128x128xf32, #tpu.memory_space<vmem>>[vector<16xi32>, vector<16xi32>], vector<16xf32>,
        tpu.vector_store_idx %arg9[%add3A_359, %add3A_23], %gather3A_366 : memref<64x128xf32, #tpu.memory_space<vmem>>[vector<16xi32>, vector<16xi32>], vector<16xf32>,
        %gather3A_367 = tpu.vector_load_idx %arg6[%add3A_26, %add3A_359] : memref<128x128xf32, #tpu.memory_space<vmem>>[vector<16xi32>, vector<16xi32>], vector<16xf32>,
        tpu.vector_store_idx %arg9[%add3A_359, %add3A_26], %gather3A_367 : memref<64x128xf32, #tpu.memory_space<vmem>>[vector<16xi32>, vector<16xi32>], vector<16xf32>,
      }
      %scan3A_271 = arith.constant 16 : i32
      %sub3A_272 = arith.constant 1 : i32
      %sub3A_273 = arith.subi %add3A_243, %sub3A_272 : i32
      %dma_start3A_274 = arith.constant 0 : i32
      %dma_start3A_275 = tpu.memref_slice %arg4[%sub3A_273, %dma_start3A_274, %mul3A_2] : memref<200x64x4096xf32, #tpu.memory_space<hbm>> -> memref<1x64x128xf32, #tpu.memory_space<hbm>>
      %dma_start3A_276 = tpu.memref_squeeze %dma_start3A_275 : memref<1x64x128xf32, #tpu.memory_space<hbm>> -> memref<64x128xf32, #tpu.memory_space<hbm>>
      %dma_start3A_277 = arith.constant 0 : i32
      %dma_start3A_278 = tpu.memref_slice %arg4[%sub3A_273, %dma_start3A_277, %mul3A_2] : memref<200x64x4096xf32, #tpu.memory_space<hbm>> -> memref<1x64x128xf32, #tpu.memory_space<hbm>>
      %dma_start3A_279 = tpu.memref_squeeze %dma_start3A_278 : memref<1x64x128xf32, #tpu.memory_space<hbm>> -> memref<64x128xf32, #tpu.memory_space<hbm>>
      tpu.enqueue_dma source(%arg9 : memref<64x128xf32, #tpu.memory_space<vmem>>) target(%dma_start3A_279 : memref<64x128xf32, #tpu.memory_space<hbm>>) target_semaphore(%arg15 : memref<!tpu.dma_semaphore, #tpu.memory_space<semaphore_mem>>)
      %mul3A_280 = arith.constant 3 : i32
      %mul3A_281 = arith.muli %mul3A_280, %scan3A_200 : i32
      %add3A_282 = arith.constant 2 : i32
      %add3A_283 = arith.addi %mul3A_281, %add3A_282 : i32
      %sub3A_284 = arith.constant 3 : i32
      %sub3A_285 = arith.subi %add3A_283, %sub3A_284 : i32
      %dma_wait3A_286 = arith.constant 0 : i32
      %dma_wait3A_287 = tpu.memref_slice %arg4[%sub3A_285, %dma_wait3A_286, %mul3A_2] : memref<200x64x4096xf32, #tpu.memory_space<hbm>> -> memref<1x64x128xf32, #tpu.memory_space<hbm>>
      %dma_wait3A_288 = tpu.memref_squeeze %dma_wait3A_287 : memref<1x64x128xf32, #tpu.memory_space<hbm>> -> memref<64x128xf32, #tpu.memory_space<hbm>>
      %dma_wait3A_289 = arith.constant 0 : i32
      %dma_wait3A_290 = tpu.memref_slice %arg4[%sub3A_285, %dma_wait3A_289, %mul3A_2] : memref<200x64x4096xf32, #tpu.memory_space<hbm>> -> memref<1x64x128xf32, #tpu.memory_space<hbm>>
      %dma_wait3A_291 = tpu.memref_squeeze %dma_wait3A_290 : memref<1x64x128xf32, #tpu.memory_space<hbm>> -> memref<64x128xf32, #tpu.memory_space<hbm>>
      tpu.wait_dma2 semaphore(%arg17 : memref<!tpu.dma_semaphore, #tpu.memory_space<semaphore_mem>>) src(%arg11 : memref<64x128xf32, #tpu.memory_space<vmem>>) dst(%dma_wait3A_291 : memref<64x128xf32, #tpu.memory_space<hbm>>)
      %dma_start3A_292 = arith.constant 0 : i32
      %dma_start3A_293 = tpu.memref_slice %arg5[%add3A_283, %dma_start3A_292] : memref<200x128xi32, #tpu.memory_space<vmem>> -> memref<1x128xi32, #tpu.memory_space<vmem>>
      %dma_start3A_294 = tpu.memref_squeeze %dma_start3A_293 : memref<1x128xi32, #tpu.memory_space<vmem>> -> memref<128xi32, #tpu.memory_space<vmem>>
      %dma_start3A_295 = arith.constant 0 : i32
      %dma_start3A_296 = arith.constant 0 : i32
      %dma_start3A_297 = tpu.memref_slice %arg3[%dma_start3A_295, %dma_start3A_296] : memref<100000x128xf32, #tpu.memory_space<hbm>> -> memref<100000x128xf32, #tpu.memory_space<hbm>>
      tpu.enqueue_indirect_dma source(%dma_start3A_297 : memref<100000x128xf32, #tpu.memory_space<hbm>>) target(%arg8 : memref<128x128xf32, #tpu.memory_space<vmem>>) offsets(%dma_start3A_294 : memref<128xi32, #tpu.memory_space<vmem>>) semaphore(%arg14 : memref<!tpu.dma_semaphore, #tpu.memory_space<semaphore_mem>>)
      %sub3A_298 = arith.constant 1 : i32
      %sub3A_299 = arith.subi %add3A_283, %sub3A_298 : i32
      %dma_wait3A_300 = arith.constant 0 : i32
      %dma_wait3A_301 = tpu.memref_slice %arg5[%sub3A_299, %dma_wait3A_300] : memref<200x128xi32, #tpu.memory_space<vmem>> -> memref<1x128xi32, #tpu.memory_space<vmem>>
      %dma_wait3A_302 = tpu.memref_squeeze %dma_wait3A_301 : memref<1x128xi32, #tpu.memory_space<vmem>> -> memref<128xi32, #tpu.memory_space<vmem>>
      %dma_wait3A_303 = arith.constant 0 : i32
      %dma_wait3A_304 = arith.constant 0 : i32
      %dma_wait3A_305 = tpu.memref_slice %arg3[%dma_wait3A_303, %dma_wait3A_304] : memref<100000x128xf32, #tpu.memory_space<hbm>> -> memref<100000x128xf32, #tpu.memory_space<hbm>>
      tpu.wait_indirect_dma semaphore(%arg13 : memref<!tpu.dma_semaphore, #tpu.memory_space<semaphore_mem>>) src(%dma_wait3A_305 : memref<100000x128xf32, #tpu.memory_space<hbm>>) dst(%arg7 : memref<128x128xf32, #tpu.memory_space<vmem>>)
      %scan3A_306 = arith.constant 0 : i32
      %scan3A_307 = arith.constant 0 : i32
      %scan3A_308 = arith.constant 16 : i32
      %scan3A_309 = arith.addi %scan3A_307, %scan3A_308 : i32
      %scan3A_310 = arith.constant 1 : i32
      scf.for %scan3A_320 = %scan3A_307 to %scan3A_309 step %scan3A_310  : i32 {
        %add3A_321 = vector.broadcast %scan3A_320 : i32 to vector<16xi32>
        %add3A_322 = arith.addi %iota3A, %add3A_321 : vector<16xi32>
        %and3A = arith.constant 15 : i32
        %and3A_323 = vector.broadcast %and3A : i32 to vector<16xi32>
        %and3A_324 = arith.andi %add3A_322, %and3A_323 : vector<16xi32>
        %add3A_325 = arith.constant 0 : i32
        %add3A_326 = vector.broadcast %add3A_325 : i32 to vector<16xi32>
        %add3A_327 = arith.addi %and3A_324, %add3A_326 : vector<16xi32>
        %gather3A = tpu.vector_load_idx %arg7[%add3A_5, %add3A_327] : memref<128x128xf32, #tpu.memory_space<vmem>>[vector<16xi32>, vector<16xi32>], vector<16xf32>,
        tpu.vector_store_idx %arg10[%add3A_327, %add3A_5], %gather3A : memref<64x128xf32, #tpu.memory_space<vmem>>[vector<16xi32>, vector<16xi32>], vector<16xf32>,
        %gather3A_328 = tpu.vector_load_idx %arg7[%add3A_8, %add3A_327] : memref<128x128xf32, #tpu.memory_space<vmem>>[vector<16xi32>, vector<16xi32>], vector<16xf32>,
        tpu.vector_store_idx %arg10[%add3A_327, %add3A_8], %gather3A_328 : memref<64x128xf32, #tpu.memory_space<vmem>>[vector<16xi32>, vector<16xi32>], vector<16xf32>,
        %gather3A_329 = tpu.vector_load_idx %arg7[%add3A_11, %add3A_327] : memref<128x128xf32, #tpu.memory_space<vmem>>[vector<16xi32>, vector<16xi32>], vector<16xf32>,
        tpu.vector_store_idx %arg10[%add3A_327, %add3A_11], %gather3A_329 : memref<64x128xf32, #tpu.memory_space<vmem>>[vector<16xi32>, vector<16xi32>], vector<16xf32>,
        %gather3A_330 = tpu.vector_load_idx %arg7[%add3A_14, %add3A_327] : memref<128x128xf32, #tpu.memory_space<vmem>>[vector<16xi32>, vector<16xi32>], vector<16xf32>,
        tpu.vector_store_idx %arg10[%add3A_327, %add3A_14], %gather3A_330 : memref<64x128xf32, #tpu.memory_space<vmem>>[vector<16xi32>, vector<16xi32>], vector<16xf32>,
        %gather3A_331 = tpu.vector_load_idx %arg7[%add3A_17, %add3A_327] : memref<128x128xf32, #tpu.memory_space<vmem>>[vector<16xi32>, vector<16xi32>], vector<16xf32>,
        tpu.vector_store_idx %arg10[%add3A_327, %add3A_17], %gather3A_331 : memref<64x128xf32, #tpu.memory_space<vmem>>[vector<16xi32>, vector<16xi32>], vector<16xf32>,
        %gather3A_332 = tpu.vector_load_idx %arg7[%add3A_20, %add3A_327] : memref<128x128xf32, #tpu.memory_space<vmem>>[vector<16xi32>, vector<16xi32>], vector<16xf32>,
        tpu.vector_store_idx %arg10[%add3A_327, %add3A_20], %gather3A_332 : memref<64x128xf32, #tpu.memory_space<vmem>>[vector<16xi32>, vector<16xi32>], vector<16xf32>,
        %gather3A_333 = tpu.vector_load_idx %arg7[%add3A_23, %add3A_327] : memref<128x128xf32, #tpu.memory_space<vmem>>[vector<16xi32>, vector<16xi32>], vector<16xf32>,
        tpu.vector_store_idx %arg10[%add3A_327, %add3A_23], %gather3A_333 : memref<64x128xf32, #tpu.memory_space<vmem>>[vector<16xi32>, vector<16xi32>], vector<16xf32>,
        %gather3A_334 = tpu.vector_load_idx %arg7[%add3A_26, %add3A_327] : memref<128x128xf32, #tpu.memory_space<vmem>>[vector<16xi32>, vector<16xi32>], vector<16xf32>,
        tpu.vector_store_idx %arg10[%add3A_327, %add3A_26], %gather3A_334 : memref<64x128xf32, #tpu.memory_space<vmem>>[vector<16xi32>, vector<16xi32>], vector<16xf32>,
        %add3A_335 = arith.constant 16 : i32
        %add3A_336 = vector.broadcast %add3A_335 : i32 to vector<16xi32>
        %add3A_337 = arith.addi %and3A_324, %add3A_336 : vector<16xi32>
        %gather3A_338 = tpu.vector_load_idx %arg7[%add3A_5, %add3A_337] : memref<128x128xf32, #tpu.memory_space<vmem>>[vector<16xi32>, vector<16xi32>], vector<16xf32>,
        tpu.vector_store_idx %arg10[%add3A_337, %add3A_5], %gather3A_338 : memref<64x128xf32, #tpu.memory_space<vmem>>[vector<16xi32>, vector<16xi32>], vector<16xf32>,
        %gather3A_339 = tpu.vector_load_idx %arg7[%add3A_8, %add3A_337] : memref<128x128xf32, #tpu.memory_space<vmem>>[vector<16xi32>, vector<16xi32>], vector<16xf32>,
        tpu.vector_store_idx %arg10[%add3A_337, %add3A_8], %gather3A_339 : memref<64x128xf32, #tpu.memory_space<vmem>>[vector<16xi32>, vector<16xi32>], vector<16xf32>,
        %gather3A_340 = tpu.vector_load_idx %arg7[%add3A_11, %add3A_337] : memref<128x128xf32, #tpu.memory_space<vmem>>[vector<16xi32>, vector<16xi32>], vector<16xf32>,
        tpu.vector_store_idx %arg10[%add3A_337, %add3A_11], %gather3A_340 : memref<64x128xf32, #tpu.memory_space<vmem>>[vector<16xi32>, vector<16xi32>], vector<16xf32>,
        %gather3A_341 = tpu.vector_load_idx %arg7[%add3A_14, %add3A_337] : memref<128x128xf32, #tpu.memory_space<vmem>>[vector<16xi32>, vector<16xi32>], vector<16xf32>,
        tpu.vector_store_idx %arg10[%add3A_337, %add3A_14], %gather3A_341 : memref<64x128xf32, #tpu.memory_space<vmem>>[vector<16xi32>, vector<16xi32>], vector<16xf32>,
        %gather3A_342 = tpu.vector_load_idx %arg7[%add3A_17, %add3A_337] : memref<128x128xf32, #tpu.memory_space<vmem>>[vector<16xi32>, vector<16xi32>], vector<16xf32>,
        tpu.vector_store_idx %arg10[%add3A_337, %add3A_17], %gather3A_342 : memref<64x128xf32, #tpu.memory_space<vmem>>[vector<16xi32>, vector<16xi32>], vector<16xf32>,
        %gather3A_343 = tpu.vector_load_idx %arg7[%add3A_20, %add3A_337] : memref<128x128xf32, #tpu.memory_space<vmem>>[vector<16xi32>, vector<16xi32>], vector<16xf32>,
        tpu.vector_store_idx %arg10[%add3A_337, %add3A_20], %gather3A_343 : memref<64x128xf32, #tpu.memory_space<vmem>>[vector<16xi32>, vector<16xi32>], vector<16xf32>,
        %gather3A_344 = tpu.vector_load_idx %arg7[%add3A_23, %add3A_337] : memref<128x128xf32, #tpu.memory_space<vmem>>[vector<16xi32>, vector<16xi32>], vector<16xf32>,
        tpu.vector_store_idx %arg10[%add3A_337, %add3A_23], %gather3A_344 : memref<64x128xf32, #tpu.memory_space<vmem>>[vector<16xi32>, vector<16xi32>], vector<16xf32>,
        %gather3A_345 = tpu.vector_load_idx %arg7[%add3A_26, %add3A_337] : memref<128x128xf32, #tpu.memory_space<vmem>>[vector<16xi32>, vector<16xi32>], vector<16xf32>,
        tpu.vector_store_idx %arg10[%add3A_337, %add3A_26], %gather3A_345 : memref<64x128xf32, #tpu.memory_space<vmem>>[vector<16xi32>, vector<16xi32>], vector<16xf32>,
        %add3A_346 = arith.constant 32 : i32
        %add3A_347 = vector.broadcast %add3A_346 : i32 to vector<16xi32>
        %add3A_348 = arith.addi %and3A_324, %add3A_347 : vector<16xi32>
        %gather3A_349 = tpu.vector_load_idx %arg7[%add3A_5, %add3A_348] : memref<128x128xf32, #tpu.memory_space<vmem>>[vector<16xi32>, vector<16xi32>], vector<16xf32>,
        tpu.vector_store_idx %arg10[%add3A_348, %add3A_5], %gather3A_349 : memref<64x128xf32, #tpu.memory_space<vmem>>[vector<16xi32>, vector<16xi32>], vector<16xf32>,
        %gather3A_350 = tpu.vector_load_idx %arg7[%add3A_8, %add3A_348] : memref<128x128xf32, #tpu.memory_space<vmem>>[vector<16xi32>, vector<16xi32>], vector<16xf32>,
        tpu.vector_store_idx %arg10[%add3A_348, %add3A_8], %gather3A_350 : memref<64x128xf32, #tpu.memory_space<vmem>>[vector<16xi32>, vector<16xi32>], vector<16xf32>,
        %gather3A_351 = tpu.vector_load_idx %arg7[%add3A_11, %add3A_348] : memref<128x128xf32, #tpu.memory_space<vmem>>[vector<16xi32>, vector<16xi32>], vector<16xf32>,
        tpu.vector_store_idx %arg10[%add3A_348, %add3A_11], %gather3A_351 : memref<64x128xf32, #tpu.memory_space<vmem>>[vector<16xi32>, vector<16xi32>], vector<16xf32>,
        %gather3A_352 = tpu.vector_load_idx %arg7[%add3A_14, %add3A_348] : memref<128x128xf32, #tpu.memory_space<vmem>>[vector<16xi32>, vector<16xi32>], vector<16xf32>,
        tpu.vector_store_idx %arg10[%add3A_348, %add3A_14], %gather3A_352 : memref<64x128xf32, #tpu.memory_space<vmem>>[vector<16xi32>, vector<16xi32>], vector<16xf32>,
        %gather3A_353 = tpu.vector_load_idx %arg7[%add3A_17, %add3A_348] : memref<128x128xf32, #tpu.memory_space<vmem>>[vector<16xi32>, vector<16xi32>], vector<16xf32>,
        tpu.vector_store_idx %arg10[%add3A_348, %add3A_17], %gather3A_353 : memref<64x128xf32, #tpu.memory_space<vmem>>[vector<16xi32>, vector<16xi32>], vector<16xf32>,
        %gather3A_354 = tpu.vector_load_idx %arg7[%add3A_20, %add3A_348] : memref<128x128xf32, #tpu.memory_space<vmem>>[vector<16xi32>, vector<16xi32>], vector<16xf32>,
        tpu.vector_store_idx %arg10[%add3A_348, %add3A_20], %gather3A_354 : memref<64x128xf32, #tpu.memory_space<vmem>>[vector<16xi32>, vector<16xi32>], vector<16xf32>,
        %gather3A_355 = tpu.vector_load_idx %arg7[%add3A_23, %add3A_348] : memref<128x128xf32, #tpu.memory_space<vmem>>[vector<16xi32>, vector<16xi32>], vector<16xf32>,
        tpu.vector_store_idx %arg10[%add3A_348, %add3A_23], %gather3A_355 : memref<64x128xf32, #tpu.memory_space<vmem>>[vector<16xi32>, vector<16xi32>], vector<16xf32>,
        %gather3A_356 = tpu.vector_load_idx %arg7[%add3A_26, %add3A_348] : memref<128x128xf32, #tpu.memory_space<vmem>>[vector<16xi32>, vector<16xi32>], vector<16xf32>,
        tpu.vector_store_idx %arg10[%add3A_348, %add3A_26], %gather3A_356 : memref<64x128xf32, #tpu.memory_space<vmem>>[vector<16xi32>, vector<16xi32>], vector<16xf32>,
        %add3A_357 = arith.constant 48 : i32
        %add3A_358 = vector.broadcast %add3A_357 : i32 to vector<16xi32>
        %add3A_359 = arith.addi %and3A_324, %add3A_358 : vector<16xi32>
        %gather3A_360 = tpu.vector_load_idx %arg7[%add3A_5, %add3A_359] : memref<128x128xf32, #tpu.memory_space<vmem>>[vector<16xi32>, vector<16xi32>], vector<16xf32>,
        tpu.vector_store_idx %arg10[%add3A_359, %add3A_5], %gather3A_360 : memref<64x128xf32, #tpu.memory_space<vmem>>[vector<16xi32>, vector<16xi32>], vector<16xf32>,
        %gather3A_361 = tpu.vector_load_idx %arg7[%add3A_8, %add3A_359] : memref<128x128xf32, #tpu.memory_space<vmem>>[vector<16xi32>, vector<16xi32>], vector<16xf32>,
        tpu.vector_store_idx %arg10[%add3A_359, %add3A_8], %gather3A_361 : memref<64x128xf32, #tpu.memory_space<vmem>>[vector<16xi32>, vector<16xi32>], vector<16xf32>,
        %gather3A_362 = tpu.vector_load_idx %arg7[%add3A_11, %add3A_359] : memref<128x128xf32, #tpu.memory_space<vmem>>[vector<16xi32>, vector<16xi32>], vector<16xf32>,
        tpu.vector_store_idx %arg10[%add3A_359, %add3A_11], %gather3A_362 : memref<64x128xf32, #tpu.memory_space<vmem>>[vector<16xi32>, vector<16xi32>], vector<16xf32>,
        %gather3A_363 = tpu.vector_load_idx %arg7[%add3A_14, %add3A_359] : memref<128x128xf32, #tpu.memory_space<vmem>>[vector<16xi32>, vector<16xi32>], vector<16xf32>,
        tpu.vector_store_idx %arg10[%add3A_359, %add3A_14], %gather3A_363 : memref<64x128xf32, #tpu.memory_space<vmem>>[vector<16xi32>, vector<16xi32>], vector<16xf32>,
        %gather3A_364 = tpu.vector_load_idx %arg7[%add3A_17, %add3A_359] : memref<128x128xf32, #tpu.memory_space<vmem>>[vector<16xi32>, vector<16xi32>], vector<16xf32>,
        tpu.vector_store_idx %arg10[%add3A_359, %add3A_17], %gather3A_364 : memref<64x128xf32, #tpu.memory_space<vmem>>[vector<16xi32>, vector<16xi32>], vector<16xf32>,
        %gather3A_365 = tpu.vector_load_idx %arg7[%add3A_20, %add3A_359] : memref<128x128xf32, #tpu.memory_space<vmem>>[vector<16xi32>, vector<16xi32>], vector<16xf32>,
        tpu.vector_store_idx %arg10[%add3A_359, %add3A_20], %gather3A_365 : memref<64x128xf32, #tpu.memory_space<vmem>>[vector<16xi32>, vector<16xi32>], vector<16xf32>,
        %gather3A_366 = tpu.vector_load_idx %arg7[%add3A_23, %add3A_359] : memref<128x128xf32, #tpu.memory_space<vmem>>[vector<16xi32>, vector<16xi32>], vector<16xf32>,
        tpu.vector_store_idx %arg10[%add3A_359, %add3A_23], %gather3A_366 : memref<64x128xf32, #tpu.memory_space<vmem>>[vector<16xi32>, vector<16xi32>], vector<16xf32>,
        %gather3A_367 = tpu.vector_load_idx %arg7[%add3A_26, %add3A_359] : memref<128x128xf32, #tpu.memory_space<vmem>>[vector<16xi32>, vector<16xi32>], vector<16xf32>,
        tpu.vector_store_idx %arg10[%add3A_359, %add3A_26], %gather3A_367 : memref<64x128xf32, #tpu.memory_space<vmem>>[vector<16xi32>, vector<16xi32>], vector<16xf32>,
      }
      %scan3A_311 = arith.constant 16 : i32
      %sub3A_312 = arith.constant 1 : i32
      %sub3A_313 = arith.subi %add3A_283, %sub3A_312 : i32
      %dma_start3A_314 = arith.constant 0 : i32
      %dma_start3A_315 = tpu.memref_slice %arg4[%sub3A_313, %dma_start3A_314, %mul3A_2] : memref<200x64x4096xf32, #tpu.memory_space<hbm>> -> memref<1x64x128xf32, #tpu.memory_space<hbm>>
      %dma_start3A_316 = tpu.memref_squeeze %dma_start3A_315 : memref<1x64x128xf32, #tpu.memory_space<hbm>> -> memref<64x128xf32, #tpu.memory_space<hbm>>
      %dma_start3A_317 = arith.constant 0 : i32
      %dma_start3A_318 = tpu.memref_slice %arg4[%sub3A_313, %dma_start3A_317, %mul3A_2] : memref<200x64x4096xf32, #tpu.memory_space<hbm>> -> memref<1x64x128xf32, #tpu.memory_space<hbm>>
      %dma_start3A_319 = tpu.memref_squeeze %dma_start3A_318 : memref<1x64x128xf32, #tpu.memory_space<hbm>> -> memref<64x128xf32, #tpu.memory_space<hbm>>
      tpu.enqueue_dma source(%arg10 : memref<64x128xf32, #tpu.memory_space<vmem>>) target(%dma_start3A_319 : memref<64x128xf32, #tpu.memory_space<hbm>>) target_semaphore(%arg16 : memref<!tpu.dma_semaphore, #tpu.memory_space<semaphore_mem>>)
    }
    %scan3A_90 = arith.constant 65 : i32
    %dma_wait3A_91 = arith.constant 195 : i32
    %dma_wait3A_92 = arith.constant 0 : i32
    %dma_wait3A_93 = tpu.memref_slice %arg4[%dma_wait3A_91, %dma_wait3A_92, %mul3A_2] : memref<200x64x4096xf32, #tpu.memory_space<hbm>> -> memref<1x64x128xf32, #tpu.memory_space<hbm>>
    %dma_wait3A_94 = tpu.memref_squeeze %dma_wait3A_93 : memref<1x64x128xf32, #tpu.memory_space<hbm>> -> memref<64x128xf32, #tpu.memory_space<hbm>>
    %dma_wait3A_95 = arith.constant 0 : i32
    %dma_wait3A_96 = tpu.memref_slice %arg4[%dma_wait3A_91, %dma_wait3A_95, %mul3A_2] : memref<200x64x4096xf32, #tpu.memory_space<hbm>> -> memref<1x64x128xf32, #tpu.memory_space<hbm>>
    %dma_wait3A_97 = tpu.memref_squeeze %dma_wait3A_96 : memref<1x64x128xf32, #tpu.memory_space<hbm>> -> memref<64x128xf32, #tpu.memory_space<hbm>>
    tpu.wait_dma2 semaphore(%arg15 : memref<!tpu.dma_semaphore, #tpu.memory_space<semaphore_mem>>) src(%arg9 : memref<64x128xf32, #tpu.memory_space<vmem>>) dst(%dma_wait3A_97 : memref<64x128xf32, #tpu.memory_space<hbm>>)
    %dma_start3A_98 = arith.constant 198 : i32
    %dma_start3A_99 = arith.constant 0 : i32
    %dma_start3A_100 = tpu.memref_slice %arg5[%dma_start3A_98, %dma_start3A_99] : memref<200x128xi32, #tpu.memory_space<vmem>> -> memref<1x128xi32, #tpu.memory_space<vmem>>
    %dma_start3A_101 = tpu.memref_squeeze %dma_start3A_100 : memref<1x128xi32, #tpu.memory_space<vmem>> -> memref<128xi32, #tpu.memory_space<vmem>>
    %dma_start3A_102 = arith.constant 0 : i32
    %dma_start3A_103 = arith.constant 0 : i32
    %dma_start3A_104 = tpu.memref_slice %arg3[%dma_start3A_102, %dma_start3A_103] : memref<100000x128xf32, #tpu.memory_space<hbm>> -> memref<100000x128xf32, #tpu.memory_space<hbm>>
    tpu.enqueue_indirect_dma source(%dma_start3A_104 : memref<100000x128xf32, #tpu.memory_space<hbm>>) target(%arg6 : memref<128x128xf32, #tpu.memory_space<vmem>>) offsets(%dma_start3A_101 : memref<128xi32, #tpu.memory_space<vmem>>) semaphore(%arg12 : memref<!tpu.dma_semaphore, #tpu.memory_space<semaphore_mem>>)
    %dma_wait3A_105 = arith.constant 197 : i32
    %dma_wait3A_106 = arith.constant 0 : i32
    %dma_wait3A_107 = tpu.memref_slice %arg5[%dma_wait3A_105, %dma_wait3A_106] : memref<200x128xi32, #tpu.memory_space<vmem>> -> memref<1x128xi32, #tpu.memory_space<vmem>>
    %dma_wait3A_108 = tpu.memref_squeeze %dma_wait3A_107 : memref<1x128xi32, #tpu.memory_space<vmem>> -> memref<128xi32, #tpu.memory_space<vmem>>
    %dma_wait3A_109 = arith.constant 0 : i32
    %dma_wait3A_110 = arith.constant 0 : i32
    %dma_wait3A_111 = tpu.memref_slice %arg3[%dma_wait3A_109, %dma_wait3A_110] : memref<100000x128xf32, #tpu.memory_space<hbm>> -> memref<100000x128xf32, #tpu.memory_space<hbm>>
    tpu.wait_indirect_dma semaphore(%arg14 : memref<!tpu.dma_semaphore, #tpu.memory_space<semaphore_mem>>) src(%dma_wait3A_111 : memref<100000x128xf32, #tpu.memory_space<hbm>>) dst(%arg8 : memref<128x128xf32, #tpu.memory_space<vmem>>)
    %scan3A_112 = arith.constant 0 : i32
    %scan3A_113 = arith.constant 0 : i32
    %scan3A_114 = arith.constant 16 : i32
    %scan3A_115 = arith.addi %scan3A_113, %scan3A_114 : i32
    %scan3A_116 = arith.constant 1 : i32
    scf.for %scan3A_200 = %scan3A_113 to %scan3A_115 step %scan3A_116  : i32 {
      %add3A_201 = vector.broadcast %scan3A_200 : i32 to vector<16xi32>
      %add3A_202 = arith.addi %iota3A, %add3A_201 : vector<16xi32>
      %and3A = arith.constant 15 : i32
      %and3A_203 = vector.broadcast %and3A : i32 to vector<16xi32>
      %and3A_204 = arith.andi %add3A_202, %and3A_203 : vector<16xi32>
      %add3A_205 = arith.constant 0 : i32
      %add3A_206 = vector.broadcast %add3A_205 : i32 to vector<16xi32>
      %add3A_207 = arith.addi %and3A_204, %add3A_206 : vector<16xi32>
      %gather3A = tpu.vector_load_idx %arg8[%add3A_5, %add3A_207] : memref<128x128xf32, #tpu.memory_space<vmem>>[vector<16xi32>, vector<16xi32>], vector<16xf32>,
      tpu.vector_store_idx %arg11[%add3A_207, %add3A_5], %gather3A : memref<64x128xf32, #tpu.memory_space<vmem>>[vector<16xi32>, vector<16xi32>], vector<16xf32>,
      %gather3A_208 = tpu.vector_load_idx %arg8[%add3A_8, %add3A_207] : memref<128x128xf32, #tpu.memory_space<vmem>>[vector<16xi32>, vector<16xi32>], vector<16xf32>,
      tpu.vector_store_idx %arg11[%add3A_207, %add3A_8], %gather3A_208 : memref<64x128xf32, #tpu.memory_space<vmem>>[vector<16xi32>, vector<16xi32>], vector<16xf32>,
      %gather3A_209 = tpu.vector_load_idx %arg8[%add3A_11, %add3A_207] : memref<128x128xf32, #tpu.memory_space<vmem>>[vector<16xi32>, vector<16xi32>], vector<16xf32>,
      tpu.vector_store_idx %arg11[%add3A_207, %add3A_11], %gather3A_209 : memref<64x128xf32, #tpu.memory_space<vmem>>[vector<16xi32>, vector<16xi32>], vector<16xf32>,
      %gather3A_210 = tpu.vector_load_idx %arg8[%add3A_14, %add3A_207] : memref<128x128xf32, #tpu.memory_space<vmem>>[vector<16xi32>, vector<16xi32>], vector<16xf32>,
      tpu.vector_store_idx %arg11[%add3A_207, %add3A_14], %gather3A_210 : memref<64x128xf32, #tpu.memory_space<vmem>>[vector<16xi32>, vector<16xi32>], vector<16xf32>,
      %gather3A_211 = tpu.vector_load_idx %arg8[%add3A_17, %add3A_207] : memref<128x128xf32, #tpu.memory_space<vmem>>[vector<16xi32>, vector<16xi32>], vector<16xf32>,
      tpu.vector_store_idx %arg11[%add3A_207, %add3A_17], %gather3A_211 : memref<64x128xf32, #tpu.memory_space<vmem>>[vector<16xi32>, vector<16xi32>], vector<16xf32>,
      %gather3A_212 = tpu.vector_load_idx %arg8[%add3A_20, %add3A_207] : memref<128x128xf32, #tpu.memory_space<vmem>>[vector<16xi32>, vector<16xi32>], vector<16xf32>,
      tpu.vector_store_idx %arg11[%add3A_207, %add3A_20], %gather3A_212 : memref<64x128xf32, #tpu.memory_space<vmem>>[vector<16xi32>, vector<16xi32>], vector<16xf32>,
      %gather3A_213 = tpu.vector_load_idx %arg8[%add3A_23, %add3A_207] : memref<128x128xf32, #tpu.memory_space<vmem>>[vector<16xi32>, vector<16xi32>], vector<16xf32>,
      tpu.vector_store_idx %arg11[%add3A_207, %add3A_23], %gather3A_213 : memref<64x128xf32, #tpu.memory_space<vmem>>[vector<16xi32>, vector<16xi32>], vector<16xf32>,
      %gather3A_214 = tpu.vector_load_idx %arg8[%add3A_26, %add3A_207] : memref<128x128xf32, #tpu.memory_space<vmem>>[vector<16xi32>, vector<16xi32>], vector<16xf32>,
      tpu.vector_store_idx %arg11[%add3A_207, %add3A_26], %gather3A_214 : memref<64x128xf32, #tpu.memory_space<vmem>>[vector<16xi32>, vector<16xi32>], vector<16xf32>,
      %add3A_215 = arith.constant 16 : i32
      %add3A_216 = vector.broadcast %add3A_215 : i32 to vector<16xi32>
      %add3A_217 = arith.addi %and3A_204, %add3A_216 : vector<16xi32>
      %gather3A_218 = tpu.vector_load_idx %arg8[%add3A_5, %add3A_217] : memref<128x128xf32, #tpu.memory_space<vmem>>[vector<16xi32>, vector<16xi32>], vector<16xf32>,
      tpu.vector_store_idx %arg11[%add3A_217, %add3A_5], %gather3A_218 : memref<64x128xf32, #tpu.memory_space<vmem>>[vector<16xi32>, vector<16xi32>], vector<16xf32>,
      %gather3A_219 = tpu.vector_load_idx %arg8[%add3A_8, %add3A_217] : memref<128x128xf32, #tpu.memory_space<vmem>>[vector<16xi32>, vector<16xi32>], vector<16xf32>,
      tpu.vector_store_idx %arg11[%add3A_217, %add3A_8], %gather3A_219 : memref<64x128xf32, #tpu.memory_space<vmem>>[vector<16xi32>, vector<16xi32>], vector<16xf32>,
      %gather3A_220 = tpu.vector_load_idx %arg8[%add3A_11, %add3A_217] : memref<128x128xf32, #tpu.memory_space<vmem>>[vector<16xi32>, vector<16xi32>], vector<16xf32>,
      tpu.vector_store_idx %arg11[%add3A_217, %add3A_11], %gather3A_220 : memref<64x128xf32, #tpu.memory_space<vmem>>[vector<16xi32>, vector<16xi32>], vector<16xf32>,
      %gather3A_221 = tpu.vector_load_idx %arg8[%add3A_14, %add3A_217] : memref<128x128xf32, #tpu.memory_space<vmem>>[vector<16xi32>, vector<16xi32>], vector<16xf32>,
      tpu.vector_store_idx %arg11[%add3A_217, %add3A_14], %gather3A_221 : memref<64x128xf32, #tpu.memory_space<vmem>>[vector<16xi32>, vector<16xi32>], vector<16xf32>,
      %gather3A_222 = tpu.vector_load_idx %arg8[%add3A_17, %add3A_217] : memref<128x128xf32, #tpu.memory_space<vmem>>[vector<16xi32>, vector<16xi32>], vector<16xf32>,
      tpu.vector_store_idx %arg11[%add3A_217, %add3A_17], %gather3A_222 : memref<64x128xf32, #tpu.memory_space<vmem>>[vector<16xi32>, vector<16xi32>], vector<16xf32>,
      %gather3A_223 = tpu.vector_load_idx %arg8[%add3A_20, %add3A_217] : memref<128x128xf32, #tpu.memory_space<vmem>>[vector<16xi32>, vector<16xi32>], vector<16xf32>,
      tpu.vector_store_idx %arg11[%add3A_217, %add3A_20], %gather3A_223 : memref<64x128xf32, #tpu.memory_space<vmem>>[vector<16xi32>, vector<16xi32>], vector<16xf32>,
      %gather3A_224 = tpu.vector_load_idx %arg8[%add3A_23, %add3A_217] : memref<128x128xf32, #tpu.memory_space<vmem>>[vector<16xi32>, vector<16xi32>], vector<16xf32>,
      tpu.vector_store_idx %arg11[%add3A_217, %add3A_23], %gather3A_224 : memref<64x128xf32, #tpu.memory_space<vmem>>[vector<16xi32>, vector<16xi32>], vector<16xf32>,
      %gather3A_225 = tpu.vector_load_idx %arg8[%add3A_26, %add3A_217] : memref<128x128xf32, #tpu.memory_space<vmem>>[vector<16xi32>, vector<16xi32>], vector<16xf32>,
      tpu.vector_store_idx %arg11[%add3A_217, %add3A_26], %gather3A_225 : memref<64x128xf32, #tpu.memory_space<vmem>>[vector<16xi32>, vector<16xi32>], vector<16xf32>,
      %add3A_226 = arith.constant 32 : i32
      %add3A_227 = vector.broadcast %add3A_226 : i32 to vector<16xi32>
      %add3A_228 = arith.addi %and3A_204, %add3A_227 : vector<16xi32>
      %gather3A_229 = tpu.vector_load_idx %arg8[%add3A_5, %add3A_228] : memref<128x128xf32, #tpu.memory_space<vmem>>[vector<16xi32>, vector<16xi32>], vector<16xf32>,
      tpu.vector_store_idx %arg11[%add3A_228, %add3A_5], %gather3A_229 : memref<64x128xf32, #tpu.memory_space<vmem>>[vector<16xi32>, vector<16xi32>], vector<16xf32>,
      %gather3A_230 = tpu.vector_load_idx %arg8[%add3A_8, %add3A_228] : memref<128x128xf32, #tpu.memory_space<vmem>>[vector<16xi32>, vector<16xi32>], vector<16xf32>,
      tpu.vector_store_idx %arg11[%add3A_228, %add3A_8], %gather3A_230 : memref<64x128xf32, #tpu.memory_space<vmem>>[vector<16xi32>, vector<16xi32>], vector<16xf32>,
      %gather3A_231 = tpu.vector_load_idx %arg8[%add3A_11, %add3A_228] : memref<128x128xf32, #tpu.memory_space<vmem>>[vector<16xi32>, vector<16xi32>], vector<16xf32>,
      tpu.vector_store_idx %arg11[%add3A_228, %add3A_11], %gather3A_231 : memref<64x128xf32, #tpu.memory_space<vmem>>[vector<16xi32>, vector<16xi32>], vector<16xf32>,
      %gather3A_232 = tpu.vector_load_idx %arg8[%add3A_14, %add3A_228] : memref<128x128xf32, #tpu.memory_space<vmem>>[vector<16xi32>, vector<16xi32>], vector<16xf32>,
      tpu.vector_store_idx %arg11[%add3A_228, %add3A_14], %gather3A_232 : memref<64x128xf32, #tpu.memory_space<vmem>>[vector<16xi32>, vector<16xi32>], vector<16xf32>,
      %gather3A_233 = tpu.vector_load_idx %arg8[%add3A_17, %add3A_228] : memref<128x128xf32, #tpu.memory_space<vmem>>[vector<16xi32>, vector<16xi32>], vector<16xf32>,
      tpu.vector_store_idx %arg11[%add3A_228, %add3A_17], %gather3A_233 : memref<64x128xf32, #tpu.memory_space<vmem>>[vector<16xi32>, vector<16xi32>], vector<16xf32>,
      %gather3A_234 = tpu.vector_load_idx %arg8[%add3A_20, %add3A_228] : memref<128x128xf32, #tpu.memory_space<vmem>>[vector<16xi32>, vector<16xi32>], vector<16xf32>,
      tpu.vector_store_idx %arg11[%add3A_228, %add3A_20], %gather3A_234 : memref<64x128xf32, #tpu.memory_space<vmem>>[vector<16xi32>, vector<16xi32>], vector<16xf32>,
      %gather3A_235 = tpu.vector_load_idx %arg8[%add3A_23, %add3A_228] : memref<128x128xf32, #tpu.memory_space<vmem>>[vector<16xi32>, vector<16xi32>], vector<16xf32>,
      tpu.vector_store_idx %arg11[%add3A_228, %add3A_23], %gather3A_235 : memref<64x128xf32, #tpu.memory_space<vmem>>[vector<16xi32>, vector<16xi32>], vector<16xf32>,
      %gather3A_236 = tpu.vector_load_idx %arg8[%add3A_26, %add3A_228] : memref<128x128xf32, #tpu.memory_space<vmem>>[vector<16xi32>, vector<16xi32>], vector<16xf32>,
      tpu.vector_store_idx %arg11[%add3A_228, %add3A_26], %gather3A_236 : memref<64x128xf32, #tpu.memory_space<vmem>>[vector<16xi32>, vector<16xi32>], vector<16xf32>,
      %add3A_237 = arith.constant 48 : i32
      %add3A_238 = vector.broadcast %add3A_237 : i32 to vector<16xi32>
      %add3A_239 = arith.addi %and3A_204, %add3A_238 : vector<16xi32>
      %gather3A_240 = tpu.vector_load_idx %arg8[%add3A_5, %add3A_239] : memref<128x128xf32, #tpu.memory_space<vmem>>[vector<16xi32>, vector<16xi32>], vector<16xf32>,
      tpu.vector_store_idx %arg11[%add3A_239, %add3A_5], %gather3A_240 : memref<64x128xf32, #tpu.memory_space<vmem>>[vector<16xi32>, vector<16xi32>], vector<16xf32>,
      %gather3A_241 = tpu.vector_load_idx %arg8[%add3A_8, %add3A_239] : memref<128x128xf32, #tpu.memory_space<vmem>>[vector<16xi32>, vector<16xi32>], vector<16xf32>,
      tpu.vector_store_idx %arg11[%add3A_239, %add3A_8], %gather3A_241 : memref<64x128xf32, #tpu.memory_space<vmem>>[vector<16xi32>, vector<16xi32>], vector<16xf32>,
      %gather3A_242 = tpu.vector_load_idx %arg8[%add3A_11, %add3A_239] : memref<128x128xf32, #tpu.memory_space<vmem>>[vector<16xi32>, vector<16xi32>], vector<16xf32>,
      tpu.vector_store_idx %arg11[%add3A_239, %add3A_11], %gather3A_242 : memref<64x128xf32, #tpu.memory_space<vmem>>[vector<16xi32>, vector<16xi32>], vector<16xf32>,
      %gather3A_243 = tpu.vector_load_idx %arg8[%add3A_14, %add3A_239] : memref<128x128xf32, #tpu.memory_space<vmem>>[vector<16xi32>, vector<16xi32>], vector<16xf32>,
      tpu.vector_store_idx %arg11[%add3A_239, %add3A_14], %gather3A_243 : memref<64x128xf32, #tpu.memory_space<vmem>>[vector<16xi32>, vector<16xi32>], vector<16xf32>,
      %gather3A_244 = tpu.vector_load_idx %arg8[%add3A_17, %add3A_239] : memref<128x128xf32, #tpu.memory_space<vmem>>[vector<16xi32>, vector<16xi32>], vector<16xf32>,
      tpu.vector_store_idx %arg11[%add3A_239, %add3A_17], %gather3A_244 : memref<64x128xf32, #tpu.memory_space<vmem>>[vector<16xi32>, vector<16xi32>], vector<16xf32>,
      %gather3A_245 = tpu.vector_load_idx %arg8[%add3A_20, %add3A_239] : memref<128x128xf32, #tpu.memory_space<vmem>>[vector<16xi32>, vector<16xi32>], vector<16xf32>,
      tpu.vector_store_idx %arg11[%add3A_239, %add3A_20], %gather3A_245 : memref<64x128xf32, #tpu.memory_space<vmem>>[vector<16xi32>, vector<16xi32>], vector<16xf32>,
      %gather3A_246 = tpu.vector_load_idx %arg8[%add3A_23, %add3A_239] : memref<128x128xf32, #tpu.memory_space<vmem>>[vector<16xi32>, vector<16xi32>], vector<16xf32>,
      tpu.vector_store_idx %arg11[%add3A_239, %add3A_23], %gather3A_246 : memref<64x128xf32, #tpu.memory_space<vmem>>[vector<16xi32>, vector<16xi32>], vector<16xf32>,
      %gather3A_247 = tpu.vector_load_idx %arg8[%add3A_26, %add3A_239] : memref<128x128xf32, #tpu.memory_space<vmem>>[vector<16xi32>, vector<16xi32>], vector<16xf32>,
      tpu.vector_store_idx %arg11[%add3A_239, %add3A_26], %gather3A_247 : memref<64x128xf32, #tpu.memory_space<vmem>>[vector<16xi32>, vector<16xi32>], vector<16xf32>,
    }
    %scan3A_117 = arith.constant 16 : i32
    %dma_start3A_118 = arith.constant 197 : i32
    %dma_start3A_119 = arith.constant 0 : i32
    %dma_start3A_120 = tpu.memref_slice %arg4[%dma_start3A_118, %dma_start3A_119, %mul3A_2] : memref<200x64x4096xf32, #tpu.memory_space<hbm>> -> memref<1x64x128xf32, #tpu.memory_space<hbm>>
    %dma_start3A_121 = tpu.memref_squeeze %dma_start3A_120 : memref<1x64x128xf32, #tpu.memory_space<hbm>> -> memref<64x128xf32, #tpu.memory_space<hbm>>
    %dma_start3A_122 = arith.constant 0 : i32
    %dma_start3A_123 = tpu.memref_slice %arg4[%dma_start3A_118, %dma_start3A_122, %mul3A_2] : memref<200x64x4096xf32, #tpu.memory_space<hbm>> -> memref<1x64x128xf32, #tpu.memory_space<hbm>>
    %dma_start3A_124 = tpu.memref_squeeze %dma_start3A_123 : memref<1x64x128xf32, #tpu.memory_space<hbm>> -> memref<64x128xf32, #tpu.memory_space<hbm>>
    tpu.enqueue_dma source(%arg11 : memref<64x128xf32, #tpu.memory_space<vmem>>) target(%dma_start3A_124 : memref<64x128xf32, #tpu.memory_space<hbm>>) target_semaphore(%arg17 : memref<!tpu.dma_semaphore, #tpu.memory_space<semaphore_mem>>)
    %dma_wait3A_125 = arith.constant 196 : i32
    %dma_wait3A_126 = arith.constant 0 : i32
    %dma_wait3A_127 = tpu.memref_slice %arg4[%dma_wait3A_125, %dma_wait3A_126, %mul3A_2] : memref<200x64x4096xf32, #tpu.memory_space<hbm>> -> memref<1x64x128xf32, #tpu.memory_space<hbm>>
    %dma_wait3A_128 = tpu.memref_squeeze %dma_wait3A_127 : memref<1x64x128xf32, #tpu.memory_space<hbm>> -> memref<64x128xf32, #tpu.memory_space<hbm>>
    %dma_wait3A_129 = arith.constant 0 : i32
    %dma_wait3A_130 = tpu.memref_slice %arg4[%dma_wait3A_125, %dma_wait3A_129, %mul3A_2] : memref<200x64x4096xf32, #tpu.memory_space<hbm>> -> memref<1x64x128xf32, #tpu.memory_space<hbm>>
    %dma_wait3A_131 = tpu.memref_squeeze %dma_wait3A_130 : memref<1x64x128xf32, #tpu.memory_space<hbm>> -> memref<64x128xf32, #tpu.memory_space<hbm>>
    tpu.wait_dma2 semaphore(%arg16 : memref<!tpu.dma_semaphore, #tpu.memory_space<semaphore_mem>>) src(%arg10 : memref<64x128xf32, #tpu.memory_space<vmem>>) dst(%dma_wait3A_131 : memref<64x128xf32, #tpu.memory_space<hbm>>)
    %dma_start3A_132 = arith.constant 199 : i32
    %dma_start3A_133 = arith.constant 0 : i32
    %dma_start3A_134 = tpu.memref_slice %arg5[%dma_start3A_132, %dma_start3A_133] : memref<200x128xi32, #tpu.memory_space<vmem>> -> memref<1x128xi32, #tpu.memory_space<vmem>>
    %dma_start3A_135 = tpu.memref_squeeze %dma_start3A_134 : memref<1x128xi32, #tpu.memory_space<vmem>> -> memref<128xi32, #tpu.memory_space<vmem>>
    %dma_start3A_136 = arith.constant 0 : i32
    %dma_start3A_137 = arith.constant 0 : i32
    %dma_start3A_138 = tpu.memref_slice %arg3[%dma_start3A_136, %dma_start3A_137] : memref<100000x128xf32, #tpu.memory_space<hbm>> -> memref<100000x128xf32, #tpu.memory_space<hbm>>
    tpu.enqueue_indirect_dma source(%dma_start3A_138 : memref<100000x128xf32, #tpu.memory_space<hbm>>) target(%arg7 : memref<128x128xf32, #tpu.memory_space<vmem>>) offsets(%dma_start3A_135 : memref<128xi32, #tpu.memory_space<vmem>>) semaphore(%arg13 : memref<!tpu.dma_semaphore, #tpu.memory_space<semaphore_mem>>)
    %dma_wait3A_139 = arith.constant 198 : i32
    %dma_wait3A_140 = arith.constant 0 : i32
    %dma_wait3A_141 = tpu.memref_slice %arg5[%dma_wait3A_139, %dma_wait3A_140] : memref<200x128xi32, #tpu.memory_space<vmem>> -> memref<1x128xi32, #tpu.memory_space<vmem>>
    %dma_wait3A_142 = tpu.memref_squeeze %dma_wait3A_141 : memref<1x128xi32, #tpu.memory_space<vmem>> -> memref<128xi32, #tpu.memory_space<vmem>>
    %dma_wait3A_143 = arith.constant 0 : i32
    %dma_wait3A_144 = arith.constant 0 : i32
    %dma_wait3A_145 = tpu.memref_slice %arg3[%dma_wait3A_143, %dma_wait3A_144] : memref<100000x128xf32, #tpu.memory_space<hbm>> -> memref<100000x128xf32, #tpu.memory_space<hbm>>
    tpu.wait_indirect_dma semaphore(%arg12 : memref<!tpu.dma_semaphore, #tpu.memory_space<semaphore_mem>>) src(%dma_wait3A_145 : memref<100000x128xf32, #tpu.memory_space<hbm>>) dst(%arg6 : memref<128x128xf32, #tpu.memory_space<vmem>>)
    %scan3A_146 = arith.constant 0 : i32
    %scan3A_147 = arith.constant 0 : i32
    %scan3A_148 = arith.constant 16 : i32
    %scan3A_149 = arith.addi %scan3A_147, %scan3A_148 : i32
    %scan3A_150 = arith.constant 1 : i32
    scf.for %scan3A_200 = %scan3A_147 to %scan3A_149 step %scan3A_150  : i32 {
      %add3A_201 = vector.broadcast %scan3A_200 : i32 to vector<16xi32>
      %add3A_202 = arith.addi %iota3A, %add3A_201 : vector<16xi32>
      %and3A = arith.constant 15 : i32
      %and3A_203 = vector.broadcast %and3A : i32 to vector<16xi32>
      %and3A_204 = arith.andi %add3A_202, %and3A_203 : vector<16xi32>
      %add3A_205 = arith.constant 0 : i32
      %add3A_206 = vector.broadcast %add3A_205 : i32 to vector<16xi32>
      %add3A_207 = arith.addi %and3A_204, %add3A_206 : vector<16xi32>
      %gather3A = tpu.vector_load_idx %arg6[%add3A_5, %add3A_207] : memref<128x128xf32, #tpu.memory_space<vmem>>[vector<16xi32>, vector<16xi32>], vector<16xf32>,
      tpu.vector_store_idx %arg9[%add3A_207, %add3A_5], %gather3A : memref<64x128xf32, #tpu.memory_space<vmem>>[vector<16xi32>, vector<16xi32>], vector<16xf32>,
      %gather3A_208 = tpu.vector_load_idx %arg6[%add3A_8, %add3A_207] : memref<128x128xf32, #tpu.memory_space<vmem>>[vector<16xi32>, vector<16xi32>], vector<16xf32>,
      tpu.vector_store_idx %arg9[%add3A_207, %add3A_8], %gather3A_208 : memref<64x128xf32, #tpu.memory_space<vmem>>[vector<16xi32>, vector<16xi32>], vector<16xf32>,
      %gather3A_209 = tpu.vector_load_idx %arg6[%add3A_11, %add3A_207] : memref<128x128xf32, #tpu.memory_space<vmem>>[vector<16xi32>, vector<16xi32>], vector<16xf32>,
      tpu.vector_store_idx %arg9[%add3A_207, %add3A_11], %gather3A_209 : memref<64x128xf32, #tpu.memory_space<vmem>>[vector<16xi32>, vector<16xi32>], vector<16xf32>,
      %gather3A_210 = tpu.vector_load_idx %arg6[%add3A_14, %add3A_207] : memref<128x128xf32, #tpu.memory_space<vmem>>[vector<16xi32>, vector<16xi32>], vector<16xf32>,
      tpu.vector_store_idx %arg9[%add3A_207, %add3A_14], %gather3A_210 : memref<64x128xf32, #tpu.memory_space<vmem>>[vector<16xi32>, vector<16xi32>], vector<16xf32>,
      %gather3A_211 = tpu.vector_load_idx %arg6[%add3A_17, %add3A_207] : memref<128x128xf32, #tpu.memory_space<vmem>>[vector<16xi32>, vector<16xi32>], vector<16xf32>,
      tpu.vector_store_idx %arg9[%add3A_207, %add3A_17], %gather3A_211 : memref<64x128xf32, #tpu.memory_space<vmem>>[vector<16xi32>, vector<16xi32>], vector<16xf32>,
      %gather3A_212 = tpu.vector_load_idx %arg6[%add3A_20, %add3A_207] : memref<128x128xf32, #tpu.memory_space<vmem>>[vector<16xi32>, vector<16xi32>], vector<16xf32>,
      tpu.vector_store_idx %arg9[%add3A_207, %add3A_20], %gather3A_212 : memref<64x128xf32, #tpu.memory_space<vmem>>[vector<16xi32>, vector<16xi32>], vector<16xf32>,
      %gather3A_213 = tpu.vector_load_idx %arg6[%add3A_23, %add3A_207] : memref<128x128xf32, #tpu.memory_space<vmem>>[vector<16xi32>, vector<16xi32>], vector<16xf32>,
      tpu.vector_store_idx %arg9[%add3A_207, %add3A_23], %gather3A_213 : memref<64x128xf32, #tpu.memory_space<vmem>>[vector<16xi32>, vector<16xi32>], vector<16xf32>,
      %gather3A_214 = tpu.vector_load_idx %arg6[%add3A_26, %add3A_207] : memref<128x128xf32, #tpu.memory_space<vmem>>[vector<16xi32>, vector<16xi32>], vector<16xf32>,
      tpu.vector_store_idx %arg9[%add3A_207, %add3A_26], %gather3A_214 : memref<64x128xf32, #tpu.memory_space<vmem>>[vector<16xi32>, vector<16xi32>], vector<16xf32>,
      %add3A_215 = arith.constant 16 : i32
      %add3A_216 = vector.broadcast %add3A_215 : i32 to vector<16xi32>
      %add3A_217 = arith.addi %and3A_204, %add3A_216 : vector<16xi32>
      %gather3A_218 = tpu.vector_load_idx %arg6[%add3A_5, %add3A_217] : memref<128x128xf32, #tpu.memory_space<vmem>>[vector<16xi32>, vector<16xi32>], vector<16xf32>,
      tpu.vector_store_idx %arg9[%add3A_217, %add3A_5], %gather3A_218 : memref<64x128xf32, #tpu.memory_space<vmem>>[vector<16xi32>, vector<16xi32>], vector<16xf32>,
      %gather3A_219 = tpu.vector_load_idx %arg6[%add3A_8, %add3A_217] : memref<128x128xf32, #tpu.memory_space<vmem>>[vector<16xi32>, vector<16xi32>], vector<16xf32>,
      tpu.vector_store_idx %arg9[%add3A_217, %add3A_8], %gather3A_219 : memref<64x128xf32, #tpu.memory_space<vmem>>[vector<16xi32>, vector<16xi32>], vector<16xf32>,
      %gather3A_220 = tpu.vector_load_idx %arg6[%add3A_11, %add3A_217] : memref<128x128xf32, #tpu.memory_space<vmem>>[vector<16xi32>, vector<16xi32>], vector<16xf32>,
      tpu.vector_store_idx %arg9[%add3A_217, %add3A_11], %gather3A_220 : memref<64x128xf32, #tpu.memory_space<vmem>>[vector<16xi32>, vector<16xi32>], vector<16xf32>,
      %gather3A_221 = tpu.vector_load_idx %arg6[%add3A_14, %add3A_217] : memref<128x128xf32, #tpu.memory_space<vmem>>[vector<16xi32>, vector<16xi32>], vector<16xf32>,
      tpu.vector_store_idx %arg9[%add3A_217, %add3A_14], %gather3A_221 : memref<64x128xf32, #tpu.memory_space<vmem>>[vector<16xi32>, vector<16xi32>], vector<16xf32>,
      %gather3A_222 = tpu.vector_load_idx %arg6[%add3A_17, %add3A_217] : memref<128x128xf32, #tpu.memory_space<vmem>>[vector<16xi32>, vector<16xi32>], vector<16xf32>,
      tpu.vector_store_idx %arg9[%add3A_217, %add3A_17], %gather3A_222 : memref<64x128xf32, #tpu.memory_space<vmem>>[vector<16xi32>, vector<16xi32>], vector<16xf32>,
      %gather3A_223 = tpu.vector_load_idx %arg6[%add3A_20, %add3A_217] : memref<128x128xf32, #tpu.memory_space<vmem>>[vector<16xi32>, vector<16xi32>], vector<16xf32>,
      tpu.vector_store_idx %arg9[%add3A_217, %add3A_20], %gather3A_223 : memref<64x128xf32, #tpu.memory_space<vmem>>[vector<16xi32>, vector<16xi32>], vector<16xf32>,
      %gather3A_224 = tpu.vector_load_idx %arg6[%add3A_23, %add3A_217] : memref<128x128xf32, #tpu.memory_space<vmem>>[vector<16xi32>, vector<16xi32>], vector<16xf32>,
      tpu.vector_store_idx %arg9[%add3A_217, %add3A_23], %gather3A_224 : memref<64x128xf32, #tpu.memory_space<vmem>>[vector<16xi32>, vector<16xi32>], vector<16xf32>,
      %gather3A_225 = tpu.vector_load_idx %arg6[%add3A_26, %add3A_217] : memref<128x128xf32, #tpu.memory_space<vmem>>[vector<16xi32>, vector<16xi32>], vector<16xf32>,
      tpu.vector_store_idx %arg9[%add3A_217, %add3A_26], %gather3A_225 : memref<64x128xf32, #tpu.memory_space<vmem>>[vector<16xi32>, vector<16xi32>], vector<16xf32>,
      %add3A_226 = arith.constant 32 : i32
      %add3A_227 = vector.broadcast %add3A_226 : i32 to vector<16xi32>
      %add3A_228 = arith.addi %and3A_204, %add3A_227 : vector<16xi32>
      %gather3A_229 = tpu.vector_load_idx %arg6[%add3A_5, %add3A_228] : memref<128x128xf32, #tpu.memory_space<vmem>>[vector<16xi32>, vector<16xi32>], vector<16xf32>,
      tpu.vector_store_idx %arg9[%add3A_228, %add3A_5], %gather3A_229 : memref<64x128xf32, #tpu.memory_space<vmem>>[vector<16xi32>, vector<16xi32>], vector<16xf32>,
      %gather3A_230 = tpu.vector_load_idx %arg6[%add3A_8, %add3A_228] : memref<128x128xf32, #tpu.memory_space<vmem>>[vector<16xi32>, vector<16xi32>], vector<16xf32>,
      tpu.vector_store_idx %arg9[%add3A_228, %add3A_8], %gather3A_230 : memref<64x128xf32, #tpu.memory_space<vmem>>[vector<16xi32>, vector<16xi32>], vector<16xf32>,
      %gather3A_231 = tpu.vector_load_idx %arg6[%add3A_11, %add3A_228] : memref<128x128xf32, #tpu.memory_space<vmem>>[vector<16xi32>, vector<16xi32>], vector<16xf32>,
      tpu.vector_store_idx %arg9[%add3A_228, %add3A_11], %gather3A_231 : memref<64x128xf32, #tpu.memory_space<vmem>>[vector<16xi32>, vector<16xi32>], vector<16xf32>,
      %gather3A_232 = tpu.vector_load_idx %arg6[%add3A_14, %add3A_228] : memref<128x128xf32, #tpu.memory_space<vmem>>[vector<16xi32>, vector<16xi32>], vector<16xf32>,
      tpu.vector_store_idx %arg9[%add3A_228, %add3A_14], %gather3A_232 : memref<64x128xf32, #tpu.memory_space<vmem>>[vector<16xi32>, vector<16xi32>], vector<16xf32>,
      %gather3A_233 = tpu.vector_load_idx %arg6[%add3A_17, %add3A_228] : memref<128x128xf32, #tpu.memory_space<vmem>>[vector<16xi32>, vector<16xi32>], vector<16xf32>,
      tpu.vector_store_idx %arg9[%add3A_228, %add3A_17], %gather3A_233 : memref<64x128xf32, #tpu.memory_space<vmem>>[vector<16xi32>, vector<16xi32>], vector<16xf32>,
      %gather3A_234 = tpu.vector_load_idx %arg6[%add3A_20, %add3A_228] : memref<128x128xf32, #tpu.memory_space<vmem>>[vector<16xi32>, vector<16xi32>], vector<16xf32>,
      tpu.vector_store_idx %arg9[%add3A_228, %add3A_20], %gather3A_234 : memref<64x128xf32, #tpu.memory_space<vmem>>[vector<16xi32>, vector<16xi32>], vector<16xf32>,
      %gather3A_235 = tpu.vector_load_idx %arg6[%add3A_23, %add3A_228] : memref<128x128xf32, #tpu.memory_space<vmem>>[vector<16xi32>, vector<16xi32>], vector<16xf32>,
      tpu.vector_store_idx %arg9[%add3A_228, %add3A_23], %gather3A_235 : memref<64x128xf32, #tpu.memory_space<vmem>>[vector<16xi32>, vector<16xi32>], vector<16xf32>,
      %gather3A_236 = tpu.vector_load_idx %arg6[%add3A_26, %add3A_228] : memref<128x128xf32, #tpu.memory_space<vmem>>[vector<16xi32>, vector<16xi32>], vector<16xf32>,
      tpu.vector_store_idx %arg9[%add3A_228, %add3A_26], %gather3A_236 : memref<64x128xf32, #tpu.memory_space<vmem>>[vector<16xi32>, vector<16xi32>], vector<16xf32>,
      %add3A_237 = arith.constant 48 : i32
      %add3A_238 = vector.broadcast %add3A_237 : i32 to vector<16xi32>
      %add3A_239 = arith.addi %and3A_204, %add3A_238 : vector<16xi32>
      %gather3A_240 = tpu.vector_load_idx %arg6[%add3A_5, %add3A_239] : memref<128x128xf32, #tpu.memory_space<vmem>>[vector<16xi32>, vector<16xi32>], vector<16xf32>,
      tpu.vector_store_idx %arg9[%add3A_239, %add3A_5], %gather3A_240 : memref<64x128xf32, #tpu.memory_space<vmem>>[vector<16xi32>, vector<16xi32>], vector<16xf32>,
      %gather3A_241 = tpu.vector_load_idx %arg6[%add3A_8, %add3A_239] : memref<128x128xf32, #tpu.memory_space<vmem>>[vector<16xi32>, vector<16xi32>], vector<16xf32>,
      tpu.vector_store_idx %arg9[%add3A_239, %add3A_8], %gather3A_241 : memref<64x128xf32, #tpu.memory_space<vmem>>[vector<16xi32>, vector<16xi32>], vector<16xf32>,
      %gather3A_242 = tpu.vector_load_idx %arg6[%add3A_11, %add3A_239] : memref<128x128xf32, #tpu.memory_space<vmem>>[vector<16xi32>, vector<16xi32>], vector<16xf32>,
      tpu.vector_store_idx %arg9[%add3A_239, %add3A_11], %gather3A_242 : memref<64x128xf32, #tpu.memory_space<vmem>>[vector<16xi32>, vector<16xi32>], vector<16xf32>,
      %gather3A_243 = tpu.vector_load_idx %arg6[%add3A_14, %add3A_239] : memref<128x128xf32, #tpu.memory_space<vmem>>[vector<16xi32>, vector<16xi32>], vector<16xf32>,
      tpu.vector_store_idx %arg9[%add3A_239, %add3A_14], %gather3A_243 : memref<64x128xf32, #tpu.memory_space<vmem>>[vector<16xi32>, vector<16xi32>], vector<16xf32>,
      %gather3A_244 = tpu.vector_load_idx %arg6[%add3A_17, %add3A_239] : memref<128x128xf32, #tpu.memory_space<vmem>>[vector<16xi32>, vector<16xi32>], vector<16xf32>,
      tpu.vector_store_idx %arg9[%add3A_239, %add3A_17], %gather3A_244 : memref<64x128xf32, #tpu.memory_space<vmem>>[vector<16xi32>, vector<16xi32>], vector<16xf32>,
      %gather3A_245 = tpu.vector_load_idx %arg6[%add3A_20, %add3A_239] : memref<128x128xf32, #tpu.memory_space<vmem>>[vector<16xi32>, vector<16xi32>], vector<16xf32>,
      tpu.vector_store_idx %arg9[%add3A_239, %add3A_20], %gather3A_245 : memref<64x128xf32, #tpu.memory_space<vmem>>[vector<16xi32>, vector<16xi32>], vector<16xf32>,
      %gather3A_246 = tpu.vector_load_idx %arg6[%add3A_23, %add3A_239] : memref<128x128xf32, #tpu.memory_space<vmem>>[vector<16xi32>, vector<16xi32>], vector<16xf32>,
      tpu.vector_store_idx %arg9[%add3A_239, %add3A_23], %gather3A_246 : memref<64x128xf32, #tpu.memory_space<vmem>>[vector<16xi32>, vector<16xi32>], vector<16xf32>,
      %gather3A_247 = tpu.vector_load_idx %arg6[%add3A_26, %add3A_239] : memref<128x128xf32, #tpu.memory_space<vmem>>[vector<16xi32>, vector<16xi32>], vector<16xf32>,
      tpu.vector_store_idx %arg9[%add3A_239, %add3A_26], %gather3A_247 : memref<64x128xf32, #tpu.memory_space<vmem>>[vector<16xi32>, vector<16xi32>], vector<16xf32>,
    }
    %scan3A_151 = arith.constant 16 : i32
    %dma_start3A_152 = arith.constant 198 : i32
    %dma_start3A_153 = arith.constant 0 : i32
    %dma_start3A_154 = tpu.memref_slice %arg4[%dma_start3A_152, %dma_start3A_153, %mul3A_2] : memref<200x64x4096xf32, #tpu.memory_space<hbm>> -> memref<1x64x128xf32, #tpu.memory_space<hbm>>
    %dma_start3A_155 = tpu.memref_squeeze %dma_start3A_154 : memref<1x64x128xf32, #tpu.memory_space<hbm>> -> memref<64x128xf32, #tpu.memory_space<hbm>>
    %dma_start3A_156 = arith.constant 0 : i32
    %dma_start3A_157 = tpu.memref_slice %arg4[%dma_start3A_152, %dma_start3A_156, %mul3A_2] : memref<200x64x4096xf32, #tpu.memory_space<hbm>> -> memref<1x64x128xf32, #tpu.memory_space<hbm>>
    %dma_start3A_158 = tpu.memref_squeeze %dma_start3A_157 : memref<1x64x128xf32, #tpu.memory_space<hbm>> -> memref<64x128xf32, #tpu.memory_space<hbm>>
    tpu.enqueue_dma source(%arg9 : memref<64x128xf32, #tpu.memory_space<vmem>>) target(%dma_start3A_158 : memref<64x128xf32, #tpu.memory_space<hbm>>) target_semaphore(%arg15 : memref<!tpu.dma_semaphore, #tpu.memory_space<semaphore_mem>>)
    %dma_wait3A_159 = arith.constant 199 : i32
    %dma_wait3A_160 = arith.constant 0 : i32
    %dma_wait3A_161 = tpu.memref_slice %arg5[%dma_wait3A_159, %dma_wait3A_160] : memref<200x128xi32, #tpu.memory_space<vmem>> -> memref<1x128xi32, #tpu.memory_space<vmem>>
    %dma_wait3A_162 = tpu.memref_squeeze %dma_wait3A_161 : memref<1x128xi32, #tpu.memory_space<vmem>> -> memref<128xi32, #tpu.memory_space<vmem>>
    %dma_wait3A_163 = arith.constant 0 : i32
    %dma_wait3A_164 = arith.constant 0 : i32
    %dma_wait3A_165 = tpu.memref_slice %arg3[%dma_wait3A_163, %dma_wait3A_164] : memref<100000x128xf32, #tpu.memory_space<hbm>> -> memref<100000x128xf32, #tpu.memory_space<hbm>>
    tpu.wait_indirect_dma semaphore(%arg13 : memref<!tpu.dma_semaphore, #tpu.memory_space<semaphore_mem>>) src(%dma_wait3A_165 : memref<100000x128xf32, #tpu.memory_space<hbm>>) dst(%arg7 : memref<128x128xf32, #tpu.memory_space<vmem>>)
    %scan3A_166 = arith.constant 0 : i32
    %scan3A_167 = arith.constant 0 : i32
    %scan3A_168 = arith.constant 16 : i32
    %scan3A_169 = arith.addi %scan3A_167, %scan3A_168 : i32
    %scan3A_170 = arith.constant 1 : i32
    scf.for %scan3A_200 = %scan3A_167 to %scan3A_169 step %scan3A_170  : i32 {
      %add3A_201 = vector.broadcast %scan3A_200 : i32 to vector<16xi32>
      %add3A_202 = arith.addi %iota3A, %add3A_201 : vector<16xi32>
      %and3A = arith.constant 15 : i32
      %and3A_203 = vector.broadcast %and3A : i32 to vector<16xi32>
      %and3A_204 = arith.andi %add3A_202, %and3A_203 : vector<16xi32>
      %add3A_205 = arith.constant 0 : i32
      %add3A_206 = vector.broadcast %add3A_205 : i32 to vector<16xi32>
      %add3A_207 = arith.addi %and3A_204, %add3A_206 : vector<16xi32>
      %gather3A = tpu.vector_load_idx %arg7[%add3A_5, %add3A_207] : memref<128x128xf32, #tpu.memory_space<vmem>>[vector<16xi32>, vector<16xi32>], vector<16xf32>,
      tpu.vector_store_idx %arg10[%add3A_207, %add3A_5], %gather3A : memref<64x128xf32, #tpu.memory_space<vmem>>[vector<16xi32>, vector<16xi32>], vector<16xf32>,
      %gather3A_208 = tpu.vector_load_idx %arg7[%add3A_8, %add3A_207] : memref<128x128xf32, #tpu.memory_space<vmem>>[vector<16xi32>, vector<16xi32>], vector<16xf32>,
      tpu.vector_store_idx %arg10[%add3A_207, %add3A_8], %gather3A_208 : memref<64x128xf32, #tpu.memory_space<vmem>>[vector<16xi32>, vector<16xi32>], vector<16xf32>,
      %gather3A_209 = tpu.vector_load_idx %arg7[%add3A_11, %add3A_207] : memref<128x128xf32, #tpu.memory_space<vmem>>[vector<16xi32>, vector<16xi32>], vector<16xf32>,
      tpu.vector_store_idx %arg10[%add3A_207, %add3A_11], %gather3A_209 : memref<64x128xf32, #tpu.memory_space<vmem>>[vector<16xi32>, vector<16xi32>], vector<16xf32>,
      %gather3A_210 = tpu.vector_load_idx %arg7[%add3A_14, %add3A_207] : memref<128x128xf32, #tpu.memory_space<vmem>>[vector<16xi32>, vector<16xi32>], vector<16xf32>,
      tpu.vector_store_idx %arg10[%add3A_207, %add3A_14], %gather3A_210 : memref<64x128xf32, #tpu.memory_space<vmem>>[vector<16xi32>, vector<16xi32>], vector<16xf32>,
      %gather3A_211 = tpu.vector_load_idx %arg7[%add3A_17, %add3A_207] : memref<128x128xf32, #tpu.memory_space<vmem>>[vector<16xi32>, vector<16xi32>], vector<16xf32>,
      tpu.vector_store_idx %arg10[%add3A_207, %add3A_17], %gather3A_211 : memref<64x128xf32, #tpu.memory_space<vmem>>[vector<16xi32>, vector<16xi32>], vector<16xf32>,
      %gather3A_212 = tpu.vector_load_idx %arg7[%add3A_20, %add3A_207] : memref<128x128xf32, #tpu.memory_space<vmem>>[vector<16xi32>, vector<16xi32>], vector<16xf32>,
      tpu.vector_store_idx %arg10[%add3A_207, %add3A_20], %gather3A_212 : memref<64x128xf32, #tpu.memory_space<vmem>>[vector<16xi32>, vector<16xi32>], vector<16xf32>,
      %gather3A_213 = tpu.vector_load_idx %arg7[%add3A_23, %add3A_207] : memref<128x128xf32, #tpu.memory_space<vmem>>[vector<16xi32>, vector<16xi32>], vector<16xf32>,
      tpu.vector_store_idx %arg10[%add3A_207, %add3A_23], %gather3A_213 : memref<64x128xf32, #tpu.memory_space<vmem>>[vector<16xi32>, vector<16xi32>], vector<16xf32>,
      %gather3A_214 = tpu.vector_load_idx %arg7[%add3A_26, %add3A_207] : memref<128x128xf32, #tpu.memory_space<vmem>>[vector<16xi32>, vector<16xi32>], vector<16xf32>,
      tpu.vector_store_idx %arg10[%add3A_207, %add3A_26], %gather3A_214 : memref<64x128xf32, #tpu.memory_space<vmem>>[vector<16xi32>, vector<16xi32>], vector<16xf32>,
      %add3A_215 = arith.constant 16 : i32
      %add3A_216 = vector.broadcast %add3A_215 : i32 to vector<16xi32>
      %add3A_217 = arith.addi %and3A_204, %add3A_216 : vector<16xi32>
      %gather3A_218 = tpu.vector_load_idx %arg7[%add3A_5, %add3A_217] : memref<128x128xf32, #tpu.memory_space<vmem>>[vector<16xi32>, vector<16xi32>], vector<16xf32>,
      tpu.vector_store_idx %arg10[%add3A_217, %add3A_5], %gather3A_218 : memref<64x128xf32, #tpu.memory_space<vmem>>[vector<16xi32>, vector<16xi32>], vector<16xf32>,
      %gather3A_219 = tpu.vector_load_idx %arg7[%add3A_8, %add3A_217] : memref<128x128xf32, #tpu.memory_space<vmem>>[vector<16xi32>, vector<16xi32>], vector<16xf32>,
      tpu.vector_store_idx %arg10[%add3A_217, %add3A_8], %gather3A_219 : memref<64x128xf32, #tpu.memory_space<vmem>>[vector<16xi32>, vector<16xi32>], vector<16xf32>,
      %gather3A_220 = tpu.vector_load_idx %arg7[%add3A_11, %add3A_217] : memref<128x128xf32, #tpu.memory_space<vmem>>[vector<16xi32>, vector<16xi32>], vector<16xf32>,
      tpu.vector_store_idx %arg10[%add3A_217, %add3A_11], %gather3A_220 : memref<64x128xf32, #tpu.memory_space<vmem>>[vector<16xi32>, vector<16xi32>], vector<16xf32>,
      %gather3A_221 = tpu.vector_load_idx %arg7[%add3A_14, %add3A_217] : memref<128x128xf32, #tpu.memory_space<vmem>>[vector<16xi32>, vector<16xi32>], vector<16xf32>,
      tpu.vector_store_idx %arg10[%add3A_217, %add3A_14], %gather3A_221 : memref<64x128xf32, #tpu.memory_space<vmem>>[vector<16xi32>, vector<16xi32>], vector<16xf32>,
      %gather3A_222 = tpu.vector_load_idx %arg7[%add3A_17, %add3A_217] : memref<128x128xf32, #tpu.memory_space<vmem>>[vector<16xi32>, vector<16xi32>], vector<16xf32>,
      tpu.vector_store_idx %arg10[%add3A_217, %add3A_17], %gather3A_222 : memref<64x128xf32, #tpu.memory_space<vmem>>[vector<16xi32>, vector<16xi32>], vector<16xf32>,
      %gather3A_223 = tpu.vector_load_idx %arg7[%add3A_20, %add3A_217] : memref<128x128xf32, #tpu.memory_space<vmem>>[vector<16xi32>, vector<16xi32>], vector<16xf32>,
      tpu.vector_store_idx %arg10[%add3A_217, %add3A_20], %gather3A_223 : memref<64x128xf32, #tpu.memory_space<vmem>>[vector<16xi32>, vector<16xi32>], vector<16xf32>,
      %gather3A_224 = tpu.vector_load_idx %arg7[%add3A_23, %add3A_217] : memref<128x128xf32, #tpu.memory_space<vmem>>[vector<16xi32>, vector<16xi32>], vector<16xf32>,
      tpu.vector_store_idx %arg10[%add3A_217, %add3A_23], %gather3A_224 : memref<64x128xf32, #tpu.memory_space<vmem>>[vector<16xi32>, vector<16xi32>], vector<16xf32>,
      %gather3A_225 = tpu.vector_load_idx %arg7[%add3A_26, %add3A_217] : memref<128x128xf32, #tpu.memory_space<vmem>>[vector<16xi32>, vector<16xi32>], vector<16xf32>,
      tpu.vector_store_idx %arg10[%add3A_217, %add3A_26], %gather3A_225 : memref<64x128xf32, #tpu.memory_space<vmem>>[vector<16xi32>, vector<16xi32>], vector<16xf32>,
      %add3A_226 = arith.constant 32 : i32
      %add3A_227 = vector.broadcast %add3A_226 : i32 to vector<16xi32>
      %add3A_228 = arith.addi %and3A_204, %add3A_227 : vector<16xi32>
      %gather3A_229 = tpu.vector_load_idx %arg7[%add3A_5, %add3A_228] : memref<128x128xf32, #tpu.memory_space<vmem>>[vector<16xi32>, vector<16xi32>], vector<16xf32>,
      tpu.vector_store_idx %arg10[%add3A_228, %add3A_5], %gather3A_229 : memref<64x128xf32, #tpu.memory_space<vmem>>[vector<16xi32>, vector<16xi32>], vector<16xf32>,
      %gather3A_230 = tpu.vector_load_idx %arg7[%add3A_8, %add3A_228] : memref<128x128xf32, #tpu.memory_space<vmem>>[vector<16xi32>, vector<16xi32>], vector<16xf32>,
      tpu.vector_store_idx %arg10[%add3A_228, %add3A_8], %gather3A_230 : memref<64x128xf32, #tpu.memory_space<vmem>>[vector<16xi32>, vector<16xi32>], vector<16xf32>,
      %gather3A_231 = tpu.vector_load_idx %arg7[%add3A_11, %add3A_228] : memref<128x128xf32, #tpu.memory_space<vmem>>[vector<16xi32>, vector<16xi32>], vector<16xf32>,
      tpu.vector_store_idx %arg10[%add3A_228, %add3A_11], %gather3A_231 : memref<64x128xf32, #tpu.memory_space<vmem>>[vector<16xi32>, vector<16xi32>], vector<16xf32>,
      %gather3A_232 = tpu.vector_load_idx %arg7[%add3A_14, %add3A_228] : memref<128x128xf32, #tpu.memory_space<vmem>>[vector<16xi32>, vector<16xi32>], vector<16xf32>,
      tpu.vector_store_idx %arg10[%add3A_228, %add3A_14], %gather3A_232 : memref<64x128xf32, #tpu.memory_space<vmem>>[vector<16xi32>, vector<16xi32>], vector<16xf32>,
      %gather3A_233 = tpu.vector_load_idx %arg7[%add3A_17, %add3A_228] : memref<128x128xf32, #tpu.memory_space<vmem>>[vector<16xi32>, vector<16xi32>], vector<16xf32>,
      tpu.vector_store_idx %arg10[%add3A_228, %add3A_17], %gather3A_233 : memref<64x128xf32, #tpu.memory_space<vmem>>[vector<16xi32>, vector<16xi32>], vector<16xf32>,
      %gather3A_234 = tpu.vector_load_idx %arg7[%add3A_20, %add3A_228] : memref<128x128xf32, #tpu.memory_space<vmem>>[vector<16xi32>, vector<16xi32>], vector<16xf32>,
      tpu.vector_store_idx %arg10[%add3A_228, %add3A_20], %gather3A_234 : memref<64x128xf32, #tpu.memory_space<vmem>>[vector<16xi32>, vector<16xi32>], vector<16xf32>,
      %gather3A_235 = tpu.vector_load_idx %arg7[%add3A_23, %add3A_228] : memref<128x128xf32, #tpu.memory_space<vmem>>[vector<16xi32>, vector<16xi32>], vector<16xf32>,
      tpu.vector_store_idx %arg10[%add3A_228, %add3A_23], %gather3A_235 : memref<64x128xf32, #tpu.memory_space<vmem>>[vector<16xi32>, vector<16xi32>], vector<16xf32>,
      %gather3A_236 = tpu.vector_load_idx %arg7[%add3A_26, %add3A_228] : memref<128x128xf32, #tpu.memory_space<vmem>>[vector<16xi32>, vector<16xi32>], vector<16xf32>,
      tpu.vector_store_idx %arg10[%add3A_228, %add3A_26], %gather3A_236 : memref<64x128xf32, #tpu.memory_space<vmem>>[vector<16xi32>, vector<16xi32>], vector<16xf32>,
      %add3A_237 = arith.constant 48 : i32
      %add3A_238 = vector.broadcast %add3A_237 : i32 to vector<16xi32>
      %add3A_239 = arith.addi %and3A_204, %add3A_238 : vector<16xi32>
      %gather3A_240 = tpu.vector_load_idx %arg7[%add3A_5, %add3A_239] : memref<128x128xf32, #tpu.memory_space<vmem>>[vector<16xi32>, vector<16xi32>], vector<16xf32>,
      tpu.vector_store_idx %arg10[%add3A_239, %add3A_5], %gather3A_240 : memref<64x128xf32, #tpu.memory_space<vmem>>[vector<16xi32>, vector<16xi32>], vector<16xf32>,
      %gather3A_241 = tpu.vector_load_idx %arg7[%add3A_8, %add3A_239] : memref<128x128xf32, #tpu.memory_space<vmem>>[vector<16xi32>, vector<16xi32>], vector<16xf32>,
      tpu.vector_store_idx %arg10[%add3A_239, %add3A_8], %gather3A_241 : memref<64x128xf32, #tpu.memory_space<vmem>>[vector<16xi32>, vector<16xi32>], vector<16xf32>,
      %gather3A_242 = tpu.vector_load_idx %arg7[%add3A_11, %add3A_239] : memref<128x128xf32, #tpu.memory_space<vmem>>[vector<16xi32>, vector<16xi32>], vector<16xf32>,
      tpu.vector_store_idx %arg10[%add3A_239, %add3A_11], %gather3A_242 : memref<64x128xf32, #tpu.memory_space<vmem>>[vector<16xi32>, vector<16xi32>], vector<16xf32>,
      %gather3A_243 = tpu.vector_load_idx %arg7[%add3A_14, %add3A_239] : memref<128x128xf32, #tpu.memory_space<vmem>>[vector<16xi32>, vector<16xi32>], vector<16xf32>,
      tpu.vector_store_idx %arg10[%add3A_239, %add3A_14], %gather3A_243 : memref<64x128xf32, #tpu.memory_space<vmem>>[vector<16xi32>, vector<16xi32>], vector<16xf32>,
      %gather3A_244 = tpu.vector_load_idx %arg7[%add3A_17, %add3A_239] : memref<128x128xf32, #tpu.memory_space<vmem>>[vector<16xi32>, vector<16xi32>], vector<16xf32>,
      tpu.vector_store_idx %arg10[%add3A_239, %add3A_17], %gather3A_244 : memref<64x128xf32, #tpu.memory_space<vmem>>[vector<16xi32>, vector<16xi32>], vector<16xf32>,
      %gather3A_245 = tpu.vector_load_idx %arg7[%add3A_20, %add3A_239] : memref<128x128xf32, #tpu.memory_space<vmem>>[vector<16xi32>, vector<16xi32>], vector<16xf32>,
      tpu.vector_store_idx %arg10[%add3A_239, %add3A_20], %gather3A_245 : memref<64x128xf32, #tpu.memory_space<vmem>>[vector<16xi32>, vector<16xi32>], vector<16xf32>,
      %gather3A_246 = tpu.vector_load_idx %arg7[%add3A_23, %add3A_239] : memref<128x128xf32, #tpu.memory_space<vmem>>[vector<16xi32>, vector<16xi32>], vector<16xf32>,
      tpu.vector_store_idx %arg10[%add3A_239, %add3A_23], %gather3A_246 : memref<64x128xf32, #tpu.memory_space<vmem>>[vector<16xi32>, vector<16xi32>], vector<16xf32>,
      %gather3A_247 = tpu.vector_load_idx %arg7[%add3A_26, %add3A_239] : memref<128x128xf32, #tpu.memory_space<vmem>>[vector<16xi32>, vector<16xi32>], vector<16xf32>,
      tpu.vector_store_idx %arg10[%add3A_239, %add3A_26], %gather3A_247 : memref<64x128xf32, #tpu.memory_space<vmem>>[vector<16xi32>, vector<16xi32>], vector<16xf32>,
    }
    %scan3A_171 = arith.constant 16 : i32
    %dma_start3A_172 = arith.constant 199 : i32
    %dma_start3A_173 = arith.constant 0 : i32
    %dma_start3A_174 = tpu.memref_slice %arg4[%dma_start3A_172, %dma_start3A_173, %mul3A_2] : memref<200x64x4096xf32, #tpu.memory_space<hbm>> -> memref<1x64x128xf32, #tpu.memory_space<hbm>>
    %dma_start3A_175 = tpu.memref_squeeze %dma_start3A_174 : memref<1x64x128xf32, #tpu.memory_space<hbm>> -> memref<64x128xf32, #tpu.memory_space<hbm>>
    %dma_start3A_176 = arith.constant 0 : i32
    %dma_start3A_177 = tpu.memref_slice %arg4[%dma_start3A_172, %dma_start3A_176, %mul3A_2] : memref<200x64x4096xf32, #tpu.memory_space<hbm>> -> memref<1x64x128xf32, #tpu.memory_space<hbm>>
    %dma_start3A_178 = tpu.memref_squeeze %dma_start3A_177 : memref<1x64x128xf32, #tpu.memory_space<hbm>> -> memref<64x128xf32, #tpu.memory_space<hbm>>
    tpu.enqueue_dma source(%arg10 : memref<64x128xf32, #tpu.memory_space<vmem>>) target(%dma_start3A_178 : memref<64x128xf32, #tpu.memory_space<hbm>>) target_semaphore(%arg16 : memref<!tpu.dma_semaphore, #tpu.memory_space<semaphore_mem>>)
    %dma_wait3A_179 = arith.constant 197 : i32
    %dma_wait3A_180 = arith.constant 0 : i32
    %dma_wait3A_181 = tpu.memref_slice %arg4[%dma_wait3A_179, %dma_wait3A_180, %mul3A_2] : memref<200x64x4096xf32, #tpu.memory_space<hbm>> -> memref<1x64x128xf32, #tpu.memory_space<hbm>>
    %dma_wait3A_182 = tpu.memref_squeeze %dma_wait3A_181 : memref<1x64x128xf32, #tpu.memory_space<hbm>> -> memref<64x128xf32, #tpu.memory_space<hbm>>
    %dma_wait3A_183 = arith.constant 0 : i32
    %dma_wait3A_184 = tpu.memref_slice %arg4[%dma_wait3A_179, %dma_wait3A_183, %mul3A_2] : memref<200x64x4096xf32, #tpu.memory_space<hbm>> -> memref<1x64x128xf32, #tpu.memory_space<hbm>>
    %dma_wait3A_185 = tpu.memref_squeeze %dma_wait3A_184 : memref<1x64x128xf32, #tpu.memory_space<hbm>> -> memref<64x128xf32, #tpu.memory_space<hbm>>
    tpu.wait_dma2 semaphore(%arg17 : memref<!tpu.dma_semaphore, #tpu.memory_space<semaphore_mem>>) src(%arg11 : memref<64x128xf32, #tpu.memory_space<vmem>>) dst(%dma_wait3A_185 : memref<64x128xf32, #tpu.memory_space<hbm>>)
    %dma_wait3A_186 = arith.constant 198 : i32
    %dma_wait3A_187 = arith.constant 0 : i32
    %dma_wait3A_188 = tpu.memref_slice %arg4[%dma_wait3A_186, %dma_wait3A_187, %mul3A_2] : memref<200x64x4096xf32, #tpu.memory_space<hbm>> -> memref<1x64x128xf32, #tpu.memory_space<hbm>>
    %dma_wait3A_189 = tpu.memref_squeeze %dma_wait3A_188 : memref<1x64x128xf32, #tpu.memory_space<hbm>> -> memref<64x128xf32, #tpu.memory_space<hbm>>
    %dma_wait3A_190 = arith.constant 0 : i32
    %dma_wait3A_191 = tpu.memref_slice %arg4[%dma_wait3A_186, %dma_wait3A_190, %mul3A_2] : memref<200x64x4096xf32, #tpu.memory_space<hbm>> -> memref<1x64x128xf32, #tpu.memory_space<hbm>>
    %dma_wait3A_192 = tpu.memref_squeeze %dma_wait3A_191 : memref<1x64x128xf32, #tpu.memory_space<hbm>> -> memref<64x128xf32, #tpu.memory_space<hbm>>
    tpu.wait_dma2 semaphore(%arg15 : memref<!tpu.dma_semaphore, #tpu.memory_space<semaphore_mem>>) src(%arg9 : memref<64x128xf32, #tpu.memory_space<vmem>>) dst(%dma_wait3A_192 : memref<64x128xf32, #tpu.memory_space<hbm>>)
    %dma_wait3A_193 = arith.constant 199 : i32
    %dma_wait3A_194 = arith.constant 0 : i32
    %dma_wait3A_195 = tpu.memref_slice %arg4[%dma_wait3A_193, %dma_wait3A_194, %mul3A_2] : memref<200x64x4096xf32, #tpu.memory_space<hbm>> -> memref<1x64x128xf32, #tpu.memory_space<hbm>>
    %dma_wait3A_196 = tpu.memref_squeeze %dma_wait3A_195 : memref<1x64x128xf32, #tpu.memory_space<hbm>> -> memref<64x128xf32, #tpu.memory_space<hbm>>
    %dma_wait3A_197 = arith.constant 0 : i32
    %dma_wait3A_198 = tpu.memref_slice %arg4[%dma_wait3A_193, %dma_wait3A_197, %mul3A_2] : memref<200x64x4096xf32, #tpu.memory_space<hbm>> -> memref<1x64x128xf32, #tpu.memory_space<hbm>>
    %dma_wait3A_199 = tpu.memref_squeeze %dma_wait3A_198 : memref<1x64x128xf32, #tpu.memory_space<hbm>> -> memref<64x128xf32, #tpu.memory_space<hbm>>
    tpu.wait_dma2 semaphore(%arg16 : memref<!tpu.dma_semaphore, #tpu.memory_space<semaphore_mem>>) src(%arg10 : memref<64x128xf32, #tpu.memory_space<vmem>>) dst(%dma_wait3A_199 : memref<64x128xf32, #tpu.memory_space<hbm>>)
    return
  }
}

</mosaic_0001>

<sc_bundles>
// kernel: kernel.3.cloned.1.call-start
scs
__scs_entry_jumppad:
0x0: {  	(pc) =	sbr.rel $0x88, $3  }
0x1: {  	(tag) =	ssettag $0x0;
	lr =	simm.s32 $0x1  }
0x2: {  	[smem:$0x3F9F] =	sst lr;
	_ =	strace $0xD0000000  }
0x3: {  	_ = 	snop  }
0x4: {  	_ = 	snop  }
0x5: {  	_ = 	snop  }
0x6: {  	_ = 	snop  }
0x7: {  	_ = 	snop  }
__scs_overlays_trampoline_lowered:
0x8: {  	[smem:$0x3FAE] =	sst s0  }
0x9: {  	[smem:$0x3FAF] =	sst s1  }
0xa: {  	[smem:$0x3FB0] =	sst s2  }
0xb: {  	[smem:$0x3FB1] =	sst s3  }
0xc: {  	[smem:$0x3FB2] =	sst s4  }
0xd: {  	[smem:$0x3FB3] =	sst s5  }
0xe: {  	[smem:$0x3FB4] =	sst s6  }
0xf: {  	[smem:$0x3FB5] =	sst s7  }
0x10: {  	[smem:$0x3FB6] =	sst s8  }
0x11: {  	[smem:$0x3FB7] =	sst s9;
	s0 =	simm.s32 @!p0 $0x0  }
0x12: {  	s1 =	sld [smem:$0x3F9D];
	s0 =	simm.s32 @p0 $0x1  }
0x13: {  	[smem:$0x3FB8] =	sst s0;
	s0 =	simm.s32 @!p1 $0x0  }
0x14: {  	s2 =	sld [smem:$0x3F9C];
	s0 =	simm.s32 @p1 $0x1  }
0x15: {  	[smem:$0x3FB9] =	sst s0;
	s0 =	simm.s32 @!p2 $0x0  }
0x16: {  	s3 =	sld [smem:$0x3FDB];
	s0 =	simm.s32 @p2 $0x1  }
0x17: {  	s4 =	simm.s32 $0x1BF5;
	[smem:$0x3FBB] =	sst s0  }
0x18: {  	s0 =	sld [smem:$0x3F9E];
	_ =	swait.ge [sflag:s4], $0x0  }
0x19: {  	s7 =	sld [smem:$0x3F9F]  }
0x1a: {  	s8 =	sadd.s32 $0xFFFFE003, lr  }
0x1b: {  	s9 =	sadd.s32 $0xFFFFFEF7, lr;
	s5 =	simm.s32 $0xFFFFFFFF;
	p2 =	slt.u32 s8, $0xFFFFF086  }
0x1c: {  	p1 =	slt.u32 s9, $0xF7A;
	s5 =	simm.s32 @!p2 $0x0  }
0x1d: {  	s5 =	simm.s32 @p1 $0x1;
	p0 =	seq.s32 s7, s2  }
0x1e: {  	s7 =	smul.u32 @!p0 $0xF7A, s2;
	p2 =	seq.s32 @!p0 s5, $0x0  }
0x1f: {  	s9 =	smul.u32 $0xF7A, s1;
	s8 =	simm.s32 @!p0 $0x1BF5;
	p2 =	por !p2, p0  }
0x20: {  	[sflag:s8] =	ssyncset.s32 @!p0 $0xFFFFF086;
	s6 =	sadd.s32 @!p0 s3, s7;
	s7 =	simm.s32 @!p0 $0x108  }
0x21: {  	s3 =	sadd.s32 s3, s9;
	s6 =	sadd.s32 @!p0 $0x88, s6;
	s7 =	simm.s32 @p2 $0x1082  }
0x22: {  	[simem:s7], [sflag:s8] =	dma.local @!p0 [hbm:s6], $0xF7A  }
0x23: {  	s9 =	sor.u32 $0xD0000000, s2;
	s6 =	simm.s32 $0x108;
	_ =	swait.ge @!p0 [sflag:s8], $0x0  }
0x24: {  	s3 =	sadd.s32 $0x88, s3;
	s6 =	simm.s32 @!p1 $0x1082;
	[sflag:s4] =	ssyncset.s32 $0xFFFFF086  }
0x25: {  	[simem:s6], [sflag:s4] =	dma.local [hbm:s3], $0xF7A  }
0x26: {  	[smem:$0x3F9F] =	sst s1;
	(tag) =	ssettag s2;
	_ =	strace s9  }
0x27: {  	s1 =	sld [smem:$0x3FAF]  }
0x28: {  	s2 =	sld [smem:$0x3FB0]  }
0x29: {  	s4 =	sld [smem:$0x3FB2]  }
0x2a: {  	p0 =	seq.s32 s5, $0x0;
	s5 =	sld [smem:$0x3FB3]  }
0x2b: {  	s6 =	sld [smem:$0x3FB4]  }
0x2c: {  	s7 =	sld [smem:$0x3FB5]  }
0x2d: {  	s3 =	simm.s32 $0x108;
	s8 =	sld [smem:$0x3FB6]  }
0x2e: {  	s3 =	simm.s32 @!p0 $0x1082;
	s9 =	sld [smem:$0x3FB7]  }
0x2f: {  	lr =	sadd.s32 s0, s3;
	s0 =	sld [smem:$0x3FAE]  }
0x30: {  	s3 =	sld [smem:$0x3FB1]  }
0x31: {  	[smem:$0x3FBA] =	sst s10  }
0x32: {  	s10 =	sld [smem:$0x3FB8];
	_ =	sdelay $0x3  }
0x33: {  	p0 =	seq.s32 s10, $0x1;
	s10 =	sld [smem:$0x3FBA];
	_ =	sdelay $0x3  }
0x34: {  	[smem:$0x3FBA] =	sst s10  }
0x35: {  	s10 =	sld [smem:$0x3FB9];
	_ =	sdelay $0x3  }
0x36: {  	p1 =	seq.s32 s10, $0x1;
	s10 =	sld [smem:$0x3FBA];
	_ =	sdelay $0x3  }
0x37: {  	[smem:$0x3FBA] =	sst s10  }
0x38: {  	s10 =	sld [smem:$0x3FBB]  }
0x39: {  	_ = 	snop;
	(pc) =	sbr.ind lr, $3  }
0x3a: {  	_ = 	snop  }
0x3b: {  	_ = 	snop  }
0x3c: {  	p2 =	seq.s32 s10, $0x1;
	s10 =	sld [smem:$0x3FBA]  }
0x3d: {  	_ =	shalt  }
0x3e: {  	_ =	shalt  }
0x3f: {  	_ =	shalt  }
0x40: {  	_ =	shalt  }
0x41: {  	_ =	shalt  }
0x42: {  	_ =	shalt  }
0x43: {  	_ =	shalt  }
0x44: {  	_ =	shalt  }
0x45: {  	_ =	shalt  }
0x46: {  	_ =	shalt  }
0x47: {  	_ =	shalt  }
0x48: {  	_ =	shalt  }
0x49: {  	_ =	shalt  }
0x4a: {  	_ =	shalt  }
0x4b: {  	_ =	shalt  }
0x4c: {  	_ =	shalt  }
0x4d: {  	_ =	shalt  }
0x4e: {  	_ =	shalt  }
0x4f: {  	_ =	shalt  }
0x50: {  	_ =	shalt  }
0x51: {  	_ =	shalt  }
0x52: {  	_ =	shalt  }
0x53: {  	_ =	shalt  }
0x54: {  	_ =	shalt  }
0x55: {  	_ =	shalt  }
0x56: {  	_ =	shalt  }
0x57: {  	_ =	shalt  }
0x58: {  	_ =	shalt  }
0x59: {  	_ =	shalt  }
0x5a: {  	_ =	shalt  }
0x5b: {  	_ =	shalt  }
0x5c: {  	_ =	shalt  }
0x5d: {  	_ =	shalt  }
0x5e: {  	_ =	shalt  }
0x5f: {  	_ =	shalt  }
0x60: {  	_ =	shalt  }
0x61: {  	_ =	shalt  }
0x62: {  	_ =	shalt  }
0x63: {  	_ =	shalt  }
0x64: {  	_ =	shalt  }
0x65: {  	_ =	shalt  }
0x66: {  	_ =	shalt  }
0x67: {  	_ =	shalt  }
0x68: {  	_ =	shalt  }
0x69: {  	_ =	shalt  }
0x6a: {  	_ =	shalt  }
0x6b: {  	_ =	shalt  }
0x6c: {  	_ =	shalt  }
0x6d: {  	_ =	shalt  }
0x6e: {  	_ =	shalt  }
0x6f: {  	_ =	shalt  }
0x70: {  	_ =	shalt  }
0x71: {  	_ =	shalt  }
0x72: {  	_ =	shalt  }
0x73: {  	_ =	shalt  }
0x74: {  	_ =	shalt  }
0x75: {  	_ =	shalt  }
0x76: {  	_ =	shalt  }
0x77: {  	_ =	shalt  }
0x78: {  	_ =	shalt  }
0x79: {  	_ =	shalt  }
0x7a: {  	_ =	shalt  }
0x7b: {  	_ =	shalt  }
0x7c: {  	_ =	shalt  }
0x7d: {  	_ =	shalt  }
0x7e: {  	_ =	shalt  }
0x7f: {  	_ =	shalt  }
0x80: {  	_ =	shalt  }
0x81: {  	_ =	shalt  }
0x82: {  	_ =	shalt  }
0x83: {  	_ =	shalt  }
0x84: {  	_ =	shalt  }
0x85: {  	_ =	shalt  }
0x86: {  	_ =	shalt  }
0x87: {  	_ =	shalt  }
.Lfunc_end0:
.L_simem_size_0:
called_computation_lowered:
.L_overlay_start_0:
0x88: {  	s2 =	sld [smem:$0x3FD9]  }
0x89: {  	s3 =	sld [smem:$0x3FFE];
	_ =	sdelay $0x1  }
0x8a: {  	s1 =	srdreg.scid  }
0x8b: {  	s0 =	sand.u32 $0x1, s1  }
0x8c: {  	s17 =	sshll.u32 s0, $0xA;
	s2 =	sadd.s32 s3, s2  }
0x8d: {  	s2 =	sadd.s32 s2, s17  }
0x8e: {  	[smem:$0x3FC6] =	sst s2  }
0x8f: {  	_ = 	snop  }
0x90: {  	s2 =	sld [smem:$0x3FC9]  }
0x91: {  	s18 =	sld [smem:$0x3FD0];
	(tm) =	ssettm $0x1  }
0x92: {  	s4 =	sld [smem:$0x3FFB];
	_ =	sdelay $0x3  }
0x93: {  	_ =	strace s4  }
0x94: {  	s4 =	sld [smem:$0x3FFC];
	_ =	sdelay $0x3  }
0x95: {  	_ =	strace s4  }
0x96: {  	s4 =	sld [smem:$0x3FFD];
	_ =	sdelay $0x3  }
0x97: {  	_ =	strace s4  }
0x98: {  	_ =	strace $0x8FFFFFFF  }
0x99: {  	s19 =	sld [smem:$0x3FDB];
	_ =	sdelay $0x1  }
0x9a: {  	s5 =	simm.s32 $_scs_section_size  }
0x9b: {  	s6 =	simm.s32 $_size__tile_overlayer_lowered;
	s7 =	simm.s32 $_tile_overlayer_lowered  }
0x9c: {  	s22 =	simm.s32 $0x1BFF;
	s21 =	sshll.u32 s7, $0x1;
	s4 =	sadd.s32 s5, s19  }
0x9d: {  	s8 =	simm.s32 $0x0;
	s20 =	sshll.u32 s6, $0x1;
	s6 =	sadd.s32 s21, s4  }
0x9e: {  	[timem:s8], [sflag:s22] =	dma.local [hbm:s6], s20  }
0x9f: {  	_ =	swait.ge [sflag:s22], s20  }
0xa0: {  	s5 =	ssub.s32 $0x0, s20;
	[sflag:s22] =	ssyncset.done $0x0  }
0xa1: {  	[sflag:s22] =	ssyncadd.s32 s5;
	_ =	sdelay $0x1  }
0xa2: {  	s23 =	simm.s32 $0x1B8B  }
0xa3: {  	_ =	swait.ge [sflag:s23], $0x1  }
0xa4: {  	[sflag:s23] =	ssyncset.done $0x0  }
0xa5: {  	s25 =	simm.s32 $0x1B8E;
	s24 =	sld [smem:$0x3FFE];
	[sflag:s23] =	ssyncadd.s32 $0xFFFFFFFF  }
0xa6: {  	s26 =	simm.s32 $execute0_lowered;
	[smem:$0x3FD2] =	sst s25  }
0xa7: {  	s6 =	sshll.u32 s26, $0x1;
	_ =	strace $0x80000046;
	[dreg:$0x1] =	wrdreg $0xFFFFFFFF  }
0xa8: {  	s28 =	simm.s32 $_size_execute0_lowered;
	s4 =	sadd.s32 s4, s6;
	[dreg:$0x0] =	wrdreg $0x0  }
0xa9: {  	s6 =	sshll.u32 s28, $0x1;
	[dreg:$0x2] =	wrdreg s4  }
0xaa: {  	[dreg:$0x3] =	wrdreg s6  }
0xab: {  	[dreg:$0x4] =	wrdreg $0xC0  }
0xac: {  	_ =	task [dreg:s8], $0x5FFFF  }
0xad: {  	[dreg:$0x1] =	wrdreg $0xFFFFFFFF  }
0xae: {  	[dreg:$0x0] =	wrdreg $0x60  }
0xaf: {  	[dreg:$0x2] =	wrdreg s2  }
0xb0: {  	[dreg:$0x3] =	wrdreg s24  }
0xb1: {  	[dreg:$0x4] =	wrdreg s18  }
0xb2: {  	[dreg:$0x5] =	wrdreg $0x9  }
0xb3: {  	_ =	task.clear_ibuf [dreg:s8], $0x6FFFF;
	_ =	strace $0x90000046  }
0xb4: {  	s29 =	simm.s32 $0x9;
	_ =	strace $0x80000048  }
0xb5: {  	_ =	swait.ge [sflag:s29], $0x1  }
0xb6: {  	[sflag:s29] =	ssyncadd.s32 $0xFFFFFFFF  }
0xb7: {  	_ =	strace $0x90000048  }
0xb8: {  	_ =	sfence  }
0xb9: {  	s30 =	sld [smem:$0x0];
	_ =	sdelay $0x2  }
0xba: {  	s31 =	sshll.u32 s1, $0xD;
	s1 =	sshrl.u32 s1, $0x2  }
0xbb: {  	s3 =	sand.u32 $0x4000, s31;
	s1 =	sadd.s32 s1, s30  }
0xbc: {  	s0 =	sor.u32 s3, s0;
	s1 =	sshll.u32 s1, $0x11  }
0xbd: {  	s0 =	sor.u32 s1, s0  }
0xbe: {  	s0 =	sadd.s32 $0x8F2B, s0  }
0xbf: {  	[sflag:s0] =	ssyncadd.remote.s32 $0x1  }
0xc0: {  	_ =	sfence.sel $0xFFFF  }
0xc1: {  	[dreg:$0x0] =	wrdreg $0xFFFFFFFF;
	(pc) =	sbr.abs _section_cstart, $3  }
0xc2: {  	[dreg:$0x1] =	wrdreg $0xFFFFFFFF  }
0xc3: {  	_ =	task.clear_ibuf [dreg:s8], $0x2FFFF;
	_ =	strace $0x9FFFFFFF  }
0xc4: {  	(tm) =	ssettm $0x7FFFFFFF  }
0xc5: {  	_ =	shalt  }
tec
execute0_lowered:
.L_overlay_start_1:
0x0: {  	(tag) =	ssettag $0x1  }
0x1: {  	v0 =	vlaneseq.u32  }
0x2: {  	v59 =	vor.u32 $0x10, v0  }
0x3: {  	v1 =	vmul.u32 $0x80, v0;
	v61 =	vor.u32 $0x20, v0;
	[tilespmem:$0x1FDD0] =	vst v59  }
0x4: {  	v63 =	vor.u32 $0x30, v0;
	[tilespmem:$0x1FDF0] =	vst v61  }
0x5: {  	[tilespmem:$0x1FE10] =	vst v63;
	v2 =	vor.u32 $0x800, v1  }
0x6: {  	s0 =	rddreg [dreg:$0x0];
	s3 =	srdreg.scid;
	v60 =	vor.u32 $0x1000, v1;
	[tilespmem:$0x1FDC0] =	vst v2  }
0x7: {  	s2 =	rddreg [dreg:$0x1];
	s4 =	sand.u32 $0x1, s3;
	s3 =	simm.s32 $0x0;
	v62 =	vor.u32 $0x1800, v1;
	[tilespmem:$0x1FDE0] =	vst v60  }
0x8: {  	v15 =	vor.u32 $0x40, v0;
	[smem:$0x7FF] =	sst s3;
	[tilespmem:$0x1FE00] =	vst v62  }
0x9: {  	s1 =	rddreg [dreg:$0x2];
	v17 =	vor.u32 $0x50, v0;
	_ =	strace $0x80000047;
	[tilespmem:$0x1FE20] =	vst v15  }
0xa: {  	v19 =	vor.u32 $0x60, v0;
	[tilespmem:$0x1FE30] =	vst v17  }
0xb: {  	v21 =	vor.u32 $0x70, v0;
	[tilespmem:$0x1FE40] =	vst v19  }
0xc: {  	v23 =	vor.u32 $0x800, v0;
	[tilespmem:$0x1FE50] =	vst v21  }
0xd: {  	v25 =	vor.u32 $0x810, v0;
	[tilespmem:$0x1FE60] =	vst v23  }
0xe: {  	v27 =	vor.u32 $0x820, v0;
	[tilespmem:$0x1FE70] =	vst v25  }
0xf: {  	v29 =	vor.u32 $0x830, v0;
	[tilespmem:$0x1FE80] =	vst v27  }
0x10: {  	v31 =	vor.u32 $0x840, v0;
	[tilespmem:$0x1FE90] =	vst v29  }
0x11: {  	v33 =	vor.u32 $0x850, v0;
	[tilespmem:$0x1FEA0] =	vst v31  }
0x12: {  	v9 =	vor.u32 $0x860, v0;
	[tilespmem:$0x1FEB0] =	vst v33  }
0x13: {  	v34 =	vor.u32 $0x870, v0;
	[tilespmem:$0x1FEC0] =	vst v9  }
0x14: {  	v35 =	vor.u32 $0x1000, v0;
	[tilespmem:$0x1FED0] =	vst v34  }
0x15: {  	v36 =	vor.u32 $0x1010, v0;
	[tilespmem:$0x1FEE0] =	vst v35  }
0x16: {  	v14 =	vor.u32 $0x2000, v1;
	[tilespmem:$0x1FEF0] =	vst v36  }
0x17: {  	v16 =	vor.u32 $0x2800, v1;
	[tilespmem:$0x1FF00] =	vst v14  }
0x18: {  	v18 =	vor.u32 $0x3000, v1;
	[tilespmem:$0x1FF10] =	vst v16  }
0x19: {  	v20 =	vor.u32 $0x3800, v1;
	[tilespmem:$0x1FF20] =	vst v18  }
0x1a: {  	s5 =	stileid.u32;
	s14 =	simm.s32 $0x400;
	s15 =	simm.s32 $0x8000;
	v37 =	vor.u32 $0x1020, v0;
	v22 =	vor.u32 $0x10, v1;
	[tilespmem:$0x1FF30] =	vst v20  }
0x1b: {  	s16 =	simm.s32 $0x7;
	s17 =	simm.s32 $0x80;
	s18 =	simm.s32 $0x6400;
	v39 =	vor.u32 $0x1030, v0;
	v41 =	vor.u32 $0x1040, v0;
	v24 =	vor.u32 $0x810, v1;
	[tilespmem:$0x1FF40] =	vst v22  }
0x1c: {  	s19 =	simm.s32 $0xA400;
	s20 =	simm.s32 $0x1;
	s21 =	simm.s32 $0x12400;
	v43 =	vor.u32 $0x1050, v0;
	v45 =	vor.u32 $0x1060, v0;
	v26 =	vor.u32 $0x1010, v1;
	[tilespmem:$0x1FF50] =	vst v24  }
0x1d: {  	s28 =	simm.s32 $0x3;
	s29 =	simm.s32 $0x16400;
	s30 =	simm.s32 $0x5;
	v47 =	vor.u32 $0x1070, v0;
	v49 =	vor.u32 $0x1800, v0;
	v28 =	vor.u32 $0x1810, v1;
	[tilespmem:$0x1FF60] =	vst v26  }
0x1e: {  	s31 =	simm.s32 $0x6;
	s5 =	sshll.u32 s5, $0xB;
	v51 =	vor.u32 $0x1810, v0;
	v53 =	vor.u32 $0x1820, v0;
	s6 =	sshll.u32 s4, $0xA;
	v30 =	vor.u32 $0x2010, v1;
	[tilespmem:$0x1FF70] =	vst v28  }
0x1f: {  	s11 =	simm.s32 $0x0;
	v55 =	vor.u32 $0x1830, v0;
	v57 =	vor.u32 $0x1840, v0;
	s7 =	ssub.s32 $0x2, s4;
	v32 =	vor.u32 $0x2810, v1;
	s4 =	sor.u32 s6, s5;
	[tilespmem:$0x1FF80] =	vst v30  }
0x20: {  	v59 =	vor.u32 $0x1850, v0;
	v61 =	vor.u32 $0x1860, v0;
	v8 =	vor.u32 $0x3010, v1;
	s22 =	sshrl.u32 s7, $0x1;
	s5 =	sadd.s32 $0x400, s2;
	s8 =	sshrl.u32 s4, $0x3;
	[tilespmem:$0x1FF90] =	vst v32  }
0x21: {  	v63 =	vor.u32 $0x1870, v0;
	v10 =	vor.u32 $0x3810, v1;
	v11 =	vor.u32 $0x20, v1;
	s23 =	ssub.s32 s7, s22;
	s6 =	sadd.s32 s1, s8;
	s0 =	sadd.s32 s0, s8;
	[tilespmem:$0x1FFA0] =	vst v8  }
0x22: {  	v12 =	vor.u32 $0x820, v1;
	v13 =	vor.u32 $0x1020, v1;
	v38 =	vor.u32 $0x1820, v1;
	s9 =	sor.u32 $0xFFFC0000, s4;
	[tilespmem:$0x1FFB0] =	vst v10;
	[dreg:$0x4] =	wrdreg s0;
	s24 =	sadd.s32 $0x8000, s6  }
0x23: {  	v40 =	vor.u32 $0x2020, v1;
	v42 =	vor.u32 $0x2820, v1;
	v44 =	vor.u32 $0x3020, v1;
	s22 =	simm.s32 $0x0;
	[tilespmem:$0x1FFC0] =	vst v11;
	s25 =	sadd.s32 $0x628000, s6;
	[dreg:$0x5] =	wrdreg s24  }
0x24: {  	v46 =	vor.u32 $0x3820, v1;
	v48 =	vor.u32 $0x30, v1;
	v50 =	vor.u32 $0x830, v1;
	s13 =	smax.u32 s23, $0x1;
	[tilespmem:$0x1FFD0] =	vst v12;
	s26 =	sadd.s32 $0x630000, s6;
	[dreg:$0x6] =	wrdreg s25  }
0x25: {  	v52 =	vor.u32 $0x1030, v1;
	v54 =	vor.u32 $0x1830, v1;
	v56 =	vor.u32 $0x2030, v1;
	s23 =	simm.s32 $0xE400;
	[tilespmem:$0x1FFE0] =	vst v13;
	s12 =	sadd.s32 $0x638000, s6;
	[dreg:$0x7] =	wrdreg s26  }
0x26: {  	v58 =	vor.u32 $0x2830, v1;
	v7 =	vmovc v1;
	v60 =	vor.u32 $0x3030, v1;
	v62 =	vor.u32 $0x3830, v1;
	[tilespmem:$0x1FFF0] =	vst v1;
	s24 =	simm.s32 $0x2;
	s25 =	simm.s32 $0x14400;
	s26 =	simm.s32 $0x4  }
.LBB2_1:
0x27: {  	s0 =	rddreg [dreg:$0x4]  }
0x28: {  	[tilespmem:s3], [sflag:$0x7] =	stream.strided.gather [hbm4b:s0+s14], $0x6400, s15, s14, $0x38;
	[tilespmem:$0x18400] =	vst v63  }
0x29: {  	_ =	swait.ge [sflag:s16], $0x6400  }
0x2a: {  	v4 =	vlaneseq.u32;
	[sflag:s16] =	ssyncset.done $0x0  }
0x2b: {  	v0 =	vadd.s32 s3, v4;
	[sflag:s16] =	ssyncadd.s32 $0xFFFF9C00  }
0x2c: {  	v2 =	vand.u32 $0xF, v0;
	[tilespmem:s18], [sflag:$0x1] =	stream.indirect.gather [hbm4b:s5+s17], $0x80, s3, s17, $0xb8;
	[tilespmem:$0x18400] =	vst v63  }
0x2d: {  	v3 =	vor.u32 v7, v2  }
0x2e: {  	[tilespmem:s19], [sflag:$0x2] =	stream.indirect.gather [hbm4b:s5+s17], $0x80, s17, s17, $0xb8;
	[tilespmem:$0x18400] =	vst v63  }
0x2f: {  	_ =	swait.ge [sflag:s20], $0x4000  }
0x30: {  	[sflag:s20] =	ssyncset.done $0x0;
	v5 =	vld [tilespmem:$0x1FDC0]  }
0x31: {  	v1 =	vshll.u32 v2, $0x7;
	[sflag:s20] =	ssyncadd.s32 $0xFFFFC000  }
0x32: {  	v6 =	vld.idx.msk [tilespmem:v3+s18+$0x0], $0xffff;
	v3 =	vor.u32 v4, v1;
	_ =	sdelay $0x2  }
0x33: {  	v5 =	vor.u32 v5, v2;
	_ =	sdelay $0x1  }
0x34: {  	[tilespmem:v3+s21+$0x0] =	vst.idx.msk $0xffff, v6;
	v3 =	vld [tilespmem:$0x1FDD0];
	_ =	sdelay $0x2  }
0x35: {  	v6 =	vld.idx.msk [tilespmem:v5+s18+$0x0], $0xffff  }
0x36: {  	v5 =	vld [tilespmem:$0x1FDE0]  }
0x37: {  	v3 =	vor.u32 v3, v1;
	_ =	sdelay $0x3  }
0x38: {  	v5 =	vor.u32 v5, v2  }
0x39: {  	[tilespmem:v3+s21+$0x0] =	vst.idx.msk $0xffff, v6;
	v3 =	vld [tilespmem:$0x1FDF0];
	_ =	sdelay $0x3  }
0x3a: {  	v6 =	vld.idx.msk [tilespmem:v5+s18+$0x0], $0xffff  }
0x3b: {  	v5 =	vld [tilespmem:$0x1FE00];
	v3 =	vor.u32 v3, v1;
	_ =	sdelay $0x4  }
0x3c: {  	v5 =	vor.u32 v5, v2;
	[tilespmem:v3+s21+$0x0] =	vst.idx.msk $0xffff, v6;
	v3 =	vld [tilespmem:$0x1FE10];
	_ =	sdelay $0x4  }
0x3d: {  	v5 =	vld.idx.msk [tilespmem:v5+s18+$0x0], $0xffff;
	v3 =	vor.u32 v3, v1  }
0x3e: {  	v6 =	vor.u32 v14, v2;
	_ =	sdelay $0x3  }
0x3f: {  	[tilespmem:v3+s21+$0x0] =	vst.idx.msk $0xffff, v5  }
0x40: {  	v3 =	vor.u32 v15, v1;
	v5 =	vld.idx.msk [tilespmem:v6+s18+$0x0], $0xffff  }
0x41: {  	v6 =	vor.u32 v16, v2;
	_ =	sdelay $0x3  }
0x42: {  	[tilespmem:v3+s21+$0x0] =	vst.idx.msk $0xffff, v5  }
0x43: {  	v3 =	vor.u32 v17, v1;
	v5 =	vld.idx.msk [tilespmem:v6+s18+$0x0], $0xffff  }
0x44: {  	v6 =	vor.u32 v18, v2;
	_ =	sdelay $0x3  }
0x45: {  	[tilespmem:v3+s21+$0x0] =	vst.idx.msk $0xffff, v5  }
0x46: {  	v3 =	vor.u32 v19, v1;
	v5 =	vld.idx.msk [tilespmem:v6+s18+$0x0], $0xffff  }
0x47: {  	v6 =	vor.u32 v20, v2;
	_ =	sdelay $0x3  }
0x48: {  	[tilespmem:v3+s21+$0x0] =	vst.idx.msk $0xffff, v5  }
0x49: {  	v3 =	vor.u32 v21, v1;
	v5 =	vld.idx.msk [tilespmem:v6+s18+$0x0], $0xffff  }
0x4a: {  	v6 =	vor.u32 v22, v0;
	_ =	sdelay $0x3  }
0x4b: {  	[tilespmem:v3+s21+$0x0] =	vst.idx.msk $0xffff, v5  }
0x4c: {  	v3 =	vor.u32 v23, v1;
	v5 =	vld.idx.msk [tilespmem:v6+s18+$0x0], $0xffff  }
0x4d: {  	v6 =	vor.u32 v24, v0;
	_ =	sdelay $0x3  }
0x4e: {  	[tilespmem:v3+s21+$0x0] =	vst.idx.msk $0xffff, v5  }
0x4f: {  	v3 =	vor.u32 v25, v1;
	v5 =	vld.idx.msk [tilespmem:v6+s18+$0x0], $0xffff  }
0x50: {  	v6 =	vor.u32 v26, v0;
	_ =	sdelay $0x3  }
0x51: {  	[tilespmem:v3+s21+$0x0] =	vst.idx.msk $0xffff, v5  }
0x52: {  	v3 =	vor.u32 v27, v1;
	v5 =	vld.idx.msk [tilespmem:v6+s18+$0x0], $0xffff  }
0x53: {  	v6 =	vor.u32 v28, v0;
	_ =	sdelay $0x3  }
0x54: {  	[tilespmem:v3+s21+$0x0] =	vst.idx.msk $0xffff, v5  }
0x55: {  	v3 =	vor.u32 v29, v1;
	v5 =	vld.idx.msk [tilespmem:v6+s18+$0x0], $0xffff  }
0x56: {  	v6 =	vor.u32 v30, v0;
	_ =	sdelay $0x3  }
0x57: {  	[tilespmem:v3+s21+$0x0] =	vst.idx.msk $0xffff, v5  }
0x58: {  	v3 =	vor.u32 v31, v1;
	v5 =	vld.idx.msk [tilespmem:v6+s18+$0x0], $0xffff  }
0x59: {  	v6 =	vor.u32 v32, v0;
	_ =	sdelay $0x3  }
0x5a: {  	[tilespmem:v3+s21+$0x0] =	vst.idx.msk $0xffff, v5  }
0x5b: {  	v3 =	vor.u32 v33, v1;
	v5 =	vld.idx.msk [tilespmem:v6+s18+$0x0], $0xffff  }
0x5c: {  	v6 =	vor.u32 v8, v0;
	_ =	sdelay $0x3  }
0x5d: {  	[tilespmem:v3+s21+$0x0] =	vst.idx.msk $0xffff, v5  }
0x5e: {  	v3 =	vor.u32 v9, v1;
	v5 =	vld.idx.msk [tilespmem:v6+s18+$0x0], $0xffff  }
0x5f: {  	v6 =	vor.u32 v10, v0;
	_ =	sdelay $0x3  }
0x60: {  	[tilespmem:v3+s21+$0x0] =	vst.idx.msk $0xffff, v5  }
0x61: {  	v3 =	vor.u32 v34, v1;
	v5 =	vld.idx.msk [tilespmem:v6+s18+$0x0], $0xffff  }
0x62: {  	v6 =	vor.u32 v11, v2;
	_ =	sdelay $0x3  }
0x63: {  	[tilespmem:v3+s21+$0x0] =	vst.idx.msk $0xffff, v5  }
0x64: {  	v3 =	vor.u32 v35, v1;
	v5 =	vld.idx.msk [tilespmem:v6+s18+$0x0], $0xffff  }
0x65: {  	v6 =	vor.u32 v12, v2;
	_ =	sdelay $0x3  }
0x66: {  	[tilespmem:v3+s21+$0x0] =	vst.idx.msk $0xffff, v5  }
0x67: {  	v3 =	vor.u32 v36, v1;
	v5 =	vld.idx.msk [tilespmem:v6+s18+$0x0], $0xffff  }
0x68: {  	v6 =	vor.u32 v13, v2;
	_ =	sdelay $0x3  }
0x69: {  	[tilespmem:v3+s21+$0x0] =	vst.idx.msk $0xffff, v5  }
0x6a: {  	v3 =	vor.u32 v37, v1;
	v5 =	vld.idx.msk [tilespmem:v6+s18+$0x0], $0xffff  }
0x6b: {  	v6 =	vor.u32 v38, v2;
	_ =	sdelay $0x3  }
0x6c: {  	[tilespmem:v3+s21+$0x0] =	vst.idx.msk $0xffff, v5  }
0x6d: {  	v3 =	vor.u32 v39, v1;
	v5 =	vld.idx.msk [tilespmem:v6+s18+$0x0], $0xffff  }
0x6e: {  	v6 =	vor.u32 v40, v2;
	_ =	sdelay $0x3  }
0x6f: {  	[tilespmem:v3+s21+$0x0] =	vst.idx.msk $0xffff, v5  }
0x70: {  	v3 =	vor.u32 v41, v1;
	v5 =	vld.idx.msk [tilespmem:v6+s18+$0x0], $0xffff  }
0x71: {  	v6 =	vor.u32 v42, v2;
	_ =	sdelay $0x3  }
0x72: {  	[tilespmem:v3+s21+$0x0] =	vst.idx.msk $0xffff, v5  }
0x73: {  	v3 =	vor.u32 v43, v1;
	v5 =	vld.idx.msk [tilespmem:v6+s18+$0x0], $0xffff  }
0x74: {  	v6 =	vor.u32 v44, v2;
	_ =	sdelay $0x3  }
0x75: {  	[tilespmem:v3+s21+$0x0] =	vst.idx.msk $0xffff, v5  }
0x76: {  	v3 =	vor.u32 v45, v1;
	v5 =	vld.idx.msk [tilespmem:v6+s18+$0x0], $0xffff  }
0x77: {  	v2 =	vor.u32 v46, v2;
	_ =	sdelay $0x3  }
0x78: {  	[tilespmem:v3+s21+$0x0] =	vst.idx.msk $0xffff, v5  }
0x79: {  	v3 =	vor.u32 v47, v1;
	v5 =	vld.idx.msk [tilespmem:v2+s18+$0x0], $0xffff  }
0x7a: {  	v2 =	vor.u32 v48, v0;
	_ =	sdelay $0x3  }
0x7b: {  	[tilespmem:v3+s21+$0x0] =	vst.idx.msk $0xffff, v5  }
0x7c: {  	v3 =	vor.u32 v49, v1;
	v5 =	vld.idx.msk [tilespmem:v2+s18+$0x0], $0xffff  }
0x7d: {  	v2 =	vor.u32 v50, v0;
	_ =	sdelay $0x3  }
0x7e: {  	[tilespmem:v3+s21+$0x0] =	vst.idx.msk $0xffff, v5  }
0x7f: {  	v3 =	vor.u32 v51, v1;
	v5 =	vld.idx.msk [tilespmem:v2+s18+$0x0], $0xffff  }
0x80: {  	v2 =	vor.u32 v52, v0;
	_ =	sdelay $0x3  }
0x81: {  	[tilespmem:v3+s21+$0x0] =	vst.idx.msk $0xffff, v5  }
0x82: {  	v3 =	vor.u32 v53, v1;
	v5 =	vld.idx.msk [tilespmem:v2+s18+$0x0], $0xffff  }
0x83: {  	v2 =	vor.u32 v54, v0;
	_ =	sdelay $0x3  }
0x84: {  	[tilespmem:v3+s21+$0x0] =	vst.idx.msk $0xffff, v5  }
0x85: {  	v3 =	vor.u32 v55, v1;
	v5 =	vld.idx.msk [tilespmem:v2+s18+$0x0], $0xffff  }
0x86: {  	v2 =	vor.u32 v56, v0;
	_ =	sdelay $0x3  }
0x87: {  	[tilespmem:v3+s21+$0x0] =	vst.idx.msk $0xffff, v5  }
0x88: {  	v3 =	vor.u32 v57, v1;
	v5 =	vld.idx.msk [tilespmem:v2+s18+$0x0], $0xffff  }
0x89: {  	v2 =	vor.u32 v58, v0;
	_ =	sdelay $0x3  }
0x8a: {  	[tilespmem:v3+s21+$0x0] =	vst.idx.msk $0xffff, v5  }
0x8b: {  	v3 =	vor.u32 v59, v1;
	v5 =	vld.idx.msk [tilespmem:v2+s18+$0x0], $0xffff  }
0x8c: {  	v2 =	vor.u32 v60, v0;
	_ =	sdelay $0x3  }
0x8d: {  	[tilespmem:v3+s21+$0x0] =	vst.idx.msk $0xffff, v5  }
0x8e: {  	v3 =	vor.u32 v61, v1;
	v2 =	vld.idx.msk [tilespmem:v2+s18+$0x0], $0xffff  }
0x8f: {  	v5 =	vor.u32 v62, v0;
	_ =	sdelay $0x3  }
0x90: {  	s10 =	simm.s32 $0x1;
	[tilespmem:v3+s21+$0x0] =	vst.idx.msk $0xffff, v2  }
0x91: {  	s0 =	simm.s32 $0x2;
	v0 =	vadd.s32 s10, v4;
	v3 =	vld.idx.msk [tilespmem:v5+s18+$0x0], $0xffff  }
.LBB2_2:
0x92: {  	v2 =	vand.u32 $0xF, v0;
	v1 =	vor.u32 v63, v1  }
0x93: {  	v4 =	vor.u32 v7, v2;
	_ =	sdelay $0x2  }
0x94: {  	v5 =	vld [tilespmem:$0x1FDC0]  }
0x95: {  	v6 =	vlaneseq.u32;
	[tilespmem:v1+s21+$0x0] =	vst.idx.msk $0xffff, v3;
	v1 =	vshll.u32 v2, $0x7  }
0x96: {  	v3 =	vld.idx.msk [tilespmem:v4+s18+$0x0], $0xffff;
	v4 =	vor.u32 v6, v1;
	_ =	sdelay $0x2  }
0x97: {  	v5 =	vor.u32 v5, v2;
	_ =	sdelay $0x1  }
0x98: {  	[tilespmem:v4+s21+$0x0] =	vst.idx.msk $0xffff, v3;
	v4 =	vld [tilespmem:$0x1FDD0];
	_ =	sdelay $0x2  }
0x99: {  	v3 =	vld.idx.msk [tilespmem:v5+s18+$0x0], $0xffff  }
0x9a: {  	v5 =	vld [tilespmem:$0x1FDE0]  }
0x9b: {  	v4 =	vor.u32 v4, v1;
	_ =	sdelay $0x3  }
0x9c: {  	v5 =	vor.u32 v5, v2  }
0x9d: {  	[tilespmem:v4+s21+$0x0] =	vst.idx.msk $0xffff, v3;
	v4 =	vld [tilespmem:$0x1FDF0];
	_ =	sdelay $0x3  }
0x9e: {  	v3 =	vld.idx.msk [tilespmem:v5+s18+$0x0], $0xffff  }
0x9f: {  	v5 =	vld [tilespmem:$0x1FE00];
	v4 =	vor.u32 v4, v1;
	_ =	sdelay $0x4  }
0xa0: {  	v5 =	vor.u32 v5, v2;
	[tilespmem:v4+s21+$0x0] =	vst.idx.msk $0xffff, v3;
	v4 =	vld [tilespmem:$0x1FE10];
	_ =	sdelay $0x4  }
0xa1: {  	v3 =	vld.idx.msk [tilespmem:v5+s18+$0x0], $0xffff;
	v4 =	vor.u32 v4, v1  }
0xa2: {  	v5 =	vor.u32 v14, v2;
	_ =	sdelay $0x3  }
0xa3: {  	[tilespmem:v4+s21+$0x0] =	vst.idx.msk $0xffff, v3  }
0xa4: {  	v4 =	vor.u32 v15, v1;
	v3 =	vld.idx.msk [tilespmem:v5+s18+$0x0], $0xffff  }
0xa5: {  	v5 =	vor.u32 v16, v2;
	_ =	sdelay $0x3  }
0xa6: {  	[tilespmem:v4+s21+$0x0] =	vst.idx.msk $0xffff, v3  }
0xa7: {  	v4 =	vor.u32 v17, v1;
	v3 =	vld.idx.msk [tilespmem:v5+s18+$0x0], $0xffff  }
0xa8: {  	v5 =	vor.u32 v18, v2;
	_ =	sdelay $0x3  }
0xa9: {  	[tilespmem:v4+s21+$0x0] =	vst.idx.msk $0xffff, v3  }
0xaa: {  	v4 =	vor.u32 v19, v1;
	v3 =	vld.idx.msk [tilespmem:v5+s18+$0x0], $0xffff  }
0xab: {  	v5 =	vor.u32 v20, v2;
	_ =	sdelay $0x3  }
0xac: {  	[tilespmem:v4+s21+$0x0] =	vst.idx.msk $0xffff, v3  }
0xad: {  	v4 =	vor.u32 v21, v1;
	v3 =	vld.idx.msk [tilespmem:v5+s18+$0x0], $0xffff  }
0xae: {  	v5 =	vor.u32 v22, v0;
	_ =	sdelay $0x3  }
0xaf: {  	[tilespmem:v4+s21+$0x0] =	vst.idx.msk $0xffff, v3  }
0xb0: {  	v4 =	vor.u32 v23, v1;
	v3 =	vld.idx.msk [tilespmem:v5+s18+$0x0], $0xffff  }
0xb1: {  	v5 =	vor.u32 v24, v0;
	_ =	sdelay $0x3  }
0xb2: {  	[tilespmem:v4+s21+$0x0] =	vst.idx.msk $0xffff, v3  }
0xb3: {  	v4 =	vor.u32 v25, v1;
	v3 =	vld.idx.msk [tilespmem:v5+s18+$0x0], $0xffff  }
0xb4: {  	v5 =	vor.u32 v26, v0;
	_ =	sdelay $0x3  }
0xb5: {  	[tilespmem:v4+s21+$0x0] =	vst.idx.msk $0xffff, v3  }
0xb6: {  	v4 =	vor.u32 v27, v1;
	v3 =	vld.idx.msk [tilespmem:v5+s18+$0x0], $0xffff  }
0xb7: {  	v5 =	vor.u32 v28, v0;
	_ =	sdelay $0x3  }
0xb8: {  	[tilespmem:v4+s21+$0x0] =	vst.idx.msk $0xffff, v3  }
0xb9: {  	v4 =	vor.u32 v29, v1;
	v3 =	vld.idx.msk [tilespmem:v5+s18+$0x0], $0xffff  }
0xba: {  	v5 =	vor.u32 v30, v0;
	_ =	sdelay $0x3  }
0xbb: {  	[tilespmem:v4+s21+$0x0] =	vst.idx.msk $0xffff, v3  }
0xbc: {  	v4 =	vor.u32 v31, v1;
	v3 =	vld.idx.msk [tilespmem:v5+s18+$0x0], $0xffff  }
0xbd: {  	v5 =	vor.u32 v32, v0;
	_ =	sdelay $0x3  }
0xbe: {  	[tilespmem:v4+s21+$0x0] =	vst.idx.msk $0xffff, v3  }
0xbf: {  	v4 =	vor.u32 v33, v1;
	v3 =	vld.idx.msk [tilespmem:v5+s18+$0x0], $0xffff  }
0xc0: {  	v5 =	vor.u32 v8, v0;
	_ =	sdelay $0x3  }
0xc1: {  	[tilespmem:v4+s21+$0x0] =	vst.idx.msk $0xffff, v3  }
0xc2: {  	v4 =	vor.u32 v9, v1;
	v3 =	vld.idx.msk [tilespmem:v5+s18+$0x0], $0xffff  }
0xc3: {  	v5 =	vor.u32 v10, v0;
	_ =	sdelay $0x3  }
0xc4: {  	[tilespmem:v4+s21+$0x0] =	vst.idx.msk $0xffff, v3  }
0xc5: {  	v4 =	vor.u32 v34, v1;
	v3 =	vld.idx.msk [tilespmem:v5+s18+$0x0], $0xffff  }
0xc6: {  	v5 =	vor.u32 v11, v2;
	_ =	sdelay $0x3  }
0xc7: {  	[tilespmem:v4+s21+$0x0] =	vst.idx.msk $0xffff, v3  }
0xc8: {  	v4 =	vor.u32 v35, v1;
	v3 =	vld.idx.msk [tilespmem:v5+s18+$0x0], $0xffff  }
0xc9: {  	v5 =	vor.u32 v12, v2;
	_ =	sdelay $0x3  }
0xca: {  	[tilespmem:v4+s21+$0x0] =	vst.idx.msk $0xffff, v3  }
0xcb: {  	v4 =	vor.u32 v36, v1;
	v3 =	vld.idx.msk [tilespmem:v5+s18+$0x0], $0xffff  }
0xcc: {  	v5 =	vor.u32 v13, v2;
	_ =	sdelay $0x3  }
0xcd: {  	[tilespmem:v4+s21+$0x0] =	vst.idx.msk $0xffff, v3  }
0xce: {  	v4 =	vor.u32 v37, v1;
	v3 =	vld.idx.msk [tilespmem:v5+s18+$0x0], $0xffff  }
0xcf: {  	v5 =	vor.u32 v38, v2;
	_ =	sdelay $0x3  }
0xd0: {  	[tilespmem:v4+s21+$0x0] =	vst.idx.msk $0xffff, v3  }
0xd1: {  	v4 =	vor.u32 v39, v1;
	v3 =	vld.idx.msk [tilespmem:v5+s18+$0x0], $0xffff  }
0xd2: {  	v5 =	vor.u32 v40, v2;
	_ =	sdelay $0x3  }
0xd3: {  	[tilespmem:v4+s21+$0x0] =	vst.idx.msk $0xffff, v3  }
0xd4: {  	v4 =	vor.u32 v41, v1;
	v3 =	vld.idx.msk [tilespmem:v5+s18+$0x0], $0xffff  }
0xd5: {  	v5 =	vor.u32 v42, v2;
	_ =	sdelay $0x3  }
0xd6: {  	[tilespmem:v4+s21+$0x0] =	vst.idx.msk $0xffff, v3  }
0xd7: {  	v4 =	vor.u32 v43, v1;
	v3 =	vld.idx.msk [tilespmem:v5+s18+$0x0], $0xffff  }
0xd8: {  	v5 =	vor.u32 v44, v2;
	_ =	sdelay $0x3  }
0xd9: {  	[tilespmem:v4+s21+$0x0] =	vst.idx.msk $0xffff, v3  }
0xda: {  	v4 =	vor.u32 v45, v1;
	v3 =	vld.idx.msk [tilespmem:v5+s18+$0x0], $0xffff  }
0xdb: {  	v2 =	vor.u32 v46, v2;
	_ =	sdelay $0x3  }
0xdc: {  	[tilespmem:v4+s21+$0x0] =	vst.idx.msk $0xffff, v3  }
0xdd: {  	v3 =	vor.u32 v47, v1;
	v2 =	vld.idx.msk [tilespmem:v2+s18+$0x0], $0xffff  }
0xde: {  	v4 =	vor.u32 v48, v0;
	_ =	sdelay $0x3  }
0xdf: {  	[tilespmem:v3+s21+$0x0] =	vst.idx.msk $0xffff, v2  }
0xe0: {  	v3 =	vor.u32 v49, v1;
	v2 =	vld.idx.msk [tilespmem:v4+s18+$0x0], $0xffff  }
0xe1: {  	v4 =	vor.u32 v50, v0;
	_ =	sdelay $0x3  }
0xe2: {  	[tilespmem:v3+s21+$0x0] =	vst.idx.msk $0xffff, v2  }
0xe3: {  	v3 =	vor.u32 v51, v1;
	v2 =	vld.idx.msk [tilespmem:v4+s18+$0x0], $0xffff  }
0xe4: {  	v4 =	vor.u32 v52, v0;
	_ =	sdelay $0x3  }
0xe5: {  	[tilespmem:v3+s21+$0x0] =	vst.idx.msk $0xffff, v2  }
0xe6: {  	v3 =	vor.u32 v53, v1;
	v2 =	vld.idx.msk [tilespmem:v4+s18+$0x0], $0xffff  }
0xe7: {  	v4 =	vor.u32 v54, v0;
	_ =	sdelay $0x3  }
0xe8: {  	[tilespmem:v3+s21+$0x0] =	vst.idx.msk $0xffff, v2  }
0xe9: {  	v3 =	vor.u32 v55, v1;
	v2 =	vld.idx.msk [tilespmem:v4+s18+$0x0], $0xffff  }
0xea: {  	v4 =	vor.u32 v56, v0;
	_ =	sdelay $0x3  }
0xeb: {  	[tilespmem:v3+s21+$0x0] =	vst.idx.msk $0xffff, v2  }
0xec: {  	v3 =	vor.u32 v57, v1;
	v2 =	vld.idx.msk [tilespmem:v4+s18+$0x0], $0xffff  }
0xed: {  	v4 =	vor.u32 v58, v0;
	_ =	sdelay $0x3  }
0xee: {  	[tilespmem:v3+s21+$0x0] =	vst.idx.msk $0xffff, v2  }
0xef: {  	v3 =	vor.u32 v59, v1;
	v2 =	vld.idx.msk [tilespmem:v4+s18+$0x0], $0xffff  }
0xf0: {  	v4 =	vor.u32 v60, v0;
	_ =	sdelay $0x3  }
0xf1: {  	[tilespmem:v3+s21+$0x0] =	vst.idx.msk $0xffff, v2  }
0xf2: {  	v3 =	vor.u32 v61, v1;
	v2 =	vld.idx.msk [tilespmem:v4+s18+$0x0], $0xffff  }
0xf3: {  	p0 =	sne.s32 s0, $0xF;
	v4 =	vor.u32 v62, v0  }
.Ltmp0:
0xf4: {  	_ = 	snop;
	(pc) =	sbr.rel @p0 .LBB2_2-.Ltmp0, $3  }
0xf5: {  	_ =	sdelay $0x1  }
0xf6: {  	[tilespmem:v3+s21+$0x0] =	vst.idx.msk $0xffff, v2  }
0xf7: {  	v0 =	vadd.s32 s0, v6;
	s0 =	sadd.s32 $0x1, s0;
	v3 =	vld.idx.msk [tilespmem:v4+s18+$0x0], $0xffff  }
0xf8: {  	v2 =	vand.u32 $0xF, v0;
	v1 =	vor.u32 v63, v1  }
0xf9: {  	v4 =	vor.u32 v7, v2;
	_ =	sdelay $0x3  }
0xfa: {  	[tilespmem:v1+s21+$0x0] =	vst.idx.msk $0xffff, v3  }
0xfb: {  	v1 =	vshll.u32 v2, $0x7;
	v6 =	vld.idx.msk [tilespmem:v4+s18+$0x0], $0xffff;
	v4 =	vlaneseq.u32  }
0xfc: {  	v3 =	vld [tilespmem:$0x1FDC0];
	v4 =	vor.u32 v4, v1;
	_ =	sdelay $0x4  }
0xfd: {  	v5 =	vor.u32 v3, v2;
	[tilespmem:v4+s21+$0x0] =	vst.idx.msk $0xffff, v6;
	v4 =	vld [tilespmem:$0x1FDD0];
	_ =	sdelay $0x4  }
0xfe: {  	v3 =	vld.idx.msk [tilespmem:v5+s18+$0x0], $0xffff;
	v4 =	vor.u32 v4, v1;
	_ =	sdelay $0x3  }
0xff: {  	v5 =	vld [tilespmem:$0x1FDE0]  }
0x100: {  	[tilespmem:v4+s21+$0x0] =	vst.idx.msk $0xffff, v3;
	v3 =	vld [tilespmem:$0x1FDF0];
	_ =	sdelay $0x3  }
0x101: {  	v5 =	vor.u32 v5, v2  }
0x102: {  	v4 =	vor.u32 v3, v1;
	v3 =	vld [tilespmem:$0x1FE00];
	_ =	sdelay $0x3  }
0x103: {  	v6 =	vld.idx.msk [tilespmem:v5+s18+$0x0], $0xffff  }
0x104: {  	v5 =	vor.u32 v3, v2;
	v3 =	vld [tilespmem:$0x1FE10];
	_ =	sdelay $0x3  }
0x105: {  	[tilespmem:v4+s21+$0x0] =	vst.idx.msk $0xffff, v6  }
0x106: {  	v6 =	vld.idx.msk [tilespmem:v5+s18+$0x0], $0xffff;
	v4 =	vor.u32 v3, v1  }
0x107: {  	v5 =	vor.u32 v14, v2;
	_ =	sdelay $0x3  }
0x108: {  	[tilespmem:v4+s21+$0x0] =	vst.idx.msk $0xffff, v6  }
0x109: {  	v4 =	vor.u32 v15, v1;
	v6 =	vld.idx.msk [tilespmem:v5+s18+$0x0], $0xffff  }
0x10a: {  	v5 =	vor.u32 v16, v2;
	_ =	sdelay $0x3  }
0x10b: {  	[tilespmem:v4+s21+$0x0] =	vst.idx.msk $0xffff, v6  }
0x10c: {  	v4 =	vor.u32 v17, v1;
	v6 =	vld.idx.msk [tilespmem:v5+s18+$0x0], $0xffff  }
0x10d: {  	v5 =	vor.u32 v18, v2;
	_ =	sdelay $0x3  }
0x10e: {  	[tilespmem:v4+s21+$0x0] =	vst.idx.msk $0xffff, v6  }
0x10f: {  	v4 =	vor.u32 v19, v1;
	v6 =	vld.idx.msk [tilespmem:v5+s18+$0x0], $0xffff  }
0x110: {  	v5 =	vor.u32 v20, v2;
	_ =	sdelay $0x3  }
0x111: {  	[tilespmem:v4+s21+$0x0] =	vst.idx.msk $0xffff, v6  }
0x112: {  	v4 =	vor.u32 v21, v1;
	v6 =	vld.idx.msk [tilespmem:v5+s18+$0x0], $0xffff  }
0x113: {  	v5 =	vor.u32 v22, v0;
	_ =	sdelay $0x3  }
0x114: {  	[tilespmem:v4+s21+$0x0] =	vst.idx.msk $0xffff, v6  }
0x115: {  	v4 =	vor.u32 v23, v1;
	v6 =	vld.idx.msk [tilespmem:v5+s18+$0x0], $0xffff  }
0x116: {  	v5 =	vor.u32 v24, v0;
	_ =	sdelay $0x3  }
0x117: {  	[tilespmem:v4+s21+$0x0] =	vst.idx.msk $0xffff, v6  }
0x118: {  	v4 =	vor.u32 v25, v1;
	v6 =	vld.idx.msk [tilespmem:v5+s18+$0x0], $0xffff  }
0x119: {  	v5 =	vor.u32 v26, v0;
	_ =	sdelay $0x3  }
0x11a: {  	[tilespmem:v4+s21+$0x0] =	vst.idx.msk $0xffff, v6  }
0x11b: {  	v4 =	vor.u32 v27, v1;
	v6 =	vld.idx.msk [tilespmem:v5+s18+$0x0], $0xffff  }
0x11c: {  	v5 =	vor.u32 v28, v0;
	_ =	sdelay $0x3  }
0x11d: {  	[tilespmem:v4+s21+$0x0] =	vst.idx.msk $0xffff, v6  }
0x11e: {  	v4 =	vor.u32 v29, v1;
	v6 =	vld.idx.msk [tilespmem:v5+s18+$0x0], $0xffff  }
0x11f: {  	v5 =	vor.u32 v30, v0;
	_ =	sdelay $0x3  }
0x120: {  	[tilespmem:v4+s21+$0x0] =	vst.idx.msk $0xffff, v6  }
0x121: {  	v4 =	vor.u32 v31, v1;
	v6 =	vld.idx.msk [tilespmem:v5+s18+$0x0], $0xffff  }
0x122: {  	v5 =	vor.u32 v32, v0;
	_ =	sdelay $0x3  }
0x123: {  	[tilespmem:v4+s21+$0x0] =	vst.idx.msk $0xffff, v6  }
0x124: {  	v4 =	vor.u32 v33, v1;
	v6 =	vld.idx.msk [tilespmem:v5+s18+$0x0], $0xffff  }
0x125: {  	v5 =	vor.u32 v8, v0;
	_ =	sdelay $0x3  }
0x126: {  	[tilespmem:v4+s21+$0x0] =	vst.idx.msk $0xffff, v6  }
0x127: {  	v4 =	vor.u32 v9, v1;
	v6 =	vld.idx.msk [tilespmem:v5+s18+$0x0], $0xffff  }
0x128: {  	v5 =	vor.u32 v10, v0;
	_ =	sdelay $0x3  }
0x129: {  	[tilespmem:v4+s21+$0x0] =	vst.idx.msk $0xffff, v6  }
0x12a: {  	v4 =	vor.u32 v34, v1;
	v6 =	vld.idx.msk [tilespmem:v5+s18+$0x0], $0xffff  }
0x12b: {  	v5 =	vor.u32 v11, v2;
	_ =	sdelay $0x3  }
0x12c: {  	[tilespmem:v4+s21+$0x0] =	vst.idx.msk $0xffff, v6  }
0x12d: {  	v4 =	vor.u32 v35, v1;
	v6 =	vld.idx.msk [tilespmem:v5+s18+$0x0], $0xffff  }
0x12e: {  	v5 =	vor.u32 v12, v2;
	_ =	sdelay $0x3  }
0x12f: {  	[tilespmem:v4+s21+$0x0] =	vst.idx.msk $0xffff, v6  }
0x130: {  	v4 =	vor.u32 v36, v1;
	v6 =	vld.idx.msk [tilespmem:v5+s18+$0x0], $0xffff  }
0x131: {  	v5 =	vor.u32 v13, v2;
	_ =	sdelay $0x3  }
0x132: {  	[tilespmem:v4+s21+$0x0] =	vst.idx.msk $0xffff, v6  }
0x133: {  	v4 =	vor.u32 v37, v1;
	v3 =	vld.idx.msk [tilespmem:v5+s18+$0x0], $0xffff  }
0x134: {  	v5 =	vor.u32 v38, v2;
	_ =	sdelay $0x3  }
0x135: {  	[tilespmem:v4+s21+$0x0] =	vst.idx.msk $0xffff, v3  }
0x136: {  	v4 =	vor.u32 v39, v1;
	v3 =	vld.idx.msk [tilespmem:v5+s18+$0x0], $0xffff  }
0x137: {  	v5 =	vor.u32 v40, v2;
	_ =	sdelay $0x3  }
0x138: {  	[tilespmem:v4+s21+$0x0] =	vst.idx.msk $0xffff, v3  }
0x139: {  	v4 =	vor.u32 v41, v1;
	v3 =	vld.idx.msk [tilespmem:v5+s18+$0x0], $0xffff  }
0x13a: {  	v5 =	vor.u32 v42, v2;
	_ =	sdelay $0x3  }
0x13b: {  	[tilespmem:v4+s21+$0x0] =	vst.idx.msk $0xffff, v3  }
0x13c: {  	v4 =	vor.u32 v43, v1;
	v3 =	vld.idx.msk [tilespmem:v5+s18+$0x0], $0xffff  }
0x13d: {  	v5 =	vor.u32 v44, v2;
	_ =	sdelay $0x3  }
0x13e: {  	[tilespmem:v4+s21+$0x0] =	vst.idx.msk $0xffff, v3  }
0x13f: {  	v4 =	vor.u32 v45, v1;
	v3 =	vld.idx.msk [tilespmem:v5+s18+$0x0], $0xffff  }
0x140: {  	v2 =	vor.u32 v46, v2;
	_ =	sdelay $0x3  }
0x141: {  	[tilespmem:v4+s21+$0x0] =	vst.idx.msk $0xffff, v3  }
0x142: {  	v3 =	vor.u32 v47, v1;
	v2 =	vld.idx.msk [tilespmem:v2+s18+$0x0], $0xffff  }
0x143: {  	v4 =	vor.u32 v48, v0;
	_ =	sdelay $0x3  }
0x144: {  	[tilespmem:v3+s21+$0x0] =	vst.idx.msk $0xffff, v2  }
0x145: {  	v3 =	vor.u32 v49, v1;
	v2 =	vld.idx.msk [tilespmem:v4+s18+$0x0], $0xffff  }
0x146: {  	v4 =	vor.u32 v50, v0;
	_ =	sdelay $0x3  }
0x147: {  	[tilespmem:v3+s21+$0x0] =	vst.idx.msk $0xffff, v2  }
0x148: {  	v3 =	vor.u32 v51, v1;
	v2 =	vld.idx.msk [tilespmem:v4+s18+$0x0], $0xffff  }
0x149: {  	v4 =	vor.u32 v52, v0;
	_ =	sdelay $0x3  }
0x14a: {  	[tilespmem:v3+s21+$0x0] =	vst.idx.msk $0xffff, v2  }
0x14b: {  	v3 =	vor.u32 v53, v1;
	v2 =	vld.idx.msk [tilespmem:v4+s18+$0x0], $0xffff  }
0x14c: {  	v4 =	vor.u32 v54, v0;
	_ =	sdelay $0x3  }
0x14d: {  	[tilespmem:v3+s21+$0x0] =	vst.idx.msk $0xffff, v2  }
0x14e: {  	v3 =	vor.u32 v55, v1;
	v2 =	vld.idx.msk [tilespmem:v4+s18+$0x0], $0xffff  }
0x14f: {  	v4 =	vor.u32 v56, v0;
	_ =	sdelay $0x3  }
0x150: {  	[tilespmem:v3+s21+$0x0] =	vst.idx.msk $0xffff, v2  }
0x151: {  	v3 =	vor.u32 v57, v1;
	v2 =	vld.idx.msk [tilespmem:v4+s18+$0x0], $0xffff  }
0x152: {  	v4 =	vor.u32 v58, v0;
	_ =	sdelay $0x3  }
0x153: {  	[tilespmem:v3+s21+$0x0] =	vst.idx.msk $0xffff, v2  }
0x154: {  	v3 =	vor.u32 v59, v1;
	v2 =	vld.idx.msk [tilespmem:v4+s18+$0x0], $0xffff  }
0x155: {  	v4 =	vor.u32 v60, v0;
	_ =	sdelay $0x3  }
0x156: {  	[tilespmem:v3+s21+$0x0] =	vst.idx.msk $0xffff, v2  }
0x157: {  	v3 =	vor.u32 v61, v1;
	v2 =	vld.idx.msk [tilespmem:v4+s18+$0x0], $0xffff  }
0x158: {  	v0 =	vor.u32 v62, v0;
	_ =	sdelay $0x3  }
0x159: {  	[tilespmem:v3+s21+$0x0] =	vst.idx.msk $0xffff, v2  }
0x15a: {  	v1 =	vor.u32 v63, v1;
	v0 =	vld.idx.msk [tilespmem:v0+s18+$0x0], $0xffff;
	_ =	sdelay $0x4  }
0x15b: {  	[tilespmem:v1+s21+$0x0] =	vst.idx.msk $0xffff, v0;
	v1 =	vld [tilespmem:$0x1FFF0]  }
0x15c: {  	s0 =	simm.s32 $0x0  }
0x15d: {  	v4 =	vlaneseq.u32;
	[hbm4b:s6+s14] =	stream.strided.scatter [tilespmem:s21], [sflag:$0x4], $0x2000, s15, s14, $0x38;
	[tilespmem:$0x18400] =	vst v63  }
0x15e: {  	s8 =	simm.s32 $0x100;
	v0 =	vadd.s32 s0, v4  }
0x15f: {  	v2 =	vand.u32 $0xF, v0;
	[tilespmem:s23], [sflag:$0x3] =	stream.indirect.gather [hbm4b:s5+s17], $0x80, s8, s17, $0xb8;
	[tilespmem:$0x18400] =	vst v63  }
0x160: {  	_ =	swait.ge [sflag:s24], $0x4000;
	v3 =	vor.u32 v1, v2  }
0x161: {  	v5 =	vld [tilespmem:$0x1FDC0];
	_ =	sdelay $0x1  }
0x162: {  	[sflag:s24] =	ssyncset.done $0x0  }
0x163: {  	v1 =	vshll.u32 v2, $0x7;
	[sflag:s24] =	ssyncadd.s32 $0xFFFFC000  }
0x164: {  	v4 =	vor.u32 v4, v1;
	v3 =	vld.idx.msk [tilespmem:v3+s19+$0x0], $0xffff  }
0x165: {  	v5 =	vor.u32 v5, v2;
	_ =	sdelay $0x3  }
0x166: {  	[tilespmem:v4+s25+$0x0] =	vst.idx.msk $0xffff, v3;
	v4 =	vld [tilespmem:$0x1FDD0]  }
0x167: {  	v3 =	vld.idx.msk [tilespmem:v5+s19+$0x0], $0xffff  }
0x168: {  	v5 =	vld [tilespmem:$0x1FDE0];
	_ =	sdelay $0x3  }
0x169: {  	v4 =	vor.u32 v4, v1  }
0x16a: {  	v5 =	vor.u32 v5, v2;
	_ =	sdelay $0x3  }
0x16b: {  	[tilespmem:v4+s25+$0x0] =	vst.idx.msk $0xffff, v3;
	v4 =	vld [tilespmem:$0x1FDF0]  }
0x16c: {  	v3 =	vld.idx.msk [tilespmem:v5+s19+$0x0], $0xffff  }
0x16d: {  	v5 =	vld [tilespmem:$0x1FE00];
	_ =	sdelay $0x3  }
0x16e: {  	v4 =	vor.u32 v4, v1  }
0x16f: {  	v5 =	vor.u32 v5, v2;
	_ =	sdelay $0x3  }
0x170: {  	[tilespmem:v4+s25+$0x0] =	vst.idx.msk $0xffff, v3;
	v4 =	vld [tilespmem:$0x1FE10]  }
0x171: {  	v3 =	vld.idx.msk [tilespmem:v5+s19+$0x0], $0xffff  }
0x172: {  	v5 =	vld [tilespmem:$0x1FF00];
	_ =	sdelay $0x3  }
0x173: {  	v4 =	vor.u32 v4, v1  }
0x174: {  	v5 =	vor.u32 v5, v2;
	_ =	sdelay $0x3  }
0x175: {  	[tilespmem:v4+s25+$0x0] =	vst.idx.msk $0xffff, v3;
	v4 =	vld [tilespmem:$0x1FE20]  }
0x176: {  	v3 =	vld.idx.msk [tilespmem:v5+s19+$0x0], $0xffff  }
0x177: {  	v5 =	vld [tilespmem:$0x1FF10];
	_ =	sdelay $0x3  }
0x178: {  	v4 =	vor.u32 v4, v1  }
0x179: {  	v5 =	vor.u32 v5, v2;
	_ =	sdelay $0x3  }
0x17a: {  	[tilespmem:v4+s25+$0x0] =	vst.idx.msk $0xffff, v3;
	v4 =	vld [tilespmem:$0x1FE30]  }
0x17b: {  	v3 =	vld.idx.msk [tilespmem:v5+s19+$0x0], $0xffff  }
0x17c: {  	v5 =	vld [tilespmem:$0x1FF20];
	_ =	sdelay $0x3  }
0x17d: {  	v4 =	vor.u32 v4, v1  }
0x17e: {  	v5 =	vor.u32 v5, v2;
	_ =	sdelay $0x3  }
0x17f: {  	[tilespmem:v4+s25+$0x0] =	vst.idx.msk $0xffff, v3;
	v4 =	vld [tilespmem:$0x1FE40]  }
0x180: {  	v3 =	vld.idx.msk [tilespmem:v5+s19+$0x0], $0xffff  }
0x181: {  	v5 =	vld [tilespmem:$0x1FF30];
	_ =	sdelay $0x3  }
0x182: {  	v4 =	vor.u32 v4, v1  }
0x183: {  	v5 =	vor.u32 v5, v2;
	_ =	sdelay $0x3  }
0x184: {  	[tilespmem:v4+s25+$0x0] =	vst.idx.msk $0xffff, v3;
	v4 =	vld [tilespmem:$0x1FE50]  }
0x185: {  	v3 =	vld.idx.msk [tilespmem:v5+s19+$0x0], $0xffff  }
0x186: {  	v5 =	vld [tilespmem:$0x1FF40];
	_ =	sdelay $0x3  }
0x187: {  	v4 =	vor.u32 v4, v1  }
0x188: {  	v5 =	vor.u32 v5, v0;
	_ =	sdelay $0x3  }
0x189: {  	[tilespmem:v4+s25+$0x0] =	vst.idx.msk $0xffff, v3;
	v4 =	vld [tilespmem:$0x1FE60]  }
0x18a: {  	v3 =	vld.idx.msk [tilespmem:v5+s19+$0x0], $0xffff  }
0x18b: {  	v5 =	vld [tilespmem:$0x1FF50];
	_ =	sdelay $0x3  }
0x18c: {  	v4 =	vor.u32 v4, v1  }
0x18d: {  	v5 =	vor.u32 v5, v0;
	_ =	sdelay $0x3  }
0x18e: {  	[tilespmem:v4+s25+$0x0] =	vst.idx.msk $0xffff, v3;
	v4 =	vld [tilespmem:$0x1FE70]  }
0x18f: {  	v3 =	vld.idx.msk [tilespmem:v5+s19+$0x0], $0xffff  }
0x190: {  	v5 =	vld [tilespmem:$0x1FF60];
	_ =	sdelay $0x3  }
0x191: {  	v4 =	vor.u32 v4, v1  }
0x192: {  	v5 =	vor.u32 v5, v0;
	_ =	sdelay $0x3  }
0x193: {  	[tilespmem:v4+s25+$0x0] =	vst.idx.msk $0xffff, v3;
	v4 =	vld [tilespmem:$0x1FE80]  }
0x194: {  	v3 =	vld.idx.msk [tilespmem:v5+s19+$0x0], $0xffff  }
0x195: {  	v5 =	vld [tilespmem:$0x1FF70];
	_ =	sdelay $0x3  }
0x196: {  	v4 =	vor.u32 v4, v1  }
0x197: {  	v5 =	vor.u32 v5, v0;
	_ =	sdelay $0x3  }
0x198: {  	[tilespmem:v4+s25+$0x0] =	vst.idx.msk $0xffff, v3;
	v4 =	vld [tilespmem:$0x1FE90]  }
0x199: {  	v3 =	vld.idx.msk [tilespmem:v5+s19+$0x0], $0xffff  }
0x19a: {  	v5 =	vld [tilespmem:$0x1FF80];
	_ =	sdelay $0x3  }
0x19b: {  	v4 =	vor.u32 v4, v1  }
0x19c: {  	v5 =	vor.u32 v5, v0;
	_ =	sdelay $0x3  }
0x19d: {  	[tilespmem:v4+s25+$0x0] =	vst.idx.msk $0xffff, v3;
	v4 =	vld [tilespmem:$0x1FEA0]  }
0x19e: {  	v3 =	vld.idx.msk [tilespmem:v5+s19+$0x0], $0xffff  }
0x19f: {  	v5 =	vld [tilespmem:$0x1FF90];
	_ =	sdelay $0x3  }
0x1a0: {  	v4 =	vor.u32 v4, v1  }
0x1a1: {  	v5 =	vor.u32 v5, v0;
	_ =	sdelay $0x3  }
0x1a2: {  	[tilespmem:v4+s25+$0x0] =	vst.idx.msk $0xffff, v3;
	v4 =	vld [tilespmem:$0x1FEB0]  }
0x1a3: {  	v3 =	vld.idx.msk [tilespmem:v5+s19+$0x0], $0xffff  }
0x1a4: {  	v5 =	vld [tilespmem:$0x1FFA0];
	_ =	sdelay $0x3  }
0x1a5: {  	v4 =	vor.u32 v4, v1  }
0x1a6: {  	v5 =	vor.u32 v5, v0;
	_ =	sdelay $0x3  }
0x1a7: {  	[tilespmem:v4+s25+$0x0] =	vst.idx.msk $0xffff, v3;
	v4 =	vld [tilespmem:$0x1FEC0]  }
0x1a8: {  	v3 =	vld.idx.msk [tilespmem:v5+s19+$0x0], $0xffff  }
0x1a9: {  	v5 =	vld [tilespmem:$0x1FFB0];
	_ =	sdelay $0x3  }
0x1aa: {  	v4 =	vor.u32 v4, v1  }
0x1ab: {  	v5 =	vor.u32 v5, v0;
	_ =	sdelay $0x3  }
0x1ac: {  	[tilespmem:v4+s25+$0x0] =	vst.idx.msk $0xffff, v3;
	v4 =	vld [tilespmem:$0x1FED0]  }
0x1ad: {  	v3 =	vld.idx.msk [tilespmem:v5+s19+$0x0], $0xffff  }
0x1ae: {  	v5 =	vld [tilespmem:$0x1FFC0];
	_ =	sdelay $0x3  }
0x1af: {  	v4 =	vor.u32 v4, v1  }
0x1b0: {  	v5 =	vor.u32 v5, v2;
	_ =	sdelay $0x3  }
0x1b1: {  	[tilespmem:v4+s25+$0x0] =	vst.idx.msk $0xffff, v3;
	v4 =	vld [tilespmem:$0x1FEE0]  }
0x1b2: {  	v3 =	vld.idx.msk [tilespmem:v5+s19+$0x0], $0xffff  }
0x1b3: {  	v5 =	vld [tilespmem:$0x1FFD0];
	_ =	sdelay $0x3  }
0x1b4: {  	v4 =	vor.u32 v4, v1  }
0x1b5: {  	v5 =	vor.u32 v5, v2;
	_ =	sdelay $0x3  }
0x1b6: {  	[tilespmem:v4+s25+$0x0] =	vst.idx.msk $0xffff, v3;
	v4 =	vld [tilespmem:$0x1FEF0]  }
0x1b7: {  	v3 =	vld.idx.msk [tilespmem:v5+s19+$0x0], $0xffff  }
0x1b8: {  	v5 =	vld [tilespmem:$0x1FFE0];
	_ =	sdelay $0x3  }
0x1b9: {  	v4 =	vor.u32 v4, v1  }
0x1ba: {  	v5 =	vor.u32 v5, v2;
	_ =	sdelay $0x3  }
0x1bb: {  	[tilespmem:v4+s25+$0x0] =	vst.idx.msk $0xffff, v3  }
0x1bc: {  	v4 =	vor.u32 v37, v1;
	v3 =	vld.idx.msk [tilespmem:v5+s19+$0x0], $0xffff  }
0x1bd: {  	v5 =	vor.u32 v38, v2;
	_ =	sdelay $0x3  }
0x1be: {  	[tilespmem:v4+s25+$0x0] =	vst.idx.msk $0xffff, v3  }
0x1bf: {  	v4 =	vor.u32 v39, v1;
	v3 =	vld.idx.msk [tilespmem:v5+s19+$0x0], $0xffff  }
0x1c0: {  	v5 =	vor.u32 v40, v2;
	_ =	sdelay $0x3  }
0x1c1: {  	[tilespmem:v4+s25+$0x0] =	vst.idx.msk $0xffff, v3  }
0x1c2: {  	v4 =	vor.u32 v41, v1;
	v3 =	vld.idx.msk [tilespmem:v5+s19+$0x0], $0xffff  }
0x1c3: {  	v5 =	vor.u32 v42, v2;
	_ =	sdelay $0x3  }
0x1c4: {  	[tilespmem:v4+s25+$0x0] =	vst.idx.msk $0xffff, v3  }
0x1c5: {  	v4 =	vor.u32 v43, v1;
	v3 =	vld.idx.msk [tilespmem:v5+s19+$0x0], $0xffff  }
0x1c6: {  	v5 =	vor.u32 v44, v2;
	_ =	sdelay $0x3  }
0x1c7: {  	[tilespmem:v4+s25+$0x0] =	vst.idx.msk $0xffff, v3  }
0x1c8: {  	v4 =	vor.u32 v45, v1;
	v3 =	vld.idx.msk [tilespmem:v5+s19+$0x0], $0xffff  }
0x1c9: {  	v2 =	vor.u32 v46, v2;
	_ =	sdelay $0x3  }
0x1ca: {  	[tilespmem:v4+s25+$0x0] =	vst.idx.msk $0xffff, v3  }
0x1cb: {  	v3 =	vor.u32 v47, v1;
	v2 =	vld.idx.msk [tilespmem:v2+s19+$0x0], $0xffff  }
0x1cc: {  	v4 =	vor.u32 v48, v0;
	_ =	sdelay $0x3  }
0x1cd: {  	[tilespmem:v3+s25+$0x0] =	vst.idx.msk $0xffff, v2  }
0x1ce: {  	v3 =	vor.u32 v49, v1;
	v2 =	vld.idx.msk [tilespmem:v4+s19+$0x0], $0xffff  }
0x1cf: {  	v4 =	vor.u32 v50, v0;
	_ =	sdelay $0x3  }
0x1d0: {  	[tilespmem:v3+s25+$0x0] =	vst.idx.msk $0xffff, v2  }
0x1d1: {  	v3 =	vor.u32 v51, v1;
	v2 =	vld.idx.msk [tilespmem:v4+s19+$0x0], $0xffff  }
0x1d2: {  	v4 =	vor.u32 v52, v0;
	_ =	sdelay $0x3  }
0x1d3: {  	[tilespmem:v3+s25+$0x0] =	vst.idx.msk $0xffff, v2  }
0x1d4: {  	v3 =	vor.u32 v53, v1;
	v2 =	vld.idx.msk [tilespmem:v4+s19+$0x0], $0xffff  }
0x1d5: {  	v4 =	vor.u32 v54, v0;
	_ =	sdelay $0x3  }
0x1d6: {  	[tilespmem:v3+s25+$0x0] =	vst.idx.msk $0xffff, v2  }
0x1d7: {  	v3 =	vor.u32 v55, v1;
	v2 =	vld.idx.msk [tilespmem:v4+s19+$0x0], $0xffff  }
0x1d8: {  	v4 =	vor.u32 v56, v0;
	_ =	sdelay $0x3  }
0x1d9: {  	[tilespmem:v3+s25+$0x0] =	vst.idx.msk $0xffff, v2  }
0x1da: {  	v3 =	vor.u32 v57, v1;
	v2 =	vld.idx.msk [tilespmem:v4+s19+$0x0], $0xffff  }
0x1db: {  	v4 =	vor.u32 v58, v0;
	_ =	sdelay $0x3  }
0x1dc: {  	[tilespmem:v3+s25+$0x0] =	vst.idx.msk $0xffff, v2  }
0x1dd: {  	v3 =	vor.u32 v59, v1;
	v2 =	vld.idx.msk [tilespmem:v4+s19+$0x0], $0xffff  }
0x1de: {  	v4 =	vor.u32 v60, v0;
	_ =	sdelay $0x3  }
0x1df: {  	[tilespmem:v3+s25+$0x0] =	vst.idx.msk $0xffff, v2  }
0x1e0: {  	v3 =	vor.u32 v61, v1;
	v2 =	vld.idx.msk [tilespmem:v4+s19+$0x0], $0xffff  }
0x1e1: {  	v4 =	vor.u32 v62, v0;
	_ =	sdelay $0x3  }
0x1e2: {  	s10 =	simm.s32 $0x1;
	v6 =	vlaneseq.u32;
	[tilespmem:v3+s25+$0x0] =	vst.idx.msk $0xffff, v2  }
0x1e3: {  	s0 =	simm.s32 $0x2;
	v0 =	vadd.s32 s10, v6;
	v3 =	vld.idx.msk [tilespmem:v4+s19+$0x0], $0xffff  }
.LBB2_4:
0x1e4: {  	v2 =	vand.u32 $0xF, v0;
	v1 =	vor.u32 v63, v1  }
0x1e5: {  	v4 =	vor.u32 v7, v2;
	_ =	sdelay $0x2  }
0x1e6: {  	v5 =	vld [tilespmem:$0x1FDC0]  }
0x1e7: {  	v6 =	vlaneseq.u32;
	[tilespmem:v1+s25+$0x0] =	vst.idx.msk $0xffff, v3;
	v1 =	vshll.u32 v2, $0x7  }
0x1e8: {  	v3 =	vld.idx.msk [tilespmem:v4+s19+$0x0], $0xffff;
	v4 =	vor.u32 v6, v1;
	_ =	sdelay $0x2  }
0x1e9: {  	v5 =	vor.u32 v5, v2;
	_ =	sdelay $0x1  }
0x1ea: {  	[tilespmem:v4+s25+$0x0] =	vst.idx.msk $0xffff, v3;
	v4 =	vld [tilespmem:$0x1FDD0];
	_ =	sdelay $0x2  }
0x1eb: {  	v3 =	vld.idx.msk [tilespmem:v5+s19+$0x0], $0xffff  }
0x1ec: {  	v5 =	vld [tilespmem:$0x1FDE0]  }
0x1ed: {  	v4 =	vor.u32 v4, v1;
	_ =	sdelay $0x3  }
0x1ee: {  	v5 =	vor.u32 v5, v2  }
0x1ef: {  	[tilespmem:v4+s25+$0x0] =	vst.idx.msk $0xffff, v3;
	v4 =	vld [tilespmem:$0x1FDF0];
	_ =	sdelay $0x3  }
0x1f0: {  	v3 =	vld.idx.msk [tilespmem:v5+s19+$0x0], $0xffff  }
0x1f1: {  	v5 =	vld [tilespmem:$0x1FE00];
	v4 =	vor.u32 v4, v1;
	_ =	sdelay $0x4  }
0x1f2: {  	v5 =	vor.u32 v5, v2;
	[tilespmem:v4+s25+$0x0] =	vst.idx.msk $0xffff, v3;
	v4 =	vld [tilespmem:$0x1FE10];
	_ =	sdelay $0x4  }
0x1f3: {  	v3 =	vld.idx.msk [tilespmem:v5+s19+$0x0], $0xffff;
	v4 =	vor.u32 v4, v1  }
0x1f4: {  	v5 =	vor.u32 v14, v2;
	_ =	sdelay $0x3  }
0x1f5: {  	[tilespmem:v4+s25+$0x0] =	vst.idx.msk $0xffff, v3  }
0x1f6: {  	v4 =	vor.u32 v15, v1;
	v3 =	vld.idx.msk [tilespmem:v5+s19+$0x0], $0xffff  }
0x1f7: {  	v5 =	vor.u32 v16, v2;
	_ =	sdelay $0x3  }
0x1f8: {  	[tilespmem:v4+s25+$0x0] =	vst.idx.msk $0xffff, v3  }
0x1f9: {  	v4 =	vor.u32 v17, v1;
	v3 =	vld.idx.msk [tilespmem:v5+s19+$0x0], $0xffff  }
0x1fa: {  	v5 =	vor.u32 v18, v2;
	_ =	sdelay $0x3  }
0x1fb: {  	[tilespmem:v4+s25+$0x0] =	vst.idx.msk $0xffff, v3  }
0x1fc: {  	v4 =	vor.u32 v19, v1;
	v3 =	vld.idx.msk [tilespmem:v5+s19+$0x0], $0xffff  }
0x1fd: {  	v5 =	vor.u32 v20, v2;
	_ =	sdelay $0x3  }
0x1fe: {  	[tilespmem:v4+s25+$0x0] =	vst.idx.msk $0xffff, v3  }
0x1ff: {  	v4 =	vor.u32 v21, v1;
	v3 =	vld.idx.msk [tilespmem:v5+s19+$0x0], $0xffff  }
0x200: {  	v5 =	vor.u32 v22, v0;
	_ =	sdelay $0x3  }
0x201: {  	[tilespmem:v4+s25+$0x0] =	vst.idx.msk $0xffff, v3  }
0x202: {  	v4 =	vor.u32 v23, v1;
	v3 =	vld.idx.msk [tilespmem:v5+s19+$0x0], $0xffff  }
0x203: {  	v5 =	vor.u32 v24, v0;
	_ =	sdelay $0x3  }
0x204: {  	[tilespmem:v4+s25+$0x0] =	vst.idx.msk $0xffff, v3  }
0x205: {  	v4 =	vor.u32 v25, v1;
	v3 =	vld.idx.msk [tilespmem:v5+s19+$0x0], $0xffff  }
0x206: {  	v5 =	vor.u32 v26, v0;
	_ =	sdelay $0x3  }
0x207: {  	[tilespmem:v4+s25+$0x0] =	vst.idx.msk $0xffff, v3  }
0x208: {  	v4 =	vor.u32 v27, v1;
	v3 =	vld.idx.msk [tilespmem:v5+s19+$0x0], $0xffff  }
0x209: {  	v5 =	vor.u32 v28, v0;
	_ =	sdelay $0x3  }
0x20a: {  	[tilespmem:v4+s25+$0x0] =	vst.idx.msk $0xffff, v3  }
0x20b: {  	v4 =	vor.u32 v29, v1;
	v3 =	vld.idx.msk [tilespmem:v5+s19+$0x0], $0xffff  }
0x20c: {  	v5 =	vor.u32 v30, v0;
	_ =	sdelay $0x3  }
0x20d: {  	[tilespmem:v4+s25+$0x0] =	vst.idx.msk $0xffff, v3  }
0x20e: {  	v4 =	vor.u32 v31, v1;
	v3 =	vld.idx.msk [tilespmem:v5+s19+$0x0], $0xffff  }
0x20f: {  	v5 =	vor.u32 v32, v0;
	_ =	sdelay $0x3  }
0x210: {  	[tilespmem:v4+s25+$0x0] =	vst.idx.msk $0xffff, v3  }
0x211: {  	v4 =	vor.u32 v33, v1;
	v3 =	vld.idx.msk [tilespmem:v5+s19+$0x0], $0xffff  }
0x212: {  	v5 =	vor.u32 v8, v0;
	_ =	sdelay $0x3  }
0x213: {  	[tilespmem:v4+s25+$0x0] =	vst.idx.msk $0xffff, v3  }
0x214: {  	v4 =	vor.u32 v9, v1;
	v3 =	vld.idx.msk [tilespmem:v5+s19+$0x0], $0xffff  }
0x215: {  	v5 =	vor.u32 v10, v0;
	_ =	sdelay $0x3  }
0x216: {  	[tilespmem:v4+s25+$0x0] =	vst.idx.msk $0xffff, v3  }
0x217: {  	v4 =	vor.u32 v34, v1;
	v3 =	vld.idx.msk [tilespmem:v5+s19+$0x0], $0xffff  }
0x218: {  	v5 =	vor.u32 v11, v2;
	_ =	sdelay $0x3  }
0x219: {  	[tilespmem:v4+s25+$0x0] =	vst.idx.msk $0xffff, v3  }
0x21a: {  	v4 =	vor.u32 v35, v1;
	v3 =	vld.idx.msk [tilespmem:v5+s19+$0x0], $0xffff  }
0x21b: {  	v5 =	vor.u32 v12, v2;
	_ =	sdelay $0x3  }
0x21c: {  	[tilespmem:v4+s25+$0x0] =	vst.idx.msk $0xffff, v3  }
0x21d: {  	v4 =	vor.u32 v36, v1;
	v3 =	vld.idx.msk [tilespmem:v5+s19+$0x0], $0xffff  }
0x21e: {  	v5 =	vor.u32 v13, v2;
	_ =	sdelay $0x3  }
0x21f: {  	[tilespmem:v4+s25+$0x0] =	vst.idx.msk $0xffff, v3  }
0x220: {  	v4 =	vor.u32 v37, v1;
	v3 =	vld.idx.msk [tilespmem:v5+s19+$0x0], $0xffff  }
0x221: {  	v5 =	vor.u32 v38, v2;
	_ =	sdelay $0x3  }
0x222: {  	[tilespmem:v4+s25+$0x0] =	vst.idx.msk $0xffff, v3  }
0x223: {  	v4 =	vor.u32 v39, v1;
	v3 =	vld.idx.msk [tilespmem:v5+s19+$0x0], $0xffff  }
0x224: {  	v5 =	vor.u32 v40, v2;
	_ =	sdelay $0x3  }
0x225: {  	[tilespmem:v4+s25+$0x0] =	vst.idx.msk $0xffff, v3  }
0x226: {  	v4 =	vor.u32 v41, v1;
	v3 =	vld.idx.msk [tilespmem:v5+s19+$0x0], $0xffff  }
0x227: {  	v5 =	vor.u32 v42, v2;
	_ =	sdelay $0x3  }
0x228: {  	[tilespmem:v4+s25+$0x0] =	vst.idx.msk $0xffff, v3  }
0x229: {  	v4 =	vor.u32 v43, v1;
	v3 =	vld.idx.msk [tilespmem:v5+s19+$0x0], $0xffff  }
0x22a: {  	v5 =	vor.u32 v44, v2;
	_ =	sdelay $0x3  }
0x22b: {  	[tilespmem:v4+s25+$0x0] =	vst.idx.msk $0xffff, v3  }
0x22c: {  	v4 =	vor.u32 v45, v1;
	v3 =	vld.idx.msk [tilespmem:v5+s19+$0x0], $0xffff  }
0x22d: {  	v2 =	vor.u32 v46, v2;
	_ =	sdelay $0x3  }
0x22e: {  	[tilespmem:v4+s25+$0x0] =	vst.idx.msk $0xffff, v3  }
0x22f: {  	v3 =	vor.u32 v47, v1;
	v2 =	vld.idx.msk [tilespmem:v2+s19+$0x0], $0xffff  }
0x230: {  	v4 =	vor.u32 v48, v0;
	_ =	sdelay $0x3  }
0x231: {  	[tilespmem:v3+s25+$0x0] =	vst.idx.msk $0xffff, v2  }
0x232: {  	v3 =	vor.u32 v49, v1;
	v2 =	vld.idx.msk [tilespmem:v4+s19+$0x0], $0xffff  }
0x233: {  	v4 =	vor.u32 v50, v0;
	_ =	sdelay $0x3  }
0x234: {  	[tilespmem:v3+s25+$0x0] =	vst.idx.msk $0xffff, v2  }
0x235: {  	v3 =	vor.u32 v51, v1;
	v2 =	vld.idx.msk [tilespmem:v4+s19+$0x0], $0xffff  }
0x236: {  	v4 =	vor.u32 v52, v0;
	_ =	sdelay $0x3  }
0x237: {  	[tilespmem:v3+s25+$0x0] =	vst.idx.msk $0xffff, v2  }
0x238: {  	v3 =	vor.u32 v53, v1;
	v2 =	vld.idx.msk [tilespmem:v4+s19+$0x0], $0xffff  }
0x239: {  	v4 =	vor.u32 v54, v0;
	_ =	sdelay $0x3  }
0x23a: {  	[tilespmem:v3+s25+$0x0] =	vst.idx.msk $0xffff, v2  }
0x23b: {  	v3 =	vor.u32 v55, v1;
	v2 =	vld.idx.msk [tilespmem:v4+s19+$0x0], $0xffff  }
0x23c: {  	v4 =	vor.u32 v56, v0;
	_ =	sdelay $0x3  }
0x23d: {  	[tilespmem:v3+s25+$0x0] =	vst.idx.msk $0xffff, v2  }
0x23e: {  	v3 =	vor.u32 v57, v1;
	v2 =	vld.idx.msk [tilespmem:v4+s19+$0x0], $0xffff  }
0x23f: {  	v4 =	vor.u32 v58, v0;
	_ =	sdelay $0x3  }
0x240: {  	[tilespmem:v3+s25+$0x0] =	vst.idx.msk $0xffff, v2  }
0x241: {  	v3 =	vor.u32 v59, v1;
	v2 =	vld.idx.msk [tilespmem:v4+s19+$0x0], $0xffff  }
0x242: {  	v4 =	vor.u32 v60, v0;
	_ =	sdelay $0x3  }
0x243: {  	[tilespmem:v3+s25+$0x0] =	vst.idx.msk $0xffff, v2  }
0x244: {  	v3 =	vor.u32 v61, v1;
	v2 =	vld.idx.msk [tilespmem:v4+s19+$0x0], $0xffff  }
0x245: {  	p0 =	sne.s32 s0, $0xF;
	v4 =	vor.u32 v62, v0  }
.Ltmp1:
0x246: {  	_ = 	snop;
	(pc) =	sbr.rel @p0 .LBB2_4-.Ltmp1, $3  }
0x247: {  	_ =	sdelay $0x1  }
0x248: {  	[tilespmem:v3+s25+$0x0] =	vst.idx.msk $0xffff, v2  }
0x249: {  	v5 =	vlaneseq.u32;
	v0 =	vadd.s32 s0, v6;
	s0 =	sadd.s32 $0x1, s0;
	v3 =	vld.idx.msk [tilespmem:v4+s19+$0x0], $0xffff  }
0x24a: {  	v2 =	vand.u32 $0xF, v0;
	v1 =	vor.u32 v63, v1  }
0x24b: {  	v4 =	vor.u32 v7, v2;
	_ =	sdelay $0x3  }
0x24c: {  	[tilespmem:v1+s25+$0x0] =	vst.idx.msk $0xffff, v3  }
0x24d: {  	v1 =	vshll.u32 v2, $0x7;
	v3 =	vld.idx.msk [tilespmem:v4+s19+$0x0], $0xffff  }
0x24e: {  	v4 =	vor.u32 v5, v1;
	v5 =	vld [tilespmem:$0x1FDC0];
	_ =	sdelay $0x4  }
0x24f: {  	v5 =	vor.u32 v5, v2;
	_ =	sdelay $0x1  }
0x250: {  	[tilespmem:v4+s25+$0x0] =	vst.idx.msk $0xffff, v3;
	v4 =	vld [tilespmem:$0x1FDD0];
	_ =	sdelay $0x2  }
0x251: {  	v3 =	vld.idx.msk [tilespmem:v5+s19+$0x0], $0xffff  }
0x252: {  	v5 =	vld [tilespmem:$0x1FDE0]  }
0x253: {  	v4 =	vor.u32 v4, v1;
	_ =	sdelay $0x3  }
0x254: {  	v5 =	vor.u32 v5, v2  }
0x255: {  	[tilespmem:v4+s25+$0x0] =	vst.idx.msk $0xffff, v3;
	v4 =	vld [tilespmem:$0x1FDF0];
	_ =	sdelay $0x3  }
0x256: {  	v3 =	vld.idx.msk [tilespmem:v5+s19+$0x0], $0xffff  }
0x257: {  	v4 =	vor.u32 v4, v1;
	v5 =	vld [tilespmem:$0x1FE00];
	_ =	sdelay $0x4  }
0x258: {  	v5 =	vor.u32 v5, v2;
	[tilespmem:v4+s25+$0x0] =	vst.idx.msk $0xffff, v3;
	v4 =	vld [tilespmem:$0x1FE10];
	_ =	sdelay $0x4  }
0x259: {  	v3 =	vld.idx.msk [tilespmem:v5+s19+$0x0], $0xffff;
	v4 =	vor.u32 v4, v1  }
0x25a: {  	v5 =	vor.u32 v14, v2;
	_ =	sdelay $0x3  }
0x25b: {  	[tilespmem:v4+s25+$0x0] =	vst.idx.msk $0xffff, v3  }
0x25c: {  	v4 =	vor.u32 v15, v1;
	v3 =	vld.idx.msk [tilespmem:v5+s19+$0x0], $0xffff  }
0x25d: {  	v5 =	vor.u32 v16, v2;
	_ =	sdelay $0x3  }
0x25e: {  	[tilespmem:v4+s25+$0x0] =	vst.idx.msk $0xffff, v3  }
0x25f: {  	v4 =	vor.u32 v17, v1;
	v3 =	vld.idx.msk [tilespmem:v5+s19+$0x0], $0xffff  }
0x260: {  	v5 =	vor.u32 v18, v2;
	_ =	sdelay $0x3  }
0x261: {  	[tilespmem:v4+s25+$0x0] =	vst.idx.msk $0xffff, v3  }
0x262: {  	v4 =	vor.u32 v19, v1;
	v3 =	vld.idx.msk [tilespmem:v5+s19+$0x0], $0xffff  }
0x263: {  	v5 =	vor.u32 v20, v2;
	_ =	sdelay $0x3  }
0x264: {  	[tilespmem:v4+s25+$0x0] =	vst.idx.msk $0xffff, v3  }
0x265: {  	v4 =	vor.u32 v21, v1;
	v3 =	vld.idx.msk [tilespmem:v5+s19+$0x0], $0xffff  }
0x266: {  	v5 =	vor.u32 v22, v0;
	_ =	sdelay $0x3  }
0x267: {  	[tilespmem:v4+s25+$0x0] =	vst.idx.msk $0xffff, v3  }
0x268: {  	v4 =	vor.u32 v23, v1;
	v3 =	vld.idx.msk [tilespmem:v5+s19+$0x0], $0xffff  }
0x269: {  	v5 =	vor.u32 v24, v0;
	_ =	sdelay $0x3  }
0x26a: {  	[tilespmem:v4+s25+$0x0] =	vst.idx.msk $0xffff, v3  }
0x26b: {  	v4 =	vor.u32 v25, v1;
	v3 =	vld.idx.msk [tilespmem:v5+s19+$0x0], $0xffff  }
0x26c: {  	v5 =	vor.u32 v26, v0;
	_ =	sdelay $0x3  }
0x26d: {  	[tilespmem:v4+s25+$0x0] =	vst.idx.msk $0xffff, v3  }
0x26e: {  	v4 =	vor.u32 v27, v1;
	v3 =	vld.idx.msk [tilespmem:v5+s19+$0x0], $0xffff  }
0x26f: {  	v5 =	vor.u32 v28, v0;
	_ =	sdelay $0x3  }
0x270: {  	[tilespmem:v4+s25+$0x0] =	vst.idx.msk $0xffff, v3  }
0x271: {  	v4 =	vor.u32 v29, v1;
	v3 =	vld.idx.msk [tilespmem:v5+s19+$0x0], $0xffff  }
0x272: {  	v5 =	vor.u32 v30, v0;
	_ =	sdelay $0x3  }
0x273: {  	[tilespmem:v4+s25+$0x0] =	vst.idx.msk $0xffff, v3  }
0x274: {  	v4 =	vor.u32 v31, v1;
	v3 =	vld.idx.msk [tilespmem:v5+s19+$0x0], $0xffff  }
0x275: {  	v5 =	vor.u32 v32, v0;
	_ =	sdelay $0x3  }
0x276: {  	[tilespmem:v4+s25+$0x0] =	vst.idx.msk $0xffff, v3  }
0x277: {  	v4 =	vor.u32 v33, v1;
	v3 =	vld.idx.msk [tilespmem:v5+s19+$0x0], $0xffff  }
0x278: {  	v5 =	vor.u32 v8, v0;
	_ =	sdelay $0x3  }
0x279: {  	[tilespmem:v4+s25+$0x0] =	vst.idx.msk $0xffff, v3  }
0x27a: {  	v4 =	vor.u32 v9, v1;
	v3 =	vld.idx.msk [tilespmem:v5+s19+$0x0], $0xffff  }
0x27b: {  	v5 =	vor.u32 v10, v0;
	_ =	sdelay $0x3  }
0x27c: {  	[tilespmem:v4+s25+$0x0] =	vst.idx.msk $0xffff, v3  }
0x27d: {  	v4 =	vor.u32 v34, v1;
	v3 =	vld.idx.msk [tilespmem:v5+s19+$0x0], $0xffff  }
0x27e: {  	v5 =	vor.u32 v11, v2;
	_ =	sdelay $0x3  }
0x27f: {  	[tilespmem:v4+s25+$0x0] =	vst.idx.msk $0xffff, v3  }
0x280: {  	v4 =	vor.u32 v35, v1;
	v3 =	vld.idx.msk [tilespmem:v5+s19+$0x0], $0xffff  }
0x281: {  	v5 =	vor.u32 v12, v2;
	_ =	sdelay $0x3  }
0x282: {  	[tilespmem:v4+s25+$0x0] =	vst.idx.msk $0xffff, v3  }
0x283: {  	v4 =	vor.u32 v36, v1;
	v3 =	vld.idx.msk [tilespmem:v5+s19+$0x0], $0xffff  }
0x284: {  	v5 =	vor.u32 v13, v2;
	_ =	sdelay $0x3  }
0x285: {  	[tilespmem:v4+s25+$0x0] =	vst.idx.msk $0xffff, v3  }
0x286: {  	v4 =	vor.u32 v37, v1;
	v3 =	vld.idx.msk [tilespmem:v5+s19+$0x0], $0xffff  }
0x287: {  	v5 =	vor.u32 v38, v2;
	_ =	sdelay $0x3  }
0x288: {  	[tilespmem:v4+s25+$0x0] =	vst.idx.msk $0xffff, v3  }
0x289: {  	v4 =	vor.u32 v39, v1;
	v3 =	vld.idx.msk [tilespmem:v5+s19+$0x0], $0xffff  }
0x28a: {  	v5 =	vor.u32 v40, v2;
	_ =	sdelay $0x3  }
0x28b: {  	[tilespmem:v4+s25+$0x0] =	vst.idx.msk $0xffff, v3  }
0x28c: {  	v4 =	vor.u32 v41, v1;
	v3 =	vld.idx.msk [tilespmem:v5+s19+$0x0], $0xffff  }
0x28d: {  	v5 =	vor.u32 v42, v2;
	_ =	sdelay $0x3  }
0x28e: {  	[tilespmem:v4+s25+$0x0] =	vst.idx.msk $0xffff, v3  }
0x28f: {  	v4 =	vor.u32 v43, v1;
	v3 =	vld.idx.msk [tilespmem:v5+s19+$0x0], $0xffff  }
0x290: {  	v5 =	vor.u32 v44, v2;
	_ =	sdelay $0x3  }
0x291: {  	[tilespmem:v4+s25+$0x0] =	vst.idx.msk $0xffff, v3  }
0x292: {  	v4 =	vor.u32 v45, v1;
	v3 =	vld.idx.msk [tilespmem:v5+s19+$0x0], $0xffff  }
0x293: {  	v2 =	vor.u32 v46, v2;
	_ =	sdelay $0x3  }
0x294: {  	[tilespmem:v4+s25+$0x0] =	vst.idx.msk $0xffff, v3  }
0x295: {  	v3 =	vor.u32 v47, v1;
	v2 =	vld.idx.msk [tilespmem:v2+s19+$0x0], $0xffff  }
0x296: {  	v4 =	vor.u32 v48, v0;
	_ =	sdelay $0x3  }
0x297: {  	[tilespmem:v3+s25+$0x0] =	vst.idx.msk $0xffff, v2  }
0x298: {  	v3 =	vor.u32 v49, v1;
	v2 =	vld.idx.msk [tilespmem:v4+s19+$0x0], $0xffff  }
0x299: {  	v4 =	vor.u32 v50, v0;
	_ =	sdelay $0x3  }
0x29a: {  	[tilespmem:v3+s25+$0x0] =	vst.idx.msk $0xffff, v2  }
0x29b: {  	v3 =	vor.u32 v51, v1;
	v2 =	vld.idx.msk [tilespmem:v4+s19+$0x0], $0xffff  }
0x29c: {  	v4 =	vor.u32 v52, v0;
	_ =	sdelay $0x3  }
0x29d: {  	[tilespmem:v3+s25+$0x0] =	vst.idx.msk $0xffff, v2  }
0x29e: {  	v3 =	vor.u32 v53, v1;
	v2 =	vld.idx.msk [tilespmem:v4+s19+$0x0], $0xffff  }
0x29f: {  	v4 =	vor.u32 v54, v0;
	_ =	sdelay $0x3  }
0x2a0: {  	[tilespmem:v3+s25+$0x0] =	vst.idx.msk $0xffff, v2  }
0x2a1: {  	v3 =	vor.u32 v55, v1;
	v2 =	vld.idx.msk [tilespmem:v4+s19+$0x0], $0xffff  }
0x2a2: {  	v4 =	vor.u32 v56, v0;
	_ =	sdelay $0x3  }
0x2a3: {  	[tilespmem:v3+s25+$0x0] =	vst.idx.msk $0xffff, v2  }
0x2a4: {  	v3 =	vor.u32 v57, v1;
	v2 =	vld.idx.msk [tilespmem:v4+s19+$0x0], $0xffff  }
0x2a5: {  	v4 =	vor.u32 v58, v0;
	_ =	sdelay $0x3  }
0x2a6: {  	[tilespmem:v3+s25+$0x0] =	vst.idx.msk $0xffff, v2  }
0x2a7: {  	v3 =	vor.u32 v59, v1;
	v2 =	vld.idx.msk [tilespmem:v4+s19+$0x0], $0xffff  }
0x2a8: {  	v4 =	vor.u32 v60, v0;
	_ =	sdelay $0x3  }
0x2a9: {  	[tilespmem:v3+s25+$0x0] =	vst.idx.msk $0xffff, v2  }
0x2aa: {  	v3 =	vor.u32 v61, v1;
	v2 =	vld.idx.msk [tilespmem:v4+s19+$0x0], $0xffff  }
0x2ab: {  	v0 =	vor.u32 v62, v0;
	_ =	sdelay $0x3  }
0x2ac: {  	[tilespmem:v3+s25+$0x0] =	vst.idx.msk $0xffff, v2  }
0x2ad: {  	v1 =	vor.u32 v63, v1;
	v0 =	vld.idx.msk [tilespmem:v0+s19+$0x0], $0xffff;
	_ =	sdelay $0x4  }
0x2ae: {  	s0 =	rddreg [dreg:$0x5];
	[tilespmem:v1+s25+$0x0] =	vst.idx.msk $0xffff, v0  }
0x2af: {  	[hbm4b:s0+s14] =	stream.strided.scatter [tilespmem:s25], [sflag:$0x5], $0x2000, s15, s14, $0x38;
	[tilespmem:$0x18400] =	vst v63  }
0x2b0: {  	s0 =	simm.s32 $0x1  }
.LBB2_6:
0x2b1: {  	s2 =	simm.s32 $0x0;
	v6 =	vlaneseq.u32  }
0x2b2: {  	_ =	swait.ge [sflag:s26], $0x2000;
	s7 =	smul.u32 $0x600, s0;
	v0 =	vadd.s32 s2, v6  }
0x2b3: {  	[sflag:s26] =	ssyncset.done $0x0;
	v2 =	vand.u32 $0xF, v0  }
0x2b4: {  	[sflag:s26] =	ssyncadd.s32 $0xFFFFE000;
	s2 =	sshra.s32 s7, $0x2;
	v3 =	vor.u32 v7, v2  }
0x2b5: {  	[tilespmem:s18], [sflag:$0x1] =	stream.indirect.gather [hbm4b:s5+s17], $0x80, s2, s17, $0xb8;
	[tilespmem:$0x18400] =	vst v63  }
0x2b6: {  	_ =	swait.ge [sflag:s28], $0x4000  }
0x2b7: {  	[sflag:s28] =	ssyncset.done $0x0;
	v5 =	vld [tilespmem:$0x1FDC0]  }
0x2b8: {  	v1 =	vshll.u32 v2, $0x7;
	[sflag:s28] =	ssyncadd.s32 $0xFFFFC000  }
0x2b9: {  	v4 =	vor.u32 v6, v1;
	v3 =	vld.idx.msk [tilespmem:v3+s23+$0x0], $0xffff;
	_ =	sdelay $0x2  }
0x2ba: {  	v5 =	vor.u32 v5, v2;
	_ =	sdelay $0x1  }
0x2bb: {  	[tilespmem:v4+s29+$0x0] =	vst.idx.msk $0xffff, v3;
	v4 =	vld [tilespmem:$0x1FDD0];
	_ =	sdelay $0x2  }
0x2bc: {  	v3 =	vld.idx.msk [tilespmem:v5+s23+$0x0], $0xffff  }
0x2bd: {  	v5 =	vld [tilespmem:$0x1FDE0]  }
0x2be: {  	v4 =	vor.u32 v4, v1;
	_ =	sdelay $0x3  }
0x2bf: {  	v5 =	vor.u32 v5, v2  }
0x2c0: {  	[tilespmem:v4+s29+$0x0] =	vst.idx.msk $0xffff, v3;
	v4 =	vld [tilespmem:$0x1FDF0];
	_ =	sdelay $0x3  }
0x2c1: {  	v3 =	vld.idx.msk [tilespmem:v5+s23+$0x0], $0xffff  }
0x2c2: {  	v5 =	vld [tilespmem:$0x1FE00];
	v4 =	vor.u32 v4, v1;
	_ =	sdelay $0x4  }
0x2c3: {  	v5 =	vor.u32 v5, v2;
	[tilespmem:v4+s29+$0x0] =	vst.idx.msk $0xffff, v3;
	v4 =	vld [tilespmem:$0x1FE10];
	_ =	sdelay $0x4  }
0x2c4: {  	v3 =	vld.idx.msk [tilespmem:v5+s23+$0x0], $0xffff;
	v4 =	vor.u32 v4, v1  }
0x2c5: {  	v5 =	vor.u32 v14, v2;
	_ =	sdelay $0x3  }
0x2c6: {  	[tilespmem:v4+s29+$0x0] =	vst.idx.msk $0xffff, v3  }
0x2c7: {  	v4 =	vor.u32 v15, v1;
	v3 =	vld.idx.msk [tilespmem:v5+s23+$0x0], $0xffff  }
0x2c8: {  	v5 =	vor.u32 v16, v2;
	_ =	sdelay $0x3  }
0x2c9: {  	[tilespmem:v4+s29+$0x0] =	vst.idx.msk $0xffff, v3  }
0x2ca: {  	v4 =	vor.u32 v17, v1;
	v3 =	vld.idx.msk [tilespmem:v5+s23+$0x0], $0xffff  }
0x2cb: {  	v5 =	vor.u32 v18, v2;
	_ =	sdelay $0x3  }
0x2cc: {  	[tilespmem:v4+s29+$0x0] =	vst.idx.msk $0xffff, v3  }
0x2cd: {  	v4 =	vor.u32 v19, v1;
	v3 =	vld.idx.msk [tilespmem:v5+s23+$0x0], $0xffff  }
0x2ce: {  	v5 =	vor.u32 v20, v2;
	_ =	sdelay $0x3  }
0x2cf: {  	[tilespmem:v4+s29+$0x0] =	vst.idx.msk $0xffff, v3  }
0x2d0: {  	v4 =	vor.u32 v21, v1;
	v3 =	vld.idx.msk [tilespmem:v5+s23+$0x0], $0xffff  }
0x2d1: {  	v5 =	vor.u32 v22, v0;
	_ =	sdelay $0x3  }
0x2d2: {  	[tilespmem:v4+s29+$0x0] =	vst.idx.msk $0xffff, v3  }
0x2d3: {  	v4 =	vor.u32 v23, v1;
	v3 =	vld.idx.msk [tilespmem:v5+s23+$0x0], $0xffff  }
0x2d4: {  	v5 =	vor.u32 v24, v0;
	_ =	sdelay $0x3  }
0x2d5: {  	[tilespmem:v4+s29+$0x0] =	vst.idx.msk $0xffff, v3  }
0x2d6: {  	v4 =	vor.u32 v25, v1;
	v3 =	vld.idx.msk [tilespmem:v5+s23+$0x0], $0xffff  }
0x2d7: {  	v5 =	vor.u32 v26, v0;
	_ =	sdelay $0x3  }
0x2d8: {  	[tilespmem:v4+s29+$0x0] =	vst.idx.msk $0xffff, v3  }
0x2d9: {  	v4 =	vor.u32 v27, v1;
	v3 =	vld.idx.msk [tilespmem:v5+s23+$0x0], $0xffff  }
0x2da: {  	v5 =	vor.u32 v28, v0;
	_ =	sdelay $0x3  }
0x2db: {  	[tilespmem:v4+s29+$0x0] =	vst.idx.msk $0xffff, v3  }
0x2dc: {  	v4 =	vor.u32 v29, v1;
	v3 =	vld.idx.msk [tilespmem:v5+s23+$0x0], $0xffff  }
0x2dd: {  	v5 =	vor.u32 v30, v0;
	_ =	sdelay $0x3  }
0x2de: {  	[tilespmem:v4+s29+$0x0] =	vst.idx.msk $0xffff, v3  }
0x2df: {  	v4 =	vor.u32 v31, v1;
	v3 =	vld.idx.msk [tilespmem:v5+s23+$0x0], $0xffff  }
0x2e0: {  	v5 =	vor.u32 v32, v0;
	_ =	sdelay $0x3  }
0x2e1: {  	[tilespmem:v4+s29+$0x0] =	vst.idx.msk $0xffff, v3  }
0x2e2: {  	v4 =	vor.u32 v33, v1;
	v3 =	vld.idx.msk [tilespmem:v5+s23+$0x0], $0xffff  }
0x2e3: {  	v5 =	vor.u32 v8, v0;
	_ =	sdelay $0x3  }
0x2e4: {  	[tilespmem:v4+s29+$0x0] =	vst.idx.msk $0xffff, v3  }
0x2e5: {  	v4 =	vor.u32 v9, v1;
	v3 =	vld.idx.msk [tilespmem:v5+s23+$0x0], $0xffff  }
0x2e6: {  	v5 =	vor.u32 v10, v0;
	_ =	sdelay $0x3  }
0x2e7: {  	[tilespmem:v4+s29+$0x0] =	vst.idx.msk $0xffff, v3  }
0x2e8: {  	v4 =	vor.u32 v34, v1;
	v3 =	vld.idx.msk [tilespmem:v5+s23+$0x0], $0xffff  }
0x2e9: {  	v5 =	vor.u32 v11, v2;
	_ =	sdelay $0x3  }
0x2ea: {  	[tilespmem:v4+s29+$0x0] =	vst.idx.msk $0xffff, v3  }
0x2eb: {  	v4 =	vor.u32 v35, v1;
	v3 =	vld.idx.msk [tilespmem:v5+s23+$0x0], $0xffff  }
0x2ec: {  	v5 =	vor.u32 v12, v2;
	_ =	sdelay $0x3  }
0x2ed: {  	[tilespmem:v4+s29+$0x0] =	vst.idx.msk $0xffff, v3  }
0x2ee: {  	v4 =	vor.u32 v36, v1;
	v3 =	vld.idx.msk [tilespmem:v5+s23+$0x0], $0xffff  }
0x2ef: {  	v5 =	vor.u32 v13, v2;
	_ =	sdelay $0x3  }
0x2f0: {  	[tilespmem:v4+s29+$0x0] =	vst.idx.msk $0xffff, v3  }
0x2f1: {  	v4 =	vor.u32 v37, v1;
	v3 =	vld.idx.msk [tilespmem:v5+s23+$0x0], $0xffff  }
0x2f2: {  	v5 =	vor.u32 v38, v2;
	_ =	sdelay $0x3  }
0x2f3: {  	[tilespmem:v4+s29+$0x0] =	vst.idx.msk $0xffff, v3  }
0x2f4: {  	v4 =	vor.u32 v39, v1;
	v3 =	vld.idx.msk [tilespmem:v5+s23+$0x0], $0xffff  }
0x2f5: {  	v5 =	vor.u32 v40, v2;
	_ =	sdelay $0x3  }
0x2f6: {  	[tilespmem:v4+s29+$0x0] =	vst.idx.msk $0xffff, v3  }
0x2f7: {  	v4 =	vor.u32 v41, v1;
	v3 =	vld.idx.msk [tilespmem:v5+s23+$0x0], $0xffff  }
0x2f8: {  	v5 =	vor.u32 v42, v2;
	_ =	sdelay $0x3  }
0x2f9: {  	[tilespmem:v4+s29+$0x0] =	vst.idx.msk $0xffff, v3  }
0x2fa: {  	v4 =	vor.u32 v43, v1;
	v3 =	vld.idx.msk [tilespmem:v5+s23+$0x0], $0xffff  }
0x2fb: {  	v5 =	vor.u32 v44, v2;
	_ =	sdelay $0x3  }
0x2fc: {  	[tilespmem:v4+s29+$0x0] =	vst.idx.msk $0xffff, v3  }
0x2fd: {  	v4 =	vor.u32 v45, v1;
	v3 =	vld.idx.msk [tilespmem:v5+s23+$0x0], $0xffff  }
0x2fe: {  	v2 =	vor.u32 v46, v2;
	_ =	sdelay $0x3  }
0x2ff: {  	[tilespmem:v4+s29+$0x0] =	vst.idx.msk $0xffff, v3  }
0x300: {  	v3 =	vor.u32 v47, v1;
	v2 =	vld.idx.msk [tilespmem:v2+s23+$0x0], $0xffff  }
0x301: {  	v4 =	vor.u32 v48, v0;
	_ =	sdelay $0x3  }
0x302: {  	[tilespmem:v3+s29+$0x0] =	vst.idx.msk $0xffff, v2  }
0x303: {  	v3 =	vor.u32 v49, v1;
	v2 =	vld.idx.msk [tilespmem:v4+s23+$0x0], $0xffff  }
0x304: {  	v4 =	vor.u32 v50, v0;
	_ =	sdelay $0x3  }
0x305: {  	[tilespmem:v3+s29+$0x0] =	vst.idx.msk $0xffff, v2  }
0x306: {  	v3 =	vor.u32 v51, v1;
	v2 =	vld.idx.msk [tilespmem:v4+s23+$0x0], $0xffff  }
0x307: {  	v4 =	vor.u32 v52, v0;
	_ =	sdelay $0x3  }
0x308: {  	[tilespmem:v3+s29+$0x0] =	vst.idx.msk $0xffff, v2  }
0x309: {  	v3 =	vor.u32 v53, v1;
	v2 =	vld.idx.msk [tilespmem:v4+s23+$0x0], $0xffff  }
0x30a: {  	v4 =	vor.u32 v54, v0;
	_ =	sdelay $0x3  }
0x30b: {  	[tilespmem:v3+s29+$0x0] =	vst.idx.msk $0xffff, v2  }
0x30c: {  	v3 =	vor.u32 v55, v1;
	v2 =	vld.idx.msk [tilespmem:v4+s23+$0x0], $0xffff  }
0x30d: {  	v4 =	vor.u32 v56, v0;
	_ =	sdelay $0x3  }
0x30e: {  	[tilespmem:v3+s29+$0x0] =	vst.idx.msk $0xffff, v2  }
0x30f: {  	v3 =	vor.u32 v57, v1;
	v2 =	vld.idx.msk [tilespmem:v4+s23+$0x0], $0xffff  }
0x310: {  	v4 =	vor.u32 v58, v0;
	_ =	sdelay $0x3  }
0x311: {  	[tilespmem:v3+s29+$0x0] =	vst.idx.msk $0xffff, v2  }
0x312: {  	v3 =	vor.u32 v59, v1;
	v2 =	vld.idx.msk [tilespmem:v4+s23+$0x0], $0xffff  }
0x313: {  	v4 =	vor.u32 v60, v0;
	_ =	sdelay $0x3  }
0x314: {  	[tilespmem:v3+s29+$0x0] =	vst.idx.msk $0xffff, v2  }
0x315: {  	v3 =	vor.u32 v61, v1;
	v2 =	vld.idx.msk [tilespmem:v4+s23+$0x0], $0xffff  }
0x316: {  	v4 =	vor.u32 v62, v0;
	_ =	sdelay $0x3  }
0x317: {  	s10 =	simm.s32 $0x1;
	[tilespmem:v3+s29+$0x0] =	vst.idx.msk $0xffff, v2  }
0x318: {  	s7 =	simm.s32 $0x2;
	v0 =	vadd.s32 s10, v6;
	v3 =	vld.idx.msk [tilespmem:v4+s23+$0x0], $0xffff  }
.LBB2_7:
0x319: {  	v2 =	vand.u32 $0xF, v0;
	v1 =	vor.u32 v63, v1  }
0x31a: {  	v4 =	vor.u32 v7, v2;
	_ =	sdelay $0x2  }
0x31b: {  	v5 =	vld [tilespmem:$0x1FDC0]  }
0x31c: {  	v6 =	vlaneseq.u32;
	[tilespmem:v1+s29+$0x0] =	vst.idx.msk $0xffff, v3;
	v1 =	vshll.u32 v2, $0x7  }
0x31d: {  	v3 =	vld.idx.msk [tilespmem:v4+s23+$0x0], $0xffff;
	v4 =	vor.u32 v6, v1;
	_ =	sdelay $0x2  }
0x31e: {  	v5 =	vor.u32 v5, v2;
	_ =	sdelay $0x1  }
0x31f: {  	[tilespmem:v4+s29+$0x0] =	vst.idx.msk $0xffff, v3;
	v4 =	vld [tilespmem:$0x1FDD0];
	_ =	sdelay $0x2  }
0x320: {  	v3 =	vld.idx.msk [tilespmem:v5+s23+$0x0], $0xffff  }
0x321: {  	v5 =	vld [tilespmem:$0x1FDE0]  }
0x322: {  	v4 =	vor.u32 v4, v1;
	_ =	sdelay $0x3  }
0x323: {  	v5 =	vor.u32 v5, v2  }
0x324: {  	[tilespmem:v4+s29+$0x0] =	vst.idx.msk $0xffff, v3;
	v4 =	vld [tilespmem:$0x1FDF0];
	_ =	sdelay $0x3  }
0x325: {  	v3 =	vld.idx.msk [tilespmem:v5+s23+$0x0], $0xffff  }
0x326: {  	v5 =	vld [tilespmem:$0x1FE00];
	v4 =	vor.u32 v4, v1;
	_ =	sdelay $0x4  }
0x327: {  	v5 =	vor.u32 v5, v2;
	[tilespmem:v4+s29+$0x0] =	vst.idx.msk $0xffff, v3;
	v4 =	vld [tilespmem:$0x1FE10];
	_ =	sdelay $0x4  }
0x328: {  	v3 =	vld.idx.msk [tilespmem:v5+s23+$0x0], $0xffff;
	v4 =	vor.u32 v4, v1  }
0x329: {  	v5 =	vor.u32 v14, v2;
	_ =	sdelay $0x3  }
0x32a: {  	[tilespmem:v4+s29+$0x0] =	vst.idx.msk $0xffff, v3  }
0x32b: {  	v4 =	vor.u32 v15, v1;
	v3 =	vld.idx.msk [tilespmem:v5+s23+$0x0], $0xffff  }
0x32c: {  	v5 =	vor.u32 v16, v2;
	_ =	sdelay $0x3  }
0x32d: {  	[tilespmem:v4+s29+$0x0] =	vst.idx.msk $0xffff, v3  }
0x32e: {  	v4 =	vor.u32 v17, v1;
	v3 =	vld.idx.msk [tilespmem:v5+s23+$0x0], $0xffff  }
0x32f: {  	v5 =	vor.u32 v18, v2;
	_ =	sdelay $0x3  }
0x330: {  	[tilespmem:v4+s29+$0x0] =	vst.idx.msk $0xffff, v3  }
0x331: {  	v4 =	vor.u32 v19, v1;
	v3 =	vld.idx.msk [tilespmem:v5+s23+$0x0], $0xffff  }
0x332: {  	v5 =	vor.u32 v20, v2;
	_ =	sdelay $0x3  }
0x333: {  	[tilespmem:v4+s29+$0x0] =	vst.idx.msk $0xffff, v3  }
0x334: {  	v4 =	vor.u32 v21, v1;
	v3 =	vld.idx.msk [tilespmem:v5+s23+$0x0], $0xffff  }
0x335: {  	v5 =	vor.u32 v22, v0;
	_ =	sdelay $0x3  }
0x336: {  	[tilespmem:v4+s29+$0x0] =	vst.idx.msk $0xffff, v3  }
0x337: {  	v4 =	vor.u32 v23, v1;
	v3 =	vld.idx.msk [tilespmem:v5+s23+$0x0], $0xffff  }
0x338: {  	v5 =	vor.u32 v24, v0;
	_ =	sdelay $0x3  }
0x339: {  	[tilespmem:v4+s29+$0x0] =	vst.idx.msk $0xffff, v3  }
0x33a: {  	v4 =	vor.u32 v25, v1;
	v3 =	vld.idx.msk [tilespmem:v5+s23+$0x0], $0xffff  }
0x33b: {  	v5 =	vor.u32 v26, v0;
	_ =	sdelay $0x3  }
0x33c: {  	[tilespmem:v4+s29+$0x0] =	vst.idx.msk $0xffff, v3  }
0x33d: {  	v4 =	vor.u32 v27, v1;
	v3 =	vld.idx.msk [tilespmem:v5+s23+$0x0], $0xffff  }
0x33e: {  	v5 =	vor.u32 v28, v0;
	_ =	sdelay $0x3  }
0x33f: {  	[tilespmem:v4+s29+$0x0] =	vst.idx.msk $0xffff, v3  }
0x340: {  	v4 =	vor.u32 v29, v1;
	v3 =	vld.idx.msk [tilespmem:v5+s23+$0x0], $0xffff  }
0x341: {  	v5 =	vor.u32 v30, v0;
	_ =	sdelay $0x3  }
0x342: {  	[tilespmem:v4+s29+$0x0] =	vst.idx.msk $0xffff, v3  }
0x343: {  	v4 =	vor.u32 v31, v1;
	v3 =	vld.idx.msk [tilespmem:v5+s23+$0x0], $0xffff  }
0x344: {  	v5 =	vor.u32 v32, v0;
	_ =	sdelay $0x3  }
0x345: {  	[tilespmem:v4+s29+$0x0] =	vst.idx.msk $0xffff, v3  }
0x346: {  	v4 =	vor.u32 v33, v1;
	v3 =	vld.idx.msk [tilespmem:v5+s23+$0x0], $0xffff  }
0x347: {  	v5 =	vor.u32 v8, v0;
	_ =	sdelay $0x3  }
0x348: {  	[tilespmem:v4+s29+$0x0] =	vst.idx.msk $0xffff, v3  }
0x349: {  	v4 =	vor.u32 v9, v1;
	v3 =	vld.idx.msk [tilespmem:v5+s23+$0x0], $0xffff  }
0x34a: {  	v5 =	vor.u32 v10, v0;
	_ =	sdelay $0x3  }
0x34b: {  	[tilespmem:v4+s29+$0x0] =	vst.idx.msk $0xffff, v3  }
0x34c: {  	v4 =	vor.u32 v34, v1;
	v3 =	vld.idx.msk [tilespmem:v5+s23+$0x0], $0xffff  }
0x34d: {  	v5 =	vor.u32 v11, v2;
	_ =	sdelay $0x3  }
0x34e: {  	[tilespmem:v4+s29+$0x0] =	vst.idx.msk $0xffff, v3  }
0x34f: {  	v4 =	vor.u32 v35, v1;
	v3 =	vld.idx.msk [tilespmem:v5+s23+$0x0], $0xffff  }
0x350: {  	v5 =	vor.u32 v12, v2;
	_ =	sdelay $0x3  }
0x351: {  	[tilespmem:v4+s29+$0x0] =	vst.idx.msk $0xffff, v3  }
0x352: {  	v4 =	vor.u32 v36, v1;
	v3 =	vld.idx.msk [tilespmem:v5+s23+$0x0], $0xffff  }
0x353: {  	v5 =	vor.u32 v13, v2;
	_ =	sdelay $0x3  }
0x354: {  	[tilespmem:v4+s29+$0x0] =	vst.idx.msk $0xffff, v3  }
0x355: {  	v4 =	vor.u32 v37, v1;
	v3 =	vld.idx.msk [tilespmem:v5+s23+$0x0], $0xffff  }
0x356: {  	v5 =	vor.u32 v38, v2;
	_ =	sdelay $0x3  }
0x357: {  	[tilespmem:v4+s29+$0x0] =	vst.idx.msk $0xffff, v3  }
0x358: {  	v4 =	vor.u32 v39, v1;
	v3 =	vld.idx.msk [tilespmem:v5+s23+$0x0], $0xffff  }
0x359: {  	v5 =	vor.u32 v40, v2;
	_ =	sdelay $0x3  }
0x35a: {  	[tilespmem:v4+s29+$0x0] =	vst.idx.msk $0xffff, v3  }
0x35b: {  	v4 =	vor.u32 v41, v1;
	v3 =	vld.idx.msk [tilespmem:v5+s23+$0x0], $0xffff  }
0x35c: {  	v5 =	vor.u32 v42, v2;
	_ =	sdelay $0x3  }
0x35d: {  	[tilespmem:v4+s29+$0x0] =	vst.idx.msk $0xffff, v3  }
0x35e: {  	v4 =	vor.u32 v43, v1;
	v3 =	vld.idx.msk [tilespmem:v5+s23+$0x0], $0xffff  }
0x35f: {  	v5 =	vor.u32 v44, v2;
	_ =	sdelay $0x3  }
0x360: {  	[tilespmem:v4+s29+$0x0] =	vst.idx.msk $0xffff, v3  }
0x361: {  	v4 =	vor.u32 v45, v1;
	v3 =	vld.idx.msk [tilespmem:v5+s23+$0x0], $0xffff  }
0x362: {  	v2 =	vor.u32 v46, v2;
	_ =	sdelay $0x3  }
0x363: {  	[tilespmem:v4+s29+$0x0] =	vst.idx.msk $0xffff, v3  }
0x364: {  	v3 =	vor.u32 v47, v1;
	v2 =	vld.idx.msk [tilespmem:v2+s23+$0x0], $0xffff  }
0x365: {  	v4 =	vor.u32 v48, v0;
	_ =	sdelay $0x3  }
0x366: {  	[tilespmem:v3+s29+$0x0] =	vst.idx.msk $0xffff, v2  }
0x367: {  	v3 =	vor.u32 v49, v1;
	v2 =	vld.idx.msk [tilespmem:v4+s23+$0x0], $0xffff  }
0x368: {  	v4 =	vor.u32 v50, v0;
	_ =	sdelay $0x3  }
0x369: {  	[tilespmem:v3+s29+$0x0] =	vst.idx.msk $0xffff, v2  }
0x36a: {  	v3 =	vor.u32 v51, v1;
	v2 =	vld.idx.msk [tilespmem:v4+s23+$0x0], $0xffff  }
0x36b: {  	v4 =	vor.u32 v52, v0;
	_ =	sdelay $0x3  }
0x36c: {  	[tilespmem:v3+s29+$0x0] =	vst.idx.msk $0xffff, v2  }
0x36d: {  	v3 =	vor.u32 v53, v1;
	v2 =	vld.idx.msk [tilespmem:v4+s23+$0x0], $0xffff  }
0x36e: {  	v4 =	vor.u32 v54, v0;
	_ =	sdelay $0x3  }
0x36f: {  	[tilespmem:v3+s29+$0x0] =	vst.idx.msk $0xffff, v2  }
0x370: {  	v3 =	vor.u32 v55, v1;
	v2 =	vld.idx.msk [tilespmem:v4+s23+$0x0], $0xffff  }
0x371: {  	v4 =	vor.u32 v56, v0;
	_ =	sdelay $0x3  }
0x372: {  	[tilespmem:v3+s29+$0x0] =	vst.idx.msk $0xffff, v2  }
0x373: {  	v3 =	vor.u32 v57, v1;
	v2 =	vld.idx.msk [tilespmem:v4+s23+$0x0], $0xffff  }
0x374: {  	v4 =	vor.u32 v58, v0;
	_ =	sdelay $0x3  }
0x375: {  	[tilespmem:v3+s29+$0x0] =	vst.idx.msk $0xffff, v2  }
0x376: {  	v3 =	vor.u32 v59, v1;
	v2 =	vld.idx.msk [tilespmem:v4+s23+$0x0], $0xffff  }
0x377: {  	v4 =	vor.u32 v60, v0;
	_ =	sdelay $0x3  }
0x378: {  	[tilespmem:v3+s29+$0x0] =	vst.idx.msk $0xffff, v2  }
0x379: {  	v3 =	vor.u32 v61, v1;
	v2 =	vld.idx.msk [tilespmem:v4+s23+$0x0], $0xffff  }
0x37a: {  	p0 =	sne.s32 s7, $0xF;
	v4 =	vor.u32 v62, v0  }
.Ltmp2:
0x37b: {  	_ = 	snop;
	(pc) =	sbr.rel @p0 .LBB2_7-.Ltmp2, $3  }
0x37c: {  	_ =	sdelay $0x1  }
0x37d: {  	[tilespmem:v3+s29+$0x0] =	vst.idx.msk $0xffff, v2  }
0x37e: {  	v0 =	vadd.s32 s7, v6;
	s7 =	sadd.s32 $0x1, s7;
	v3 =	vld.idx.msk [tilespmem:v4+s23+$0x0], $0xffff  }
0x37f: {  	v2 =	vand.u32 $0xF, v0;
	v1 =	vor.u32 v63, v1  }
0x380: {  	v4 =	vor.u32 v7, v2;
	_ =	sdelay $0x3  }
0x381: {  	[tilespmem:v1+s29+$0x0] =	vst.idx.msk $0xffff, v3  }
0x382: {  	v1 =	vshll.u32 v2, $0x7;
	v6 =	vld.idx.msk [tilespmem:v4+s23+$0x0], $0xffff;
	v4 =	vlaneseq.u32  }
0x383: {  	v3 =	vld [tilespmem:$0x1FDC0];
	v4 =	vor.u32 v4, v1;
	_ =	sdelay $0x4  }
0x384: {  	v5 =	vor.u32 v3, v2;
	[tilespmem:v4+s29+$0x0] =	vst.idx.msk $0xffff, v6;
	v4 =	vld [tilespmem:$0x1FDD0];
	_ =	sdelay $0x4  }
0x385: {  	v3 =	vld.idx.msk [tilespmem:v5+s23+$0x0], $0xffff;
	v4 =	vor.u32 v4, v1;
	_ =	sdelay $0x3  }
0x386: {  	v5 =	vld [tilespmem:$0x1FDE0]  }
0x387: {  	[tilespmem:v4+s29+$0x0] =	vst.idx.msk $0xffff, v3;
	v3 =	vld [tilespmem:$0x1FDF0];
	_ =	sdelay $0x3  }
0x388: {  	v5 =	vor.u32 v5, v2  }
0x389: {  	v4 =	vor.u32 v3, v1;
	v3 =	vld [tilespmem:$0x1FE00];
	_ =	sdelay $0x3  }
0x38a: {  	v6 =	vld.idx.msk [tilespmem:v5+s23+$0x0], $0xffff  }
0x38b: {  	v5 =	vor.u32 v3, v2;
	v3 =	vld [tilespmem:$0x1FE10];
	_ =	sdelay $0x3  }
0x38c: {  	[tilespmem:v4+s29+$0x0] =	vst.idx.msk $0xffff, v6  }
0x38d: {  	v6 =	vld.idx.msk [tilespmem:v5+s23+$0x0], $0xffff;
	v4 =	vor.u32 v3, v1  }
0x38e: {  	v5 =	vor.u32 v14, v2;
	_ =	sdelay $0x3  }
0x38f: {  	[tilespmem:v4+s29+$0x0] =	vst.idx.msk $0xffff, v6  }
0x390: {  	v4 =	vor.u32 v15, v1;
	v6 =	vld.idx.msk [tilespmem:v5+s23+$0x0], $0xffff  }
0x391: {  	v5 =	vor.u32 v16, v2;
	_ =	sdelay $0x3  }
0x392: {  	[tilespmem:v4+s29+$0x0] =	vst.idx.msk $0xffff, v6  }
0x393: {  	v4 =	vor.u32 v17, v1;
	v6 =	vld.idx.msk [tilespmem:v5+s23+$0x0], $0xffff  }
0x394: {  	v5 =	vor.u32 v18, v2;
	_ =	sdelay $0x3  }
0x395: {  	[tilespmem:v4+s29+$0x0] =	vst.idx.msk $0xffff, v6  }
0x396: {  	v4 =	vor.u32 v19, v1;
	v6 =	vld.idx.msk [tilespmem:v5+s23+$0x0], $0xffff  }
0x397: {  	v5 =	vor.u32 v20, v2;
	_ =	sdelay $0x3  }
0x398: {  	[tilespmem:v4+s29+$0x0] =	vst.idx.msk $0xffff, v6  }
0x399: {  	v4 =	vor.u32 v21, v1;
	v6 =	vld.idx.msk [tilespmem:v5+s23+$0x0], $0xffff  }
0x39a: {  	v5 =	vor.u32 v22, v0;
	_ =	sdelay $0x3  }
0x39b: {  	[tilespmem:v4+s29+$0x0] =	vst.idx.msk $0xffff, v6  }
0x39c: {  	v4 =	vor.u32 v23, v1;
	v6 =	vld.idx.msk [tilespmem:v5+s23+$0x0], $0xffff  }
0x39d: {  	v5 =	vor.u32 v24, v0;
	_ =	sdelay $0x3  }
0x39e: {  	[tilespmem:v4+s29+$0x0] =	vst.idx.msk $0xffff, v6  }
0x39f: {  	v4 =	vor.u32 v25, v1;
	v6 =	vld.idx.msk [tilespmem:v5+s23+$0x0], $0xffff  }
0x3a0: {  	v5 =	vor.u32 v26, v0;
	_ =	sdelay $0x3  }
0x3a1: {  	[tilespmem:v4+s29+$0x0] =	vst.idx.msk $0xffff, v6  }
0x3a2: {  	v4 =	vor.u32 v27, v1;
	v6 =	vld.idx.msk [tilespmem:v5+s23+$0x0], $0xffff  }
0x3a3: {  	v5 =	vor.u32 v28, v0;
	_ =	sdelay $0x3  }
0x3a4: {  	[tilespmem:v4+s29+$0x0] =	vst.idx.msk $0xffff, v6  }
0x3a5: {  	v4 =	vor.u32 v29, v1;
	v6 =	vld.idx.msk [tilespmem:v5+s23+$0x0], $0xffff  }
0x3a6: {  	v5 =	vor.u32 v30, v0;
	_ =	sdelay $0x3  }
0x3a7: {  	[tilespmem:v4+s29+$0x0] =	vst.idx.msk $0xffff, v6  }
0x3a8: {  	v4 =	vor.u32 v31, v1;
	v6 =	vld.idx.msk [tilespmem:v5+s23+$0x0], $0xffff  }
0x3a9: {  	v5 =	vor.u32 v32, v0;
	_ =	sdelay $0x3  }
0x3aa: {  	[tilespmem:v4+s29+$0x0] =	vst.idx.msk $0xffff, v6  }
0x3ab: {  	v4 =	vor.u32 v33, v1;
	v6 =	vld.idx.msk [tilespmem:v5+s23+$0x0], $0xffff  }
0x3ac: {  	v5 =	vor.u32 v8, v0;
	_ =	sdelay $0x3  }
0x3ad: {  	[tilespmem:v4+s29+$0x0] =	vst.idx.msk $0xffff, v6  }
0x3ae: {  	v4 =	vor.u32 v9, v1;
	v6 =	vld.idx.msk [tilespmem:v5+s23+$0x0], $0xffff  }
0x3af: {  	v5 =	vor.u32 v10, v0;
	_ =	sdelay $0x3  }
0x3b0: {  	[tilespmem:v4+s29+$0x0] =	vst.idx.msk $0xffff, v6  }
0x3b1: {  	v4 =	vor.u32 v34, v1;
	v6 =	vld.idx.msk [tilespmem:v5+s23+$0x0], $0xffff  }
0x3b2: {  	v5 =	vor.u32 v11, v2;
	_ =	sdelay $0x3  }
0x3b3: {  	[tilespmem:v4+s29+$0x0] =	vst.idx.msk $0xffff, v6  }
0x3b4: {  	v4 =	vor.u32 v35, v1;
	v6 =	vld.idx.msk [tilespmem:v5+s23+$0x0], $0xffff  }
0x3b5: {  	v5 =	vor.u32 v12, v2;
	_ =	sdelay $0x3  }
0x3b6: {  	[tilespmem:v4+s29+$0x0] =	vst.idx.msk $0xffff, v6  }
0x3b7: {  	v4 =	vor.u32 v36, v1;
	v6 =	vld.idx.msk [tilespmem:v5+s23+$0x0], $0xffff  }
0x3b8: {  	v5 =	vor.u32 v13, v2;
	_ =	sdelay $0x3  }
0x3b9: {  	[tilespmem:v4+s29+$0x0] =	vst.idx.msk $0xffff, v6  }
0x3ba: {  	v4 =	vor.u32 v37, v1;
	v3 =	vld.idx.msk [tilespmem:v5+s23+$0x0], $0xffff  }
0x3bb: {  	v5 =	vor.u32 v38, v2;
	_ =	sdelay $0x3  }
0x3bc: {  	[tilespmem:v4+s29+$0x0] =	vst.idx.msk $0xffff, v3  }
0x3bd: {  	v4 =	vor.u32 v39, v1;
	v3 =	vld.idx.msk [tilespmem:v5+s23+$0x0], $0xffff  }
0x3be: {  	v5 =	vor.u32 v40, v2;
	_ =	sdelay $0x3  }
0x3bf: {  	[tilespmem:v4+s29+$0x0] =	vst.idx.msk $0xffff, v3  }
0x3c0: {  	v4 =	vor.u32 v41, v1;
	v3 =	vld.idx.msk [tilespmem:v5+s23+$0x0], $0xffff  }
0x3c1: {  	v5 =	vor.u32 v42, v2;
	_ =	sdelay $0x3  }
0x3c2: {  	[tilespmem:v4+s29+$0x0] =	vst.idx.msk $0xffff, v3  }
0x3c3: {  	v4 =	vor.u32 v43, v1;
	v3 =	vld.idx.msk [tilespmem:v5+s23+$0x0], $0xffff  }
0x3c4: {  	v5 =	vor.u32 v44, v2;
	_ =	sdelay $0x3  }
0x3c5: {  	[tilespmem:v4+s29+$0x0] =	vst.idx.msk $0xffff, v3  }
0x3c6: {  	v4 =	vor.u32 v45, v1;
	v3 =	vld.idx.msk [tilespmem:v5+s23+$0x0], $0xffff  }
0x3c7: {  	v2 =	vor.u32 v46, v2;
	_ =	sdelay $0x3  }
0x3c8: {  	[tilespmem:v4+s29+$0x0] =	vst.idx.msk $0xffff, v3  }
0x3c9: {  	v3 =	vor.u32 v47, v1;
	v2 =	vld.idx.msk [tilespmem:v2+s23+$0x0], $0xffff  }
0x3ca: {  	v4 =	vor.u32 v48, v0;
	_ =	sdelay $0x3  }
0x3cb: {  	[tilespmem:v3+s29+$0x0] =	vst.idx.msk $0xffff, v2  }
0x3cc: {  	v3 =	vor.u32 v49, v1;
	v2 =	vld.idx.msk [tilespmem:v4+s23+$0x0], $0xffff  }
0x3cd: {  	v4 =	vor.u32 v50, v0;
	_ =	sdelay $0x3  }
0x3ce: {  	[tilespmem:v3+s29+$0x0] =	vst.idx.msk $0xffff, v2  }
0x3cf: {  	v3 =	vor.u32 v51, v1;
	v2 =	vld.idx.msk [tilespmem:v4+s23+$0x0], $0xffff  }
0x3d0: {  	v4 =	vor.u32 v52, v0;
	_ =	sdelay $0x3  }
0x3d1: {  	[tilespmem:v3+s29+$0x0] =	vst.idx.msk $0xffff, v2  }
0x3d2: {  	v3 =	vor.u32 v53, v1;
	v2 =	vld.idx.msk [tilespmem:v4+s23+$0x0], $0xffff  }
0x3d3: {  	v4 =	vor.u32 v54, v0;
	_ =	sdelay $0x3  }
0x3d4: {  	[tilespmem:v3+s29+$0x0] =	vst.idx.msk $0xffff, v2  }
0x3d5: {  	v3 =	vor.u32 v55, v1;
	v2 =	vld.idx.msk [tilespmem:v4+s23+$0x0], $0xffff  }
0x3d6: {  	v4 =	vor.u32 v56, v0;
	_ =	sdelay $0x3  }
0x3d7: {  	[tilespmem:v3+s29+$0x0] =	vst.idx.msk $0xffff, v2  }
0x3d8: {  	v3 =	vor.u32 v57, v1;
	v2 =	vld.idx.msk [tilespmem:v4+s23+$0x0], $0xffff  }
0x3d9: {  	v4 =	vor.u32 v58, v0;
	_ =	sdelay $0x3  }
0x3da: {  	[tilespmem:v3+s29+$0x0] =	vst.idx.msk $0xffff, v2  }
0x3db: {  	v3 =	vor.u32 v59, v1;
	v2 =	vld.idx.msk [tilespmem:v4+s23+$0x0], $0xffff  }
0x3dc: {  	v4 =	vor.u32 v60, v0;
	_ =	sdelay $0x3  }
0x3dd: {  	[tilespmem:v3+s29+$0x0] =	vst.idx.msk $0xffff, v2  }
0x3de: {  	v3 =	vor.u32 v61, v1;
	v2 =	vld.idx.msk [tilespmem:v4+s23+$0x0], $0xffff  }
0x3df: {  	v0 =	vor.u32 v62, v0;
	_ =	sdelay $0x3  }
0x3e0: {  	[tilespmem:v3+s29+$0x0] =	vst.idx.msk $0xffff, v2  }
0x3e1: {  	v1 =	vor.u32 v63, v1;
	v0 =	vld.idx.msk [tilespmem:v0+s23+$0x0], $0xffff  }
0x3e2: {  	s8 =	smul.u32 $0xC0000, s0;
	_ =	sdelay $0x1  }
0x3e3: {  	s7 =	sadd.s32 s9, s8  }
0x3e4: {  	s7 =	sshrl.u32 s7, $0x3  }
0x3e5: {  	s7 =	sadd.s32 s1, s7;
	[tilespmem:v1+s29+$0x0] =	vst.idx.msk $0xffff, v0  }
0x3e6: {  	[hbm4b:s7+s14] =	stream.strided.scatter [tilespmem:s29], [sflag:$0x6], $0x2000, s15, s14, $0x38;
	[tilespmem:$0x18400] =	vst v63  }
0x3e7: {  	s10 =	smul.u32 $0x3, s0;
	_ =	swait.ge [sflag:s30], $0x2000  }
0x3e8: {  	v1 =	vld [tilespmem:$0x1FFF0]  }
0x3e9: {  	s7 =	sadd.s32 $0x1, s10  }
0x3ea: {  	v4 =	vlaneseq.u32;
	s10 =	sshll.u32 s7, $0x7;
	[sflag:s30] =	ssyncset.done $0x0  }
0x3eb: {  	v0 =	vadd.s32 s11, v4;
	s10 =	sand.u32 $0x3FFFFF80, s10;
	[sflag:s30] =	ssyncadd.s32 $0xFFFFE000  }
0x3ec: {  	v2 =	vand.u32 $0xF, v0;
	[tilespmem:s19], [sflag:$0x2] =	stream.indirect.gather [hbm4b:s5+s17], $0x80, s10, s17, $0xb8;
	[tilespmem:$0x18400] =	vst v63  }
0x3ed: {  	_ =	swait.ge [sflag:s20], $0x4000;
	v3 =	vor.u32 v1, v2  }
0x3ee: {  	v5 =	vld [tilespmem:$0x1FDC0];
	_ =	sdelay $0x1  }
0x3ef: {  	[sflag:s20] =	ssyncset.done $0x0  }
0x3f0: {  	[sflag:s20] =	ssyncadd.s32 $0xFFFFC000;
	v1 =	vshll.u32 v2, $0x7  }
0x3f1: {  	v4 =	vor.u32 v4, v1;
	v3 =	vld.idx.msk [tilespmem:v3+s18+$0x0], $0xffff  }
0x3f2: {  	v5 =	vor.u32 v5, v2;
	_ =	sdelay $0x3  }
0x3f3: {  	[tilespmem:v4+s21+$0x0] =	vst.idx.msk $0xffff, v3;
	v4 =	vld [tilespmem:$0x1FDD0]  }
0x3f4: {  	v3 =	vld.idx.msk [tilespmem:v5+s18+$0x0], $0xffff  }
0x3f5: {  	v5 =	vld [tilespmem:$0x1FDE0];
	_ =	sdelay $0x3  }
0x3f6: {  	v4 =	vor.u32 v4, v1  }
0x3f7: {  	v5 =	vor.u32 v5, v2;
	_ =	sdelay $0x3  }
0x3f8: {  	[tilespmem:v4+s21+$0x0] =	vst.idx.msk $0xffff, v3;
	v4 =	vld [tilespmem:$0x1FDF0]  }
0x3f9: {  	v3 =	vld.idx.msk [tilespmem:v5+s18+$0x0], $0xffff  }
0x3fa: {  	v5 =	vld [tilespmem:$0x1FE00];
	_ =	sdelay $0x3  }
0x3fb: {  	v4 =	vor.u32 v4, v1  }
0x3fc: {  	v5 =	vor.u32 v5, v2;
	_ =	sdelay $0x3  }
0x3fd: {  	[tilespmem:v4+s21+$0x0] =	vst.idx.msk $0xffff, v3;
	v4 =	vld [tilespmem:$0x1FE10]  }
0x3fe: {  	v3 =	vld.idx.msk [tilespmem:v5+s18+$0x0], $0xffff  }
0x3ff: {  	v5 =	vld [tilespmem:$0x1FF00];
	_ =	sdelay $0x3  }
0x400: {  	v4 =	vor.u32 v4, v1  }
0x401: {  	v5 =	vor.u32 v5, v2;
	_ =	sdelay $0x3  }
0x402: {  	[tilespmem:v4+s21+$0x0] =	vst.idx.msk $0xffff, v3;
	v4 =	vld [tilespmem:$0x1FE20]  }
0x403: {  	v3 =	vld.idx.msk [tilespmem:v5+s18+$0x0], $0xffff  }
0x404: {  	v5 =	vld [tilespmem:$0x1FF10];
	_ =	sdelay $0x3  }
0x405: {  	v4 =	vor.u32 v4, v1  }
0x406: {  	v5 =	vor.u32 v5, v2;
	_ =	sdelay $0x3  }
0x407: {  	[tilespmem:v4+s21+$0x0] =	vst.idx.msk $0xffff, v3;
	v4 =	vld [tilespmem:$0x1FE30]  }
0x408: {  	v3 =	vld.idx.msk [tilespmem:v5+s18+$0x0], $0xffff  }
0x409: {  	v5 =	vld [tilespmem:$0x1FF20];
	_ =	sdelay $0x3  }
0x40a: {  	v4 =	vor.u32 v4, v1  }
0x40b: {  	v5 =	vor.u32 v5, v2;
	_ =	sdelay $0x3  }
0x40c: {  	[tilespmem:v4+s21+$0x0] =	vst.idx.msk $0xffff, v3;
	v4 =	vld [tilespmem:$0x1FE40]  }
0x40d: {  	v3 =	vld.idx.msk [tilespmem:v5+s18+$0x0], $0xffff  }
0x40e: {  	v5 =	vld [tilespmem:$0x1FF30];
	_ =	sdelay $0x3  }
0x40f: {  	v4 =	vor.u32 v4, v1  }
0x410: {  	v5 =	vor.u32 v5, v2;
	_ =	sdelay $0x3  }
0x411: {  	[tilespmem:v4+s21+$0x0] =	vst.idx.msk $0xffff, v3;
	v4 =	vld [tilespmem:$0x1FE50]  }
0x412: {  	v3 =	vld.idx.msk [tilespmem:v5+s18+$0x0], $0xffff  }
0x413: {  	v5 =	vld [tilespmem:$0x1FF40];
	_ =	sdelay $0x3  }
0x414: {  	v4 =	vor.u32 v4, v1  }
0x415: {  	v5 =	vor.u32 v5, v0;
	_ =	sdelay $0x3  }
0x416: {  	[tilespmem:v4+s21+$0x0] =	vst.idx.msk $0xffff, v3;
	v4 =	vld [tilespmem:$0x1FE60]  }
0x417: {  	v3 =	vld.idx.msk [tilespmem:v5+s18+$0x0], $0xffff  }
0x418: {  	v5 =	vld [tilespmem:$0x1FF50];
	_ =	sdelay $0x3  }
0x419: {  	v4 =	vor.u32 v4, v1  }
0x41a: {  	v5 =	vor.u32 v5, v0;
	_ =	sdelay $0x3  }
0x41b: {  	[tilespmem:v4+s21+$0x0] =	vst.idx.msk $0xffff, v3;
	v4 =	vld [tilespmem:$0x1FE70]  }
0x41c: {  	v3 =	vld.idx.msk [tilespmem:v5+s18+$0x0], $0xffff  }
0x41d: {  	v5 =	vld [tilespmem:$0x1FF60];
	_ =	sdelay $0x3  }
0x41e: {  	v4 =	vor.u32 v4, v1  }
0x41f: {  	v5 =	vor.u32 v5, v0;
	_ =	sdelay $0x3  }
0x420: {  	[tilespmem:v4+s21+$0x0] =	vst.idx.msk $0xffff, v3;
	v4 =	vld [tilespmem:$0x1FE80]  }
0x421: {  	v3 =	vld.idx.msk [tilespmem:v5+s18+$0x0], $0xffff  }
0x422: {  	v5 =	vld [tilespmem:$0x1FF70];
	_ =	sdelay $0x3  }
0x423: {  	v4 =	vor.u32 v4, v1  }
0x424: {  	v5 =	vor.u32 v5, v0;
	_ =	sdelay $0x3  }
0x425: {  	[tilespmem:v4+s21+$0x0] =	vst.idx.msk $0xffff, v3;
	v4 =	vld [tilespmem:$0x1FE90]  }
0x426: {  	v3 =	vld.idx.msk [tilespmem:v5+s18+$0x0], $0xffff  }
0x427: {  	v5 =	vld [tilespmem:$0x1FF80];
	_ =	sdelay $0x3  }
0x428: {  	v4 =	vor.u32 v4, v1  }
0x429: {  	v5 =	vor.u32 v5, v0;
	_ =	sdelay $0x3  }
0x42a: {  	[tilespmem:v4+s21+$0x0] =	vst.idx.msk $0xffff, v3;
	v4 =	vld [tilespmem:$0x1FEA0]  }
0x42b: {  	v3 =	vld.idx.msk [tilespmem:v5+s18+$0x0], $0xffff  }
0x42c: {  	v5 =	vld [tilespmem:$0x1FF90];
	_ =	sdelay $0x3  }
0x42d: {  	v4 =	vor.u32 v4, v1  }
0x42e: {  	v5 =	vor.u32 v5, v0;
	_ =	sdelay $0x3  }
0x42f: {  	[tilespmem:v4+s21+$0x0] =	vst.idx.msk $0xffff, v3;
	v4 =	vld [tilespmem:$0x1FEB0]  }
0x430: {  	v3 =	vld.idx.msk [tilespmem:v5+s18+$0x0], $0xffff  }
0x431: {  	v5 =	vld [tilespmem:$0x1FFA0];
	_ =	sdelay $0x3  }
0x432: {  	v4 =	vor.u32 v4, v1  }
0x433: {  	v5 =	vor.u32 v5, v0;
	_ =	sdelay $0x3  }
0x434: {  	[tilespmem:v4+s21+$0x0] =	vst.idx.msk $0xffff, v3;
	v4 =	vld [tilespmem:$0x1FEC0]  }
0x435: {  	v3 =	vld.idx.msk [tilespmem:v5+s18+$0x0], $0xffff  }
0x436: {  	v5 =	vld [tilespmem:$0x1FFB0];
	_ =	sdelay $0x3  }
0x437: {  	v4 =	vor.u32 v4, v1  }
0x438: {  	v5 =	vor.u32 v5, v0;
	_ =	sdelay $0x3  }
0x439: {  	[tilespmem:v4+s21+$0x0] =	vst.idx.msk $0xffff, v3;
	v4 =	vld [tilespmem:$0x1FED0]  }
0x43a: {  	v3 =	vld.idx.msk [tilespmem:v5+s18+$0x0], $0xffff  }
0x43b: {  	v5 =	vld [tilespmem:$0x1FFC0];
	_ =	sdelay $0x3  }
0x43c: {  	v4 =	vor.u32 v4, v1  }
0x43d: {  	v5 =	vor.u32 v5, v2;
	_ =	sdelay $0x3  }
0x43e: {  	[tilespmem:v4+s21+$0x0] =	vst.idx.msk $0xffff, v3;
	v4 =	vld [tilespmem:$0x1FEE0]  }
0x43f: {  	v3 =	vld.idx.msk [tilespmem:v5+s18+$0x0], $0xffff  }
0x440: {  	v5 =	vld [tilespmem:$0x1FFD0];
	_ =	sdelay $0x3  }
0x441: {  	v4 =	vor.u32 v4, v1  }
0x442: {  	v5 =	vor.u32 v5, v2;
	_ =	sdelay $0x3  }
0x443: {  	[tilespmem:v4+s21+$0x0] =	vst.idx.msk $0xffff, v3;
	v4 =	vld [tilespmem:$0x1FEF0]  }
0x444: {  	v3 =	vld.idx.msk [tilespmem:v5+s18+$0x0], $0xffff  }
0x445: {  	v5 =	vld [tilespmem:$0x1FFE0];
	_ =	sdelay $0x3  }
0x446: {  	v4 =	vor.u32 v4, v1  }
0x447: {  	v5 =	vor.u32 v5, v2;
	_ =	sdelay $0x3  }
0x448: {  	[tilespmem:v4+s21+$0x0] =	vst.idx.msk $0xffff, v3  }
0x449: {  	v4 =	vor.u32 v37, v1;
	v3 =	vld.idx.msk [tilespmem:v5+s18+$0x0], $0xffff  }
0x44a: {  	v5 =	vor.u32 v38, v2;
	_ =	sdelay $0x3  }
0x44b: {  	[tilespmem:v4+s21+$0x0] =	vst.idx.msk $0xffff, v3  }
0x44c: {  	v4 =	vor.u32 v39, v1;
	v3 =	vld.idx.msk [tilespmem:v5+s18+$0x0], $0xffff  }
0x44d: {  	v5 =	vor.u32 v40, v2;
	_ =	sdelay $0x3  }
0x44e: {  	[tilespmem:v4+s21+$0x0] =	vst.idx.msk $0xffff, v3  }
0x44f: {  	v4 =	vor.u32 v41, v1;
	v3 =	vld.idx.msk [tilespmem:v5+s18+$0x0], $0xffff  }
0x450: {  	v5 =	vor.u32 v42, v2;
	_ =	sdelay $0x3  }
0x451: {  	[tilespmem:v4+s21+$0x0] =	vst.idx.msk $0xffff, v3  }
0x452: {  	v4 =	vor.u32 v43, v1;
	v3 =	vld.idx.msk [tilespmem:v5+s18+$0x0], $0xffff  }
0x453: {  	v5 =	vor.u32 v44, v2;
	_ =	sdelay $0x3  }
0x454: {  	[tilespmem:v4+s21+$0x0] =	vst.idx.msk $0xffff, v3  }
0x455: {  	v4 =	vor.u32 v45, v1;
	v3 =	vld.idx.msk [tilespmem:v5+s18+$0x0], $0xffff  }
0x456: {  	v2 =	vor.u32 v46, v2;
	_ =	sdelay $0x3  }
0x457: {  	[tilespmem:v4+s21+$0x0] =	vst.idx.msk $0xffff, v3  }
0x458: {  	v3 =	vor.u32 v47, v1;
	v2 =	vld.idx.msk [tilespmem:v2+s18+$0x0], $0xffff  }
0x459: {  	v4 =	vor.u32 v48, v0;
	_ =	sdelay $0x3  }
0x45a: {  	[tilespmem:v3+s21+$0x0] =	vst.idx.msk $0xffff, v2  }
0x45b: {  	v3 =	vor.u32 v49, v1;
	v2 =	vld.idx.msk [tilespmem:v4+s18+$0x0], $0xffff  }
0x45c: {  	v4 =	vor.u32 v50, v0;
	_ =	sdelay $0x3  }
0x45d: {  	[tilespmem:v3+s21+$0x0] =	vst.idx.msk $0xffff, v2  }
0x45e: {  	v3 =	vor.u32 v51, v1;
	v2 =	vld.idx.msk [tilespmem:v4+s18+$0x0], $0xffff  }
0x45f: {  	v4 =	vor.u32 v52, v0;
	_ =	sdelay $0x3  }
0x460: {  	[tilespmem:v3+s21+$0x0] =	vst.idx.msk $0xffff, v2  }
0x461: {  	v3 =	vor.u32 v53, v1;
	v2 =	vld.idx.msk [tilespmem:v4+s18+$0x0], $0xffff  }
0x462: {  	v4 =	vor.u32 v54, v0;
	_ =	sdelay $0x3  }
0x463: {  	[tilespmem:v3+s21+$0x0] =	vst.idx.msk $0xffff, v2  }
0x464: {  	v3 =	vor.u32 v55, v1;
	v2 =	vld.idx.msk [tilespmem:v4+s18+$0x0], $0xffff  }
0x465: {  	v4 =	vor.u32 v56, v0;
	_ =	sdelay $0x3  }
0x466: {  	[tilespmem:v3+s21+$0x0] =	vst.idx.msk $0xffff, v2  }
0x467: {  	v3 =	vor.u32 v57, v1;
	v2 =	vld.idx.msk [tilespmem:v4+s18+$0x0], $0xffff  }
0x468: {  	v4 =	vor.u32 v58, v0;
	_ =	sdelay $0x3  }
0x469: {  	[tilespmem:v3+s21+$0x0] =	vst.idx.msk $0xffff, v2  }
0x46a: {  	v3 =	vor.u32 v59, v1;
	v2 =	vld.idx.msk [tilespmem:v4+s18+$0x0], $0xffff  }
0x46b: {  	v4 =	vor.u32 v60, v0;
	_ =	sdelay $0x3  }
0x46c: {  	[tilespmem:v3+s21+$0x0] =	vst.idx.msk $0xffff, v2  }
0x46d: {  	v3 =	vor.u32 v61, v1;
	v2 =	vld.idx.msk [tilespmem:v4+s18+$0x0], $0xffff  }
0x46e: {  	v4 =	vor.u32 v62, v0;
	_ =	sdelay $0x3  }
0x46f: {  	v6 =	vlaneseq.u32;
	s10 =	simm.s32 $0x1;
	[tilespmem:v3+s21+$0x0] =	vst.idx.msk $0xffff, v2  }
0x470: {  	v0 =	vadd.s32 s10, v6;
	s10 =	simm.s32 $0x2;
	v3 =	vld.idx.msk [tilespmem:v4+s18+$0x0], $0xffff  }
.LBB2_9:
0x471: {  	v2 =	vand.u32 $0xF, v0;
	v1 =	vor.u32 v63, v1  }
0x472: {  	v4 =	vor.u32 v7, v2;
	_ =	sdelay $0x2  }
0x473: {  	v5 =	vld [tilespmem:$0x1FDC0]  }
0x474: {  	v6 =	vlaneseq.u32;
	[tilespmem:v1+s21+$0x0] =	vst.idx.msk $0xffff, v3;
	v1 =	vshll.u32 v2, $0x7  }
0x475: {  	v3 =	vld.idx.msk [tilespmem:v4+s18+$0x0], $0xffff;
	v4 =	vor.u32 v6, v1;
	_ =	sdelay $0x2  }
0x476: {  	v5 =	vor.u32 v5, v2;
	_ =	sdelay $0x1  }
0x477: {  	[tilespmem:v4+s21+$0x0] =	vst.idx.msk $0xffff, v3;
	v4 =	vld [tilespmem:$0x1FDD0];
	_ =	sdelay $0x2  }
0x478: {  	v3 =	vld.idx.msk [tilespmem:v5+s18+$0x0], $0xffff  }
0x479: {  	v5 =	vld [tilespmem:$0x1FDE0]  }
0x47a: {  	v4 =	vor.u32 v4, v1;
	_ =	sdelay $0x3  }
0x47b: {  	v5 =	vor.u32 v5, v2  }
0x47c: {  	[tilespmem:v4+s21+$0x0] =	vst.idx.msk $0xffff, v3;
	v4 =	vld [tilespmem:$0x1FDF0];
	_ =	sdelay $0x3  }
0x47d: {  	v3 =	vld.idx.msk [tilespmem:v5+s18+$0x0], $0xffff  }
0x47e: {  	v5 =	vld [tilespmem:$0x1FE00];
	v4 =	vor.u32 v4, v1;
	_ =	sdelay $0x4  }
0x47f: {  	v5 =	vor.u32 v5, v2;
	[tilespmem:v4+s21+$0x0] =	vst.idx.msk $0xffff, v3;
	v4 =	vld [tilespmem:$0x1FE10];
	_ =	sdelay $0x4  }
0x480: {  	v3 =	vld.idx.msk [tilespmem:v5+s18+$0x0], $0xffff;
	v4 =	vor.u32 v4, v1  }
0x481: {  	v5 =	vor.u32 v14, v2;
	_ =	sdelay $0x3  }
0x482: {  	[tilespmem:v4+s21+$0x0] =	vst.idx.msk $0xffff, v3  }
0x483: {  	v4 =	vor.u32 v15, v1;
	v3 =	vld.idx.msk [tilespmem:v5+s18+$0x0], $0xffff  }
0x484: {  	v5 =	vor.u32 v16, v2;
	_ =	sdelay $0x3  }
0x485: {  	[tilespmem:v4+s21+$0x0] =	vst.idx.msk $0xffff, v3  }
0x486: {  	v4 =	vor.u32 v17, v1;
	v3 =	vld.idx.msk [tilespmem:v5+s18+$0x0], $0xffff  }
0x487: {  	v5 =	vor.u32 v18, v2;
	_ =	sdelay $0x3  }
0x488: {  	[tilespmem:v4+s21+$0x0] =	vst.idx.msk $0xffff, v3  }
0x489: {  	v4 =	vor.u32 v19, v1;
	v3 =	vld.idx.msk [tilespmem:v5+s18+$0x0], $0xffff  }
0x48a: {  	v5 =	vor.u32 v20, v2;
	_ =	sdelay $0x3  }
0x48b: {  	[tilespmem:v4+s21+$0x0] =	vst.idx.msk $0xffff, v3  }
0x48c: {  	v4 =	vor.u32 v21, v1;
	v3 =	vld.idx.msk [tilespmem:v5+s18+$0x0], $0xffff  }
0x48d: {  	v5 =	vor.u32 v22, v0;
	_ =	sdelay $0x3  }
0x48e: {  	[tilespmem:v4+s21+$0x0] =	vst.idx.msk $0xffff, v3  }
0x48f: {  	v4 =	vor.u32 v23, v1;
	v3 =	vld.idx.msk [tilespmem:v5+s18+$0x0], $0xffff  }
0x490: {  	v5 =	vor.u32 v24, v0;
	_ =	sdelay $0x3  }
0x491: {  	[tilespmem:v4+s21+$0x0] =	vst.idx.msk $0xffff, v3  }
0x492: {  	v4 =	vor.u32 v25, v1;
	v3 =	vld.idx.msk [tilespmem:v5+s18+$0x0], $0xffff  }
0x493: {  	v5 =	vor.u32 v26, v0;
	_ =	sdelay $0x3  }
0x494: {  	[tilespmem:v4+s21+$0x0] =	vst.idx.msk $0xffff, v3  }
0x495: {  	v4 =	vor.u32 v27, v1;
	v3 =	vld.idx.msk [tilespmem:v5+s18+$0x0], $0xffff  }
0x496: {  	v5 =	vor.u32 v28, v0;
	_ =	sdelay $0x3  }
0x497: {  	[tilespmem:v4+s21+$0x0] =	vst.idx.msk $0xffff, v3  }
0x498: {  	v4 =	vor.u32 v29, v1;
	v3 =	vld.idx.msk [tilespmem:v5+s18+$0x0], $0xffff  }
0x499: {  	v5 =	vor.u32 v30, v0;
	_ =	sdelay $0x3  }
0x49a: {  	[tilespmem:v4+s21+$0x0] =	vst.idx.msk $0xffff, v3  }
0x49b: {  	v4 =	vor.u32 v31, v1;
	v3 =	vld.idx.msk [tilespmem:v5+s18+$0x0], $0xffff  }
0x49c: {  	v5 =	vor.u32 v32, v0;
	_ =	sdelay $0x3  }
0x49d: {  	[tilespmem:v4+s21+$0x0] =	vst.idx.msk $0xffff, v3  }
0x49e: {  	v4 =	vor.u32 v33, v1;
	v3 =	vld.idx.msk [tilespmem:v5+s18+$0x0], $0xffff  }
0x49f: {  	v5 =	vor.u32 v8, v0;
	_ =	sdelay $0x3  }
0x4a0: {  	[tilespmem:v4+s21+$0x0] =	vst.idx.msk $0xffff, v3  }
0x4a1: {  	v4 =	vor.u32 v9, v1;
	v3 =	vld.idx.msk [tilespmem:v5+s18+$0x0], $0xffff  }
0x4a2: {  	v5 =	vor.u32 v10, v0;
	_ =	sdelay $0x3  }
0x4a3: {  	[tilespmem:v4+s21+$0x0] =	vst.idx.msk $0xffff, v3  }
0x4a4: {  	v4 =	vor.u32 v34, v1;
	v3 =	vld.idx.msk [tilespmem:v5+s18+$0x0], $0xffff  }
0x4a5: {  	v5 =	vor.u32 v11, v2;
	_ =	sdelay $0x3  }
0x4a6: {  	[tilespmem:v4+s21+$0x0] =	vst.idx.msk $0xffff, v3  }
0x4a7: {  	v4 =	vor.u32 v35, v1;
	v3 =	vld.idx.msk [tilespmem:v5+s18+$0x0], $0xffff  }
0x4a8: {  	v5 =	vor.u32 v12, v2;
	_ =	sdelay $0x3  }
0x4a9: {  	[tilespmem:v4+s21+$0x0] =	vst.idx.msk $0xffff, v3  }
0x4aa: {  	v4 =	vor.u32 v36, v1;
	v3 =	vld.idx.msk [tilespmem:v5+s18+$0x0], $0xffff  }
0x4ab: {  	v5 =	vor.u32 v13, v2;
	_ =	sdelay $0x3  }
0x4ac: {  	[tilespmem:v4+s21+$0x0] =	vst.idx.msk $0xffff, v3  }
0x4ad: {  	v4 =	vor.u32 v37, v1;
	v3 =	vld.idx.msk [tilespmem:v5+s18+$0x0], $0xffff  }
0x4ae: {  	v5 =	vor.u32 v38, v2;
	_ =	sdelay $0x3  }
0x4af: {  	[tilespmem:v4+s21+$0x0] =	vst.idx.msk $0xffff, v3  }
0x4b0: {  	v4 =	vor.u32 v39, v1;
	v3 =	vld.idx.msk [tilespmem:v5+s18+$0x0], $0xffff  }
0x4b1: {  	v5 =	vor.u32 v40, v2;
	_ =	sdelay $0x3  }
0x4b2: {  	[tilespmem:v4+s21+$0x0] =	vst.idx.msk $0xffff, v3  }
0x4b3: {  	v4 =	vor.u32 v41, v1;
	v3 =	vld.idx.msk [tilespmem:v5+s18+$0x0], $0xffff  }
0x4b4: {  	v5 =	vor.u32 v42, v2;
	_ =	sdelay $0x3  }
0x4b5: {  	[tilespmem:v4+s21+$0x0] =	vst.idx.msk $0xffff, v3  }
0x4b6: {  	v4 =	vor.u32 v43, v1;
	v3 =	vld.idx.msk [tilespmem:v5+s18+$0x0], $0xffff  }
0x4b7: {  	v5 =	vor.u32 v44, v2;
	_ =	sdelay $0x3  }
0x4b8: {  	[tilespmem:v4+s21+$0x0] =	vst.idx.msk $0xffff, v3  }
0x4b9: {  	v4 =	vor.u32 v45, v1;
	v3 =	vld.idx.msk [tilespmem:v5+s18+$0x0], $0xffff  }
0x4ba: {  	v2 =	vor.u32 v46, v2;
	_ =	sdelay $0x3  }
0x4bb: {  	[tilespmem:v4+s21+$0x0] =	vst.idx.msk $0xffff, v3  }
0x4bc: {  	v3 =	vor.u32 v47, v1;
	v2 =	vld.idx.msk [tilespmem:v2+s18+$0x0], $0xffff  }
0x4bd: {  	v4 =	vor.u32 v48, v0;
	_ =	sdelay $0x3  }
0x4be: {  	[tilespmem:v3+s21+$0x0] =	vst.idx.msk $0xffff, v2  }
0x4bf: {  	v3 =	vor.u32 v49, v1;
	v2 =	vld.idx.msk [tilespmem:v4+s18+$0x0], $0xffff  }
0x4c0: {  	v4 =	vor.u32 v50, v0;
	_ =	sdelay $0x3  }
0x4c1: {  	[tilespmem:v3+s21+$0x0] =	vst.idx.msk $0xffff, v2  }
0x4c2: {  	v3 =	vor.u32 v51, v1;
	v2 =	vld.idx.msk [tilespmem:v4+s18+$0x0], $0xffff  }
0x4c3: {  	v4 =	vor.u32 v52, v0;
	_ =	sdelay $0x3  }
0x4c4: {  	[tilespmem:v3+s21+$0x0] =	vst.idx.msk $0xffff, v2  }
0x4c5: {  	v3 =	vor.u32 v53, v1;
	v2 =	vld.idx.msk [tilespmem:v4+s18+$0x0], $0xffff  }
0x4c6: {  	v4 =	vor.u32 v54, v0;
	_ =	sdelay $0x3  }
0x4c7: {  	[tilespmem:v3+s21+$0x0] =	vst.idx.msk $0xffff, v2  }
0x4c8: {  	v3 =	vor.u32 v55, v1;
	v2 =	vld.idx.msk [tilespmem:v4+s18+$0x0], $0xffff  }
0x4c9: {  	v4 =	vor.u32 v56, v0;
	_ =	sdelay $0x3  }
0x4ca: {  	[tilespmem:v3+s21+$0x0] =	vst.idx.msk $0xffff, v2  }
0x4cb: {  	v3 =	vor.u32 v57, v1;
	v2 =	vld.idx.msk [tilespmem:v4+s18+$0x0], $0xffff  }
0x4cc: {  	v4 =	vor.u32 v58, v0;
	_ =	sdelay $0x3  }
0x4cd: {  	[tilespmem:v3+s21+$0x0] =	vst.idx.msk $0xffff, v2  }
0x4ce: {  	v3 =	vor.u32 v59, v1;
	v2 =	vld.idx.msk [tilespmem:v4+s18+$0x0], $0xffff  }
0x4cf: {  	v4 =	vor.u32 v60, v0;
	_ =	sdelay $0x3  }
0x4d0: {  	[tilespmem:v3+s21+$0x0] =	vst.idx.msk $0xffff, v2  }
0x4d1: {  	v3 =	vor.u32 v61, v1;
	v2 =	vld.idx.msk [tilespmem:v4+s18+$0x0], $0xffff  }
0x4d2: {  	p0 =	sne.s32 s10, $0xF;
	v4 =	vor.u32 v62, v0  }
.Ltmp3:
0x4d3: {  	_ = 	snop;
	(pc) =	sbr.rel @p0 .LBB2_9-.Ltmp3, $3  }
0x4d4: {  	_ =	sdelay $0x1  }
0x4d5: {  	[tilespmem:v3+s21+$0x0] =	vst.idx.msk $0xffff, v2  }
0x4d6: {  	v0 =	vadd.s32 s10, v6;
	s10 =	sadd.s32 $0x1, s10;
	v3 =	vld.idx.msk [tilespmem:v4+s18+$0x0], $0xffff  }
0x4d7: {  	v2 =	vand.u32 $0xF, v0;
	v1 =	vor.u32 v63, v1  }
0x4d8: {  	v4 =	vor.u32 v7, v2;
	_ =	sdelay $0x3  }
0x4d9: {  	[tilespmem:v1+s21+$0x0] =	vst.idx.msk $0xffff, v3  }
0x4da: {  	v1 =	vshll.u32 v2, $0x7;
	v6 =	vld.idx.msk [tilespmem:v4+s18+$0x0], $0xffff;
	v4 =	vlaneseq.u32  }
0x4db: {  	v3 =	vld [tilespmem:$0x1FDC0];
	v4 =	vor.u32 v4, v1;
	_ =	sdelay $0x4  }
0x4dc: {  	v5 =	vor.u32 v3, v2;
	[tilespmem:v4+s21+$0x0] =	vst.idx.msk $0xffff, v6;
	v4 =	vld [tilespmem:$0x1FDD0];
	_ =	sdelay $0x4  }
0x4dd: {  	v3 =	vld.idx.msk [tilespmem:v5+s18+$0x0], $0xffff;
	v4 =	vor.u32 v4, v1;
	_ =	sdelay $0x3  }
0x4de: {  	v5 =	vld [tilespmem:$0x1FDE0]  }
0x4df: {  	[tilespmem:v4+s21+$0x0] =	vst.idx.msk $0xffff, v3;
	v3 =	vld [tilespmem:$0x1FDF0];
	_ =	sdelay $0x3  }
0x4e0: {  	v5 =	vor.u32 v5, v2  }
0x4e1: {  	v4 =	vor.u32 v3, v1;
	v3 =	vld [tilespmem:$0x1FE00];
	_ =	sdelay $0x3  }
0x4e2: {  	v6 =	vld.idx.msk [tilespmem:v5+s18+$0x0], $0xffff  }
0x4e3: {  	v5 =	vor.u32 v3, v2;
	v3 =	vld [tilespmem:$0x1FE10];
	_ =	sdelay $0x3  }
0x4e4: {  	[tilespmem:v4+s21+$0x0] =	vst.idx.msk $0xffff, v6  }
0x4e5: {  	v6 =	vld.idx.msk [tilespmem:v5+s18+$0x0], $0xffff;
	v4 =	vor.u32 v3, v1  }
0x4e6: {  	v5 =	vor.u32 v14, v2;
	_ =	sdelay $0x3  }
0x4e7: {  	[tilespmem:v4+s21+$0x0] =	vst.idx.msk $0xffff, v6  }
0x4e8: {  	v4 =	vor.u32 v15, v1;
	v6 =	vld.idx.msk [tilespmem:v5+s18+$0x0], $0xffff  }
0x4e9: {  	v5 =	vor.u32 v16, v2;
	_ =	sdelay $0x3  }
0x4ea: {  	[tilespmem:v4+s21+$0x0] =	vst.idx.msk $0xffff, v6  }
0x4eb: {  	v4 =	vor.u32 v17, v1;
	v6 =	vld.idx.msk [tilespmem:v5+s18+$0x0], $0xffff  }
0x4ec: {  	v5 =	vor.u32 v18, v2;
	_ =	sdelay $0x3  }
0x4ed: {  	[tilespmem:v4+s21+$0x0] =	vst.idx.msk $0xffff, v6  }
0x4ee: {  	v4 =	vor.u32 v19, v1;
	v6 =	vld.idx.msk [tilespmem:v5+s18+$0x0], $0xffff  }
0x4ef: {  	v5 =	vor.u32 v20, v2;
	_ =	sdelay $0x3  }
0x4f0: {  	[tilespmem:v4+s21+$0x0] =	vst.idx.msk $0xffff, v6  }
0x4f1: {  	v4 =	vor.u32 v21, v1;
	v6 =	vld.idx.msk [tilespmem:v5+s18+$0x0], $0xffff  }
0x4f2: {  	v5 =	vor.u32 v22, v0;
	_ =	sdelay $0x3  }
0x4f3: {  	[tilespmem:v4+s21+$0x0] =	vst.idx.msk $0xffff, v6  }
0x4f4: {  	v4 =	vor.u32 v23, v1;
	v6 =	vld.idx.msk [tilespmem:v5+s18+$0x0], $0xffff  }
0x4f5: {  	v5 =	vor.u32 v24, v0;
	_ =	sdelay $0x3  }
0x4f6: {  	[tilespmem:v4+s21+$0x0] =	vst.idx.msk $0xffff, v6  }
0x4f7: {  	v4 =	vor.u32 v25, v1;
	v6 =	vld.idx.msk [tilespmem:v5+s18+$0x0], $0xffff  }
0x4f8: {  	v5 =	vor.u32 v26, v0;
	_ =	sdelay $0x3  }
0x4f9: {  	[tilespmem:v4+s21+$0x0] =	vst.idx.msk $0xffff, v6  }
0x4fa: {  	v4 =	vor.u32 v27, v1;
	v6 =	vld.idx.msk [tilespmem:v5+s18+$0x0], $0xffff  }
0x4fb: {  	v5 =	vor.u32 v28, v0;
	_ =	sdelay $0x3  }
0x4fc: {  	[tilespmem:v4+s21+$0x0] =	vst.idx.msk $0xffff, v6  }
0x4fd: {  	v4 =	vor.u32 v29, v1;
	v6 =	vld.idx.msk [tilespmem:v5+s18+$0x0], $0xffff  }
0x4fe: {  	v5 =	vor.u32 v30, v0;
	_ =	sdelay $0x3  }
0x4ff: {  	[tilespmem:v4+s21+$0x0] =	vst.idx.msk $0xffff, v6  }
0x500: {  	v4 =	vor.u32 v31, v1;
	v6 =	vld.idx.msk [tilespmem:v5+s18+$0x0], $0xffff  }
0x501: {  	v5 =	vor.u32 v32, v0;
	_ =	sdelay $0x3  }
0x502: {  	[tilespmem:v4+s21+$0x0] =	vst.idx.msk $0xffff, v6  }
0x503: {  	v4 =	vor.u32 v33, v1;
	v6 =	vld.idx.msk [tilespmem:v5+s18+$0x0], $0xffff  }
0x504: {  	v5 =	vor.u32 v8, v0;
	_ =	sdelay $0x3  }
0x505: {  	[tilespmem:v4+s21+$0x0] =	vst.idx.msk $0xffff, v6  }
0x506: {  	v4 =	vor.u32 v9, v1;
	v6 =	vld.idx.msk [tilespmem:v5+s18+$0x0], $0xffff  }
0x507: {  	v5 =	vor.u32 v10, v0;
	_ =	sdelay $0x3  }
0x508: {  	[tilespmem:v4+s21+$0x0] =	vst.idx.msk $0xffff, v6  }
0x509: {  	v4 =	vor.u32 v34, v1;
	v6 =	vld.idx.msk [tilespmem:v5+s18+$0x0], $0xffff  }
0x50a: {  	v5 =	vor.u32 v11, v2;
	_ =	sdelay $0x3  }
0x50b: {  	[tilespmem:v4+s21+$0x0] =	vst.idx.msk $0xffff, v6  }
0x50c: {  	v4 =	vor.u32 v35, v1;
	v6 =	vld.idx.msk [tilespmem:v5+s18+$0x0], $0xffff  }
0x50d: {  	v5 =	vor.u32 v12, v2;
	_ =	sdelay $0x3  }
0x50e: {  	[tilespmem:v4+s21+$0x0] =	vst.idx.msk $0xffff, v6  }
0x50f: {  	v4 =	vor.u32 v36, v1;
	v6 =	vld.idx.msk [tilespmem:v5+s18+$0x0], $0xffff  }
0x510: {  	v5 =	vor.u32 v13, v2;
	_ =	sdelay $0x3  }
0x511: {  	[tilespmem:v4+s21+$0x0] =	vst.idx.msk $0xffff, v6  }
0x512: {  	v4 =	vor.u32 v37, v1;
	v3 =	vld.idx.msk [tilespmem:v5+s18+$0x0], $0xffff  }
0x513: {  	v5 =	vor.u32 v38, v2;
	_ =	sdelay $0x3  }
0x514: {  	[tilespmem:v4+s21+$0x0] =	vst.idx.msk $0xffff, v3  }
0x515: {  	v4 =	vor.u32 v39, v1;
	v3 =	vld.idx.msk [tilespmem:v5+s18+$0x0], $0xffff  }
0x516: {  	v5 =	vor.u32 v40, v2;
	_ =	sdelay $0x3  }
0x517: {  	[tilespmem:v4+s21+$0x0] =	vst.idx.msk $0xffff, v3  }
0x518: {  	v4 =	vor.u32 v41, v1;
	v3 =	vld.idx.msk [tilespmem:v5+s18+$0x0], $0xffff  }
0x519: {  	v5 =	vor.u32 v42, v2;
	_ =	sdelay $0x3  }
0x51a: {  	[tilespmem:v4+s21+$0x0] =	vst.idx.msk $0xffff, v3  }
0x51b: {  	v4 =	vor.u32 v43, v1;
	v3 =	vld.idx.msk [tilespmem:v5+s18+$0x0], $0xffff  }
0x51c: {  	v5 =	vor.u32 v44, v2;
	_ =	sdelay $0x3  }
0x51d: {  	[tilespmem:v4+s21+$0x0] =	vst.idx.msk $0xffff, v3  }
0x51e: {  	v4 =	vor.u32 v45, v1;
	v3 =	vld.idx.msk [tilespmem:v5+s18+$0x0], $0xffff  }
0x51f: {  	v2 =	vor.u32 v46, v2;
	_ =	sdelay $0x3  }
0x520: {  	[tilespmem:v4+s21+$0x0] =	vst.idx.msk $0xffff, v3  }
0x521: {  	v3 =	vor.u32 v47, v1;
	v2 =	vld.idx.msk [tilespmem:v2+s18+$0x0], $0xffff  }
0x522: {  	v4 =	vor.u32 v48, v0;
	_ =	sdelay $0x3  }
0x523: {  	[tilespmem:v3+s21+$0x0] =	vst.idx.msk $0xffff, v2  }
0x524: {  	v3 =	vor.u32 v49, v1;
	v2 =	vld.idx.msk [tilespmem:v4+s18+$0x0], $0xffff  }
0x525: {  	v4 =	vor.u32 v50, v0;
	_ =	sdelay $0x3  }
0x526: {  	[tilespmem:v3+s21+$0x0] =	vst.idx.msk $0xffff, v2  }
0x527: {  	v3 =	vor.u32 v51, v1;
	v2 =	vld.idx.msk [tilespmem:v4+s18+$0x0], $0xffff  }
0x528: {  	v4 =	vor.u32 v52, v0;
	_ =	sdelay $0x3  }
0x529: {  	[tilespmem:v3+s21+$0x0] =	vst.idx.msk $0xffff, v2  }
0x52a: {  	v3 =	vor.u32 v53, v1;
	v2 =	vld.idx.msk [tilespmem:v4+s18+$0x0], $0xffff  }
0x52b: {  	v4 =	vor.u32 v54, v0;
	_ =	sdelay $0x3  }
0x52c: {  	[tilespmem:v3+s21+$0x0] =	vst.idx.msk $0xffff, v2  }
0x52d: {  	v3 =	vor.u32 v55, v1;
	v2 =	vld.idx.msk [tilespmem:v4+s18+$0x0], $0xffff  }
0x52e: {  	v4 =	vor.u32 v56, v0;
	_ =	sdelay $0x3  }
0x52f: {  	[tilespmem:v3+s21+$0x0] =	vst.idx.msk $0xffff, v2  }
0x530: {  	v3 =	vor.u32 v57, v1;
	v2 =	vld.idx.msk [tilespmem:v4+s18+$0x0], $0xffff  }
0x531: {  	v4 =	vor.u32 v58, v0;
	_ =	sdelay $0x3  }
0x532: {  	[tilespmem:v3+s21+$0x0] =	vst.idx.msk $0xffff, v2  }
0x533: {  	v3 =	vor.u32 v59, v1;
	v2 =	vld.idx.msk [tilespmem:v4+s18+$0x0], $0xffff  }
0x534: {  	v4 =	vor.u32 v60, v0;
	_ =	sdelay $0x3  }
0x535: {  	[tilespmem:v3+s21+$0x0] =	vst.idx.msk $0xffff, v2  }
0x536: {  	v3 =	vor.u32 v61, v1;
	v2 =	vld.idx.msk [tilespmem:v4+s18+$0x0], $0xffff  }
0x537: {  	v0 =	vor.u32 v62, v0;
	_ =	sdelay $0x3  }
0x538: {  	[tilespmem:v3+s21+$0x0] =	vst.idx.msk $0xffff, v2  }
0x539: {  	v1 =	vor.u32 v63, v1;
	v0 =	vld.idx.msk [tilespmem:v0+s18+$0x0], $0xffff;
	_ =	sdelay $0x2  }
0x53a: {  	s8 =	sor.u32 s4, s8  }
0x53b: {  	s8 =	sshrl.u32 s8, $0x3  }
0x53c: {  	s8 =	sadd.s32 s1, s8;
	[tilespmem:v1+s21+$0x0] =	vst.idx.msk $0xffff, v0  }
0x53d: {  	[hbm4b:s8+s14] =	stream.strided.scatter [tilespmem:s21], [sflag:$0x4], $0x2000, s15, s14, $0x38;
	[tilespmem:$0x18400] =	vst v63  }
0x53e: {  	_ =	swait.ge [sflag:s31], $0x2000  }
0x53f: {  	v1 =	vld [tilespmem:$0x1FFF0];
	_ =	sdelay $0x1  }
0x540: {  	s10 =	simm.s32 $0x0;
	v4 =	vlaneseq.u32;
	[sflag:s31] =	ssyncset.done $0x0  }
0x541: {  	s2 =	sadd.s32 $0x100, s2;
	v0 =	vadd.s32 s10, v4;
	[sflag:s31] =	ssyncadd.s32 $0xFFFFE000  }
0x542: {  	v2 =	vand.u32 $0xF, v0;
	[tilespmem:s23], [sflag:$0x3] =	stream.indirect.gather [hbm4b:s5+s17], $0x80, s2, s17, $0xb8;
	[tilespmem:$0x18400] =	vst v63  }
0x543: {  	_ =	swait.ge [sflag:s24], $0x4000;
	v3 =	vor.u32 v1, v2  }
0x544: {  	v5 =	vld [tilespmem:$0x1FDC0];
	_ =	sdelay $0x1  }
0x545: {  	[sflag:s24] =	ssyncset.done $0x0  }
0x546: {  	[sflag:s24] =	ssyncadd.s32 $0xFFFFC000;
	v1 =	vshll.u32 v2, $0x7  }
0x547: {  	v4 =	vor.u32 v4, v1;
	v3 =	vld.idx.msk [tilespmem:v3+s19+$0x0], $0xffff  }
0x548: {  	v5 =	vor.u32 v5, v2;
	_ =	sdelay $0x3  }
0x549: {  	[tilespmem:v4+s25+$0x0] =	vst.idx.msk $0xffff, v3;
	v4 =	vld [tilespmem:$0x1FDD0]  }
0x54a: {  	v3 =	vld.idx.msk [tilespmem:v5+s19+$0x0], $0xffff  }
0x54b: {  	v5 =	vld [tilespmem:$0x1FDE0];
	_ =	sdelay $0x3  }
0x54c: {  	v4 =	vor.u32 v4, v1  }
0x54d: {  	v5 =	vor.u32 v5, v2;
	_ =	sdelay $0x3  }
0x54e: {  	[tilespmem:v4+s25+$0x0] =	vst.idx.msk $0xffff, v3;
	v4 =	vld [tilespmem:$0x1FDF0]  }
0x54f: {  	v3 =	vld.idx.msk [tilespmem:v5+s19+$0x0], $0xffff  }
0x550: {  	v5 =	vld [tilespmem:$0x1FE00];
	_ =	sdelay $0x3  }
0x551: {  	v4 =	vor.u32 v4, v1  }
0x552: {  	v5 =	vor.u32 v5, v2;
	_ =	sdelay $0x3  }
0x553: {  	[tilespmem:v4+s25+$0x0] =	vst.idx.msk $0xffff, v3;
	v4 =	vld [tilespmem:$0x1FE10]  }
0x554: {  	v3 =	vld.idx.msk [tilespmem:v5+s19+$0x0], $0xffff  }
0x555: {  	v5 =	vld [tilespmem:$0x1FF00];
	_ =	sdelay $0x3  }
0x556: {  	v4 =	vor.u32 v4, v1  }
0x557: {  	v5 =	vor.u32 v5, v2;
	_ =	sdelay $0x3  }
0x558: {  	[tilespmem:v4+s25+$0x0] =	vst.idx.msk $0xffff, v3;
	v4 =	vld [tilespmem:$0x1FE20]  }
0x559: {  	v3 =	vld.idx.msk [tilespmem:v5+s19+$0x0], $0xffff  }
0x55a: {  	v5 =	vld [tilespmem:$0x1FF10];
	_ =	sdelay $0x3  }
0x55b: {  	v4 =	vor.u32 v4, v1  }
0x55c: {  	v5 =	vor.u32 v5, v2;
	_ =	sdelay $0x3  }
0x55d: {  	[tilespmem:v4+s25+$0x0] =	vst.idx.msk $0xffff, v3;
	v4 =	vld [tilespmem:$0x1FE30]  }
0x55e: {  	v3 =	vld.idx.msk [tilespmem:v5+s19+$0x0], $0xffff  }
0x55f: {  	v5 =	vld [tilespmem:$0x1FF20];
	_ =	sdelay $0x3  }
0x560: {  	v4 =	vor.u32 v4, v1  }
0x561: {  	v5 =	vor.u32 v5, v2;
	_ =	sdelay $0x3  }
0x562: {  	[tilespmem:v4+s25+$0x0] =	vst.idx.msk $0xffff, v3;
	v4 =	vld [tilespmem:$0x1FE40]  }
0x563: {  	v3 =	vld.idx.msk [tilespmem:v5+s19+$0x0], $0xffff  }
0x564: {  	v5 =	vld [tilespmem:$0x1FF30];
	_ =	sdelay $0x3  }
0x565: {  	v4 =	vor.u32 v4, v1  }
0x566: {  	v5 =	vor.u32 v5, v2;
	_ =	sdelay $0x3  }
0x567: {  	[tilespmem:v4+s25+$0x0] =	vst.idx.msk $0xffff, v3;
	v4 =	vld [tilespmem:$0x1FE50]  }
0x568: {  	v3 =	vld.idx.msk [tilespmem:v5+s19+$0x0], $0xffff  }
0x569: {  	v5 =	vld [tilespmem:$0x1FF40];
	_ =	sdelay $0x3  }
0x56a: {  	v4 =	vor.u32 v4, v1  }
0x56b: {  	v5 =	vor.u32 v5, v0;
	_ =	sdelay $0x3  }
0x56c: {  	[tilespmem:v4+s25+$0x0] =	vst.idx.msk $0xffff, v3;
	v4 =	vld [tilespmem:$0x1FE60]  }
0x56d: {  	v3 =	vld.idx.msk [tilespmem:v5+s19+$0x0], $0xffff  }
0x56e: {  	v5 =	vld [tilespmem:$0x1FF50];
	_ =	sdelay $0x3  }
0x56f: {  	v4 =	vor.u32 v4, v1  }
0x570: {  	v5 =	vor.u32 v5, v0;
	_ =	sdelay $0x3  }
0x571: {  	[tilespmem:v4+s25+$0x0] =	vst.idx.msk $0xffff, v3;
	v4 =	vld [tilespmem:$0x1FE70]  }
0x572: {  	v3 =	vld.idx.msk [tilespmem:v5+s19+$0x0], $0xffff  }
0x573: {  	v5 =	vld [tilespmem:$0x1FF60];
	_ =	sdelay $0x3  }
0x574: {  	v4 =	vor.u32 v4, v1  }
0x575: {  	v5 =	vor.u32 v5, v0;
	_ =	sdelay $0x3  }
0x576: {  	[tilespmem:v4+s25+$0x0] =	vst.idx.msk $0xffff, v3;
	v4 =	vld [tilespmem:$0x1FE80]  }
0x577: {  	v3 =	vld.idx.msk [tilespmem:v5+s19+$0x0], $0xffff  }
0x578: {  	v5 =	vld [tilespmem:$0x1FF70];
	_ =	sdelay $0x3  }
0x579: {  	v4 =	vor.u32 v4, v1  }
0x57a: {  	v5 =	vor.u32 v5, v0;
	_ =	sdelay $0x3  }
0x57b: {  	[tilespmem:v4+s25+$0x0] =	vst.idx.msk $0xffff, v3;
	v4 =	vld [tilespmem:$0x1FE90]  }
0x57c: {  	v3 =	vld.idx.msk [tilespmem:v5+s19+$0x0], $0xffff  }
0x57d: {  	v5 =	vld [tilespmem:$0x1FF80];
	_ =	sdelay $0x3  }
0x57e: {  	v4 =	vor.u32 v4, v1  }
0x57f: {  	v5 =	vor.u32 v5, v0;
	_ =	sdelay $0x3  }
0x580: {  	[tilespmem:v4+s25+$0x0] =	vst.idx.msk $0xffff, v3;
	v4 =	vld [tilespmem:$0x1FEA0]  }
0x581: {  	v3 =	vld.idx.msk [tilespmem:v5+s19+$0x0], $0xffff  }
0x582: {  	v5 =	vld [tilespmem:$0x1FF90];
	_ =	sdelay $0x3  }
0x583: {  	v4 =	vor.u32 v4, v1  }
0x584: {  	v5 =	vor.u32 v5, v0;
	_ =	sdelay $0x3  }
0x585: {  	[tilespmem:v4+s25+$0x0] =	vst.idx.msk $0xffff, v3;
	v4 =	vld [tilespmem:$0x1FEB0]  }
0x586: {  	v3 =	vld.idx.msk [tilespmem:v5+s19+$0x0], $0xffff  }
0x587: {  	v5 =	vld [tilespmem:$0x1FFA0];
	_ =	sdelay $0x3  }
0x588: {  	v4 =	vor.u32 v4, v1  }
0x589: {  	v5 =	vor.u32 v5, v0;
	_ =	sdelay $0x3  }
0x58a: {  	[tilespmem:v4+s25+$0x0] =	vst.idx.msk $0xffff, v3;
	v4 =	vld [tilespmem:$0x1FEC0]  }
0x58b: {  	v3 =	vld.idx.msk [tilespmem:v5+s19+$0x0], $0xffff  }
0x58c: {  	v5 =	vld [tilespmem:$0x1FFB0];
	_ =	sdelay $0x3  }
0x58d: {  	v4 =	vor.u32 v4, v1  }
0x58e: {  	v5 =	vor.u32 v5, v0;
	_ =	sdelay $0x3  }
0x58f: {  	[tilespmem:v4+s25+$0x0] =	vst.idx.msk $0xffff, v3;
	v4 =	vld [tilespmem:$0x1FED0]  }
0x590: {  	v3 =	vld.idx.msk [tilespmem:v5+s19+$0x0], $0xffff  }
0x591: {  	v5 =	vld [tilespmem:$0x1FFC0];
	_ =	sdelay $0x3  }
0x592: {  	v4 =	vor.u32 v4, v1  }
0x593: {  	v5 =	vor.u32 v5, v2;
	_ =	sdelay $0x3  }
0x594: {  	[tilespmem:v4+s25+$0x0] =	vst.idx.msk $0xffff, v3;
	v4 =	vld [tilespmem:$0x1FEE0]  }
0x595: {  	v3 =	vld.idx.msk [tilespmem:v5+s19+$0x0], $0xffff  }
0x596: {  	v5 =	vld [tilespmem:$0x1FFD0];
	_ =	sdelay $0x3  }
0x597: {  	v4 =	vor.u32 v4, v1  }
0x598: {  	v5 =	vor.u32 v5, v2;
	_ =	sdelay $0x3  }
0x599: {  	[tilespmem:v4+s25+$0x0] =	vst.idx.msk $0xffff, v3;
	v4 =	vld [tilespmem:$0x1FEF0]  }
0x59a: {  	v3 =	vld.idx.msk [tilespmem:v5+s19+$0x0], $0xffff  }
0x59b: {  	v5 =	vld [tilespmem:$0x1FFE0];
	_ =	sdelay $0x3  }
0x59c: {  	v4 =	vor.u32 v4, v1  }
0x59d: {  	v5 =	vor.u32 v5, v2;
	_ =	sdelay $0x3  }
0x59e: {  	[tilespmem:v4+s25+$0x0] =	vst.idx.msk $0xffff, v3  }
0x59f: {  	v4 =	vor.u32 v37, v1;
	v3 =	vld.idx.msk [tilespmem:v5+s19+$0x0], $0xffff  }
0x5a0: {  	v5 =	vor.u32 v38, v2;
	_ =	sdelay $0x3  }
0x5a1: {  	[tilespmem:v4+s25+$0x0] =	vst.idx.msk $0xffff, v3  }
0x5a2: {  	v4 =	vor.u32 v39, v1;
	v3 =	vld.idx.msk [tilespmem:v5+s19+$0x0], $0xffff  }
0x5a3: {  	v5 =	vor.u32 v40, v2;
	_ =	sdelay $0x3  }
0x5a4: {  	[tilespmem:v4+s25+$0x0] =	vst.idx.msk $0xffff, v3  }
0x5a5: {  	v4 =	vor.u32 v41, v1;
	v3 =	vld.idx.msk [tilespmem:v5+s19+$0x0], $0xffff  }
0x5a6: {  	v5 =	vor.u32 v42, v2;
	_ =	sdelay $0x3  }
0x5a7: {  	[tilespmem:v4+s25+$0x0] =	vst.idx.msk $0xffff, v3  }
0x5a8: {  	v4 =	vor.u32 v43, v1;
	v3 =	vld.idx.msk [tilespmem:v5+s19+$0x0], $0xffff  }
0x5a9: {  	v5 =	vor.u32 v44, v2;
	_ =	sdelay $0x3  }
0x5aa: {  	[tilespmem:v4+s25+$0x0] =	vst.idx.msk $0xffff, v3  }
0x5ab: {  	v4 =	vor.u32 v45, v1;
	v3 =	vld.idx.msk [tilespmem:v5+s19+$0x0], $0xffff  }
0x5ac: {  	v2 =	vor.u32 v46, v2;
	_ =	sdelay $0x3  }
0x5ad: {  	[tilespmem:v4+s25+$0x0] =	vst.idx.msk $0xffff, v3  }
0x5ae: {  	v3 =	vor.u32 v47, v1;
	v2 =	vld.idx.msk [tilespmem:v2+s19+$0x0], $0xffff  }
0x5af: {  	v4 =	vor.u32 v48, v0;
	_ =	sdelay $0x3  }
0x5b0: {  	[tilespmem:v3+s25+$0x0] =	vst.idx.msk $0xffff, v2  }
0x5b1: {  	v3 =	vor.u32 v49, v1;
	v2 =	vld.idx.msk [tilespmem:v4+s19+$0x0], $0xffff  }
0x5b2: {  	v4 =	vor.u32 v50, v0;
	_ =	sdelay $0x3  }
0x5b3: {  	[tilespmem:v3+s25+$0x0] =	vst.idx.msk $0xffff, v2  }
0x5b4: {  	v3 =	vor.u32 v51, v1;
	v2 =	vld.idx.msk [tilespmem:v4+s19+$0x0], $0xffff  }
0x5b5: {  	v4 =	vor.u32 v52, v0;
	_ =	sdelay $0x3  }
0x5b6: {  	[tilespmem:v3+s25+$0x0] =	vst.idx.msk $0xffff, v2  }
0x5b7: {  	v3 =	vor.u32 v53, v1;
	v2 =	vld.idx.msk [tilespmem:v4+s19+$0x0], $0xffff  }
0x5b8: {  	v4 =	vor.u32 v54, v0;
	_ =	sdelay $0x3  }
0x5b9: {  	[tilespmem:v3+s25+$0x0] =	vst.idx.msk $0xffff, v2  }
0x5ba: {  	v3 =	vor.u32 v55, v1;
	v2 =	vld.idx.msk [tilespmem:v4+s19+$0x0], $0xffff  }
0x5bb: {  	v4 =	vor.u32 v56, v0;
	_ =	sdelay $0x3  }
0x5bc: {  	[tilespmem:v3+s25+$0x0] =	vst.idx.msk $0xffff, v2  }
0x5bd: {  	v3 =	vor.u32 v57, v1;
	v2 =	vld.idx.msk [tilespmem:v4+s19+$0x0], $0xffff  }
0x5be: {  	v4 =	vor.u32 v58, v0;
	_ =	sdelay $0x3  }
0x5bf: {  	[tilespmem:v3+s25+$0x0] =	vst.idx.msk $0xffff, v2  }
0x5c0: {  	v3 =	vor.u32 v59, v1;
	v2 =	vld.idx.msk [tilespmem:v4+s19+$0x0], $0xffff  }
0x5c1: {  	v4 =	vor.u32 v60, v0;
	_ =	sdelay $0x3  }
0x5c2: {  	[tilespmem:v3+s25+$0x0] =	vst.idx.msk $0xffff, v2  }
0x5c3: {  	v3 =	vor.u32 v61, v1;
	v2 =	vld.idx.msk [tilespmem:v4+s19+$0x0], $0xffff  }
0x5c4: {  	v4 =	vor.u32 v62, v0;
	_ =	sdelay $0x3  }
0x5c5: {  	v6 =	vlaneseq.u32;
	s10 =	simm.s32 $0x1;
	[tilespmem:v3+s25+$0x0] =	vst.idx.msk $0xffff, v2  }
0x5c6: {  	s2 =	simm.s32 $0x2;
	v0 =	vadd.s32 s10, v6;
	v3 =	vld.idx.msk [tilespmem:v4+s19+$0x0], $0xffff  }
.LBB2_11:
0x5c7: {  	v2 =	vand.u32 $0xF, v0;
	v1 =	vor.u32 v63, v1  }
0x5c8: {  	v4 =	vor.u32 v7, v2;
	_ =	sdelay $0x2  }
0x5c9: {  	v5 =	vld [tilespmem:$0x1FDC0]  }
0x5ca: {  	v6 =	vlaneseq.u32;
	[tilespmem:v1+s25+$0x0] =	vst.idx.msk $0xffff, v3;
	v1 =	vshll.u32 v2, $0x7  }
0x5cb: {  	v3 =	vld.idx.msk [tilespmem:v4+s19+$0x0], $0xffff;
	v4 =	vor.u32 v6, v1;
	_ =	sdelay $0x2  }
0x5cc: {  	v5 =	vor.u32 v5, v2;
	_ =	sdelay $0x1  }
0x5cd: {  	[tilespmem:v4+s25+$0x0] =	vst.idx.msk $0xffff, v3;
	v4 =	vld [tilespmem:$0x1FDD0];
	_ =	sdelay $0x2  }
0x5ce: {  	v3 =	vld.idx.msk [tilespmem:v5+s19+$0x0], $0xffff  }
0x5cf: {  	v5 =	vld [tilespmem:$0x1FDE0]  }
0x5d0: {  	v4 =	vor.u32 v4, v1;
	_ =	sdelay $0x3  }
0x5d1: {  	v5 =	vor.u32 v5, v2  }
0x5d2: {  	[tilespmem:v4+s25+$0x0] =	vst.idx.msk $0xffff, v3;
	v4 =	vld [tilespmem:$0x1FDF0];
	_ =	sdelay $0x3  }
0x5d3: {  	v3 =	vld.idx.msk [tilespmem:v5+s19+$0x0], $0xffff  }
0x5d4: {  	v5 =	vld [tilespmem:$0x1FE00];
	v4 =	vor.u32 v4, v1;
	_ =	sdelay $0x4  }
0x5d5: {  	v5 =	vor.u32 v5, v2;
	[tilespmem:v4+s25+$0x0] =	vst.idx.msk $0xffff, v3;
	v4 =	vld [tilespmem:$0x1FE10];
	_ =	sdelay $0x4  }
0x5d6: {  	v3 =	vld.idx.msk [tilespmem:v5+s19+$0x0], $0xffff;
	v4 =	vor.u32 v4, v1  }
0x5d7: {  	v5 =	vor.u32 v14, v2;
	_ =	sdelay $0x3  }
0x5d8: {  	[tilespmem:v4+s25+$0x0] =	vst.idx.msk $0xffff, v3  }
0x5d9: {  	v4 =	vor.u32 v15, v1;
	v3 =	vld.idx.msk [tilespmem:v5+s19+$0x0], $0xffff  }
0x5da: {  	v5 =	vor.u32 v16, v2;
	_ =	sdelay $0x3  }
0x5db: {  	[tilespmem:v4+s25+$0x0] =	vst.idx.msk $0xffff, v3  }
0x5dc: {  	v4 =	vor.u32 v17, v1;
	v3 =	vld.idx.msk [tilespmem:v5+s19+$0x0], $0xffff  }
0x5dd: {  	v5 =	vor.u32 v18, v2;
	_ =	sdelay $0x3  }
0x5de: {  	[tilespmem:v4+s25+$0x0] =	vst.idx.msk $0xffff, v3  }
0x5df: {  	v4 =	vor.u32 v19, v1;
	v3 =	vld.idx.msk [tilespmem:v5+s19+$0x0], $0xffff  }
0x5e0: {  	v5 =	vor.u32 v20, v2;
	_ =	sdelay $0x3  }
0x5e1: {  	[tilespmem:v4+s25+$0x0] =	vst.idx.msk $0xffff, v3  }
0x5e2: {  	v4 =	vor.u32 v21, v1;
	v3 =	vld.idx.msk [tilespmem:v5+s19+$0x0], $0xffff  }
0x5e3: {  	v5 =	vor.u32 v22, v0;
	_ =	sdelay $0x3  }
0x5e4: {  	[tilespmem:v4+s25+$0x0] =	vst.idx.msk $0xffff, v3  }
0x5e5: {  	v4 =	vor.u32 v23, v1;
	v3 =	vld.idx.msk [tilespmem:v5+s19+$0x0], $0xffff  }
0x5e6: {  	v5 =	vor.u32 v24, v0;
	_ =	sdelay $0x3  }
0x5e7: {  	[tilespmem:v4+s25+$0x0] =	vst.idx.msk $0xffff, v3  }
0x5e8: {  	v4 =	vor.u32 v25, v1;
	v3 =	vld.idx.msk [tilespmem:v5+s19+$0x0], $0xffff  }
0x5e9: {  	v5 =	vor.u32 v26, v0;
	_ =	sdelay $0x3  }
0x5ea: {  	[tilespmem:v4+s25+$0x0] =	vst.idx.msk $0xffff, v3  }
0x5eb: {  	v4 =	vor.u32 v27, v1;
	v3 =	vld.idx.msk [tilespmem:v5+s19+$0x0], $0xffff  }
0x5ec: {  	v5 =	vor.u32 v28, v0;
	_ =	sdelay $0x3  }
0x5ed: {  	[tilespmem:v4+s25+$0x0] =	vst.idx.msk $0xffff, v3  }
0x5ee: {  	v4 =	vor.u32 v29, v1;
	v3 =	vld.idx.msk [tilespmem:v5+s19+$0x0], $0xffff  }
0x5ef: {  	v5 =	vor.u32 v30, v0;
	_ =	sdelay $0x3  }
0x5f0: {  	[tilespmem:v4+s25+$0x0] =	vst.idx.msk $0xffff, v3  }
0x5f1: {  	v4 =	vor.u32 v31, v1;
	v3 =	vld.idx.msk [tilespmem:v5+s19+$0x0], $0xffff  }
0x5f2: {  	v5 =	vor.u32 v32, v0;
	_ =	sdelay $0x3  }
0x5f3: {  	[tilespmem:v4+s25+$0x0] =	vst.idx.msk $0xffff, v3  }
0x5f4: {  	v4 =	vor.u32 v33, v1;
	v3 =	vld.idx.msk [tilespmem:v5+s19+$0x0], $0xffff  }
0x5f5: {  	v5 =	vor.u32 v8, v0;
	_ =	sdelay $0x3  }
0x5f6: {  	[tilespmem:v4+s25+$0x0] =	vst.idx.msk $0xffff, v3  }
0x5f7: {  	v4 =	vor.u32 v9, v1;
	v3 =	vld.idx.msk [tilespmem:v5+s19+$0x0], $0xffff  }
0x5f8: {  	v5 =	vor.u32 v10, v0;
	_ =	sdelay $0x3  }
0x5f9: {  	[tilespmem:v4+s25+$0x0] =	vst.idx.msk $0xffff, v3  }
0x5fa: {  	v4 =	vor.u32 v34, v1;
	v3 =	vld.idx.msk [tilespmem:v5+s19+$0x0], $0xffff  }
0x5fb: {  	v5 =	vor.u32 v11, v2;
	_ =	sdelay $0x3  }
0x5fc: {  	[tilespmem:v4+s25+$0x0] =	vst.idx.msk $0xffff, v3  }
0x5fd: {  	v4 =	vor.u32 v35, v1;
	v3 =	vld.idx.msk [tilespmem:v5+s19+$0x0], $0xffff  }
0x5fe: {  	v5 =	vor.u32 v12, v2;
	_ =	sdelay $0x3  }
0x5ff: {  	[tilespmem:v4+s25+$0x0] =	vst.idx.msk $0xffff, v3  }
0x600: {  	v4 =	vor.u32 v36, v1;
	v3 =	vld.idx.msk [tilespmem:v5+s19+$0x0], $0xffff  }
0x601: {  	v5 =	vor.u32 v13, v2;
	_ =	sdelay $0x3  }
0x602: {  	[tilespmem:v4+s25+$0x0] =	vst.idx.msk $0xffff, v3  }
0x603: {  	v4 =	vor.u32 v37, v1;
	v3 =	vld.idx.msk [tilespmem:v5+s19+$0x0], $0xffff  }
0x604: {  	v5 =	vor.u32 v38, v2;
	_ =	sdelay $0x3  }
0x605: {  	[tilespmem:v4+s25+$0x0] =	vst.idx.msk $0xffff, v3  }
0x606: {  	v4 =	vor.u32 v39, v1;
	v3 =	vld.idx.msk [tilespmem:v5+s19+$0x0], $0xffff  }
0x607: {  	v5 =	vor.u32 v40, v2;
	_ =	sdelay $0x3  }
0x608: {  	[tilespmem:v4+s25+$0x0] =	vst.idx.msk $0xffff, v3  }
0x609: {  	v4 =	vor.u32 v41, v1;
	v3 =	vld.idx.msk [tilespmem:v5+s19+$0x0], $0xffff  }
0x60a: {  	v5 =	vor.u32 v42, v2;
	_ =	sdelay $0x3  }
0x60b: {  	[tilespmem:v4+s25+$0x0] =	vst.idx.msk $0xffff, v3  }
0x60c: {  	v4 =	vor.u32 v43, v1;
	v3 =	vld.idx.msk [tilespmem:v5+s19+$0x0], $0xffff  }
0x60d: {  	v5 =	vor.u32 v44, v2;
	_ =	sdelay $0x3  }
0x60e: {  	[tilespmem:v4+s25+$0x0] =	vst.idx.msk $0xffff, v3  }
0x60f: {  	v4 =	vor.u32 v45, v1;
	v3 =	vld.idx.msk [tilespmem:v5+s19+$0x0], $0xffff  }
0x610: {  	v2 =	vor.u32 v46, v2;
	_ =	sdelay $0x3  }
0x611: {  	[tilespmem:v4+s25+$0x0] =	vst.idx.msk $0xffff, v3  }
0x612: {  	v3 =	vor.u32 v47, v1;
	v2 =	vld.idx.msk [tilespmem:v2+s19+$0x0], $0xffff  }
0x613: {  	v4 =	vor.u32 v48, v0;
	_ =	sdelay $0x3  }
0x614: {  	[tilespmem:v3+s25+$0x0] =	vst.idx.msk $0xffff, v2  }
0x615: {  	v3 =	vor.u32 v49, v1;
	v2 =	vld.idx.msk [tilespmem:v4+s19+$0x0], $0xffff  }
0x616: {  	v4 =	vor.u32 v50, v0;
	_ =	sdelay $0x3  }
0x617: {  	[tilespmem:v3+s25+$0x0] =	vst.idx.msk $0xffff, v2  }
0x618: {  	v3 =	vor.u32 v51, v1;
	v2 =	vld.idx.msk [tilespmem:v4+s19+$0x0], $0xffff  }
0x619: {  	v4 =	vor.u32 v52, v0;
	_ =	sdelay $0x3  }
0x61a: {  	[tilespmem:v3+s25+$0x0] =	vst.idx.msk $0xffff, v2  }
0x61b: {  	v3 =	vor.u32 v53, v1;
	v2 =	vld.idx.msk [tilespmem:v4+s19+$0x0], $0xffff  }
0x61c: {  	v4 =	vor.u32 v54, v0;
	_ =	sdelay $0x3  }
0x61d: {  	[tilespmem:v3+s25+$0x0] =	vst.idx.msk $0xffff, v2  }
0x61e: {  	v3 =	vor.u32 v55, v1;
	v2 =	vld.idx.msk [tilespmem:v4+s19+$0x0], $0xffff  }
0x61f: {  	v4 =	vor.u32 v56, v0;
	_ =	sdelay $0x3  }
0x620: {  	[tilespmem:v3+s25+$0x0] =	vst.idx.msk $0xffff, v2  }
0x621: {  	v3 =	vor.u32 v57, v1;
	v2 =	vld.idx.msk [tilespmem:v4+s19+$0x0], $0xffff  }
0x622: {  	v4 =	vor.u32 v58, v0;
	_ =	sdelay $0x3  }
0x623: {  	[tilespmem:v3+s25+$0x0] =	vst.idx.msk $0xffff, v2  }
0x624: {  	v3 =	vor.u32 v59, v1;
	v2 =	vld.idx.msk [tilespmem:v4+s19+$0x0], $0xffff  }
0x625: {  	v4 =	vor.u32 v60, v0;
	_ =	sdelay $0x3  }
0x626: {  	[tilespmem:v3+s25+$0x0] =	vst.idx.msk $0xffff, v2  }
0x627: {  	v3 =	vor.u32 v61, v1;
	v2 =	vld.idx.msk [tilespmem:v4+s19+$0x0], $0xffff  }
0x628: {  	p0 =	sne.s32 s2, $0xF;
	v4 =	vor.u32 v62, v0  }
.Ltmp4:
0x629: {  	_ = 	snop;
	(pc) =	sbr.rel @p0 .LBB2_11-.Ltmp4, $3  }
0x62a: {  	_ =	sdelay $0x1  }
0x62b: {  	[tilespmem:v3+s25+$0x0] =	vst.idx.msk $0xffff, v2  }
0x62c: {  	v5 =	vlaneseq.u32;
	v0 =	vadd.s32 s2, v6;
	s2 =	sadd.s32 $0x1, s2;
	v3 =	vld.idx.msk [tilespmem:v4+s19+$0x0], $0xffff  }
0x62d: {  	v2 =	vand.u32 $0xF, v0;
	v1 =	vor.u32 v63, v1  }
0x62e: {  	v4 =	vor.u32 v7, v2;
	_ =	sdelay $0x3  }
0x62f: {  	[tilespmem:v1+s25+$0x0] =	vst.idx.msk $0xffff, v3  }
0x630: {  	v1 =	vshll.u32 v2, $0x7;
	v3 =	vld.idx.msk [tilespmem:v4+s19+$0x0], $0xffff  }
0x631: {  	v4 =	vor.u32 v5, v1;
	v5 =	vld [tilespmem:$0x1FDC0];
	_ =	sdelay $0x4  }
0x632: {  	v5 =	vor.u32 v5, v2;
	_ =	sdelay $0x1  }
0x633: {  	[tilespmem:v4+s25+$0x0] =	vst.idx.msk $0xffff, v3;
	v4 =	vld [tilespmem:$0x1FDD0];
	_ =	sdelay $0x2  }
0x634: {  	v3 =	vld.idx.msk [tilespmem:v5+s19+$0x0], $0xffff  }
0x635: {  	v5 =	vld [tilespmem:$0x1FDE0]  }
0x636: {  	v4 =	vor.u32 v4, v1;
	_ =	sdelay $0x3  }
0x637: {  	v5 =	vor.u32 v5, v2  }
0x638: {  	[tilespmem:v4+s25+$0x0] =	vst.idx.msk $0xffff, v3;
	v4 =	vld [tilespmem:$0x1FDF0];
	_ =	sdelay $0x3  }
0x639: {  	v3 =	vld.idx.msk [tilespmem:v5+s19+$0x0], $0xffff  }
0x63a: {  	v4 =	vor.u32 v4, v1;
	v5 =	vld [tilespmem:$0x1FE00];
	_ =	sdelay $0x4  }
0x63b: {  	v5 =	vor.u32 v5, v2;
	[tilespmem:v4+s25+$0x0] =	vst.idx.msk $0xffff, v3;
	v4 =	vld [tilespmem:$0x1FE10];
	_ =	sdelay $0x4  }
0x63c: {  	v3 =	vld.idx.msk [tilespmem:v5+s19+$0x0], $0xffff;
	v4 =	vor.u32 v4, v1  }
0x63d: {  	v5 =	vor.u32 v14, v2;
	_ =	sdelay $0x3  }
0x63e: {  	[tilespmem:v4+s25+$0x0] =	vst.idx.msk $0xffff, v3  }
0x63f: {  	v4 =	vor.u32 v15, v1;
	v3 =	vld.idx.msk [tilespmem:v5+s19+$0x0], $0xffff  }
0x640: {  	v5 =	vor.u32 v16, v2;
	_ =	sdelay $0x3  }
0x641: {  	[tilespmem:v4+s25+$0x0] =	vst.idx.msk $0xffff, v3  }
0x642: {  	v4 =	vor.u32 v17, v1;
	v3 =	vld.idx.msk [tilespmem:v5+s19+$0x0], $0xffff  }
0x643: {  	v5 =	vor.u32 v18, v2;
	_ =	sdelay $0x3  }
0x644: {  	[tilespmem:v4+s25+$0x0] =	vst.idx.msk $0xffff, v3  }
0x645: {  	v4 =	vor.u32 v19, v1;
	v3 =	vld.idx.msk [tilespmem:v5+s19+$0x0], $0xffff  }
0x646: {  	v5 =	vor.u32 v20, v2;
	_ =	sdelay $0x3  }
0x647: {  	[tilespmem:v4+s25+$0x0] =	vst.idx.msk $0xffff, v3  }
0x648: {  	v4 =	vor.u32 v21, v1;
	v3 =	vld.idx.msk [tilespmem:v5+s19+$0x0], $0xffff  }
0x649: {  	v5 =	vor.u32 v22, v0;
	_ =	sdelay $0x3  }
0x64a: {  	[tilespmem:v4+s25+$0x0] =	vst.idx.msk $0xffff, v3  }
0x64b: {  	v4 =	vor.u32 v23, v1;
	v3 =	vld.idx.msk [tilespmem:v5+s19+$0x0], $0xffff  }
0x64c: {  	v5 =	vor.u32 v24, v0;
	_ =	sdelay $0x3  }
0x64d: {  	[tilespmem:v4+s25+$0x0] =	vst.idx.msk $0xffff, v3  }
0x64e: {  	v4 =	vor.u32 v25, v1;
	v3 =	vld.idx.msk [tilespmem:v5+s19+$0x0], $0xffff  }
0x64f: {  	v5 =	vor.u32 v26, v0;
	_ =	sdelay $0x3  }
0x650: {  	[tilespmem:v4+s25+$0x0] =	vst.idx.msk $0xffff, v3  }
0x651: {  	v4 =	vor.u32 v27, v1;
	v3 =	vld.idx.msk [tilespmem:v5+s19+$0x0], $0xffff  }
0x652: {  	v5 =	vor.u32 v28, v0;
	_ =	sdelay $0x3  }
0x653: {  	[tilespmem:v4+s25+$0x0] =	vst.idx.msk $0xffff, v3  }
0x654: {  	v4 =	vor.u32 v29, v1;
	v3 =	vld.idx.msk [tilespmem:v5+s19+$0x0], $0xffff  }
0x655: {  	v5 =	vor.u32 v30, v0;
	_ =	sdelay $0x3  }
0x656: {  	[tilespmem:v4+s25+$0x0] =	vst.idx.msk $0xffff, v3  }
0x657: {  	v4 =	vor.u32 v31, v1;
	v3 =	vld.idx.msk [tilespmem:v5+s19+$0x0], $0xffff  }
0x658: {  	v5 =	vor.u32 v32, v0;
	_ =	sdelay $0x3  }
0x659: {  	[tilespmem:v4+s25+$0x0] =	vst.idx.msk $0xffff, v3  }
0x65a: {  	v4 =	vor.u32 v33, v1;
	v3 =	vld.idx.msk [tilespmem:v5+s19+$0x0], $0xffff  }
0x65b: {  	v5 =	vor.u32 v8, v0;
	_ =	sdelay $0x3  }
0x65c: {  	[tilespmem:v4+s25+$0x0] =	vst.idx.msk $0xffff, v3  }
0x65d: {  	v4 =	vor.u32 v9, v1;
	v3 =	vld.idx.msk [tilespmem:v5+s19+$0x0], $0xffff  }
0x65e: {  	v5 =	vor.u32 v10, v0;
	_ =	sdelay $0x3  }
0x65f: {  	[tilespmem:v4+s25+$0x0] =	vst.idx.msk $0xffff, v3  }
0x660: {  	v4 =	vor.u32 v34, v1;
	v3 =	vld.idx.msk [tilespmem:v5+s19+$0x0], $0xffff  }
0x661: {  	v5 =	vor.u32 v11, v2;
	_ =	sdelay $0x3  }
0x662: {  	[tilespmem:v4+s25+$0x0] =	vst.idx.msk $0xffff, v3  }
0x663: {  	v4 =	vor.u32 v35, v1;
	v3 =	vld.idx.msk [tilespmem:v5+s19+$0x0], $0xffff  }
0x664: {  	v5 =	vor.u32 v12, v2;
	_ =	sdelay $0x3  }
0x665: {  	[tilespmem:v4+s25+$0x0] =	vst.idx.msk $0xffff, v3  }
0x666: {  	v4 =	vor.u32 v36, v1;
	v3 =	vld.idx.msk [tilespmem:v5+s19+$0x0], $0xffff  }
0x667: {  	v5 =	vor.u32 v13, v2;
	_ =	sdelay $0x3  }
0x668: {  	[tilespmem:v4+s25+$0x0] =	vst.idx.msk $0xffff, v3  }
0x669: {  	v4 =	vor.u32 v37, v1;
	v3 =	vld.idx.msk [tilespmem:v5+s19+$0x0], $0xffff  }
0x66a: {  	v5 =	vor.u32 v38, v2;
	_ =	sdelay $0x3  }
0x66b: {  	[tilespmem:v4+s25+$0x0] =	vst.idx.msk $0xffff, v3  }
0x66c: {  	v4 =	vor.u32 v39, v1;
	v3 =	vld.idx.msk [tilespmem:v5+s19+$0x0], $0xffff  }
0x66d: {  	v5 =	vor.u32 v40, v2;
	_ =	sdelay $0x3  }
0x66e: {  	[tilespmem:v4+s25+$0x0] =	vst.idx.msk $0xffff, v3  }
0x66f: {  	v4 =	vor.u32 v41, v1;
	v3 =	vld.idx.msk [tilespmem:v5+s19+$0x0], $0xffff  }
0x670: {  	v5 =	vor.u32 v42, v2;
	_ =	sdelay $0x3  }
0x671: {  	[tilespmem:v4+s25+$0x0] =	vst.idx.msk $0xffff, v3  }
0x672: {  	v4 =	vor.u32 v43, v1;
	v3 =	vld.idx.msk [tilespmem:v5+s19+$0x0], $0xffff  }
0x673: {  	v5 =	vor.u32 v44, v2;
	_ =	sdelay $0x3  }
0x674: {  	[tilespmem:v4+s25+$0x0] =	vst.idx.msk $0xffff, v3  }
0x675: {  	v4 =	vor.u32 v45, v1;
	v3 =	vld.idx.msk [tilespmem:v5+s19+$0x0], $0xffff  }
0x676: {  	v2 =	vor.u32 v46, v2;
	_ =	sdelay $0x3  }
0x677: {  	[tilespmem:v4+s25+$0x0] =	vst.idx.msk $0xffff, v3  }
0x678: {  	v3 =	vor.u32 v47, v1;
	v2 =	vld.idx.msk [tilespmem:v2+s19+$0x0], $0xffff  }
0x679: {  	v4 =	vor.u32 v48, v0;
	_ =	sdelay $0x3  }
0x67a: {  	[tilespmem:v3+s25+$0x0] =	vst.idx.msk $0xffff, v2  }
0x67b: {  	v3 =	vor.u32 v49, v1;
	v2 =	vld.idx.msk [tilespmem:v4+s19+$0x0], $0xffff  }
0x67c: {  	v4 =	vor.u32 v50, v0;
	_ =	sdelay $0x3  }
0x67d: {  	[tilespmem:v3+s25+$0x0] =	vst.idx.msk $0xffff, v2  }
0x67e: {  	v3 =	vor.u32 v51, v1;
	v2 =	vld.idx.msk [tilespmem:v4+s19+$0x0], $0xffff  }
0x67f: {  	v4 =	vor.u32 v52, v0;
	_ =	sdelay $0x3  }
0x680: {  	[tilespmem:v3+s25+$0x0] =	vst.idx.msk $0xffff, v2  }
0x681: {  	v3 =	vor.u32 v53, v1;
	v2 =	vld.idx.msk [tilespmem:v4+s19+$0x0], $0xffff  }
0x682: {  	v4 =	vor.u32 v54, v0;
	_ =	sdelay $0x3  }
0x683: {  	[tilespmem:v3+s25+$0x0] =	vst.idx.msk $0xffff, v2  }
0x684: {  	v3 =	vor.u32 v55, v1;
	v2 =	vld.idx.msk [tilespmem:v4+s19+$0x0], $0xffff  }
0x685: {  	v4 =	vor.u32 v56, v0;
	_ =	sdelay $0x3  }
0x686: {  	[tilespmem:v3+s25+$0x0] =	vst.idx.msk $0xffff, v2  }
0x687: {  	v3 =	vor.u32 v57, v1;
	v2 =	vld.idx.msk [tilespmem:v4+s19+$0x0], $0xffff  }
0x688: {  	v4 =	vor.u32 v58, v0;
	_ =	sdelay $0x3  }
0x689: {  	[tilespmem:v3+s25+$0x0] =	vst.idx.msk $0xffff, v2  }
0x68a: {  	v3 =	vor.u32 v59, v1;
	v2 =	vld.idx.msk [tilespmem:v4+s19+$0x0], $0xffff  }
0x68b: {  	v4 =	vor.u32 v60, v0;
	_ =	sdelay $0x3  }
0x68c: {  	[tilespmem:v3+s25+$0x0] =	vst.idx.msk $0xffff, v2  }
0x68d: {  	v3 =	vor.u32 v61, v1;
	v2 =	vld.idx.msk [tilespmem:v4+s19+$0x0], $0xffff  }
0x68e: {  	v0 =	vor.u32 v62, v0;
	_ =	sdelay $0x3  }
0x68f: {  	[tilespmem:v3+s25+$0x0] =	vst.idx.msk $0xffff, v2  }
0x690: {  	s0 =	sadd.s32 $0x1, s0;
	v1 =	vor.u32 v63, v1;
	v0 =	vld.idx.msk [tilespmem:v0+s19+$0x0], $0xffff  }
0x691: {  	p0 =	sne.s32 s0, $0x42  }
.Ltmp5:
0x692: {  	s2 =	sshll.u32 s7, $0x12;
	(pc) =	sbr.rel @p0 .LBB2_6-.Ltmp5, $4  }
0x693: {  	s2 =	sor.u32 s4, s2  }
0x694: {  	s2 =	sshrl.u32 s2, $0x3  }
0x695: {  	s2 =	sadd.s32 s1, s2;
	[tilespmem:v1+s25+$0x0] =	vst.idx.msk $0xffff, v0  }
0x696: {  	[hbm4b:s2+s14] =	stream.strided.scatter [tilespmem:s25], [sflag:$0x5], $0x2000, s15, s14, $0x38;
	[tilespmem:$0x18400] =	vst v63  }
0x697: {  	s0 =	simm.s32 $0x0;
	v6 =	vlaneseq.u32  }
0x698: {  	_ =	swait.ge [sflag:s26], $0x2000;
	v0 =	vadd.s32 s0, v6  }
0x699: {  	[sflag:s26] =	ssyncset.done $0x0;
	v2 =	vand.u32 $0xF, v0  }
0x69a: {  	s8 =	simm.s32 $0x6300;
	[sflag:s26] =	ssyncadd.s32 $0xFFFFE000;
	v3 =	vor.u32 v7, v2  }
0x69b: {  	[tilespmem:s18], [sflag:$0x1] =	stream.indirect.gather [hbm4b:s5+s17], $0x80, s8, s17, $0xb8;
	[tilespmem:$0x18400] =	vst v63  }
0x69c: {  	_ =	swait.ge [sflag:s28], $0x4000  }
0x69d: {  	[sflag:s28] =	ssyncset.done $0x0;
	v5 =	vld [tilespmem:$0x1FDC0]  }
0x69e: {  	v1 =	vshll.u32 v2, $0x7;
	[sflag:s28] =	ssyncadd.s32 $0xFFFFC000  }
0x69f: {  	v4 =	vor.u32 v6, v1;
	v3 =	vld.idx.msk [tilespmem:v3+s23+$0x0], $0xffff;
	_ =	sdelay $0x2  }
0x6a0: {  	v5 =	vor.u32 v5, v2;
	_ =	sdelay $0x1  }
0x6a1: {  	[tilespmem:v4+s29+$0x0] =	vst.idx.msk $0xffff, v3;
	v4 =	vld [tilespmem:$0x1FDD0];
	_ =	sdelay $0x2  }
0x6a2: {  	v3 =	vld.idx.msk [tilespmem:v5+s23+$0x0], $0xffff  }
0x6a3: {  	v5 =	vld [tilespmem:$0x1FDE0]  }
0x6a4: {  	v4 =	vor.u32 v4, v1;
	_ =	sdelay $0x3  }
0x6a5: {  	v5 =	vor.u32 v5, v2  }
0x6a6: {  	[tilespmem:v4+s29+$0x0] =	vst.idx.msk $0xffff, v3;
	v4 =	vld [tilespmem:$0x1FDF0];
	_ =	sdelay $0x3  }
0x6a7: {  	v3 =	vld.idx.msk [tilespmem:v5+s23+$0x0], $0xffff  }
0x6a8: {  	v5 =	vld [tilespmem:$0x1FE00];
	v4 =	vor.u32 v4, v1;
	_ =	sdelay $0x4  }
0x6a9: {  	v5 =	vor.u32 v5, v2;
	[tilespmem:v4+s29+$0x0] =	vst.idx.msk $0xffff, v3;
	v4 =	vld [tilespmem:$0x1FE10];
	_ =	sdelay $0x4  }
0x6aa: {  	v3 =	vld.idx.msk [tilespmem:v5+s23+$0x0], $0xffff;
	v4 =	vor.u32 v4, v1  }
0x6ab: {  	v5 =	vor.u32 v14, v2;
	_ =	sdelay $0x3  }
0x6ac: {  	[tilespmem:v4+s29+$0x0] =	vst.idx.msk $0xffff, v3  }
0x6ad: {  	v4 =	vor.u32 v15, v1;
	v3 =	vld.idx.msk [tilespmem:v5+s23+$0x0], $0xffff  }
0x6ae: {  	v5 =	vor.u32 v16, v2;
	_ =	sdelay $0x3  }
0x6af: {  	[tilespmem:v4+s29+$0x0] =	vst.idx.msk $0xffff, v3  }
0x6b0: {  	v4 =	vor.u32 v17, v1;
	v3 =	vld.idx.msk [tilespmem:v5+s23+$0x0], $0xffff  }
0x6b1: {  	v5 =	vor.u32 v18, v2;
	_ =	sdelay $0x3  }
0x6b2: {  	[tilespmem:v4+s29+$0x0] =	vst.idx.msk $0xffff, v3  }
0x6b3: {  	v4 =	vor.u32 v19, v1;
	v3 =	vld.idx.msk [tilespmem:v5+s23+$0x0], $0xffff  }
0x6b4: {  	v5 =	vor.u32 v20, v2;
	_ =	sdelay $0x3  }
0x6b5: {  	[tilespmem:v4+s29+$0x0] =	vst.idx.msk $0xffff, v3  }
0x6b6: {  	v4 =	vor.u32 v21, v1;
	v3 =	vld.idx.msk [tilespmem:v5+s23+$0x0], $0xffff  }
0x6b7: {  	v5 =	vor.u32 v22, v0;
	_ =	sdelay $0x3  }
0x6b8: {  	[tilespmem:v4+s29+$0x0] =	vst.idx.msk $0xffff, v3  }
0x6b9: {  	v4 =	vor.u32 v23, v1;
	v3 =	vld.idx.msk [tilespmem:v5+s23+$0x0], $0xffff  }
0x6ba: {  	v5 =	vor.u32 v24, v0;
	_ =	sdelay $0x3  }
0x6bb: {  	[tilespmem:v4+s29+$0x0] =	vst.idx.msk $0xffff, v3  }
0x6bc: {  	v4 =	vor.u32 v25, v1;
	v3 =	vld.idx.msk [tilespmem:v5+s23+$0x0], $0xffff  }
0x6bd: {  	v5 =	vor.u32 v26, v0;
	_ =	sdelay $0x3  }
0x6be: {  	[tilespmem:v4+s29+$0x0] =	vst.idx.msk $0xffff, v3  }
0x6bf: {  	v4 =	vor.u32 v27, v1;
	v3 =	vld.idx.msk [tilespmem:v5+s23+$0x0], $0xffff  }
0x6c0: {  	v5 =	vor.u32 v28, v0;
	_ =	sdelay $0x3  }
0x6c1: {  	[tilespmem:v4+s29+$0x0] =	vst.idx.msk $0xffff, v3  }
0x6c2: {  	v4 =	vor.u32 v29, v1;
	v3 =	vld.idx.msk [tilespmem:v5+s23+$0x0], $0xffff  }
0x6c3: {  	v5 =	vor.u32 v30, v0;
	_ =	sdelay $0x3  }
0x6c4: {  	[tilespmem:v4+s29+$0x0] =	vst.idx.msk $0xffff, v3  }
0x6c5: {  	v4 =	vor.u32 v31, v1;
	v3 =	vld.idx.msk [tilespmem:v5+s23+$0x0], $0xffff  }
0x6c6: {  	v5 =	vor.u32 v32, v0;
	_ =	sdelay $0x3  }
0x6c7: {  	[tilespmem:v4+s29+$0x0] =	vst.idx.msk $0xffff, v3  }
0x6c8: {  	v4 =	vor.u32 v33, v1;
	v3 =	vld.idx.msk [tilespmem:v5+s23+$0x0], $0xffff  }
0x6c9: {  	v5 =	vor.u32 v8, v0;
	_ =	sdelay $0x3  }
0x6ca: {  	[tilespmem:v4+s29+$0x0] =	vst.idx.msk $0xffff, v3  }
0x6cb: {  	v4 =	vor.u32 v9, v1;
	v3 =	vld.idx.msk [tilespmem:v5+s23+$0x0], $0xffff  }
0x6cc: {  	v5 =	vor.u32 v10, v0;
	_ =	sdelay $0x3  }
0x6cd: {  	[tilespmem:v4+s29+$0x0] =	vst.idx.msk $0xffff, v3  }
0x6ce: {  	v4 =	vor.u32 v34, v1;
	v3 =	vld.idx.msk [tilespmem:v5+s23+$0x0], $0xffff  }
0x6cf: {  	v5 =	vor.u32 v11, v2;
	_ =	sdelay $0x3  }
0x6d0: {  	[tilespmem:v4+s29+$0x0] =	vst.idx.msk $0xffff, v3  }
0x6d1: {  	v4 =	vor.u32 v35, v1;
	v3 =	vld.idx.msk [tilespmem:v5+s23+$0x0], $0xffff  }
0x6d2: {  	v5 =	vor.u32 v12, v2;
	_ =	sdelay $0x3  }
0x6d3: {  	[tilespmem:v4+s29+$0x0] =	vst.idx.msk $0xffff, v3  }
0x6d4: {  	v4 =	vor.u32 v36, v1;
	v3 =	vld.idx.msk [tilespmem:v5+s23+$0x0], $0xffff  }
0x6d5: {  	v5 =	vor.u32 v13, v2;
	_ =	sdelay $0x3  }
0x6d6: {  	[tilespmem:v4+s29+$0x0] =	vst.idx.msk $0xffff, v3  }
0x6d7: {  	v4 =	vor.u32 v37, v1;
	v3 =	vld.idx.msk [tilespmem:v5+s23+$0x0], $0xffff  }
0x6d8: {  	v5 =	vor.u32 v38, v2;
	_ =	sdelay $0x3  }
0x6d9: {  	[tilespmem:v4+s29+$0x0] =	vst.idx.msk $0xffff, v3  }
0x6da: {  	v4 =	vor.u32 v39, v1;
	v3 =	vld.idx.msk [tilespmem:v5+s23+$0x0], $0xffff  }
0x6db: {  	v5 =	vor.u32 v40, v2;
	_ =	sdelay $0x3  }
0x6dc: {  	[tilespmem:v4+s29+$0x0] =	vst.idx.msk $0xffff, v3  }
0x6dd: {  	v4 =	vor.u32 v41, v1;
	v3 =	vld.idx.msk [tilespmem:v5+s23+$0x0], $0xffff  }
0x6de: {  	v5 =	vor.u32 v42, v2;
	_ =	sdelay $0x3  }
0x6df: {  	[tilespmem:v4+s29+$0x0] =	vst.idx.msk $0xffff, v3  }
0x6e0: {  	v4 =	vor.u32 v43, v1;
	v3 =	vld.idx.msk [tilespmem:v5+s23+$0x0], $0xffff  }
0x6e1: {  	v5 =	vor.u32 v44, v2;
	_ =	sdelay $0x3  }
0x6e2: {  	[tilespmem:v4+s29+$0x0] =	vst.idx.msk $0xffff, v3  }
0x6e3: {  	v4 =	vor.u32 v45, v1;
	v3 =	vld.idx.msk [tilespmem:v5+s23+$0x0], $0xffff  }
0x6e4: {  	v2 =	vor.u32 v46, v2;
	_ =	sdelay $0x3  }
0x6e5: {  	[tilespmem:v4+s29+$0x0] =	vst.idx.msk $0xffff, v3  }
0x6e6: {  	v3 =	vor.u32 v47, v1;
	v2 =	vld.idx.msk [tilespmem:v2+s23+$0x0], $0xffff  }
0x6e7: {  	v4 =	vor.u32 v48, v0;
	_ =	sdelay $0x3  }
0x6e8: {  	[tilespmem:v3+s29+$0x0] =	vst.idx.msk $0xffff, v2  }
0x6e9: {  	v3 =	vor.u32 v49, v1;
	v2 =	vld.idx.msk [tilespmem:v4+s23+$0x0], $0xffff  }
0x6ea: {  	v4 =	vor.u32 v50, v0;
	_ =	sdelay $0x3  }
0x6eb: {  	[tilespmem:v3+s29+$0x0] =	vst.idx.msk $0xffff, v2  }
0x6ec: {  	v3 =	vor.u32 v51, v1;
	v2 =	vld.idx.msk [tilespmem:v4+s23+$0x0], $0xffff  }
0x6ed: {  	v4 =	vor.u32 v52, v0;
	_ =	sdelay $0x3  }
0x6ee: {  	[tilespmem:v3+s29+$0x0] =	vst.idx.msk $0xffff, v2  }
0x6ef: {  	v3 =	vor.u32 v53, v1;
	v2 =	vld.idx.msk [tilespmem:v4+s23+$0x0], $0xffff  }
0x6f0: {  	v4 =	vor.u32 v54, v0;
	_ =	sdelay $0x3  }
0x6f1: {  	[tilespmem:v3+s29+$0x0] =	vst.idx.msk $0xffff, v2  }
0x6f2: {  	v3 =	vor.u32 v55, v1;
	v2 =	vld.idx.msk [tilespmem:v4+s23+$0x0], $0xffff  }
0x6f3: {  	v4 =	vor.u32 v56, v0;
	_ =	sdelay $0x3  }
0x6f4: {  	[tilespmem:v3+s29+$0x0] =	vst.idx.msk $0xffff, v2  }
0x6f5: {  	v3 =	vor.u32 v57, v1;
	v2 =	vld.idx.msk [tilespmem:v4+s23+$0x0], $0xffff  }
0x6f6: {  	v4 =	vor.u32 v58, v0;
	_ =	sdelay $0x3  }
0x6f7: {  	[tilespmem:v3+s29+$0x0] =	vst.idx.msk $0xffff, v2  }
0x6f8: {  	v3 =	vor.u32 v59, v1;
	v2 =	vld.idx.msk [tilespmem:v4+s23+$0x0], $0xffff  }
0x6f9: {  	v4 =	vor.u32 v60, v0;
	_ =	sdelay $0x3  }
0x6fa: {  	[tilespmem:v3+s29+$0x0] =	vst.idx.msk $0xffff, v2  }
0x6fb: {  	v3 =	vor.u32 v61, v1;
	v2 =	vld.idx.msk [tilespmem:v4+s23+$0x0], $0xffff  }
0x6fc: {  	v4 =	vor.u32 v62, v0;
	_ =	sdelay $0x3  }
0x6fd: {  	s10 =	simm.s32 $0x1;
	[tilespmem:v3+s29+$0x0] =	vst.idx.msk $0xffff, v2  }
0x6fe: {  	s0 =	simm.s32 $0x2;
	v0 =	vadd.s32 s10, v6;
	v3 =	vld.idx.msk [tilespmem:v4+s23+$0x0], $0xffff  }
.LBB2_14:
0x6ff: {  	v2 =	vand.u32 $0xF, v0;
	v1 =	vor.u32 v63, v1  }
0x700: {  	v4 =	vor.u32 v7, v2;
	_ =	sdelay $0x2  }
0x701: {  	v5 =	vld [tilespmem:$0x1FDC0]  }
0x702: {  	v6 =	vlaneseq.u32;
	[tilespmem:v1+s29+$0x0] =	vst.idx.msk $0xffff, v3;
	v1 =	vshll.u32 v2, $0x7  }
0x703: {  	v3 =	vld.idx.msk [tilespmem:v4+s23+$0x0], $0xffff;
	v4 =	vor.u32 v6, v1;
	_ =	sdelay $0x2  }
0x704: {  	v5 =	vor.u32 v5, v2;
	_ =	sdelay $0x1  }
0x705: {  	[tilespmem:v4+s29+$0x0] =	vst.idx.msk $0xffff, v3;
	v4 =	vld [tilespmem:$0x1FDD0];
	_ =	sdelay $0x2  }
0x706: {  	v3 =	vld.idx.msk [tilespmem:v5+s23+$0x0], $0xffff  }
0x707: {  	v5 =	vld [tilespmem:$0x1FDE0]  }
0x708: {  	v4 =	vor.u32 v4, v1;
	_ =	sdelay $0x3  }
0x709: {  	v5 =	vor.u32 v5, v2  }
0x70a: {  	[tilespmem:v4+s29+$0x0] =	vst.idx.msk $0xffff, v3;
	v4 =	vld [tilespmem:$0x1FDF0];
	_ =	sdelay $0x3  }
0x70b: {  	v3 =	vld.idx.msk [tilespmem:v5+s23+$0x0], $0xffff  }
0x70c: {  	v5 =	vld [tilespmem:$0x1FE00];
	v4 =	vor.u32 v4, v1;
	_ =	sdelay $0x4  }
0x70d: {  	v5 =	vor.u32 v5, v2;
	[tilespmem:v4+s29+$0x0] =	vst.idx.msk $0xffff, v3;
	v4 =	vld [tilespmem:$0x1FE10];
	_ =	sdelay $0x4  }
0x70e: {  	v3 =	vld.idx.msk [tilespmem:v5+s23+$0x0], $0xffff;
	v4 =	vor.u32 v4, v1  }
0x70f: {  	v5 =	vor.u32 v14, v2;
	_ =	sdelay $0x3  }
0x710: {  	[tilespmem:v4+s29+$0x0] =	vst.idx.msk $0xffff, v3  }
0x711: {  	v4 =	vor.u32 v15, v1;
	v3 =	vld.idx.msk [tilespmem:v5+s23+$0x0], $0xffff  }
0x712: {  	v5 =	vor.u32 v16, v2;
	_ =	sdelay $0x3  }
0x713: {  	[tilespmem:v4+s29+$0x0] =	vst.idx.msk $0xffff, v3  }
0x714: {  	v4 =	vor.u32 v17, v1;
	v3 =	vld.idx.msk [tilespmem:v5+s23+$0x0], $0xffff  }
0x715: {  	v5 =	vor.u32 v18, v2;
	_ =	sdelay $0x3  }
0x716: {  	[tilespmem:v4+s29+$0x0] =	vst.idx.msk $0xffff, v3  }
0x717: {  	v4 =	vor.u32 v19, v1;
	v3 =	vld.idx.msk [tilespmem:v5+s23+$0x0], $0xffff  }
0x718: {  	v5 =	vor.u32 v20, v2;
	_ =	sdelay $0x3  }
0x719: {  	[tilespmem:v4+s29+$0x0] =	vst.idx.msk $0xffff, v3  }
0x71a: {  	v4 =	vor.u32 v21, v1;
	v3 =	vld.idx.msk [tilespmem:v5+s23+$0x0], $0xffff  }
0x71b: {  	v5 =	vor.u32 v22, v0;
	_ =	sdelay $0x3  }
0x71c: {  	[tilespmem:v4+s29+$0x0] =	vst.idx.msk $0xffff, v3  }
0x71d: {  	v4 =	vor.u32 v23, v1;
	v3 =	vld.idx.msk [tilespmem:v5+s23+$0x0], $0xffff  }
0x71e: {  	v5 =	vor.u32 v24, v0;
	_ =	sdelay $0x3  }
0x71f: {  	[tilespmem:v4+s29+$0x0] =	vst.idx.msk $0xffff, v3  }
0x720: {  	v4 =	vor.u32 v25, v1;
	v3 =	vld.idx.msk [tilespmem:v5+s23+$0x0], $0xffff  }
0x721: {  	v5 =	vor.u32 v26, v0;
	_ =	sdelay $0x3  }
0x722: {  	[tilespmem:v4+s29+$0x0] =	vst.idx.msk $0xffff, v3  }
0x723: {  	v4 =	vor.u32 v27, v1;
	v3 =	vld.idx.msk [tilespmem:v5+s23+$0x0], $0xffff  }
0x724: {  	v5 =	vor.u32 v28, v0;
	_ =	sdelay $0x3  }
0x725: {  	[tilespmem:v4+s29+$0x0] =	vst.idx.msk $0xffff, v3  }
0x726: {  	v4 =	vor.u32 v29, v1;
	v3 =	vld.idx.msk [tilespmem:v5+s23+$0x0], $0xffff  }
0x727: {  	v5 =	vor.u32 v30, v0;
	_ =	sdelay $0x3  }
0x728: {  	[tilespmem:v4+s29+$0x0] =	vst.idx.msk $0xffff, v3  }
0x729: {  	v4 =	vor.u32 v31, v1;
	v3 =	vld.idx.msk [tilespmem:v5+s23+$0x0], $0xffff  }
0x72a: {  	v5 =	vor.u32 v32, v0;
	_ =	sdelay $0x3  }
0x72b: {  	[tilespmem:v4+s29+$0x0] =	vst.idx.msk $0xffff, v3  }
0x72c: {  	v4 =	vor.u32 v33, v1;
	v3 =	vld.idx.msk [tilespmem:v5+s23+$0x0], $0xffff  }
0x72d: {  	v5 =	vor.u32 v8, v0;
	_ =	sdelay $0x3  }
0x72e: {  	[tilespmem:v4+s29+$0x0] =	vst.idx.msk $0xffff, v3  }
0x72f: {  	v4 =	vor.u32 v9, v1;
	v3 =	vld.idx.msk [tilespmem:v5+s23+$0x0], $0xffff  }
0x730: {  	v5 =	vor.u32 v10, v0;
	_ =	sdelay $0x3  }
0x731: {  	[tilespmem:v4+s29+$0x0] =	vst.idx.msk $0xffff, v3  }
0x732: {  	v4 =	vor.u32 v34, v1;
	v3 =	vld.idx.msk [tilespmem:v5+s23+$0x0], $0xffff  }
0x733: {  	v5 =	vor.u32 v11, v2;
	_ =	sdelay $0x3  }
0x734: {  	[tilespmem:v4+s29+$0x0] =	vst.idx.msk $0xffff, v3  }
0x735: {  	v4 =	vor.u32 v35, v1;
	v3 =	vld.idx.msk [tilespmem:v5+s23+$0x0], $0xffff  }
0x736: {  	v5 =	vor.u32 v12, v2;
	_ =	sdelay $0x3  }
0x737: {  	[tilespmem:v4+s29+$0x0] =	vst.idx.msk $0xffff, v3  }
0x738: {  	v4 =	vor.u32 v36, v1;
	v3 =	vld.idx.msk [tilespmem:v5+s23+$0x0], $0xffff  }
0x739: {  	v5 =	vor.u32 v13, v2;
	_ =	sdelay $0x3  }
0x73a: {  	[tilespmem:v4+s29+$0x0] =	vst.idx.msk $0xffff, v3  }
0x73b: {  	v4 =	vor.u32 v37, v1;
	v3 =	vld.idx.msk [tilespmem:v5+s23+$0x0], $0xffff  }
0x73c: {  	v5 =	vor.u32 v38, v2;
	_ =	sdelay $0x3  }
0x73d: {  	[tilespmem:v4+s29+$0x0] =	vst.idx.msk $0xffff, v3  }
0x73e: {  	v4 =	vor.u32 v39, v1;
	v3 =	vld.idx.msk [tilespmem:v5+s23+$0x0], $0xffff  }
0x73f: {  	v5 =	vor.u32 v40, v2;
	_ =	sdelay $0x3  }
0x740: {  	[tilespmem:v4+s29+$0x0] =	vst.idx.msk $0xffff, v3  }
0x741: {  	v4 =	vor.u32 v41, v1;
	v3 =	vld.idx.msk [tilespmem:v5+s23+$0x0], $0xffff  }
0x742: {  	v5 =	vor.u32 v42, v2;
	_ =	sdelay $0x3  }
0x743: {  	[tilespmem:v4+s29+$0x0] =	vst.idx.msk $0xffff, v3  }
0x744: {  	v4 =	vor.u32 v43, v1;
	v3 =	vld.idx.msk [tilespmem:v5+s23+$0x0], $0xffff  }
0x745: {  	v5 =	vor.u32 v44, v2;
	_ =	sdelay $0x3  }
0x746: {  	[tilespmem:v4+s29+$0x0] =	vst.idx.msk $0xffff, v3  }
0x747: {  	v4 =	vor.u32 v45, v1;
	v3 =	vld.idx.msk [tilespmem:v5+s23+$0x0], $0xffff  }
0x748: {  	v2 =	vor.u32 v46, v2;
	_ =	sdelay $0x3  }
0x749: {  	[tilespmem:v4+s29+$0x0] =	vst.idx.msk $0xffff, v3  }
0x74a: {  	v3 =	vor.u32 v47, v1;
	v2 =	vld.idx.msk [tilespmem:v2+s23+$0x0], $0xffff  }
0x74b: {  	v4 =	vor.u32 v48, v0;
	_ =	sdelay $0x3  }
0x74c: {  	[tilespmem:v3+s29+$0x0] =	vst.idx.msk $0xffff, v2  }
0x74d: {  	v3 =	vor.u32 v49, v1;
	v2 =	vld.idx.msk [tilespmem:v4+s23+$0x0], $0xffff  }
0x74e: {  	v4 =	vor.u32 v50, v0;
	_ =	sdelay $0x3  }
0x74f: {  	[tilespmem:v3+s29+$0x0] =	vst.idx.msk $0xffff, v2  }
0x750: {  	v3 =	vor.u32 v51, v1;
	v2 =	vld.idx.msk [tilespmem:v4+s23+$0x0], $0xffff  }
0x751: {  	v4 =	vor.u32 v52, v0;
	_ =	sdelay $0x3  }
0x752: {  	[tilespmem:v3+s29+$0x0] =	vst.idx.msk $0xffff, v2  }
0x753: {  	v3 =	vor.u32 v53, v1;
	v2 =	vld.idx.msk [tilespmem:v4+s23+$0x0], $0xffff  }
0x754: {  	v4 =	vor.u32 v54, v0;
	_ =	sdelay $0x3  }
0x755: {  	[tilespmem:v3+s29+$0x0] =	vst.idx.msk $0xffff, v2  }
0x756: {  	v3 =	vor.u32 v55, v1;
	v2 =	vld.idx.msk [tilespmem:v4+s23+$0x0], $0xffff  }
0x757: {  	v4 =	vor.u32 v56, v0;
	_ =	sdelay $0x3  }
0x758: {  	[tilespmem:v3+s29+$0x0] =	vst.idx.msk $0xffff, v2  }
0x759: {  	v3 =	vor.u32 v57, v1;
	v2 =	vld.idx.msk [tilespmem:v4+s23+$0x0], $0xffff  }
0x75a: {  	v4 =	vor.u32 v58, v0;
	_ =	sdelay $0x3  }
0x75b: {  	[tilespmem:v3+s29+$0x0] =	vst.idx.msk $0xffff, v2  }
0x75c: {  	v3 =	vor.u32 v59, v1;
	v2 =	vld.idx.msk [tilespmem:v4+s23+$0x0], $0xffff  }
0x75d: {  	v4 =	vor.u32 v60, v0;
	_ =	sdelay $0x3  }
0x75e: {  	[tilespmem:v3+s29+$0x0] =	vst.idx.msk $0xffff, v2  }
0x75f: {  	v3 =	vor.u32 v61, v1;
	v2 =	vld.idx.msk [tilespmem:v4+s23+$0x0], $0xffff  }
0x760: {  	p0 =	sne.s32 s0, $0xF;
	v4 =	vor.u32 v62, v0  }
.Ltmp6:
0x761: {  	_ = 	snop;
	(pc) =	sbr.rel @p0 .LBB2_14-.Ltmp6, $3  }
0x762: {  	_ =	sdelay $0x1  }
0x763: {  	[tilespmem:v3+s29+$0x0] =	vst.idx.msk $0xffff, v2  }
0x764: {  	v0 =	vadd.s32 s0, v6;
	s0 =	sadd.s32 $0x1, s0;
	v3 =	vld.idx.msk [tilespmem:v4+s23+$0x0], $0xffff  }
0x765: {  	v2 =	vand.u32 $0xF, v0;
	v1 =	vor.u32 v63, v1  }
0x766: {  	v4 =	vor.u32 v7, v2;
	_ =	sdelay $0x3  }
0x767: {  	[tilespmem:v1+s29+$0x0] =	vst.idx.msk $0xffff, v3  }
0x768: {  	v1 =	vshll.u32 v2, $0x7;
	v6 =	vld.idx.msk [tilespmem:v4+s23+$0x0], $0xffff;
	v4 =	vlaneseq.u32  }
0x769: {  	v3 =	vld [tilespmem:$0x1FDC0];
	v4 =	vor.u32 v4, v1;
	_ =	sdelay $0x4  }
0x76a: {  	v5 =	vor.u32 v3, v2;
	[tilespmem:v4+s29+$0x0] =	vst.idx.msk $0xffff, v6;
	v4 =	vld [tilespmem:$0x1FDD0];
	_ =	sdelay $0x4  }
0x76b: {  	v3 =	vld.idx.msk [tilespmem:v5+s23+$0x0], $0xffff;
	v4 =	vor.u32 v4, v1;
	_ =	sdelay $0x3  }
0x76c: {  	v5 =	vld [tilespmem:$0x1FDE0]  }
0x76d: {  	[tilespmem:v4+s29+$0x0] =	vst.idx.msk $0xffff, v3;
	v3 =	vld [tilespmem:$0x1FDF0];
	_ =	sdelay $0x3  }
0x76e: {  	v5 =	vor.u32 v5, v2  }
0x76f: {  	v4 =	vor.u32 v3, v1;
	v3 =	vld [tilespmem:$0x1FE00];
	_ =	sdelay $0x3  }
0x770: {  	v6 =	vld.idx.msk [tilespmem:v5+s23+$0x0], $0xffff  }
0x771: {  	v5 =	vor.u32 v3, v2;
	v3 =	vld [tilespmem:$0x1FE10];
	_ =	sdelay $0x3  }
0x772: {  	[tilespmem:v4+s29+$0x0] =	vst.idx.msk $0xffff, v6  }
0x773: {  	v6 =	vld.idx.msk [tilespmem:v5+s23+$0x0], $0xffff;
	v4 =	vor.u32 v3, v1  }
0x774: {  	v5 =	vor.u32 v14, v2;
	_ =	sdelay $0x3  }
0x775: {  	[tilespmem:v4+s29+$0x0] =	vst.idx.msk $0xffff, v6  }
0x776: {  	v4 =	vor.u32 v15, v1;
	v6 =	vld.idx.msk [tilespmem:v5+s23+$0x0], $0xffff  }
0x777: {  	v5 =	vor.u32 v16, v2;
	_ =	sdelay $0x3  }
0x778: {  	[tilespmem:v4+s29+$0x0] =	vst.idx.msk $0xffff, v6  }
0x779: {  	v4 =	vor.u32 v17, v1;
	v6 =	vld.idx.msk [tilespmem:v5+s23+$0x0], $0xffff  }
0x77a: {  	v5 =	vor.u32 v18, v2;
	_ =	sdelay $0x3  }
0x77b: {  	[tilespmem:v4+s29+$0x0] =	vst.idx.msk $0xffff, v6  }
0x77c: {  	v4 =	vor.u32 v19, v1;
	v6 =	vld.idx.msk [tilespmem:v5+s23+$0x0], $0xffff  }
0x77d: {  	v5 =	vor.u32 v20, v2;
	_ =	sdelay $0x3  }
0x77e: {  	[tilespmem:v4+s29+$0x0] =	vst.idx.msk $0xffff, v6  }
0x77f: {  	v4 =	vor.u32 v21, v1;
	v6 =	vld.idx.msk [tilespmem:v5+s23+$0x0], $0xffff  }
0x780: {  	v5 =	vor.u32 v22, v0;
	_ =	sdelay $0x3  }
0x781: {  	[tilespmem:v4+s29+$0x0] =	vst.idx.msk $0xffff, v6  }
0x782: {  	v4 =	vor.u32 v23, v1;
	v6 =	vld.idx.msk [tilespmem:v5+s23+$0x0], $0xffff  }
0x783: {  	v5 =	vor.u32 v24, v0;
	_ =	sdelay $0x3  }
0x784: {  	[tilespmem:v4+s29+$0x0] =	vst.idx.msk $0xffff, v6  }
0x785: {  	v4 =	vor.u32 v25, v1;
	v6 =	vld.idx.msk [tilespmem:v5+s23+$0x0], $0xffff  }
0x786: {  	v5 =	vor.u32 v26, v0;
	_ =	sdelay $0x3  }
0x787: {  	[tilespmem:v4+s29+$0x0] =	vst.idx.msk $0xffff, v6  }
0x788: {  	v4 =	vor.u32 v27, v1;
	v6 =	vld.idx.msk [tilespmem:v5+s23+$0x0], $0xffff  }
0x789: {  	v5 =	vor.u32 v28, v0;
	_ =	sdelay $0x3  }
0x78a: {  	[tilespmem:v4+s29+$0x0] =	vst.idx.msk $0xffff, v6  }
0x78b: {  	v4 =	vor.u32 v29, v1;
	v6 =	vld.idx.msk [tilespmem:v5+s23+$0x0], $0xffff  }
0x78c: {  	v5 =	vor.u32 v30, v0;
	_ =	sdelay $0x3  }
0x78d: {  	[tilespmem:v4+s29+$0x0] =	vst.idx.msk $0xffff, v6  }
0x78e: {  	v4 =	vor.u32 v31, v1;
	v6 =	vld.idx.msk [tilespmem:v5+s23+$0x0], $0xffff  }
0x78f: {  	v5 =	vor.u32 v32, v0;
	_ =	sdelay $0x3  }
0x790: {  	[tilespmem:v4+s29+$0x0] =	vst.idx.msk $0xffff, v6  }
0x791: {  	v4 =	vor.u32 v33, v1;
	v6 =	vld.idx.msk [tilespmem:v5+s23+$0x0], $0xffff  }
0x792: {  	v5 =	vor.u32 v8, v0;
	_ =	sdelay $0x3  }
0x793: {  	[tilespmem:v4+s29+$0x0] =	vst.idx.msk $0xffff, v6  }
0x794: {  	v4 =	vor.u32 v9, v1;
	v6 =	vld.idx.msk [tilespmem:v5+s23+$0x0], $0xffff  }
0x795: {  	v5 =	vor.u32 v10, v0;
	_ =	sdelay $0x3  }
0x796: {  	[tilespmem:v4+s29+$0x0] =	vst.idx.msk $0xffff, v6  }
0x797: {  	v4 =	vor.u32 v34, v1;
	v6 =	vld.idx.msk [tilespmem:v5+s23+$0x0], $0xffff  }
0x798: {  	v5 =	vor.u32 v11, v2;
	_ =	sdelay $0x3  }
0x799: {  	[tilespmem:v4+s29+$0x0] =	vst.idx.msk $0xffff, v6  }
0x79a: {  	v4 =	vor.u32 v35, v1;
	v6 =	vld.idx.msk [tilespmem:v5+s23+$0x0], $0xffff  }
0x79b: {  	v5 =	vor.u32 v12, v2;
	_ =	sdelay $0x3  }
0x79c: {  	[tilespmem:v4+s29+$0x0] =	vst.idx.msk $0xffff, v6  }
0x79d: {  	v4 =	vor.u32 v36, v1;
	v6 =	vld.idx.msk [tilespmem:v5+s23+$0x0], $0xffff  }
0x79e: {  	v5 =	vor.u32 v13, v2;
	_ =	sdelay $0x3  }
0x79f: {  	[tilespmem:v4+s29+$0x0] =	vst.idx.msk $0xffff, v6  }
0x7a0: {  	v4 =	vor.u32 v37, v1;
	v3 =	vld.idx.msk [tilespmem:v5+s23+$0x0], $0xffff  }
0x7a1: {  	v5 =	vor.u32 v38, v2;
	_ =	sdelay $0x3  }
0x7a2: {  	[tilespmem:v4+s29+$0x0] =	vst.idx.msk $0xffff, v3  }
0x7a3: {  	v4 =	vor.u32 v39, v1;
	v3 =	vld.idx.msk [tilespmem:v5+s23+$0x0], $0xffff  }
0x7a4: {  	v5 =	vor.u32 v40, v2;
	_ =	sdelay $0x3  }
0x7a5: {  	[tilespmem:v4+s29+$0x0] =	vst.idx.msk $0xffff, v3  }
0x7a6: {  	v4 =	vor.u32 v41, v1;
	v3 =	vld.idx.msk [tilespmem:v5+s23+$0x0], $0xffff  }
0x7a7: {  	v5 =	vor.u32 v42, v2;
	_ =	sdelay $0x3  }
0x7a8: {  	[tilespmem:v4+s29+$0x0] =	vst.idx.msk $0xffff, v3  }
0x7a9: {  	v4 =	vor.u32 v43, v1;
	v3 =	vld.idx.msk [tilespmem:v5+s23+$0x0], $0xffff  }
0x7aa: {  	v5 =	vor.u32 v44, v2;
	_ =	sdelay $0x3  }
0x7ab: {  	[tilespmem:v4+s29+$0x0] =	vst.idx.msk $0xffff, v3  }
0x7ac: {  	v4 =	vor.u32 v45, v1;
	v3 =	vld.idx.msk [tilespmem:v5+s23+$0x0], $0xffff  }
0x7ad: {  	v2 =	vor.u32 v46, v2;
	_ =	sdelay $0x3  }
0x7ae: {  	[tilespmem:v4+s29+$0x0] =	vst.idx.msk $0xffff, v3  }
0x7af: {  	v3 =	vor.u32 v47, v1;
	v2 =	vld.idx.msk [tilespmem:v2+s23+$0x0], $0xffff  }
0x7b0: {  	v4 =	vor.u32 v48, v0;
	_ =	sdelay $0x3  }
0x7b1: {  	[tilespmem:v3+s29+$0x0] =	vst.idx.msk $0xffff, v2  }
0x7b2: {  	v3 =	vor.u32 v49, v1;
	v2 =	vld.idx.msk [tilespmem:v4+s23+$0x0], $0xffff  }
0x7b3: {  	v4 =	vor.u32 v50, v0;
	_ =	sdelay $0x3  }
0x7b4: {  	[tilespmem:v3+s29+$0x0] =	vst.idx.msk $0xffff, v2  }
0x7b5: {  	v3 =	vor.u32 v51, v1;
	v2 =	vld.idx.msk [tilespmem:v4+s23+$0x0], $0xffff  }
0x7b6: {  	v4 =	vor.u32 v52, v0;
	_ =	sdelay $0x3  }
0x7b7: {  	[tilespmem:v3+s29+$0x0] =	vst.idx.msk $0xffff, v2  }
0x7b8: {  	v3 =	vor.u32 v53, v1;
	v2 =	vld.idx.msk [tilespmem:v4+s23+$0x0], $0xffff  }
0x7b9: {  	v4 =	vor.u32 v54, v0;
	_ =	sdelay $0x3  }
0x7ba: {  	[tilespmem:v3+s29+$0x0] =	vst.idx.msk $0xffff, v2  }
0x7bb: {  	v3 =	vor.u32 v55, v1;
	v2 =	vld.idx.msk [tilespmem:v4+s23+$0x0], $0xffff  }
0x7bc: {  	v4 =	vor.u32 v56, v0;
	_ =	sdelay $0x3  }
0x7bd: {  	[tilespmem:v3+s29+$0x0] =	vst.idx.msk $0xffff, v2  }
0x7be: {  	v3 =	vor.u32 v57, v1;
	v2 =	vld.idx.msk [tilespmem:v4+s23+$0x0], $0xffff  }
0x7bf: {  	v4 =	vor.u32 v58, v0;
	_ =	sdelay $0x3  }
0x7c0: {  	[tilespmem:v3+s29+$0x0] =	vst.idx.msk $0xffff, v2  }
0x7c1: {  	v3 =	vor.u32 v59, v1;
	v2 =	vld.idx.msk [tilespmem:v4+s23+$0x0], $0xffff  }
0x7c2: {  	v4 =	vor.u32 v60, v0;
	_ =	sdelay $0x3  }
0x7c3: {  	[tilespmem:v3+s29+$0x0] =	vst.idx.msk $0xffff, v2  }
0x7c4: {  	v3 =	vor.u32 v61, v1;
	v2 =	vld.idx.msk [tilespmem:v4+s23+$0x0], $0xffff  }
0x7c5: {  	v0 =	vor.u32 v62, v0;
	_ =	sdelay $0x3  }
0x7c6: {  	[tilespmem:v3+s29+$0x0] =	vst.idx.msk $0xffff, v2  }
0x7c7: {  	v1 =	vor.u32 v63, v1;
	v0 =	vld.idx.msk [tilespmem:v0+s23+$0x0], $0xffff;
	_ =	sdelay $0x4  }
0x7c8: {  	s0 =	rddreg [dreg:$0x6];
	[tilespmem:v1+s29+$0x0] =	vst.idx.msk $0xffff, v0  }
0x7c9: {  	[hbm4b:s0+s14] =	stream.strided.scatter [tilespmem:s29], [sflag:$0x6], $0x2000, s15, s14, $0x38;
	[tilespmem:$0x18400] =	vst v63  }
0x7ca: {  	_ =	swait.ge [sflag:s30], $0x2000  }
0x7cb: {  	v1 =	vld [tilespmem:$0x1FFF0];
	_ =	sdelay $0x1  }
0x7cc: {  	s7 =	simm.s32 $0x0;
	v4 =	vlaneseq.u32;
	[sflag:s30] =	ssyncset.done $0x0  }
0x7cd: {  	s8 =	simm.s32 $0x6380;
	v0 =	vadd.s32 s7, v4;
	[sflag:s30] =	ssyncadd.s32 $0xFFFFE000  }
0x7ce: {  	v2 =	vand.u32 $0xF, v0;
	[tilespmem:s19], [sflag:$0x2] =	stream.indirect.gather [hbm4b:s5+s17], $0x80, s8, s17, $0xb8;
	[tilespmem:$0x18400] =	vst v63  }
0x7cf: {  	_ =	swait.ge [sflag:s20], $0x4000;
	v3 =	vor.u32 v1, v2  }
0x7d0: {  	v5 =	vld [tilespmem:$0x1FDC0];
	_ =	sdelay $0x1  }
0x7d1: {  	[sflag:s20] =	ssyncset.done $0x0  }
0x7d2: {  	[sflag:s20] =	ssyncadd.s32 $0xFFFFC000;
	v1 =	vshll.u32 v2, $0x7  }
0x7d3: {  	v4 =	vor.u32 v4, v1;
	v3 =	vld.idx.msk [tilespmem:v3+s18+$0x0], $0xffff  }
0x7d4: {  	v5 =	vor.u32 v5, v2;
	_ =	sdelay $0x3  }
0x7d5: {  	[tilespmem:v4+s21+$0x0] =	vst.idx.msk $0xffff, v3;
	v4 =	vld [tilespmem:$0x1FDD0]  }
0x7d6: {  	v3 =	vld.idx.msk [tilespmem:v5+s18+$0x0], $0xffff  }
0x7d7: {  	v5 =	vld [tilespmem:$0x1FDE0];
	_ =	sdelay $0x3  }
0x7d8: {  	v4 =	vor.u32 v4, v1  }
0x7d9: {  	v5 =	vor.u32 v5, v2;
	_ =	sdelay $0x3  }
0x7da: {  	[tilespmem:v4+s21+$0x0] =	vst.idx.msk $0xffff, v3;
	v4 =	vld [tilespmem:$0x1FDF0]  }
0x7db: {  	v3 =	vld.idx.msk [tilespmem:v5+s18+$0x0], $0xffff  }
0x7dc: {  	v5 =	vld [tilespmem:$0x1FE00];
	_ =	sdelay $0x3  }
0x7dd: {  	v4 =	vor.u32 v4, v1  }
0x7de: {  	v5 =	vor.u32 v5, v2;
	_ =	sdelay $0x3  }
0x7df: {  	[tilespmem:v4+s21+$0x0] =	vst.idx.msk $0xffff, v3;
	v4 =	vld [tilespmem:$0x1FE10]  }
0x7e0: {  	v3 =	vld.idx.msk [tilespmem:v5+s18+$0x0], $0xffff  }
0x7e1: {  	v5 =	vld [tilespmem:$0x1FF00];
	_ =	sdelay $0x3  }
0x7e2: {  	v4 =	vor.u32 v4, v1  }
0x7e3: {  	v5 =	vor.u32 v5, v2;
	_ =	sdelay $0x3  }
0x7e4: {  	[tilespmem:v4+s21+$0x0] =	vst.idx.msk $0xffff, v3;
	v4 =	vld [tilespmem:$0x1FE20]  }
0x7e5: {  	v3 =	vld.idx.msk [tilespmem:v5+s18+$0x0], $0xffff  }
0x7e6: {  	v5 =	vld [tilespmem:$0x1FF10];
	_ =	sdelay $0x3  }
0x7e7: {  	v4 =	vor.u32 v4, v1  }
0x7e8: {  	v5 =	vor.u32 v5, v2;
	_ =	sdelay $0x3  }
0x7e9: {  	[tilespmem:v4+s21+$0x0] =	vst.idx.msk $0xffff, v3;
	v4 =	vld [tilespmem:$0x1FE30]  }
0x7ea: {  	v3 =	vld.idx.msk [tilespmem:v5+s18+$0x0], $0xffff  }
0x7eb: {  	v5 =	vld [tilespmem:$0x1FF20];
	_ =	sdelay $0x3  }
0x7ec: {  	v4 =	vor.u32 v4, v1  }
0x7ed: {  	v5 =	vor.u32 v5, v2;
	_ =	sdelay $0x3  }
0x7ee: {  	[tilespmem:v4+s21+$0x0] =	vst.idx.msk $0xffff, v3;
	v4 =	vld [tilespmem:$0x1FE40]  }
0x7ef: {  	v3 =	vld.idx.msk [tilespmem:v5+s18+$0x0], $0xffff  }
0x7f0: {  	v5 =	vld [tilespmem:$0x1FF30];
	_ =	sdelay $0x3  }
0x7f1: {  	v4 =	vor.u32 v4, v1  }
0x7f2: {  	v5 =	vor.u32 v5, v2;
	_ =	sdelay $0x3  }
0x7f3: {  	[tilespmem:v4+s21+$0x0] =	vst.idx.msk $0xffff, v3;
	v4 =	vld [tilespmem:$0x1FE50]  }
0x7f4: {  	v3 =	vld.idx.msk [tilespmem:v5+s18+$0x0], $0xffff  }
0x7f5: {  	v5 =	vld [tilespmem:$0x1FF40];
	_ =	sdelay $0x3  }
0x7f6: {  	v4 =	vor.u32 v4, v1  }
0x7f7: {  	v5 =	vor.u32 v5, v0;
	_ =	sdelay $0x3  }
0x7f8: {  	[tilespmem:v4+s21+$0x0] =	vst.idx.msk $0xffff, v3;
	v4 =	vld [tilespmem:$0x1FE60]  }
0x7f9: {  	v3 =	vld.idx.msk [tilespmem:v5+s18+$0x0], $0xffff  }
0x7fa: {  	v5 =	vld [tilespmem:$0x1FF50];
	_ =	sdelay $0x3  }
0x7fb: {  	v4 =	vor.u32 v4, v1  }
0x7fc: {  	v5 =	vor.u32 v5, v0;
	_ =	sdelay $0x3  }
0x7fd: {  	[tilespmem:v4+s21+$0x0] =	vst.idx.msk $0xffff, v3;
	v4 =	vld [tilespmem:$0x1FE70]  }
0x7fe: {  	v3 =	vld.idx.msk [tilespmem:v5+s18+$0x0], $0xffff  }
0x7ff: {  	v5 =	vld [tilespmem:$0x1FF60];
	_ =	sdelay $0x3  }
0x800: {  	v4 =	vor.u32 v4, v1  }
0x801: {  	v5 =	vor.u32 v5, v0;
	_ =	sdelay $0x3  }
0x802: {  	[tilespmem:v4+s21+$0x0] =	vst.idx.msk $0xffff, v3;
	v4 =	vld [tilespmem:$0x1FE80]  }
0x803: {  	v3 =	vld.idx.msk [tilespmem:v5+s18+$0x0], $0xffff  }
0x804: {  	v5 =	vld [tilespmem:$0x1FF70];
	_ =	sdelay $0x3  }
0x805: {  	v4 =	vor.u32 v4, v1  }
0x806: {  	v5 =	vor.u32 v5, v0;
	_ =	sdelay $0x3  }
0x807: {  	[tilespmem:v4+s21+$0x0] =	vst.idx.msk $0xffff, v3;
	v4 =	vld [tilespmem:$0x1FE90]  }
0x808: {  	v3 =	vld.idx.msk [tilespmem:v5+s18+$0x0], $0xffff  }
0x809: {  	v5 =	vld [tilespmem:$0x1FF80];
	_ =	sdelay $0x3  }
0x80a: {  	v4 =	vor.u32 v4, v1  }
0x80b: {  	v5 =	vor.u32 v5, v0;
	_ =	sdelay $0x3  }
0x80c: {  	[tilespmem:v4+s21+$0x0] =	vst.idx.msk $0xffff, v3;
	v4 =	vld [tilespmem:$0x1FEA0]  }
0x80d: {  	v3 =	vld.idx.msk [tilespmem:v5+s18+$0x0], $0xffff  }
0x80e: {  	v5 =	vld [tilespmem:$0x1FF90];
	_ =	sdelay $0x3  }
0x80f: {  	v4 =	vor.u32 v4, v1  }
0x810: {  	v5 =	vor.u32 v5, v0;
	_ =	sdelay $0x3  }
0x811: {  	[tilespmem:v4+s21+$0x0] =	vst.idx.msk $0xffff, v3;
	v4 =	vld [tilespmem:$0x1FEB0]  }
0x812: {  	v3 =	vld.idx.msk [tilespmem:v5+s18+$0x0], $0xffff  }
0x813: {  	v5 =	vld [tilespmem:$0x1FFA0];
	_ =	sdelay $0x3  }
0x814: {  	v4 =	vor.u32 v4, v1  }
0x815: {  	v5 =	vor.u32 v5, v0;
	_ =	sdelay $0x3  }
0x816: {  	[tilespmem:v4+s21+$0x0] =	vst.idx.msk $0xffff, v3;
	v4 =	vld [tilespmem:$0x1FEC0]  }
0x817: {  	v3 =	vld.idx.msk [tilespmem:v5+s18+$0x0], $0xffff  }
0x818: {  	v5 =	vld [tilespmem:$0x1FFB0];
	_ =	sdelay $0x3  }
0x819: {  	v4 =	vor.u32 v4, v1  }
0x81a: {  	v5 =	vor.u32 v5, v0;
	_ =	sdelay $0x3  }
0x81b: {  	[tilespmem:v4+s21+$0x0] =	vst.idx.msk $0xffff, v3;
	v4 =	vld [tilespmem:$0x1FED0]  }
0x81c: {  	v3 =	vld.idx.msk [tilespmem:v5+s18+$0x0], $0xffff  }
0x81d: {  	v5 =	vld [tilespmem:$0x1FFC0];
	_ =	sdelay $0x3  }
0x81e: {  	v4 =	vor.u32 v4, v1  }
0x81f: {  	v5 =	vor.u32 v5, v2;
	_ =	sdelay $0x3  }
0x820: {  	[tilespmem:v4+s21+$0x0] =	vst.idx.msk $0xffff, v3;
	v4 =	vld [tilespmem:$0x1FEE0]  }
0x821: {  	v3 =	vld.idx.msk [tilespmem:v5+s18+$0x0], $0xffff  }
0x822: {  	v5 =	vld [tilespmem:$0x1FFD0];
	_ =	sdelay $0x3  }
0x823: {  	v4 =	vor.u32 v4, v1  }
0x824: {  	v5 =	vor.u32 v5, v2;
	_ =	sdelay $0x3  }
0x825: {  	[tilespmem:v4+s21+$0x0] =	vst.idx.msk $0xffff, v3;
	v4 =	vld [tilespmem:$0x1FEF0]  }
0x826: {  	v3 =	vld.idx.msk [tilespmem:v5+s18+$0x0], $0xffff  }
0x827: {  	v5 =	vld [tilespmem:$0x1FFE0];
	_ =	sdelay $0x3  }
0x828: {  	v4 =	vor.u32 v4, v1  }
0x829: {  	v5 =	vor.u32 v5, v2;
	_ =	sdelay $0x3  }
0x82a: {  	[tilespmem:v4+s21+$0x0] =	vst.idx.msk $0xffff, v3  }
0x82b: {  	v4 =	vor.u32 v37, v1;
	v3 =	vld.idx.msk [tilespmem:v5+s18+$0x0], $0xffff  }
0x82c: {  	v5 =	vor.u32 v38, v2;
	_ =	sdelay $0x3  }
0x82d: {  	[tilespmem:v4+s21+$0x0] =	vst.idx.msk $0xffff, v3  }
0x82e: {  	v4 =	vor.u32 v39, v1;
	v3 =	vld.idx.msk [tilespmem:v5+s18+$0x0], $0xffff  }
0x82f: {  	v5 =	vor.u32 v40, v2;
	_ =	sdelay $0x3  }
0x830: {  	[tilespmem:v4+s21+$0x0] =	vst.idx.msk $0xffff, v3  }
0x831: {  	v4 =	vor.u32 v41, v1;
	v3 =	vld.idx.msk [tilespmem:v5+s18+$0x0], $0xffff  }
0x832: {  	v5 =	vor.u32 v42, v2;
	_ =	sdelay $0x3  }
0x833: {  	[tilespmem:v4+s21+$0x0] =	vst.idx.msk $0xffff, v3  }
0x834: {  	v4 =	vor.u32 v43, v1;
	v3 =	vld.idx.msk [tilespmem:v5+s18+$0x0], $0xffff  }
0x835: {  	v5 =	vor.u32 v44, v2;
	_ =	sdelay $0x3  }
0x836: {  	[tilespmem:v4+s21+$0x0] =	vst.idx.msk $0xffff, v3  }
0x837: {  	v4 =	vor.u32 v45, v1;
	v3 =	vld.idx.msk [tilespmem:v5+s18+$0x0], $0xffff  }
0x838: {  	v2 =	vor.u32 v46, v2;
	_ =	sdelay $0x3  }
0x839: {  	[tilespmem:v4+s21+$0x0] =	vst.idx.msk $0xffff, v3  }
0x83a: {  	v3 =	vor.u32 v47, v1;
	v2 =	vld.idx.msk [tilespmem:v2+s18+$0x0], $0xffff  }
0x83b: {  	v4 =	vor.u32 v48, v0;
	_ =	sdelay $0x3  }
0x83c: {  	[tilespmem:v3+s21+$0x0] =	vst.idx.msk $0xffff, v2  }
0x83d: {  	v3 =	vor.u32 v49, v1;
	v2 =	vld.idx.msk [tilespmem:v4+s18+$0x0], $0xffff  }
0x83e: {  	v4 =	vor.u32 v50, v0;
	_ =	sdelay $0x3  }
0x83f: {  	[tilespmem:v3+s21+$0x0] =	vst.idx.msk $0xffff, v2  }
0x840: {  	v3 =	vor.u32 v51, v1;
	v2 =	vld.idx.msk [tilespmem:v4+s18+$0x0], $0xffff  }
0x841: {  	v4 =	vor.u32 v52, v0;
	_ =	sdelay $0x3  }
0x842: {  	[tilespmem:v3+s21+$0x0] =	vst.idx.msk $0xffff, v2  }
0x843: {  	v3 =	vor.u32 v53, v1;
	v2 =	vld.idx.msk [tilespmem:v4+s18+$0x0], $0xffff  }
0x844: {  	v4 =	vor.u32 v54, v0;
	_ =	sdelay $0x3  }
0x845: {  	[tilespmem:v3+s21+$0x0] =	vst.idx.msk $0xffff, v2  }
0x846: {  	v3 =	vor.u32 v55, v1;
	v2 =	vld.idx.msk [tilespmem:v4+s18+$0x0], $0xffff  }
0x847: {  	v4 =	vor.u32 v56, v0;
	_ =	sdelay $0x3  }
0x848: {  	[tilespmem:v3+s21+$0x0] =	vst.idx.msk $0xffff, v2  }
0x849: {  	v3 =	vor.u32 v57, v1;
	v2 =	vld.idx.msk [tilespmem:v4+s18+$0x0], $0xffff  }
0x84a: {  	v4 =	vor.u32 v58, v0;
	_ =	sdelay $0x3  }
0x84b: {  	[tilespmem:v3+s21+$0x0] =	vst.idx.msk $0xffff, v2  }
0x84c: {  	v3 =	vor.u32 v59, v1;
	v2 =	vld.idx.msk [tilespmem:v4+s18+$0x0], $0xffff  }
0x84d: {  	v4 =	vor.u32 v60, v0;
	_ =	sdelay $0x3  }
0x84e: {  	[tilespmem:v3+s21+$0x0] =	vst.idx.msk $0xffff, v2  }
0x84f: {  	v3 =	vor.u32 v61, v1;
	v2 =	vld.idx.msk [tilespmem:v4+s18+$0x0], $0xffff  }
0x850: {  	v4 =	vor.u32 v62, v0;
	_ =	sdelay $0x3  }
0x851: {  	s10 =	simm.s32 $0x1;
	v6 =	vlaneseq.u32;
	[tilespmem:v3+s21+$0x0] =	vst.idx.msk $0xffff, v2  }
0x852: {  	s0 =	simm.s32 $0x2;
	v0 =	vadd.s32 s10, v6;
	v3 =	vld.idx.msk [tilespmem:v4+s18+$0x0], $0xffff  }
.LBB2_16:
0x853: {  	v2 =	vand.u32 $0xF, v0;
	v1 =	vor.u32 v63, v1  }
0x854: {  	v4 =	vor.u32 v7, v2;
	_ =	sdelay $0x2  }
0x855: {  	v5 =	vld [tilespmem:$0x1FDC0]  }
0x856: {  	v6 =	vlaneseq.u32;
	[tilespmem:v1+s21+$0x0] =	vst.idx.msk $0xffff, v3;
	v1 =	vshll.u32 v2, $0x7  }
0x857: {  	v3 =	vld.idx.msk [tilespmem:v4+s18+$0x0], $0xffff;
	v4 =	vor.u32 v6, v1;
	_ =	sdelay $0x2  }
0x858: {  	v5 =	vor.u32 v5, v2;
	_ =	sdelay $0x1  }
0x859: {  	[tilespmem:v4+s21+$0x0] =	vst.idx.msk $0xffff, v3;
	v4 =	vld [tilespmem:$0x1FDD0];
	_ =	sdelay $0x2  }
0x85a: {  	v3 =	vld.idx.msk [tilespmem:v5+s18+$0x0], $0xffff  }
0x85b: {  	v5 =	vld [tilespmem:$0x1FDE0]  }
0x85c: {  	v4 =	vor.u32 v4, v1;
	_ =	sdelay $0x3  }
0x85d: {  	v5 =	vor.u32 v5, v2  }
0x85e: {  	[tilespmem:v4+s21+$0x0] =	vst.idx.msk $0xffff, v3;
	v4 =	vld [tilespmem:$0x1FDF0];
	_ =	sdelay $0x3  }
0x85f: {  	v3 =	vld.idx.msk [tilespmem:v5+s18+$0x0], $0xffff  }
0x860: {  	v5 =	vld [tilespmem:$0x1FE00];
	v4 =	vor.u32 v4, v1;
	_ =	sdelay $0x4  }
0x861: {  	v5 =	vor.u32 v5, v2;
	[tilespmem:v4+s21+$0x0] =	vst.idx.msk $0xffff, v3;
	v4 =	vld [tilespmem:$0x1FE10];
	_ =	sdelay $0x4  }
0x862: {  	v3 =	vld.idx.msk [tilespmem:v5+s18+$0x0], $0xffff;
	v4 =	vor.u32 v4, v1  }
0x863: {  	v5 =	vor.u32 v14, v2;
	_ =	sdelay $0x3  }
0x864: {  	[tilespmem:v4+s21+$0x0] =	vst.idx.msk $0xffff, v3  }
0x865: {  	v4 =	vor.u32 v15, v1;
	v3 =	vld.idx.msk [tilespmem:v5+s18+$0x0], $0xffff  }
0x866: {  	v5 =	vor.u32 v16, v2;
	_ =	sdelay $0x3  }
0x867: {  	[tilespmem:v4+s21+$0x0] =	vst.idx.msk $0xffff, v3  }
0x868: {  	v4 =	vor.u32 v17, v1;
	v3 =	vld.idx.msk [tilespmem:v5+s18+$0x0], $0xffff  }
0x869: {  	v5 =	vor.u32 v18, v2;
	_ =	sdelay $0x3  }
0x86a: {  	[tilespmem:v4+s21+$0x0] =	vst.idx.msk $0xffff, v3  }
0x86b: {  	v4 =	vor.u32 v19, v1;
	v3 =	vld.idx.msk [tilespmem:v5+s18+$0x0], $0xffff  }
0x86c: {  	v5 =	vor.u32 v20, v2;
	_ =	sdelay $0x3  }
0x86d: {  	[tilespmem:v4+s21+$0x0] =	vst.idx.msk $0xffff, v3  }
0x86e: {  	v4 =	vor.u32 v21, v1;
	v3 =	vld.idx.msk [tilespmem:v5+s18+$0x0], $0xffff  }
0x86f: {  	v5 =	vor.u32 v22, v0;
	_ =	sdelay $0x3  }
0x870: {  	[tilespmem:v4+s21+$0x0] =	vst.idx.msk $0xffff, v3  }
0x871: {  	v4 =	vor.u32 v23, v1;
	v3 =	vld.idx.msk [tilespmem:v5+s18+$0x0], $0xffff  }
0x872: {  	v5 =	vor.u32 v24, v0;
	_ =	sdelay $0x3  }
0x873: {  	[tilespmem:v4+s21+$0x0] =	vst.idx.msk $0xffff, v3  }
0x874: {  	v4 =	vor.u32 v25, v1;
	v3 =	vld.idx.msk [tilespmem:v5+s18+$0x0], $0xffff  }
0x875: {  	v5 =	vor.u32 v26, v0;
	_ =	sdelay $0x3  }
0x876: {  	[tilespmem:v4+s21+$0x0] =	vst.idx.msk $0xffff, v3  }
0x877: {  	v4 =	vor.u32 v27, v1;
	v3 =	vld.idx.msk [tilespmem:v5+s18+$0x0], $0xffff  }
0x878: {  	v5 =	vor.u32 v28, v0;
	_ =	sdelay $0x3  }
0x879: {  	[tilespmem:v4+s21+$0x0] =	vst.idx.msk $0xffff, v3  }
0x87a: {  	v4 =	vor.u32 v29, v1;
	v3 =	vld.idx.msk [tilespmem:v5+s18+$0x0], $0xffff  }
0x87b: {  	v5 =	vor.u32 v30, v0;
	_ =	sdelay $0x3  }
0x87c: {  	[tilespmem:v4+s21+$0x0] =	vst.idx.msk $0xffff, v3  }
0x87d: {  	v4 =	vor.u32 v31, v1;
	v3 =	vld.idx.msk [tilespmem:v5+s18+$0x0], $0xffff  }
0x87e: {  	v5 =	vor.u32 v32, v0;
	_ =	sdelay $0x3  }
0x87f: {  	[tilespmem:v4+s21+$0x0] =	vst.idx.msk $0xffff, v3  }
0x880: {  	v4 =	vor.u32 v33, v1;
	v3 =	vld.idx.msk [tilespmem:v5+s18+$0x0], $0xffff  }
0x881: {  	v5 =	vor.u32 v8, v0;
	_ =	sdelay $0x3  }
0x882: {  	[tilespmem:v4+s21+$0x0] =	vst.idx.msk $0xffff, v3  }
0x883: {  	v4 =	vor.u32 v9, v1;
	v3 =	vld.idx.msk [tilespmem:v5+s18+$0x0], $0xffff  }
0x884: {  	v5 =	vor.u32 v10, v0;
	_ =	sdelay $0x3  }
0x885: {  	[tilespmem:v4+s21+$0x0] =	vst.idx.msk $0xffff, v3  }
0x886: {  	v4 =	vor.u32 v34, v1;
	v3 =	vld.idx.msk [tilespmem:v5+s18+$0x0], $0xffff  }
0x887: {  	v5 =	vor.u32 v11, v2;
	_ =	sdelay $0x3  }
0x888: {  	[tilespmem:v4+s21+$0x0] =	vst.idx.msk $0xffff, v3  }
0x889: {  	v4 =	vor.u32 v35, v1;
	v3 =	vld.idx.msk [tilespmem:v5+s18+$0x0], $0xffff  }
0x88a: {  	v5 =	vor.u32 v12, v2;
	_ =	sdelay $0x3  }
0x88b: {  	[tilespmem:v4+s21+$0x0] =	vst.idx.msk $0xffff, v3  }
0x88c: {  	v4 =	vor.u32 v36, v1;
	v3 =	vld.idx.msk [tilespmem:v5+s18+$0x0], $0xffff  }
0x88d: {  	v5 =	vor.u32 v13, v2;
	_ =	sdelay $0x3  }
0x88e: {  	[tilespmem:v4+s21+$0x0] =	vst.idx.msk $0xffff, v3  }
0x88f: {  	v4 =	vor.u32 v37, v1;
	v3 =	vld.idx.msk [tilespmem:v5+s18+$0x0], $0xffff  }
0x890: {  	v5 =	vor.u32 v38, v2;
	_ =	sdelay $0x3  }
0x891: {  	[tilespmem:v4+s21+$0x0] =	vst.idx.msk $0xffff, v3  }
0x892: {  	v4 =	vor.u32 v39, v1;
	v3 =	vld.idx.msk [tilespmem:v5+s18+$0x0], $0xffff  }
0x893: {  	v5 =	vor.u32 v40, v2;
	_ =	sdelay $0x3  }
0x894: {  	[tilespmem:v4+s21+$0x0] =	vst.idx.msk $0xffff, v3  }
0x895: {  	v4 =	vor.u32 v41, v1;
	v3 =	vld.idx.msk [tilespmem:v5+s18+$0x0], $0xffff  }
0x896: {  	v5 =	vor.u32 v42, v2;
	_ =	sdelay $0x3  }
0x897: {  	[tilespmem:v4+s21+$0x0] =	vst.idx.msk $0xffff, v3  }
0x898: {  	v4 =	vor.u32 v43, v1;
	v3 =	vld.idx.msk [tilespmem:v5+s18+$0x0], $0xffff  }
0x899: {  	v5 =	vor.u32 v44, v2;
	_ =	sdelay $0x3  }
0x89a: {  	[tilespmem:v4+s21+$0x0] =	vst.idx.msk $0xffff, v3  }
0x89b: {  	v4 =	vor.u32 v45, v1;
	v3 =	vld.idx.msk [tilespmem:v5+s18+$0x0], $0xffff  }
0x89c: {  	v2 =	vor.u32 v46, v2;
	_ =	sdelay $0x3  }
0x89d: {  	[tilespmem:v4+s21+$0x0] =	vst.idx.msk $0xffff, v3  }
0x89e: {  	v3 =	vor.u32 v47, v1;
	v2 =	vld.idx.msk [tilespmem:v2+s18+$0x0], $0xffff  }
0x89f: {  	v4 =	vor.u32 v48, v0;
	_ =	sdelay $0x3  }
0x8a0: {  	[tilespmem:v3+s21+$0x0] =	vst.idx.msk $0xffff, v2  }
0x8a1: {  	v3 =	vor.u32 v49, v1;
	v2 =	vld.idx.msk [tilespmem:v4+s18+$0x0], $0xffff  }
0x8a2: {  	v4 =	vor.u32 v50, v0;
	_ =	sdelay $0x3  }
0x8a3: {  	[tilespmem:v3+s21+$0x0] =	vst.idx.msk $0xffff, v2  }
0x8a4: {  	v3 =	vor.u32 v51, v1;
	v2 =	vld.idx.msk [tilespmem:v4+s18+$0x0], $0xffff  }
0x8a5: {  	v4 =	vor.u32 v52, v0;
	_ =	sdelay $0x3  }
0x8a6: {  	[tilespmem:v3+s21+$0x0] =	vst.idx.msk $0xffff, v2  }
0x8a7: {  	v3 =	vor.u32 v53, v1;
	v2 =	vld.idx.msk [tilespmem:v4+s18+$0x0], $0xffff  }
0x8a8: {  	v4 =	vor.u32 v54, v0;
	_ =	sdelay $0x3  }
0x8a9: {  	[tilespmem:v3+s21+$0x0] =	vst.idx.msk $0xffff, v2  }
0x8aa: {  	v3 =	vor.u32 v55, v1;
	v2 =	vld.idx.msk [tilespmem:v4+s18+$0x0], $0xffff  }
0x8ab: {  	v4 =	vor.u32 v56, v0;
	_ =	sdelay $0x3  }
0x8ac: {  	[tilespmem:v3+s21+$0x0] =	vst.idx.msk $0xffff, v2  }
0x8ad: {  	v3 =	vor.u32 v57, v1;
	v2 =	vld.idx.msk [tilespmem:v4+s18+$0x0], $0xffff  }
0x8ae: {  	v4 =	vor.u32 v58, v0;
	_ =	sdelay $0x3  }
0x8af: {  	[tilespmem:v3+s21+$0x0] =	vst.idx.msk $0xffff, v2  }
0x8b0: {  	v3 =	vor.u32 v59, v1;
	v2 =	vld.idx.msk [tilespmem:v4+s18+$0x0], $0xffff  }
0x8b1: {  	v4 =	vor.u32 v60, v0;
	_ =	sdelay $0x3  }
0x8b2: {  	[tilespmem:v3+s21+$0x0] =	vst.idx.msk $0xffff, v2  }
0x8b3: {  	v3 =	vor.u32 v61, v1;
	v2 =	vld.idx.msk [tilespmem:v4+s18+$0x0], $0xffff  }
0x8b4: {  	p0 =	sne.s32 s0, $0xF;
	v4 =	vor.u32 v62, v0  }
.Ltmp7:
0x8b5: {  	_ = 	snop;
	(pc) =	sbr.rel @p0 .LBB2_16-.Ltmp7, $3  }
0x8b6: {  	_ =	sdelay $0x1  }
0x8b7: {  	[tilespmem:v3+s21+$0x0] =	vst.idx.msk $0xffff, v2  }
0x8b8: {  	v0 =	vadd.s32 s0, v6;
	s0 =	sadd.s32 $0x1, s0;
	v3 =	vld.idx.msk [tilespmem:v4+s18+$0x0], $0xffff  }
0x8b9: {  	v2 =	vand.u32 $0xF, v0;
	v1 =	vor.u32 v63, v1  }
0x8ba: {  	v4 =	vor.u32 v7, v2;
	_ =	sdelay $0x3  }
0x8bb: {  	[tilespmem:v1+s21+$0x0] =	vst.idx.msk $0xffff, v3  }
0x8bc: {  	v1 =	vshll.u32 v2, $0x7;
	v6 =	vld.idx.msk [tilespmem:v4+s18+$0x0], $0xffff;
	v4 =	vlaneseq.u32  }
0x8bd: {  	v3 =	vld [tilespmem:$0x1FDC0];
	v4 =	vor.u32 v4, v1;
	_ =	sdelay $0x4  }
0x8be: {  	v5 =	vor.u32 v3, v2;
	[tilespmem:v4+s21+$0x0] =	vst.idx.msk $0xffff, v6;
	v4 =	vld [tilespmem:$0x1FDD0];
	_ =	sdelay $0x4  }
0x8bf: {  	v3 =	vld.idx.msk [tilespmem:v5+s18+$0x0], $0xffff;
	v4 =	vor.u32 v4, v1;
	_ =	sdelay $0x3  }
0x8c0: {  	v5 =	vld [tilespmem:$0x1FDE0]  }
0x8c1: {  	[tilespmem:v4+s21+$0x0] =	vst.idx.msk $0xffff, v3;
	v3 =	vld [tilespmem:$0x1FDF0];
	_ =	sdelay $0x3  }
0x8c2: {  	v5 =	vor.u32 v5, v2  }
0x8c3: {  	v4 =	vor.u32 v3, v1;
	v3 =	vld [tilespmem:$0x1FE00];
	_ =	sdelay $0x3  }
0x8c4: {  	v6 =	vld.idx.msk [tilespmem:v5+s18+$0x0], $0xffff  }
0x8c5: {  	v5 =	vor.u32 v3, v2;
	v3 =	vld [tilespmem:$0x1FE10];
	_ =	sdelay $0x3  }
0x8c6: {  	[tilespmem:v4+s21+$0x0] =	vst.idx.msk $0xffff, v6  }
0x8c7: {  	v6 =	vld.idx.msk [tilespmem:v5+s18+$0x0], $0xffff;
	v4 =	vor.u32 v3, v1  }
0x8c8: {  	v5 =	vor.u32 v14, v2;
	_ =	sdelay $0x3  }
0x8c9: {  	[tilespmem:v4+s21+$0x0] =	vst.idx.msk $0xffff, v6  }
0x8ca: {  	v4 =	vor.u32 v15, v1;
	v6 =	vld.idx.msk [tilespmem:v5+s18+$0x0], $0xffff  }
0x8cb: {  	v5 =	vor.u32 v16, v2;
	_ =	sdelay $0x3  }
0x8cc: {  	[tilespmem:v4+s21+$0x0] =	vst.idx.msk $0xffff, v6  }
0x8cd: {  	v4 =	vor.u32 v17, v1;
	v6 =	vld.idx.msk [tilespmem:v5+s18+$0x0], $0xffff  }
0x8ce: {  	v5 =	vor.u32 v18, v2;
	_ =	sdelay $0x3  }
0x8cf: {  	[tilespmem:v4+s21+$0x0] =	vst.idx.msk $0xffff, v6  }
0x8d0: {  	v4 =	vor.u32 v19, v1;
	v6 =	vld.idx.msk [tilespmem:v5+s18+$0x0], $0xffff  }
0x8d1: {  	v5 =	vor.u32 v20, v2;
	_ =	sdelay $0x3  }
0x8d2: {  	[tilespmem:v4+s21+$0x0] =	vst.idx.msk $0xffff, v6  }
0x8d3: {  	v4 =	vor.u32 v21, v1;
	v6 =	vld.idx.msk [tilespmem:v5+s18+$0x0], $0xffff  }
0x8d4: {  	v5 =	vor.u32 v22, v0;
	_ =	sdelay $0x3  }
0x8d5: {  	[tilespmem:v4+s21+$0x0] =	vst.idx.msk $0xffff, v6  }
0x8d6: {  	v4 =	vor.u32 v23, v1;
	v6 =	vld.idx.msk [tilespmem:v5+s18+$0x0], $0xffff  }
0x8d7: {  	v5 =	vor.u32 v24, v0;
	_ =	sdelay $0x3  }
0x8d8: {  	[tilespmem:v4+s21+$0x0] =	vst.idx.msk $0xffff, v6  }
0x8d9: {  	v4 =	vor.u32 v25, v1;
	v6 =	vld.idx.msk [tilespmem:v5+s18+$0x0], $0xffff  }
0x8da: {  	v5 =	vor.u32 v26, v0;
	_ =	sdelay $0x3  }
0x8db: {  	[tilespmem:v4+s21+$0x0] =	vst.idx.msk $0xffff, v6  }
0x8dc: {  	v4 =	vor.u32 v27, v1;
	v6 =	vld.idx.msk [tilespmem:v5+s18+$0x0], $0xffff  }
0x8dd: {  	v5 =	vor.u32 v28, v0;
	_ =	sdelay $0x3  }
0x8de: {  	[tilespmem:v4+s21+$0x0] =	vst.idx.msk $0xffff, v6  }
0x8df: {  	v4 =	vor.u32 v29, v1;
	v6 =	vld.idx.msk [tilespmem:v5+s18+$0x0], $0xffff  }
0x8e0: {  	v5 =	vor.u32 v30, v0;
	_ =	sdelay $0x3  }
0x8e1: {  	[tilespmem:v4+s21+$0x0] =	vst.idx.msk $0xffff, v6  }
0x8e2: {  	v4 =	vor.u32 v31, v1;
	v6 =	vld.idx.msk [tilespmem:v5+s18+$0x0], $0xffff  }
0x8e3: {  	v5 =	vor.u32 v32, v0;
	_ =	sdelay $0x3  }
0x8e4: {  	[tilespmem:v4+s21+$0x0] =	vst.idx.msk $0xffff, v6  }
0x8e5: {  	v4 =	vor.u32 v33, v1;
	v6 =	vld.idx.msk [tilespmem:v5+s18+$0x0], $0xffff  }
0x8e6: {  	v5 =	vor.u32 v8, v0;
	_ =	sdelay $0x3  }
0x8e7: {  	[tilespmem:v4+s21+$0x0] =	vst.idx.msk $0xffff, v6  }
0x8e8: {  	v4 =	vor.u32 v9, v1;
	v6 =	vld.idx.msk [tilespmem:v5+s18+$0x0], $0xffff  }
0x8e9: {  	v5 =	vor.u32 v10, v0;
	_ =	sdelay $0x3  }
0x8ea: {  	[tilespmem:v4+s21+$0x0] =	vst.idx.msk $0xffff, v6  }
0x8eb: {  	v4 =	vor.u32 v34, v1;
	v6 =	vld.idx.msk [tilespmem:v5+s18+$0x0], $0xffff  }
0x8ec: {  	v5 =	vor.u32 v11, v2;
	_ =	sdelay $0x3  }
0x8ed: {  	[tilespmem:v4+s21+$0x0] =	vst.idx.msk $0xffff, v6  }
0x8ee: {  	v4 =	vor.u32 v35, v1;
	v6 =	vld.idx.msk [tilespmem:v5+s18+$0x0], $0xffff  }
0x8ef: {  	v5 =	vor.u32 v12, v2;
	_ =	sdelay $0x3  }
0x8f0: {  	[tilespmem:v4+s21+$0x0] =	vst.idx.msk $0xffff, v6  }
0x8f1: {  	v4 =	vor.u32 v36, v1;
	v6 =	vld.idx.msk [tilespmem:v5+s18+$0x0], $0xffff  }
0x8f2: {  	v5 =	vor.u32 v13, v2;
	_ =	sdelay $0x3  }
0x8f3: {  	[tilespmem:v4+s21+$0x0] =	vst.idx.msk $0xffff, v6  }
0x8f4: {  	v4 =	vor.u32 v37, v1;
	v3 =	vld.idx.msk [tilespmem:v5+s18+$0x0], $0xffff  }
0x8f5: {  	v5 =	vor.u32 v38, v2;
	_ =	sdelay $0x3  }
0x8f6: {  	[tilespmem:v4+s21+$0x0] =	vst.idx.msk $0xffff, v3  }
0x8f7: {  	v4 =	vor.u32 v39, v1;
	v3 =	vld.idx.msk [tilespmem:v5+s18+$0x0], $0xffff  }
0x8f8: {  	v5 =	vor.u32 v40, v2;
	_ =	sdelay $0x3  }
0x8f9: {  	[tilespmem:v4+s21+$0x0] =	vst.idx.msk $0xffff, v3  }
0x8fa: {  	v4 =	vor.u32 v41, v1;
	v3 =	vld.idx.msk [tilespmem:v5+s18+$0x0], $0xffff  }
0x8fb: {  	v5 =	vor.u32 v42, v2;
	_ =	sdelay $0x3  }
0x8fc: {  	[tilespmem:v4+s21+$0x0] =	vst.idx.msk $0xffff, v3  }
0x8fd: {  	v4 =	vor.u32 v43, v1;
	v3 =	vld.idx.msk [tilespmem:v5+s18+$0x0], $0xffff  }
0x8fe: {  	v5 =	vor.u32 v44, v2;
	_ =	sdelay $0x3  }
0x8ff: {  	[tilespmem:v4+s21+$0x0] =	vst.idx.msk $0xffff, v3  }
0x900: {  	v4 =	vor.u32 v45, v1;
	v3 =	vld.idx.msk [tilespmem:v5+s18+$0x0], $0xffff  }
0x901: {  	v2 =	vor.u32 v46, v2;
	_ =	sdelay $0x3  }
0x902: {  	[tilespmem:v4+s21+$0x0] =	vst.idx.msk $0xffff, v3  }
0x903: {  	v3 =	vor.u32 v47, v1;
	v2 =	vld.idx.msk [tilespmem:v2+s18+$0x0], $0xffff  }
0x904: {  	v4 =	vor.u32 v48, v0;
	_ =	sdelay $0x3  }
0x905: {  	[tilespmem:v3+s21+$0x0] =	vst.idx.msk $0xffff, v2  }
0x906: {  	v3 =	vor.u32 v49, v1;
	v2 =	vld.idx.msk [tilespmem:v4+s18+$0x0], $0xffff  }
0x907: {  	v4 =	vor.u32 v50, v0;
	_ =	sdelay $0x3  }
0x908: {  	[tilespmem:v3+s21+$0x0] =	vst.idx.msk $0xffff, v2  }
0x909: {  	v3 =	vor.u32 v51, v1;
	v2 =	vld.idx.msk [tilespmem:v4+s18+$0x0], $0xffff  }
0x90a: {  	v4 =	vor.u32 v52, v0;
	_ =	sdelay $0x3  }
0x90b: {  	[tilespmem:v3+s21+$0x0] =	vst.idx.msk $0xffff, v2  }
0x90c: {  	v3 =	vor.u32 v53, v1;
	v2 =	vld.idx.msk [tilespmem:v4+s18+$0x0], $0xffff  }
0x90d: {  	v4 =	vor.u32 v54, v0;
	_ =	sdelay $0x3  }
0x90e: {  	[tilespmem:v3+s21+$0x0] =	vst.idx.msk $0xffff, v2  }
0x90f: {  	v3 =	vor.u32 v55, v1;
	v2 =	vld.idx.msk [tilespmem:v4+s18+$0x0], $0xffff  }
0x910: {  	v4 =	vor.u32 v56, v0;
	_ =	sdelay $0x3  }
0x911: {  	[tilespmem:v3+s21+$0x0] =	vst.idx.msk $0xffff, v2  }
0x912: {  	v3 =	vor.u32 v57, v1;
	v2 =	vld.idx.msk [tilespmem:v4+s18+$0x0], $0xffff  }
0x913: {  	v4 =	vor.u32 v58, v0;
	_ =	sdelay $0x3  }
0x914: {  	[tilespmem:v3+s21+$0x0] =	vst.idx.msk $0xffff, v2  }
0x915: {  	v3 =	vor.u32 v59, v1;
	v2 =	vld.idx.msk [tilespmem:v4+s18+$0x0], $0xffff  }
0x916: {  	v4 =	vor.u32 v60, v0;
	_ =	sdelay $0x3  }
0x917: {  	[tilespmem:v3+s21+$0x0] =	vst.idx.msk $0xffff, v2  }
0x918: {  	v3 =	vor.u32 v61, v1;
	v2 =	vld.idx.msk [tilespmem:v4+s18+$0x0], $0xffff  }
0x919: {  	v0 =	vor.u32 v62, v0;
	_ =	sdelay $0x3  }
0x91a: {  	[tilespmem:v3+s21+$0x0] =	vst.idx.msk $0xffff, v2  }
0x91b: {  	v1 =	vor.u32 v63, v1;
	v2 =	vld.idx.msk [tilespmem:v0+s18+$0x0], $0xffff;
	_ =	sdelay $0x4  }
0x91c: {  	[tilespmem:v1+s21+$0x0] =	vst.idx.msk $0xffff, v2;
	v1 =	vld [tilespmem:$0x1FFF0];
	_ =	sdelay $0x1  }
0x91d: {  	s0 =	simm.s32 $0x0;
	v4 =	vlaneseq.u32  }
0x91e: {  	s8 =	rddreg [dreg:$0x7];
	v0 =	vadd.s32 s0, v4  }
0x91f: {  	v3 =	vand.u32 $0xF, v0;
	[hbm4b:s8+s14] =	stream.strided.scatter [tilespmem:s21], [sflag:$0x4], $0x2000, s15, s14, $0x38;
	[tilespmem:$0x18400] =	vst v63  }
0x920: {  	_ =	swait.ge [sflag:s24], $0x4000;
	v2 =	vor.u32 v1, v3  }
0x921: {  	v5 =	vld [tilespmem:$0x1FDC0];
	_ =	sdelay $0x1  }
0x922: {  	[sflag:s24] =	ssyncset.done $0x0  }
0x923: {  	[sflag:s24] =	ssyncadd.s32 $0xFFFFC000;
	v1 =	vshll.u32 v3, $0x7  }
0x924: {  	v4 =	vor.u32 v4, v1;
	v2 =	vld.idx.msk [tilespmem:v2+s19+$0x0], $0xffff  }
0x925: {  	v5 =	vor.u32 v5, v3;
	_ =	sdelay $0x3  }
0x926: {  	[tilespmem:v4+s25+$0x0] =	vst.idx.msk $0xffff, v2;
	v4 =	vld [tilespmem:$0x1FDD0]  }
0x927: {  	v2 =	vld.idx.msk [tilespmem:v5+s19+$0x0], $0xffff  }
0x928: {  	v5 =	vld [tilespmem:$0x1FDE0];
	_ =	sdelay $0x3  }
0x929: {  	v4 =	vor.u32 v4, v1  }
0x92a: {  	v5 =	vor.u32 v5, v3;
	_ =	sdelay $0x3  }
0x92b: {  	[tilespmem:v4+s25+$0x0] =	vst.idx.msk $0xffff, v2;
	v4 =	vld [tilespmem:$0x1FDF0]  }
0x92c: {  	v2 =	vld.idx.msk [tilespmem:v5+s19+$0x0], $0xffff  }
0x92d: {  	v5 =	vld [tilespmem:$0x1FE00];
	_ =	sdelay $0x3  }
0x92e: {  	v4 =	vor.u32 v4, v1  }
0x92f: {  	v5 =	vor.u32 v5, v3;
	_ =	sdelay $0x3  }
0x930: {  	[tilespmem:v4+s25+$0x0] =	vst.idx.msk $0xffff, v2;
	v4 =	vld [tilespmem:$0x1FE10]  }
0x931: {  	v2 =	vld.idx.msk [tilespmem:v5+s19+$0x0], $0xffff  }
0x932: {  	v5 =	vld [tilespmem:$0x1FF00];
	_ =	sdelay $0x3  }
0x933: {  	v4 =	vor.u32 v4, v1  }
0x934: {  	v5 =	vor.u32 v5, v3;
	_ =	sdelay $0x3  }
0x935: {  	[tilespmem:v4+s25+$0x0] =	vst.idx.msk $0xffff, v2;
	v4 =	vld [tilespmem:$0x1FE20]  }
0x936: {  	v2 =	vld.idx.msk [tilespmem:v5+s19+$0x0], $0xffff  }
0x937: {  	v5 =	vld [tilespmem:$0x1FF10];
	_ =	sdelay $0x3  }
0x938: {  	v4 =	vor.u32 v4, v1  }
0x939: {  	v5 =	vor.u32 v5, v3;
	_ =	sdelay $0x3  }
0x93a: {  	[tilespmem:v4+s25+$0x0] =	vst.idx.msk $0xffff, v2;
	v4 =	vld [tilespmem:$0x1FE30]  }
0x93b: {  	v2 =	vld.idx.msk [tilespmem:v5+s19+$0x0], $0xffff  }
0x93c: {  	v5 =	vld [tilespmem:$0x1FF20];
	_ =	sdelay $0x3  }
0x93d: {  	v4 =	vor.u32 v4, v1  }
0x93e: {  	v5 =	vor.u32 v5, v3;
	_ =	sdelay $0x3  }
0x93f: {  	[tilespmem:v4+s25+$0x0] =	vst.idx.msk $0xffff, v2;
	v4 =	vld [tilespmem:$0x1FE40]  }
0x940: {  	v2 =	vld.idx.msk [tilespmem:v5+s19+$0x0], $0xffff  }
0x941: {  	v5 =	vld [tilespmem:$0x1FF30];
	_ =	sdelay $0x3  }
0x942: {  	v4 =	vor.u32 v4, v1  }
0x943: {  	v5 =	vor.u32 v5, v3;
	_ =	sdelay $0x3  }
0x944: {  	[tilespmem:v4+s25+$0x0] =	vst.idx.msk $0xffff, v2;
	v4 =	vld [tilespmem:$0x1FE50]  }
0x945: {  	v2 =	vld.idx.msk [tilespmem:v5+s19+$0x0], $0xffff  }
0x946: {  	v5 =	vld [tilespmem:$0x1FF40];
	_ =	sdelay $0x3  }
0x947: {  	v4 =	vor.u32 v4, v1  }
0x948: {  	v5 =	vor.u32 v5, v0;
	_ =	sdelay $0x3  }
0x949: {  	[tilespmem:v4+s25+$0x0] =	vst.idx.msk $0xffff, v2;
	v4 =	vld [tilespmem:$0x1FE60]  }
0x94a: {  	v2 =	vld.idx.msk [tilespmem:v5+s19+$0x0], $0xffff  }
0x94b: {  	v5 =	vld [tilespmem:$0x1FF50];
	_ =	sdelay $0x3  }
0x94c: {  	v4 =	vor.u32 v4, v1  }
0x94d: {  	v5 =	vor.u32 v5, v0;
	_ =	sdelay $0x3  }
0x94e: {  	[tilespmem:v4+s25+$0x0] =	vst.idx.msk $0xffff, v2;
	v4 =	vld [tilespmem:$0x1FE70]  }
0x94f: {  	v2 =	vld.idx.msk [tilespmem:v5+s19+$0x0], $0xffff  }
0x950: {  	v5 =	vld [tilespmem:$0x1FF60];
	_ =	sdelay $0x3  }
0x951: {  	v4 =	vor.u32 v4, v1  }
0x952: {  	v5 =	vor.u32 v5, v0;
	_ =	sdelay $0x3  }
0x953: {  	[tilespmem:v4+s25+$0x0] =	vst.idx.msk $0xffff, v2;
	v4 =	vld [tilespmem:$0x1FE80]  }
0x954: {  	v2 =	vld.idx.msk [tilespmem:v5+s19+$0x0], $0xffff  }
0x955: {  	v5 =	vld [tilespmem:$0x1FF70];
	_ =	sdelay $0x3  }
0x956: {  	v4 =	vor.u32 v4, v1  }
0x957: {  	v5 =	vor.u32 v5, v0;
	_ =	sdelay $0x3  }
0x958: {  	[tilespmem:v4+s25+$0x0] =	vst.idx.msk $0xffff, v2;
	v4 =	vld [tilespmem:$0x1FE90]  }
0x959: {  	v2 =	vld.idx.msk [tilespmem:v5+s19+$0x0], $0xffff  }
0x95a: {  	v5 =	vld [tilespmem:$0x1FF80];
	_ =	sdelay $0x3  }
0x95b: {  	v4 =	vor.u32 v4, v1  }
0x95c: {  	v5 =	vor.u32 v5, v0;
	_ =	sdelay $0x3  }
0x95d: {  	[tilespmem:v4+s25+$0x0] =	vst.idx.msk $0xffff, v2;
	v4 =	vld [tilespmem:$0x1FEA0]  }
0x95e: {  	v2 =	vld.idx.msk [tilespmem:v5+s19+$0x0], $0xffff  }
0x95f: {  	v5 =	vld [tilespmem:$0x1FF90];
	_ =	sdelay $0x3  }
0x960: {  	v4 =	vor.u32 v4, v1  }
0x961: {  	v5 =	vor.u32 v5, v0;
	_ =	sdelay $0x3  }
0x962: {  	[tilespmem:v4+s25+$0x0] =	vst.idx.msk $0xffff, v2;
	v4 =	vld [tilespmem:$0x1FEB0]  }
0x963: {  	v2 =	vld.idx.msk [tilespmem:v5+s19+$0x0], $0xffff  }
0x964: {  	v5 =	vld [tilespmem:$0x1FFA0];
	_ =	sdelay $0x3  }
0x965: {  	v4 =	vor.u32 v4, v1  }
0x966: {  	v5 =	vor.u32 v5, v0;
	_ =	sdelay $0x3  }
0x967: {  	[tilespmem:v4+s25+$0x0] =	vst.idx.msk $0xffff, v2;
	v4 =	vld [tilespmem:$0x1FEC0]  }
0x968: {  	v2 =	vld.idx.msk [tilespmem:v5+s19+$0x0], $0xffff  }
0x969: {  	v5 =	vld [tilespmem:$0x1FFB0];
	_ =	sdelay $0x3  }
0x96a: {  	v4 =	vor.u32 v4, v1  }
0x96b: {  	v5 =	vor.u32 v5, v0;
	_ =	sdelay $0x3  }
0x96c: {  	[tilespmem:v4+s25+$0x0] =	vst.idx.msk $0xffff, v2;
	v4 =	vld [tilespmem:$0x1FED0]  }
0x96d: {  	v2 =	vld.idx.msk [tilespmem:v5+s19+$0x0], $0xffff  }
0x96e: {  	v5 =	vld [tilespmem:$0x1FFC0];
	_ =	sdelay $0x3  }
0x96f: {  	v4 =	vor.u32 v4, v1  }
0x970: {  	v5 =	vor.u32 v5, v3;
	_ =	sdelay $0x3  }
0x971: {  	[tilespmem:v4+s25+$0x0] =	vst.idx.msk $0xffff, v2;
	v4 =	vld [tilespmem:$0x1FEE0]  }
0x972: {  	v2 =	vld.idx.msk [tilespmem:v5+s19+$0x0], $0xffff  }
0x973: {  	v5 =	vld [tilespmem:$0x1FFD0];
	_ =	sdelay $0x3  }
0x974: {  	v4 =	vor.u32 v4, v1  }
0x975: {  	v5 =	vor.u32 v5, v3;
	_ =	sdelay $0x3  }
0x976: {  	[tilespmem:v4+s25+$0x0] =	vst.idx.msk $0xffff, v2;
	v4 =	vld [tilespmem:$0x1FEF0]  }
0x977: {  	v2 =	vld.idx.msk [tilespmem:v5+s19+$0x0], $0xffff  }
0x978: {  	v5 =	vld [tilespmem:$0x1FFE0];
	_ =	sdelay $0x3  }
0x979: {  	v4 =	vor.u32 v4, v1  }
0x97a: {  	v5 =	vor.u32 v5, v3;
	_ =	sdelay $0x3  }
0x97b: {  	[tilespmem:v4+s25+$0x0] =	vst.idx.msk $0xffff, v2  }
0x97c: {  	v4 =	vor.u32 v37, v1;
	v2 =	vld.idx.msk [tilespmem:v5+s19+$0x0], $0xffff  }
0x97d: {  	v5 =	vor.u32 v38, v3;
	_ =	sdelay $0x3  }
0x97e: {  	[tilespmem:v4+s25+$0x0] =	vst.idx.msk $0xffff, v2  }
0x97f: {  	v4 =	vor.u32 v39, v1;
	v2 =	vld.idx.msk [tilespmem:v5+s19+$0x0], $0xffff  }
0x980: {  	v5 =	vor.u32 v40, v3;
	_ =	sdelay $0x3  }
0x981: {  	[tilespmem:v4+s25+$0x0] =	vst.idx.msk $0xffff, v2  }
0x982: {  	v4 =	vor.u32 v41, v1;
	v2 =	vld.idx.msk [tilespmem:v5+s19+$0x0], $0xffff  }
0x983: {  	v5 =	vor.u32 v42, v3;
	_ =	sdelay $0x3  }
0x984: {  	[tilespmem:v4+s25+$0x0] =	vst.idx.msk $0xffff, v2  }
0x985: {  	v4 =	vor.u32 v43, v1;
	v2 =	vld.idx.msk [tilespmem:v5+s19+$0x0], $0xffff  }
0x986: {  	v5 =	vor.u32 v44, v3;
	_ =	sdelay $0x3  }
0x987: {  	[tilespmem:v4+s25+$0x0] =	vst.idx.msk $0xffff, v2  }
0x988: {  	v4 =	vor.u32 v45, v1;
	v2 =	vld.idx.msk [tilespmem:v5+s19+$0x0], $0xffff  }
0x989: {  	v3 =	vor.u32 v46, v3;
	_ =	sdelay $0x3  }
0x98a: {  	[tilespmem:v4+s25+$0x0] =	vst.idx.msk $0xffff, v2  }
0x98b: {  	v2 =	vld.idx.msk [tilespmem:v3+s19+$0x0], $0xffff;
	v3 =	vor.u32 v47, v1  }
0x98c: {  	v4 =	vor.u32 v48, v0;
	_ =	sdelay $0x3  }
0x98d: {  	[tilespmem:v3+s25+$0x0] =	vst.idx.msk $0xffff, v2  }
0x98e: {  	v3 =	vor.u32 v49, v1;
	v2 =	vld.idx.msk [tilespmem:v4+s19+$0x0], $0xffff  }
0x98f: {  	v4 =	vor.u32 v50, v0;
	_ =	sdelay $0x3  }
0x990: {  	[tilespmem:v3+s25+$0x0] =	vst.idx.msk $0xffff, v2  }
0x991: {  	v3 =	vor.u32 v51, v1;
	v2 =	vld.idx.msk [tilespmem:v4+s19+$0x0], $0xffff  }
0x992: {  	v4 =	vor.u32 v52, v0;
	_ =	sdelay $0x3  }
0x993: {  	[tilespmem:v3+s25+$0x0] =	vst.idx.msk $0xffff, v2  }
0x994: {  	v3 =	vor.u32 v53, v1;
	v2 =	vld.idx.msk [tilespmem:v4+s19+$0x0], $0xffff  }
0x995: {  	v4 =	vor.u32 v54, v0;
	_ =	sdelay $0x3  }
0x996: {  	[tilespmem:v3+s25+$0x0] =	vst.idx.msk $0xffff, v2  }
0x997: {  	v3 =	vor.u32 v55, v1;
	v2 =	vld.idx.msk [tilespmem:v4+s19+$0x0], $0xffff  }
0x998: {  	v4 =	vor.u32 v56, v0;
	_ =	sdelay $0x3  }
0x999: {  	[tilespmem:v3+s25+$0x0] =	vst.idx.msk $0xffff, v2  }
0x99a: {  	v3 =	vor.u32 v57, v1;
	v2 =	vld.idx.msk [tilespmem:v4+s19+$0x0], $0xffff  }
0x99b: {  	v4 =	vor.u32 v58, v0;
	_ =	sdelay $0x3  }
0x99c: {  	[tilespmem:v3+s25+$0x0] =	vst.idx.msk $0xffff, v2  }
0x99d: {  	v3 =	vor.u32 v59, v1;
	v2 =	vld.idx.msk [tilespmem:v4+s19+$0x0], $0xffff  }
0x99e: {  	v4 =	vor.u32 v60, v0;
	_ =	sdelay $0x3  }
0x99f: {  	[tilespmem:v3+s25+$0x0] =	vst.idx.msk $0xffff, v2  }
0x9a0: {  	v3 =	vor.u32 v61, v1;
	v2 =	vld.idx.msk [tilespmem:v4+s19+$0x0], $0xffff  }
0x9a1: {  	v4 =	vor.u32 v62, v0;
	_ =	sdelay $0x3  }
0x9a2: {  	s10 =	simm.s32 $0x1;
	v6 =	vlaneseq.u32;
	[tilespmem:v3+s25+$0x0] =	vst.idx.msk $0xffff, v2  }
0x9a3: {  	s0 =	simm.s32 $0x2;
	v0 =	vadd.s32 s10, v6;
	v3 =	vld.idx.msk [tilespmem:v4+s19+$0x0], $0xffff  }
.LBB2_18:
0x9a4: {  	v2 =	vand.u32 $0xF, v0;
	v1 =	vor.u32 v63, v1  }
0x9a5: {  	v4 =	vor.u32 v7, v2;
	_ =	sdelay $0x2  }
0x9a6: {  	v5 =	vld [tilespmem:$0x1FDC0]  }
0x9a7: {  	v6 =	vlaneseq.u32;
	[tilespmem:v1+s25+$0x0] =	vst.idx.msk $0xffff, v3;
	v1 =	vshll.u32 v2, $0x7  }
0x9a8: {  	v3 =	vld.idx.msk [tilespmem:v4+s19+$0x0], $0xffff;
	v4 =	vor.u32 v6, v1;
	_ =	sdelay $0x2  }
0x9a9: {  	v5 =	vor.u32 v5, v2;
	_ =	sdelay $0x1  }
0x9aa: {  	[tilespmem:v4+s25+$0x0] =	vst.idx.msk $0xffff, v3;
	v4 =	vld [tilespmem:$0x1FDD0];
	_ =	sdelay $0x2  }
0x9ab: {  	v3 =	vld.idx.msk [tilespmem:v5+s19+$0x0], $0xffff  }
0x9ac: {  	v5 =	vld [tilespmem:$0x1FDE0]  }
0x9ad: {  	v4 =	vor.u32 v4, v1;
	_ =	sdelay $0x3  }
0x9ae: {  	v5 =	vor.u32 v5, v2  }
0x9af: {  	[tilespmem:v4+s25+$0x0] =	vst.idx.msk $0xffff, v3;
	v4 =	vld [tilespmem:$0x1FDF0];
	_ =	sdelay $0x3  }
0x9b0: {  	v3 =	vld.idx.msk [tilespmem:v5+s19+$0x0], $0xffff  }
0x9b1: {  	v5 =	vld [tilespmem:$0x1FE00];
	v4 =	vor.u32 v4, v1;
	_ =	sdelay $0x4  }
0x9b2: {  	v5 =	vor.u32 v5, v2;
	[tilespmem:v4+s25+$0x0] =	vst.idx.msk $0xffff, v3;
	v4 =	vld [tilespmem:$0x1FE10];
	_ =	sdelay $0x4  }
0x9b3: {  	v3 =	vld.idx.msk [tilespmem:v5+s19+$0x0], $0xffff;
	v4 =	vor.u32 v4, v1  }
0x9b4: {  	v5 =	vor.u32 v14, v2;
	_ =	sdelay $0x3  }
0x9b5: {  	[tilespmem:v4+s25+$0x0] =	vst.idx.msk $0xffff, v3  }
0x9b6: {  	v4 =	vor.u32 v15, v1;
	v3 =	vld.idx.msk [tilespmem:v5+s19+$0x0], $0xffff  }
0x9b7: {  	v5 =	vor.u32 v16, v2;
	_ =	sdelay $0x3  }
0x9b8: {  	[tilespmem:v4+s25+$0x0] =	vst.idx.msk $0xffff, v3  }
0x9b9: {  	v4 =	vor.u32 v17, v1;
	v3 =	vld.idx.msk [tilespmem:v5+s19+$0x0], $0xffff  }
0x9ba: {  	v5 =	vor.u32 v18, v2;
	_ =	sdelay $0x3  }
0x9bb: {  	[tilespmem:v4+s25+$0x0] =	vst.idx.msk $0xffff, v3  }
0x9bc: {  	v4 =	vor.u32 v19, v1;
	v3 =	vld.idx.msk [tilespmem:v5+s19+$0x0], $0xffff  }
0x9bd: {  	v5 =	vor.u32 v20, v2;
	_ =	sdelay $0x3  }
0x9be: {  	[tilespmem:v4+s25+$0x0] =	vst.idx.msk $0xffff, v3  }
0x9bf: {  	v4 =	vor.u32 v21, v1;
	v3 =	vld.idx.msk [tilespmem:v5+s19+$0x0], $0xffff  }
0x9c0: {  	v5 =	vor.u32 v22, v0;
	_ =	sdelay $0x3  }
0x9c1: {  	[tilespmem:v4+s25+$0x0] =	vst.idx.msk $0xffff, v3  }
0x9c2: {  	v4 =	vor.u32 v23, v1;
	v3 =	vld.idx.msk [tilespmem:v5+s19+$0x0], $0xffff  }
0x9c3: {  	v5 =	vor.u32 v24, v0;
	_ =	sdelay $0x3  }
0x9c4: {  	[tilespmem:v4+s25+$0x0] =	vst.idx.msk $0xffff, v3  }
0x9c5: {  	v4 =	vor.u32 v25, v1;
	v3 =	vld.idx.msk [tilespmem:v5+s19+$0x0], $0xffff  }
0x9c6: {  	v5 =	vor.u32 v26, v0;
	_ =	sdelay $0x3  }
0x9c7: {  	[tilespmem:v4+s25+$0x0] =	vst.idx.msk $0xffff, v3  }
0x9c8: {  	v4 =	vor.u32 v27, v1;
	v3 =	vld.idx.msk [tilespmem:v5+s19+$0x0], $0xffff  }
0x9c9: {  	v5 =	vor.u32 v28, v0;
	_ =	sdelay $0x3  }
0x9ca: {  	[tilespmem:v4+s25+$0x0] =	vst.idx.msk $0xffff, v3  }
0x9cb: {  	v4 =	vor.u32 v29, v1;
	v3 =	vld.idx.msk [tilespmem:v5+s19+$0x0], $0xffff  }
0x9cc: {  	v5 =	vor.u32 v30, v0;
	_ =	sdelay $0x3  }
0x9cd: {  	[tilespmem:v4+s25+$0x0] =	vst.idx.msk $0xffff, v3  }
0x9ce: {  	v4 =	vor.u32 v31, v1;
	v3 =	vld.idx.msk [tilespmem:v5+s19+$0x0], $0xffff  }
0x9cf: {  	v5 =	vor.u32 v32, v0;
	_ =	sdelay $0x3  }
0x9d0: {  	[tilespmem:v4+s25+$0x0] =	vst.idx.msk $0xffff, v3  }
0x9d1: {  	v4 =	vor.u32 v33, v1;
	v3 =	vld.idx.msk [tilespmem:v5+s19+$0x0], $0xffff  }
0x9d2: {  	v5 =	vor.u32 v8, v0;
	_ =	sdelay $0x3  }
0x9d3: {  	[tilespmem:v4+s25+$0x0] =	vst.idx.msk $0xffff, v3  }
0x9d4: {  	v4 =	vor.u32 v9, v1;
	v3 =	vld.idx.msk [tilespmem:v5+s19+$0x0], $0xffff  }
0x9d5: {  	v5 =	vor.u32 v10, v0;
	_ =	sdelay $0x3  }
0x9d6: {  	[tilespmem:v4+s25+$0x0] =	vst.idx.msk $0xffff, v3  }
0x9d7: {  	v4 =	vor.u32 v34, v1;
	v3 =	vld.idx.msk [tilespmem:v5+s19+$0x0], $0xffff  }
0x9d8: {  	v5 =	vor.u32 v11, v2;
	_ =	sdelay $0x3  }
0x9d9: {  	[tilespmem:v4+s25+$0x0] =	vst.idx.msk $0xffff, v3  }
0x9da: {  	v4 =	vor.u32 v35, v1;
	v3 =	vld.idx.msk [tilespmem:v5+s19+$0x0], $0xffff  }
0x9db: {  	v5 =	vor.u32 v12, v2;
	_ =	sdelay $0x3  }
0x9dc: {  	[tilespmem:v4+s25+$0x0] =	vst.idx.msk $0xffff, v3  }
0x9dd: {  	v4 =	vor.u32 v36, v1;
	v3 =	vld.idx.msk [tilespmem:v5+s19+$0x0], $0xffff  }
0x9de: {  	v5 =	vor.u32 v13, v2;
	_ =	sdelay $0x3  }
0x9df: {  	[tilespmem:v4+s25+$0x0] =	vst.idx.msk $0xffff, v3  }
0x9e0: {  	v4 =	vor.u32 v37, v1;
	v3 =	vld.idx.msk [tilespmem:v5+s19+$0x0], $0xffff  }
0x9e1: {  	v5 =	vor.u32 v38, v2;
	_ =	sdelay $0x3  }
0x9e2: {  	[tilespmem:v4+s25+$0x0] =	vst.idx.msk $0xffff, v3  }
0x9e3: {  	v4 =	vor.u32 v39, v1;
	v3 =	vld.idx.msk [tilespmem:v5+s19+$0x0], $0xffff  }
0x9e4: {  	v5 =	vor.u32 v40, v2;
	_ =	sdelay $0x3  }
0x9e5: {  	[tilespmem:v4+s25+$0x0] =	vst.idx.msk $0xffff, v3  }
0x9e6: {  	v4 =	vor.u32 v41, v1;
	v3 =	vld.idx.msk [tilespmem:v5+s19+$0x0], $0xffff  }
0x9e7: {  	v5 =	vor.u32 v42, v2;
	_ =	sdelay $0x3  }
0x9e8: {  	[tilespmem:v4+s25+$0x0] =	vst.idx.msk $0xffff, v3  }
0x9e9: {  	v4 =	vor.u32 v43, v1;
	v3 =	vld.idx.msk [tilespmem:v5+s19+$0x0], $0xffff  }
0x9ea: {  	v5 =	vor.u32 v44, v2;
	_ =	sdelay $0x3  }
0x9eb: {  	[tilespmem:v4+s25+$0x0] =	vst.idx.msk $0xffff, v3  }
0x9ec: {  	v4 =	vor.u32 v45, v1;
	v3 =	vld.idx.msk [tilespmem:v5+s19+$0x0], $0xffff  }
0x9ed: {  	v2 =	vor.u32 v46, v2;
	_ =	sdelay $0x3  }
0x9ee: {  	[tilespmem:v4+s25+$0x0] =	vst.idx.msk $0xffff, v3  }
0x9ef: {  	v3 =	vor.u32 v47, v1;
	v2 =	vld.idx.msk [tilespmem:v2+s19+$0x0], $0xffff  }
0x9f0: {  	v4 =	vor.u32 v48, v0;
	_ =	sdelay $0x3  }
0x9f1: {  	[tilespmem:v3+s25+$0x0] =	vst.idx.msk $0xffff, v2  }
0x9f2: {  	v3 =	vor.u32 v49, v1;
	v2 =	vld.idx.msk [tilespmem:v4+s19+$0x0], $0xffff  }
0x9f3: {  	v4 =	vor.u32 v50, v0;
	_ =	sdelay $0x3  }
0x9f4: {  	[tilespmem:v3+s25+$0x0] =	vst.idx.msk $0xffff, v2  }
0x9f5: {  	v3 =	vor.u32 v51, v1;
	v2 =	vld.idx.msk [tilespmem:v4+s19+$0x0], $0xffff  }
0x9f6: {  	v4 =	vor.u32 v52, v0;
	_ =	sdelay $0x3  }
0x9f7: {  	[tilespmem:v3+s25+$0x0] =	vst.idx.msk $0xffff, v2  }
0x9f8: {  	v3 =	vor.u32 v53, v1;
	v2 =	vld.idx.msk [tilespmem:v4+s19+$0x0], $0xffff  }
0x9f9: {  	v4 =	vor.u32 v54, v0;
	_ =	sdelay $0x3  }
0x9fa: {  	[tilespmem:v3+s25+$0x0] =	vst.idx.msk $0xffff, v2  }
0x9fb: {  	v3 =	vor.u32 v55, v1;
	v2 =	vld.idx.msk [tilespmem:v4+s19+$0x0], $0xffff  }
0x9fc: {  	v4 =	vor.u32 v56, v0;
	_ =	sdelay $0x3  }
0x9fd: {  	[tilespmem:v3+s25+$0x0] =	vst.idx.msk $0xffff, v2  }
0x9fe: {  	v3 =	vor.u32 v57, v1;
	v2 =	vld.idx.msk [tilespmem:v4+s19+$0x0], $0xffff  }
0x9ff: {  	v4 =	vor.u32 v58, v0;
	_ =	sdelay $0x3  }
0xa00: {  	[tilespmem:v3+s25+$0x0] =	vst.idx.msk $0xffff, v2  }
0xa01: {  	v3 =	vor.u32 v59, v1;
	v2 =	vld.idx.msk [tilespmem:v4+s19+$0x0], $0xffff  }
0xa02: {  	v4 =	vor.u32 v60, v0;
	_ =	sdelay $0x3  }
0xa03: {  	[tilespmem:v3+s25+$0x0] =	vst.idx.msk $0xffff, v2  }
0xa04: {  	v3 =	vor.u32 v61, v1;
	v2 =	vld.idx.msk [tilespmem:v4+s19+$0x0], $0xffff  }
0xa05: {  	p0 =	sne.s32 s0, $0xF;
	v4 =	vor.u32 v62, v0  }
.Ltmp8:
0xa06: {  	_ = 	snop;
	(pc) =	sbr.rel @p0 .LBB2_18-.Ltmp8, $3  }
0xa07: {  	_ =	sdelay $0x1  }
0xa08: {  	[tilespmem:v3+s25+$0x0] =	vst.idx.msk $0xffff, v2  }
0xa09: {  	v5 =	vlaneseq.u32;
	v0 =	vadd.s32 s0, v6;
	s0 =	sadd.s32 $0x1, s0;
	v3 =	vld.idx.msk [tilespmem:v4+s19+$0x0], $0xffff  }
0xa0a: {  	v2 =	vand.u32 $0xF, v0;
	v1 =	vor.u32 v63, v1  }
0xa0b: {  	v4 =	vor.u32 v7, v2;
	_ =	sdelay $0x3  }
0xa0c: {  	[tilespmem:v1+s25+$0x0] =	vst.idx.msk $0xffff, v3  }
0xa0d: {  	v1 =	vshll.u32 v2, $0x7;
	v3 =	vld.idx.msk [tilespmem:v4+s19+$0x0], $0xffff  }
0xa0e: {  	v4 =	vor.u32 v5, v1;
	v5 =	vld [tilespmem:$0x1FDC0];
	_ =	sdelay $0x4  }
0xa0f: {  	v5 =	vor.u32 v5, v2;
	_ =	sdelay $0x1  }
0xa10: {  	[tilespmem:v4+s25+$0x0] =	vst.idx.msk $0xffff, v3;
	v4 =	vld [tilespmem:$0x1FDD0];
	_ =	sdelay $0x2  }
0xa11: {  	v3 =	vld.idx.msk [tilespmem:v5+s19+$0x0], $0xffff  }
0xa12: {  	v5 =	vld [tilespmem:$0x1FDE0]  }
0xa13: {  	v4 =	vor.u32 v4, v1;
	_ =	sdelay $0x3  }
0xa14: {  	v5 =	vor.u32 v5, v2  }
0xa15: {  	[tilespmem:v4+s25+$0x0] =	vst.idx.msk $0xffff, v3;
	v4 =	vld [tilespmem:$0x1FDF0];
	_ =	sdelay $0x3  }
0xa16: {  	v3 =	vld.idx.msk [tilespmem:v5+s19+$0x0], $0xffff  }
0xa17: {  	v4 =	vor.u32 v4, v1;
	v5 =	vld [tilespmem:$0x1FE00];
	_ =	sdelay $0x4  }
0xa18: {  	v5 =	vor.u32 v5, v2;
	[tilespmem:v4+s25+$0x0] =	vst.idx.msk $0xffff, v3;
	v4 =	vld [tilespmem:$0x1FE10];
	_ =	sdelay $0x4  }
0xa19: {  	v3 =	vld.idx.msk [tilespmem:v5+s19+$0x0], $0xffff;
	v4 =	vor.u32 v4, v1  }
0xa1a: {  	v5 =	vor.u32 v14, v2;
	_ =	sdelay $0x3  }
0xa1b: {  	[tilespmem:v4+s25+$0x0] =	vst.idx.msk $0xffff, v3  }
0xa1c: {  	v4 =	vor.u32 v15, v1;
	v3 =	vld.idx.msk [tilespmem:v5+s19+$0x0], $0xffff  }
0xa1d: {  	v5 =	vor.u32 v16, v2;
	_ =	sdelay $0x3  }
0xa1e: {  	[tilespmem:v4+s25+$0x0] =	vst.idx.msk $0xffff, v3  }
0xa1f: {  	v4 =	vor.u32 v17, v1;
	v3 =	vld.idx.msk [tilespmem:v5+s19+$0x0], $0xffff  }
0xa20: {  	v5 =	vor.u32 v18, v2;
	_ =	sdelay $0x3  }
0xa21: {  	[tilespmem:v4+s25+$0x0] =	vst.idx.msk $0xffff, v3  }
0xa22: {  	v4 =	vor.u32 v19, v1;
	v3 =	vld.idx.msk [tilespmem:v5+s19+$0x0], $0xffff  }
0xa23: {  	v5 =	vor.u32 v20, v2;
	_ =	sdelay $0x3  }
0xa24: {  	[tilespmem:v4+s25+$0x0] =	vst.idx.msk $0xffff, v3  }
0xa25: {  	v4 =	vor.u32 v21, v1;
	v3 =	vld.idx.msk [tilespmem:v5+s19+$0x0], $0xffff  }
0xa26: {  	v5 =	vor.u32 v22, v0;
	_ =	sdelay $0x3  }
0xa27: {  	[tilespmem:v4+s25+$0x0] =	vst.idx.msk $0xffff, v3  }
0xa28: {  	v4 =	vor.u32 v23, v1;
	v3 =	vld.idx.msk [tilespmem:v5+s19+$0x0], $0xffff  }
0xa29: {  	v5 =	vor.u32 v24, v0;
	_ =	sdelay $0x3  }
0xa2a: {  	[tilespmem:v4+s25+$0x0] =	vst.idx.msk $0xffff, v3  }
0xa2b: {  	v4 =	vor.u32 v25, v1;
	v3 =	vld.idx.msk [tilespmem:v5+s19+$0x0], $0xffff  }
0xa2c: {  	v5 =	vor.u32 v26, v0;
	_ =	sdelay $0x3  }
0xa2d: {  	[tilespmem:v4+s25+$0x0] =	vst.idx.msk $0xffff, v3  }
0xa2e: {  	v4 =	vor.u32 v27, v1;
	v3 =	vld.idx.msk [tilespmem:v5+s19+$0x0], $0xffff  }
0xa2f: {  	v5 =	vor.u32 v28, v0;
	_ =	sdelay $0x3  }
0xa30: {  	[tilespmem:v4+s25+$0x0] =	vst.idx.msk $0xffff, v3  }
0xa31: {  	v4 =	vor.u32 v29, v1;
	v3 =	vld.idx.msk [tilespmem:v5+s19+$0x0], $0xffff  }
0xa32: {  	v5 =	vor.u32 v30, v0;
	_ =	sdelay $0x3  }
0xa33: {  	[tilespmem:v4+s25+$0x0] =	vst.idx.msk $0xffff, v3  }
0xa34: {  	v4 =	vor.u32 v31, v1;
	v3 =	vld.idx.msk [tilespmem:v5+s19+$0x0], $0xffff  }
0xa35: {  	v5 =	vor.u32 v32, v0;
	_ =	sdelay $0x3  }
0xa36: {  	[tilespmem:v4+s25+$0x0] =	vst.idx.msk $0xffff, v3  }
0xa37: {  	v4 =	vor.u32 v33, v1;
	v3 =	vld.idx.msk [tilespmem:v5+s19+$0x0], $0xffff  }
0xa38: {  	v5 =	vor.u32 v8, v0;
	_ =	sdelay $0x3  }
0xa39: {  	[tilespmem:v4+s25+$0x0] =	vst.idx.msk $0xffff, v3  }
0xa3a: {  	v4 =	vor.u32 v9, v1;
	v3 =	vld.idx.msk [tilespmem:v5+s19+$0x0], $0xffff  }
0xa3b: {  	v5 =	vor.u32 v10, v0;
	_ =	sdelay $0x3  }
0xa3c: {  	[tilespmem:v4+s25+$0x0] =	vst.idx.msk $0xffff, v3  }
0xa3d: {  	v4 =	vor.u32 v34, v1;
	v3 =	vld.idx.msk [tilespmem:v5+s19+$0x0], $0xffff  }
0xa3e: {  	v5 =	vor.u32 v11, v2;
	_ =	sdelay $0x3  }
0xa3f: {  	[tilespmem:v4+s25+$0x0] =	vst.idx.msk $0xffff, v3  }
0xa40: {  	v4 =	vor.u32 v35, v1;
	v3 =	vld.idx.msk [tilespmem:v5+s19+$0x0], $0xffff  }
0xa41: {  	v5 =	vor.u32 v12, v2;
	_ =	sdelay $0x3  }
0xa42: {  	[tilespmem:v4+s25+$0x0] =	vst.idx.msk $0xffff, v3  }
0xa43: {  	v4 =	vor.u32 v36, v1;
	v3 =	vld.idx.msk [tilespmem:v5+s19+$0x0], $0xffff  }
0xa44: {  	v5 =	vor.u32 v13, v2;
	_ =	sdelay $0x3  }
0xa45: {  	[tilespmem:v4+s25+$0x0] =	vst.idx.msk $0xffff, v3  }
0xa46: {  	v4 =	vor.u32 v37, v1;
	v3 =	vld.idx.msk [tilespmem:v5+s19+$0x0], $0xffff  }
0xa47: {  	v5 =	vor.u32 v38, v2;
	_ =	sdelay $0x3  }
0xa48: {  	[tilespmem:v4+s25+$0x0] =	vst.idx.msk $0xffff, v3  }
0xa49: {  	v4 =	vor.u32 v39, v1;
	v3 =	vld.idx.msk [tilespmem:v5+s19+$0x0], $0xffff  }
0xa4a: {  	v5 =	vor.u32 v40, v2;
	_ =	sdelay $0x3  }
0xa4b: {  	[tilespmem:v4+s25+$0x0] =	vst.idx.msk $0xffff, v3  }
0xa4c: {  	v4 =	vor.u32 v41, v1;
	v3 =	vld.idx.msk [tilespmem:v5+s19+$0x0], $0xffff  }
0xa4d: {  	v5 =	vor.u32 v42, v2;
	_ =	sdelay $0x3  }
0xa4e: {  	[tilespmem:v4+s25+$0x0] =	vst.idx.msk $0xffff, v3  }
0xa4f: {  	v4 =	vor.u32 v43, v1;
	v3 =	vld.idx.msk [tilespmem:v5+s19+$0x0], $0xffff  }
0xa50: {  	v5 =	vor.u32 v44, v2;
	_ =	sdelay $0x3  }
0xa51: {  	[tilespmem:v4+s25+$0x0] =	vst.idx.msk $0xffff, v3  }
0xa52: {  	v4 =	vor.u32 v45, v1;
	v3 =	vld.idx.msk [tilespmem:v5+s19+$0x0], $0xffff  }
0xa53: {  	v2 =	vor.u32 v46, v2;
	_ =	sdelay $0x3  }
0xa54: {  	[tilespmem:v4+s25+$0x0] =	vst.idx.msk $0xffff, v3  }
0xa55: {  	v3 =	vor.u32 v47, v1;
	v2 =	vld.idx.msk [tilespmem:v2+s19+$0x0], $0xffff  }
0xa56: {  	v4 =	vor.u32 v48, v0;
	_ =	sdelay $0x3  }
0xa57: {  	[tilespmem:v3+s25+$0x0] =	vst.idx.msk $0xffff, v2  }
0xa58: {  	v3 =	vor.u32 v49, v1;
	v2 =	vld.idx.msk [tilespmem:v4+s19+$0x0], $0xffff  }
0xa59: {  	v4 =	vor.u32 v50, v0;
	_ =	sdelay $0x3  }
0xa5a: {  	[tilespmem:v3+s25+$0x0] =	vst.idx.msk $0xffff, v2  }
0xa5b: {  	v3 =	vor.u32 v51, v1;
	v2 =	vld.idx.msk [tilespmem:v4+s19+$0x0], $0xffff  }
0xa5c: {  	v4 =	vor.u32 v52, v0;
	_ =	sdelay $0x3  }
0xa5d: {  	[tilespmem:v3+s25+$0x0] =	vst.idx.msk $0xffff, v2  }
0xa5e: {  	v3 =	vor.u32 v53, v1;
	v2 =	vld.idx.msk [tilespmem:v4+s19+$0x0], $0xffff  }
0xa5f: {  	v4 =	vor.u32 v54, v0;
	_ =	sdelay $0x3  }
0xa60: {  	[tilespmem:v3+s25+$0x0] =	vst.idx.msk $0xffff, v2  }
0xa61: {  	v3 =	vor.u32 v55, v1;
	v2 =	vld.idx.msk [tilespmem:v4+s19+$0x0], $0xffff  }
0xa62: {  	v4 =	vor.u32 v56, v0;
	_ =	sdelay $0x3  }
0xa63: {  	[tilespmem:v3+s25+$0x0] =	vst.idx.msk $0xffff, v2  }
0xa64: {  	v3 =	vor.u32 v57, v1;
	v2 =	vld.idx.msk [tilespmem:v4+s19+$0x0], $0xffff  }
0xa65: {  	v4 =	vor.u32 v58, v0;
	_ =	sdelay $0x3  }
0xa66: {  	[tilespmem:v3+s25+$0x0] =	vst.idx.msk $0xffff, v2  }
0xa67: {  	v3 =	vor.u32 v59, v1;
	v2 =	vld.idx.msk [tilespmem:v4+s19+$0x0], $0xffff  }
0xa68: {  	v4 =	vor.u32 v60, v0;
	_ =	sdelay $0x3  }
0xa69: {  	[tilespmem:v3+s25+$0x0] =	vst.idx.msk $0xffff, v2  }
0xa6a: {  	v3 =	vor.u32 v61, v1;
	v2 =	vld.idx.msk [tilespmem:v4+s19+$0x0], $0xffff  }
0xa6b: {  	v0 =	vor.u32 v62, v0;
	_ =	sdelay $0x3  }
0xa6c: {  	[tilespmem:v3+s25+$0x0] =	vst.idx.msk $0xffff, v2  }
0xa6d: {  	v1 =	vor.u32 v63, v1;
	v0 =	vld.idx.msk [tilespmem:v0+s19+$0x0], $0xffff;
	_ =	sdelay $0x4  }
0xa6e: {  	[tilespmem:v1+s25+$0x0] =	vst.idx.msk $0xffff, v0  }
0xa6f: {  	[hbm4b:s12+s14] =	stream.strided.scatter [tilespmem:s25], [sflag:$0x5], $0x2000, s15, s14, $0x38;
	[tilespmem:$0x18400] =	vst v63  }
0xa70: {  	_ =	swait.ge [sflag:s31], $0x2000  }
0xa71: {  	[sflag:s31] =	ssyncset.done $0x0  }
0xa72: {  	s22 =	sadd.s32 $0x1, s22;
	[sflag:s31] =	ssyncadd.s32 $0xFFFFE000  }
0xa73: {  	p0 =	sne.s32 s22, s13;
	_ =	swait.ge [sflag:s26], $0x2000  }
.Ltmp9:
0xa74: {  	[sflag:s26] =	ssyncset.done $0x0;
	(pc) =	sbr.rel @p0 .LBB2_1-.Ltmp9, $4  }
0xa75: {  	[sflag:s26] =	ssyncadd.s32 $0xFFFFE000  }
0xa76: {  	_ =	swait.ge [sflag:s30], $0x2000  }
0xa77: {  	[sflag:s30] =	ssyncset.done $0x0  }
0xa78: {  	[sflag:s30] =	ssyncadd.s32 $0xFFFFE000  }
0xa79: {  	_ =	sfence.sel $0x180000  }
0xa7a: {  	[bflag:$0x0] =	sbarrier.arrive $0xFFFF  }
0xa7b: {  	_ =	strace $0x90000047  }
0xa7c: {  	s0 =	stileid.u32;
	[bflag:$0x2] =	sbarrier.arrive $0xFFFF  }
0xa7d: {  	p0 =	sne.s32 s0, $0x0;
	s0 =	rddreg [dreg:$0x3]  }
0xa7e: {  	s0 =	sadd.s32 @!p0 $0x100000, s0  }
0xa7f: {  	[sflag:s0] =	ssyncadd.tile.s32 @!p0 $0x1;
	_ =	shalt  }
.Lfunc_end2:
_tile_overlayer_lowered:
.L_overlay_start_2:
0xa80: {  	(tag) =	ssettag $0x2  }
0xa81: {  	s0 =	rddreg [dreg:$0x0];
	s2 =	stileid.u32  }
0xa82: {  	s1 =	rddreg [dreg:$0x1];
	p0 =	sne.s32 s2, $0x0  }
0xa83: {  	s3 =	rddreg [dreg:$0x2];
	[bflag:$0x3] =	sbarrier.arrive $0xFFFF;
	s2 =	simm.s32 @!p0 $0x1C07  }
0xa84: {  	[timem:s3], [sflag:s2] =	dma.local @!p0 [hbm:s0], s1  }
0xa85: {  	s0 =	simm.s32 @!p0 $0x7  }
0xa86: {  	_ =	swait.ge @!p0 [sflag:s0], s1  }
0xa87: {  	s1 =	ssub.s32 @!p0 $0x0, s1;
	[sflag:s0] =	ssyncset.done @!p0 $0x0  }
0xa88: {  	[sflag:s0] =	ssyncadd.s32 @!p0 s1  }
0xa89: {  	[bflag:$0x3] =	sbarrier.arrive $0xFFFF  }
0xa8a: {  	_ =	shalt  }

</sc_bundles>
